<compile_context>
chip_gen: v7x
topology: tpu7x:2x2x1
jax: 0.10.2.dev20260603
libtpu: 0.0.44.dev20260713+nightly
codegen_flags: <defaults>
</compile_context>

<pallas_src>
import functools

import jax
import jax.numpy as jnp
from jax import lax
from jax.experimental import pallas as pl
from jax.experimental.pallas import tpu as pltpu
from jax.experimental.pallas import tpu_sc as plsc

B = 16384
N_CAT = 26
VOCAB = 100
N_CONT = 13
EMB = 19
OUT_W = (N_CAT + 1) * EMB
TBL_W = N_CAT * VOCAB * EMB
TBL_PAD = 49408
CONT_COL = 32

NC, NS = 2, 16
NW = NC * NS
EPW = B // NW
E = 64
NCH = EPW // E
CHUNK_W = E * OUT_W

BLK = 2048


def _prep_body(cat_ref, num_ref, wt_ref, b_ref, x_ref, len_ref):
    cat = cat_ref[...]
    num = num_ref[...]
    cont = (
        jnp.dot(num, wt_ref[...], preferred_element_type=jnp.float32)
        + b_ref[...]
    )
    f = lax.broadcasted_iota(jnp.int32, (BLK, N_CAT), 1)
    x_ref[...] = jnp.concatenate(
        [
            cat * EMB + 1881 * f,
            jnp.zeros((BLK, CONT_COL - N_CAT), jnp.int32),
            lax.bitcast_convert_type(cont, jnp.int32),
            jnp.zeros((BLK, 128 - CONT_COL - EMB), jnp.int32),
        ],
        axis=1,
    )
    len_ref[...] = jnp.sum((cat != 0).astype(jnp.int32), axis=1, keepdims=True)


def _tc_prep(cat, num, Wt, b2d):
    grid = B // BLK
    return pl.pallas_call(
        _prep_body,
        grid=(grid,),
        in_specs=[
            pl.BlockSpec((BLK, N_CAT), lambda i: (i, 0)),
            pl.BlockSpec((BLK, N_CONT), lambda i: (i, 0)),
            pl.BlockSpec((N_CONT, EMB), lambda i: (0, 0)),
            pl.BlockSpec((1, EMB), lambda i: (0, 0)),
        ],
        out_specs=[
            pl.BlockSpec((BLK, 128), lambda i: (i, 0)),
            pl.BlockSpec((BLK, 1), lambda i: (i, 0)),
        ],
        out_shape=[
            jax.ShapeDtypeStruct((B, 128), jnp.int32),
            jax.ShapeDtypeStruct((B, 1), jnp.int32),
        ],
    )(cat, num, Wt, b2d)


_sc_mesh = plsc.VectorSubcoreMesh(
    core_axis_name="c", subcore_axis_name="s", num_cores=NC, num_subcores=NS
)


@functools.partial(
    pl.kernel,
    out_type=jax.ShapeDtypeStruct((B * OUT_W,), jnp.float32),
    mesh=_sc_mesh,
    compiler_params=pltpu.CompilerParams(
        use_tc_tiling_on_sc=False, needs_layout_passes=False
    ),
    scratch_types=[
        pltpu.VMEM((TBL_PAD,), jnp.float32),
        pltpu.VMEM((E, 128), jnp.int32),
        pltpu.VMEM((CHUNK_W,), jnp.float32),
        pltpu.VMEM((CHUNK_W,), jnp.float32),
        pltpu.SemaphoreType.DMA,
        pltpu.SemaphoreType.DMA,
    ],
)
def _sc_gather(tbl_hbm, x_hbm, out_hbm,
               tblbuf, xbuf, obuf_a, obuf_b,
               osem_a, osem_b):
    wid = lax.axis_index("s") * NC + lax.axis_index("c")
    ex0 = wid * EPW

    pltpu.sync_copy(tbl_hbm, tblbuf)

    iota = lax.iota(jnp.int32, 16)
    mask30 = iota < 14
    obufs = (obuf_a, obuf_b)
    osems = (osem_a, osem_b)
    out_base = wid * EPW * OUT_W

    @pl.loop(0, NCH // 2)
    def _pair(ch2):
        for par in range(2):
            ch = ch2 * 2 + par
            obuf, osem = obufs[par], osems[par]
            dst = out_hbm.at[pl.ds(out_base + ch * CHUNK_W, CHUNK_W)]

            pltpu.sync_copy(x_hbm.at[pl.ds(ex0 + ch * E, E)], xbuf)

            @pl.when(ch2 > 0)
            def _wait_prev():
                pltpu.make_async_copy(obuf, dst, osem).wait()

            @plsc.parallel_loop(0, E, unroll=8)
            def _ex(b):
                ob = b * OUT_W
                bvec = jnp.full((16,), 0, jnp.int32) + b
                for c in range(31):
                    pv = iota + (16 * c)
                    fvec = (pv * 55189) >> 20
                    bases = plsc.load_gather(xbuf, [bvec, fvec])
                    vals = plsc.load_gather(tblbuf, [bases + pv])
                    if c < 30:
                        obuf[pl.ds(ob + 16 * c, 16)] = vals
                    else:
                        plsc.store_scatter(obuf, [ob + pv], vals, mask=mask30)
                c0 = xbuf[b, pl.ds(CONT_COL, 16)]
                c1 = xbuf[b, pl.ds(CONT_COL + 3, 16)]
                obuf[pl.ds(ob + 494, 16)] = plsc.bitcast(c0, jnp.float32)
                obuf[pl.ds(ob + 497, 16)] = plsc.bitcast(c1, jnp.float32)

            pltpu.make_async_copy(obuf, dst, osem).start()

    for par in range(2):
        last_ch = NCH - 2 + par
        dst = out_hbm.at[pl.ds(out_base + last_ch * CHUNK_W, CHUNK_W)]
        pltpu.make_async_copy(obufs[par], dst, osems[par]).wait()


def kernel(cat, num, constraints, tables, W, b):
    del constraints
    x, lengths2d = _tc_prep(cat, num, W.T, b.reshape(1, EMB))
    tbl1 = jnp.concatenate(
        [tables.reshape(TBL_W), jnp.zeros((TBL_PAD - TBL_W,), jnp.float32)]
    )
    flat = _sc_gather(tbl1, x)
    return flat.reshape(B, OUT_W), lengths2d.reshape(B)

# --- scband reference (transcript-rebuilt; emitter-appended) ---
"""Pipeline reference for scband-in-layer-2851858285106 (READ-ONLY COPY).

The authoritative reference and input builder live on the scoring server;
editing this copy changes nothing except your own understanding.
"""

import jax, jax.numpy as jnp
import numpy as np

B = 16384
N_CAT = 26
VOCAB = 100
N_CONT = 13
N_CONSTR = 8
EMB = 768 // (N_CAT + N_CONT)  # 19


def setup_inputs(seed: int = 0) -> dict:
    key = jax.random.key(seed)
    k1, k2, k3, k4, k5, k6 = jax.random.split(key, 6)
    cat = jax.random.randint(k1, (B, N_CAT), 0, VOCAB, dtype=jnp.int32)
    num = jax.random.normal(k2, (B, N_CONT), dtype=jnp.float32)
    constraints = jax.random.normal(k3, (B, N_CONSTR), dtype=jnp.float32)
    # learned params: 26 embedding tables (equal vocab -> stacked), xavier_uniform init
    tlim = float(np.sqrt(6.0 / (VOCAB + EMB)))
    tables = jax.random.uniform(k4, (N_CAT, VOCAB, EMB), minval=-tlim, maxval=tlim, dtype=jnp.float32)
    wlim = float(np.sqrt(6.0 / (N_CONT + EMB)))
    W = jax.random.uniform(k5, (EMB, N_CONT), minval=-wlim, maxval=wlim, dtype=jnp.float32)
    blim = float(1.0 / np.sqrt(N_CONT))
    b = jax.random.uniform(k6, (EMB,), minval=-blim, maxval=blim, dtype=jnp.float32)
    return {"cat": cat, "num": num, "constraints": constraints, "tables": tables, "W": W, "b": b}


def reference(cat, num, constraints, tables, W, b):
    # lengths = number of non-padding (non-zero) categorical entries per example
    lengths = jnp.sum(cat != 0, axis=-1)
    if constraints.ndim == 3:
        constraints = jnp.squeeze(constraints, axis=1)
    # per-field embedding gather: tables[i][cat[:, i]] then concat along feature dim
    gathered = jax.vmap(lambda t, idx: jnp.take(t, idx, axis=0), in_axes=(0, 1))(tables, cat)  # [N_CAT, B, EMB]
    x = jnp.transpose(gathered, (1, 0, 2)).reshape(cat.shape[0], N_CAT * EMB)
    cont = num @ W.T + b
    out = jnp.concatenate([x, cont], axis=-1)  # [B, 26*19 + 19] = [B, 513]
    return (out, lengths)

if __name__ == "__main__":
    import jax
    _d = setup_inputs()
    print(jax.jit(kernel)(*tuple(_d.values())))

</pallas_src>

<mosaic_0001>
#map = affine_map<(d0, d1) -> (0)>
#map1 = affine_map<(d0, d1) -> (0, 0)>
module attributes {stable_mosaic.version = 14 : i64} {
  func.func @_sc_gather(%arg0: i32, %arg1: i32, %arg2: memref<49408xf32, #tpu.memory_space<hbm>>, %arg3: memref<16384x128xi32, #tpu.memory_space<hbm>>, %arg4: memref<8404992xf32, #tpu.memory_space<hbm>>, %arg5: memref<49408xf32, #tpu.memory_space<vmem>>, %arg6: memref<64x128xi32, #tpu.memory_space<vmem>>, %arg7: memref<32832xf32, #tpu.memory_space<vmem>>, %arg8: memref<32832xf32, #tpu.memory_space<vmem>>, %arg9: memref<!tpu.dma_semaphore, #tpu.memory_space<semaphore_mem>>, %arg10: memref<!tpu.dma_semaphore, #tpu.memory_space<semaphore_mem>>) attributes {dimension_semantics = [#tpu.dimension_semantics<core_parallel>, #tpu.dimension_semantics<subcore_parallel>], iteration_bounds = array<i64: 2, 16>, scalar_prefetch = 0 : i64, scratch_operands = 6 : i64, tpu.core_type = #tpu.core_type<sc_vector_subcore>, window_params = [{transform_indices = #map}, {transform_indices = #map1}, {transform_indices = #map}]} {
    %mul3A = arith.constant 2 : i32
    %mul3A_0 = arith.muli %arg1, %mul3A : i32
    %add3A = arith.addi %mul3A_0, %arg0 : i32
    %mul3A_1 = arith.constant 512 : i32
    %mul3A_2 = arith.muli %add3A, %mul3A_1 : i32
    "tpu.region"() ({
      %run_scoped3A = tpu.sem_alloc : memref<!tpu.dma_semaphore, #tpu.memory_space<semaphore_mem>>
      tpu.enqueue_dma source(%arg2 : memref<49408xf32, #tpu.memory_space<hbm>>) target(%arg5 : memref<49408xf32, #tpu.memory_space<vmem>>) target_semaphore(%run_scoped3A : memref<!tpu.dma_semaphore, #tpu.memory_space<semaphore_mem>>)
      tpu.wait_dma2 semaphore(%run_scoped3A : memref<!tpu.dma_semaphore, #tpu.memory_space<semaphore_mem>>) src(%arg2 : memref<49408xf32, #tpu.memory_space<hbm>>) dst(%arg5 : memref<49408xf32, #tpu.memory_space<vmem>>)
      tpu.yield
    }) : () -> ()
    %iota3A = tpu.iota {dimensions = array<i32: 0>} : vector<16xi32>
    %lt3A = arith.constant 14 : i32
    %lt3A_3 = vector.broadcast %lt3A : i32 to vector<16xi32>
    %lt3A_4 = arith.cmpi slt, %iota3A, %lt3A_3 : vector<16xi32>
    %mul3A_5 = arith.constant 512 : i32
    %mul3A_6 = arith.muli %add3A, %mul3A_5 : i32
    %mul3A_7 = arith.constant 513 : i32
    %mul3A_8 = arith.muli %mul3A_6, %mul3A_7 : i32
    %scan3A = arith.constant 0 : i32
    %scan3A_9 = arith.constant 4 : i32
    %scan3A_10 = arith.addi %scan3A, %scan3A_9 : i32
    %scan3A_11 = arith.constant 1 : i32
    scf.for %scan3A_20 = %scan3A to %scan3A_10 step %scan3A_11  : i32 {
      %mul3A_21 = arith.constant 1 : i32
      %mul3A_22 = arith.muli %scan3A_20, %mul3A_21 : i32
      %add3A_23 = arith.constant 0 : i32
      %add3A_24 = arith.addi %add3A_23, %mul3A_22 : i32
      %mul3A_25 = arith.constant 2 : i32
      %mul3A_26 = arith.muli %add3A_24, %mul3A_25 : i32
      %add3A_27 = arith.constant 0 : i32
      %add3A_28 = arith.addi %mul3A_26, %add3A_27 : i32
      %mul3A_29 = arith.constant 32832 : i32
      %mul3A_30 = arith.muli %add3A_28, %mul3A_29 : i32
      %add3A_31 = arith.addi %mul3A_8, %mul3A_30 : i32
      %mul3A_32 = arith.constant 64 : i32
      %mul3A_33 = arith.muli %add3A_28, %mul3A_32 : i32
      %add3A_34 = arith.addi %mul3A_2, %mul3A_33 : i32
      "tpu.region"() ({
        %run_scoped3A = tpu.sem_alloc : memref<!tpu.dma_semaphore, #tpu.memory_space<semaphore_mem>>
        %dma_start3A_60 = arith.constant 0 : i32
        %dma_start3A_61 = tpu.memref_slice %arg3[%add3A_34, %dma_start3A_60] : memref<16384x128xi32, #tpu.memory_space<hbm>> -> memref<64x128xi32, #tpu.memory_space<hbm>>
        %dma_start3A_62 = arith.constant 0 : i32
        %dma_start3A_63 = tpu.memref_slice %arg3[%add3A_34, %dma_start3A_62] : memref<16384x128xi32, #tpu.memory_space<hbm>> -> memref<64x128xi32, #tpu.memory_space<hbm>>
        tpu.enqueue_dma source(%dma_start3A_63 : memref<64x128xi32, #tpu.memory_space<hbm>>) target(%arg6 : memref<64x128xi32, #tpu.memory_space<vmem>>) target_semaphore(%run_scoped3A : memref<!tpu.dma_semaphore, #tpu.memory_space<semaphore_mem>>)
        %dma_wait3A_64 = arith.constant 0 : i32
        %dma_wait3A_65 = tpu.memref_slice %arg3[%add3A_34, %dma_wait3A_64] : memref<16384x128xi32, #tpu.memory_space<hbm>> -> memref<64x128xi32, #tpu.memory_space<hbm>>
        %dma_wait3A_66 = arith.constant 0 : i32
        %dma_wait3A_67 = tpu.memref_slice %arg3[%add3A_34, %dma_wait3A_66] : memref<16384x128xi32, #tpu.memory_space<hbm>> -> memref<64x128xi32, #tpu.memory_space<hbm>>
        tpu.wait_dma2 semaphore(%run_scoped3A : memref<!tpu.dma_semaphore, #tpu.memory_space<semaphore_mem>>) src(%dma_wait3A_67 : memref<64x128xi32, #tpu.memory_space<hbm>>) dst(%arg6 : memref<64x128xi32, #tpu.memory_space<vmem>>)
        tpu.yield
      }) : () -> ()
      %gt3A = arith.constant 0 : i32
      %gt3A_35 = arith.cmpi sgt, %add3A_24, %gt3A : i32
      %convert_element_type3A = arith.extui %gt3A_35 : i1 to i32
      %cond3A = arith.constant 0 : i32
      %cond3A_36 = arith.cmpi ne, %convert_element_type3A, %cond3A : i32
      scf.if %cond3A_36 {
        %dma_wait3A_60 = tpu.memref_slice %arg4[%add3A_31] : memref<8404992xf32, #tpu.memory_space<hbm>> -> memref<32832xf32, #tpu.memory_space<hbm>>
        %dma_wait3A_61 = tpu.memref_slice %arg4[%add3A_31] : memref<8404992xf32, #tpu.memory_space<hbm>> -> memref<32832xf32, #tpu.memory_space<hbm>>
        tpu.wait_dma2 semaphore(%arg9 : memref<!tpu.dma_semaphore, #tpu.memory_space<semaphore_mem>>) src(%arg7 : memref<32832xf32, #tpu.memory_space<vmem>>) dst(%dma_wait3A_61 : memref<32832xf32, #tpu.memory_space<hbm>>)
      } else {
      }
      %parallel_loop3A = arith.constant 0 : i32
      %parallel_loop3A_37 = arith.constant 64 : i32
      %parallel_loop3A_38 = arith.constant 1 : i32
      scf.for %parallel_loop3A_60 = %parallel_loop3A to %parallel_loop3A_37 step %parallel_loop3A_38  : i32 {
        %parallel_loop3A_61 = arith.constant 513 : i32
        %parallel_loop3A_62 = arith.muli %parallel_loop3A_60, %parallel_loop3A_61 : i32
        %parallel_loop3A_63 = arith.constant 0 : i32
        %parallel_loop3A_64 = vector.broadcast %parallel_loop3A_63 : i32 to vector<16xi32>
        %parallel_loop3A_65 = vector.broadcast %parallel_loop3A_60 : i32 to vector<16xi32>
        %parallel_loop3A_66 = arith.addi %parallel_loop3A_64, %parallel_loop3A_65 : vector<16xi32>
        %parallel_loop3A_67 = arith.constant 0 : i32
        %parallel_loop3A_68 = vector.broadcast %parallel_loop3A_67 : i32 to vector<16xi32>
        %parallel_loop3A_69 = arith.addi %iota3A, %parallel_loop3A_68 : vector<16xi32>
        %parallel_loop3A_70 = arith.constant 55189 : i32
        %parallel_loop3A_71 = vector.broadcast %parallel_loop3A_70 : i32 to vector<16xi32>
        %parallel_loop3A_72 = arith.muli %parallel_loop3A_69, %parallel_loop3A_71 : vector<16xi32>
        %parallel_loop3A_73 = arith.constant 20 : i32
        %parallel_loop3A_74 = vector.broadcast %parallel_loop3A_73 : i32 to vector<16xi32>
        %parallel_loop3A_75 = arith.shrsi %parallel_loop3A_72, %parallel_loop3A_74 : vector<16xi32>
        %parallel_loop3A_76 = tpu.vector_load_idx %arg6[%parallel_loop3A_66, %parallel_loop3A_75] : memref<64x128xi32, #tpu.memory_space<vmem>>[vector<16xi32>, vector<16xi32>], vector<16xi32>,
        %parallel_loop3A_77 = arith.addi %parallel_loop3A_76, %parallel_loop3A_69 : vector<16xi32>
        %parallel_loop3A_78 = tpu.vector_load_idx %arg5[%parallel_loop3A_77] : memref<49408xf32, #tpu.memory_space<vmem>>[vector<16xi32>], vector<16xf32>,
        %parallel_loop3A_79 = arith.constant 0 : i32
        %parallel_loop3A_80 = arith.addi %parallel_loop3A_62, %parallel_loop3A_79 : i32
        %parallel_loop3A_81 = arith.index_cast %parallel_loop3A_80 : i32 to index
        %parallel_loop3A_82 = tpu.vector_load %arg7[%parallel_loop3A_81] {strides = array<i32>} : memref<32832xf32, #tpu.memory_space<vmem>>, vector<16xf32>,
        tpu.vector_store %arg7[%parallel_loop3A_81], %parallel_loop3A_78 {strides = array<i32>} : memref<32832xf32, #tpu.memory_space<vmem>>, vector<16xf32>,
        %parallel_loop3A_83 = arith.constant 16 : i32
        %parallel_loop3A_84 = vector.broadcast %parallel_loop3A_83 : i32 to vector<16xi32>
        %parallel_loop3A_85 = arith.addi %iota3A, %parallel_loop3A_84 : vector<16xi32>
        %parallel_loop3A_86 = arith.constant 55189 : i32
        %parallel_loop3A_87 = vector.broadcast %parallel_loop3A_86 : i32 to vector<16xi32>
        %parallel_loop3A_88 = arith.muli %parallel_loop3A_85, %parallel_loop3A_87 : vector<16xi32>
        %parallel_loop3A_89 = arith.constant 20 : i32
        %parallel_loop3A_90 = vector.broadcast %parallel_loop3A_89 : i32 to vector<16xi32>
        %parallel_loop3A_91 = arith.shrsi %parallel_loop3A_88, %parallel_loop3A_90 : vector<16xi32>
        %parallel_loop3A_92 = tpu.vector_load_idx %arg6[%parallel_loop3A_66, %parallel_loop3A_91] : memref<64x128xi32, #tpu.memory_space<vmem>>[vector<16xi32>, vector<16xi32>], vector<16xi32>,
        %parallel_loop3A_93 = arith.addi %parallel_loop3A_92, %parallel_loop3A_85 : vector<16xi32>
        %parallel_loop3A_94 = tpu.vector_load_idx %arg5[%parallel_loop3A_93] : memref<49408xf32, #tpu.memory_space<vmem>>[vector<16xi32>], vector<16xf32>,
        %parallel_loop3A_95 = arith.constant 16 : i32
        %parallel_loop3A_96 = arith.addi %parallel_loop3A_62, %parallel_loop3A_95 : i32
        %parallel_loop3A_97 = arith.index_cast %parallel_loop3A_96 : i32 to index
        %parallel_loop3A_98 = tpu.vector_load %arg7[%parallel_loop3A_97] {strides = array<i32>} : memref<32832xf32, #tpu.memory_space<vmem>>, vector<16xf32>,
        tpu.vector_store %arg7[%parallel_loop3A_97], %parallel_loop3A_94 {strides = array<i32>} : memref<32832xf32, #tpu.memory_space<vmem>>, vector<16xf32>,
        %parallel_loop3A_99 = arith.constant 32 : i32
        %parallel_loop3A_100 = vector.broadcast %parallel_loop3A_99 : i32 to vector<16xi32>
        %parallel_loop3A_101 = arith.addi %iota3A, %parallel_loop3A_100 : vector<16xi32>
        %parallel_loop3A_102 = arith.constant 55189 : i32
        %parallel_loop3A_103 = vector.broadcast %parallel_loop3A_102 : i32 to vector<16xi32>
        %parallel_loop3A_104 = arith.muli %parallel_loop3A_101, %parallel_loop3A_103 : vector<16xi32>
        %parallel_loop3A_105 = arith.constant 20 : i32
        %parallel_loop3A_106 = vector.broadcast %parallel_loop3A_105 : i32 to vector<16xi32>
        %parallel_loop3A_107 = arith.shrsi %parallel_loop3A_104, %parallel_loop3A_106 : vector<16xi32>
        %parallel_loop3A_108 = tpu.vector_load_idx %arg6[%parallel_loop3A_66, %parallel_loop3A_107] : memref<64x128xi32, #tpu.memory_space<vmem>>[vector<16xi32>, vector<16xi32>], vector<16xi32>,
        %parallel_loop3A_109 = arith.addi %parallel_loop3A_108, %parallel_loop3A_101 : vector<16xi32>
        %parallel_loop3A_110 = tpu.vector_load_idx %arg5[%parallel_loop3A_109] : memref<49408xf32, #tpu.memory_space<vmem>>[vector<16xi32>], vector<16xf32>,
        %parallel_loop3A_111 = arith.constant 32 : i32
        %parallel_loop3A_112 = arith.addi %parallel_loop3A_62, %parallel_loop3A_111 : i32
        %parallel_loop3A_113 = arith.index_cast %parallel_loop3A_112 : i32 to index
        %parallel_loop3A_114 = tpu.vector_load %arg7[%parallel_loop3A_113] {strides = array<i32>} : memref<32832xf32, #tpu.memory_space<vmem>>, vector<16xf32>,
        tpu.vector_store %arg7[%parallel_loop3A_113], %parallel_loop3A_110 {strides = array<i32>} : memref<32832xf32, #tpu.memory_space<vmem>>, vector<16xf32>,
        %parallel_loop3A_115 = arith.constant 48 : i32
        %parallel_loop3A_116 = vector.broadcast %parallel_loop3A_115 : i32 to vector<16xi32>
        %parallel_loop3A_117 = arith.addi %iota3A, %parallel_loop3A_116 : vector<16xi32>
        %parallel_loop3A_118 = arith.constant 55189 : i32
        %parallel_loop3A_119 = vector.broadcast %parallel_loop3A_118 : i32 to vector<16xi32>
        %parallel_loop3A_120 = arith.muli %parallel_loop3A_117, %parallel_loop3A_119 : vector<16xi32>
        %parallel_loop3A_121 = arith.constant 20 : i32
        %parallel_loop3A_122 = vector.broadcast %parallel_loop3A_121 : i32 to vector<16xi32>
        %parallel_loop3A_123 = arith.shrsi %parallel_loop3A_120, %parallel_loop3A_122 : vector<16xi32>
        %parallel_loop3A_124 = tpu.vector_load_idx %arg6[%parallel_loop3A_66, %parallel_loop3A_123] : memref<64x128xi32, #tpu.memory_space<vmem>>[vector<16xi32>, vector<16xi32>], vector<16xi32>,
        %parallel_loop3A_125 = arith.addi %parallel_loop3A_124, %parallel_loop3A_117 : vector<16xi32>
        %parallel_loop3A_126 = tpu.vector_load_idx %arg5[%parallel_loop3A_125] : memref<49408xf32, #tpu.memory_space<vmem>>[vector<16xi32>], vector<16xf32>,
        %parallel_loop3A_127 = arith.constant 48 : i32
        %parallel_loop3A_128 = arith.addi %parallel_loop3A_62, %parallel_loop3A_127 : i32
        %parallel_loop3A_129 = arith.index_cast %parallel_loop3A_128 : i32 to index
        %parallel_loop3A_130 = tpu.vector_load %arg7[%parallel_loop3A_129] {strides = array<i32>} : memref<32832xf32, #tpu.memory_space<vmem>>, vector<16xf32>,
        tpu.vector_store %arg7[%parallel_loop3A_129], %parallel_loop3A_126 {strides = array<i32>} : memref<32832xf32, #tpu.memory_space<vmem>>, vector<16xf32>,
        %parallel_loop3A_131 = arith.constant 64 : i32
        %parallel_loop3A_132 = vector.broadcast %parallel_loop3A_131 : i32 to vector<16xi32>
        %parallel_loop3A_133 = arith.addi %iota3A, %parallel_loop3A_132 : vector<16xi32>
        %parallel_loop3A_134 = arith.constant 55189 : i32
        %parallel_loop3A_135 = vector.broadcast %parallel_loop3A_134 : i32 to vector<16xi32>
        %parallel_loop3A_136 = arith.muli %parallel_loop3A_133, %parallel_loop3A_135 : vector<16xi32>
        %parallel_loop3A_137 = arith.constant 20 : i32
        %parallel_loop3A_138 = vector.broadcast %parallel_loop3A_137 : i32 to vector<16xi32>
        %parallel_loop3A_139 = arith.shrsi %parallel_loop3A_136, %parallel_loop3A_138 : vector<16xi32>
        %parallel_loop3A_140 = tpu.vector_load_idx %arg6[%parallel_loop3A_66, %parallel_loop3A_139] : memref<64x128xi32, #tpu.memory_space<vmem>>[vector<16xi32>, vector<16xi32>], vector<16xi32>,
        %parallel_loop3A_141 = arith.addi %parallel_loop3A_140, %parallel_loop3A_133 : vector<16xi32>
        %parallel_loop3A_142 = tpu.vector_load_idx %arg5[%parallel_loop3A_141] : memref<49408xf32, #tpu.memory_space<vmem>>[vector<16xi32>], vector<16xf32>,
        %parallel_loop3A_143 = arith.constant 64 : i32
        %parallel_loop3A_144 = arith.addi %parallel_loop3A_62, %parallel_loop3A_143 : i32
        %parallel_loop3A_145 = arith.index_cast %parallel_loop3A_144 : i32 to index
        %parallel_loop3A_146 = tpu.vector_load %arg7[%parallel_loop3A_145] {strides = array<i32>} : memref<32832xf32, #tpu.memory_space<vmem>>, vector<16xf32>,
        tpu.vector_store %arg7[%parallel_loop3A_145], %parallel_loop3A_142 {strides = array<i32>} : memref<32832xf32, #tpu.memory_space<vmem>>, vector<16xf32>,
        %parallel_loop3A_147 = arith.constant 80 : i32
        %parallel_loop3A_148 = vector.broadcast %parallel_loop3A_147 : i32 to vector<16xi32>
        %parallel_loop3A_149 = arith.addi %iota3A, %parallel_loop3A_148 : vector<16xi32>
        %parallel_loop3A_150 = arith.constant 55189 : i32
        %parallel_loop3A_151 = vector.broadcast %parallel_loop3A_150 : i32 to vector<16xi32>
        %parallel_loop3A_152 = arith.muli %parallel_loop3A_149, %parallel_loop3A_151 : vector<16xi32>
        %parallel_loop3A_153 = arith.constant 20 : i32
        %parallel_loop3A_154 = vector.broadcast %parallel_loop3A_153 : i32 to vector<16xi32>
        %parallel_loop3A_155 = arith.shrsi %parallel_loop3A_152, %parallel_loop3A_154 : vector<16xi32>
        %parallel_loop3A_156 = tpu.vector_load_idx %arg6[%parallel_loop3A_66, %parallel_loop3A_155] : memref<64x128xi32, #tpu.memory_space<vmem>>[vector<16xi32>, vector<16xi32>], vector<16xi32>,
        %parallel_loop3A_157 = arith.addi %parallel_loop3A_156, %parallel_loop3A_149 : vector<16xi32>
        %parallel_loop3A_158 = tpu.vector_load_idx %arg5[%parallel_loop3A_157] : memref<49408xf32, #tpu.memory_space<vmem>>[vector<16xi32>], vector<16xf32>,
        %parallel_loop3A_159 = arith.constant 80 : i32
        %parallel_loop3A_160 = arith.addi %parallel_loop3A_62, %parallel_loop3A_159 : i32
        %parallel_loop3A_161 = arith.index_cast %parallel_loop3A_160 : i32 to index
        %parallel_loop3A_162 = tpu.vector_load %arg7[%parallel_loop3A_161] {strides = array<i32>} : memref<32832xf32, #tpu.memory_space<vmem>>, vector<16xf32>,
        tpu.vector_store %arg7[%parallel_loop3A_161], %parallel_loop3A_158 {strides = array<i32>} : memref<32832xf32, #tpu.memory_space<vmem>>, vector<16xf32>,
        %parallel_loop3A_163 = arith.constant 96 : i32
        %parallel_loop3A_164 = vector.broadcast %parallel_loop3A_163 : i32 to vector<16xi32>
        %parallel_loop3A_165 = arith.addi %iota3A, %parallel_loop3A_164 : vector<16xi32>
        %parallel_loop3A_166 = arith.constant 55189 : i32
        %parallel_loop3A_167 = vector.broadcast %parallel_loop3A_166 : i32 to vector<16xi32>
        %parallel_loop3A_168 = arith.muli %parallel_loop3A_165, %parallel_loop3A_167 : vector<16xi32>
        %parallel_loop3A_169 = arith.constant 20 : i32
        %parallel_loop3A_170 = vector.broadcast %parallel_loop3A_169 : i32 to vector<16xi32>
        %parallel_loop3A_171 = arith.shrsi %parallel_loop3A_168, %parallel_loop3A_170 : vector<16xi32>
        %parallel_loop3A_172 = tpu.vector_load_idx %arg6[%parallel_loop3A_66, %parallel_loop3A_171] : memref<64x128xi32, #tpu.memory_space<vmem>>[vector<16xi32>, vector<16xi32>], vector<16xi32>,
        %parallel_loop3A_173 = arith.addi %parallel_loop3A_172, %parallel_loop3A_165 : vector<16xi32>
        %parallel_loop3A_174 = tpu.vector_load_idx %arg5[%parallel_loop3A_173] : memref<49408xf32, #tpu.memory_space<vmem>>[vector<16xi32>], vector<16xf32>,
        %parallel_loop3A_175 = arith.constant 96 : i32
        %parallel_loop3A_176 = arith.addi %parallel_loop3A_62, %parallel_loop3A_175 : i32
        %parallel_loop3A_177 = arith.index_cast %parallel_loop3A_176 : i32 to index
        %parallel_loop3A_178 = tpu.vector_load %arg7[%parallel_loop3A_177] {strides = array<i32>} : memref<32832xf32, #tpu.memory_space<vmem>>, vector<16xf32>,
        tpu.vector_store %arg7[%parallel_loop3A_177], %parallel_loop3A_174 {strides = array<i32>} : memref<32832xf32, #tpu.memory_space<vmem>>, vector<16xf32>,
        %parallel_loop3A_179 = arith.constant 112 : i32
        %parallel_loop3A_180 = vector.broadcast %parallel_loop3A_179 : i32 to vector<16xi32>
        %parallel_loop3A_181 = arith.addi %iota3A, %parallel_loop3A_180 : vector<16xi32>
        %parallel_loop3A_182 = arith.constant 55189 : i32
        %parallel_loop3A_183 = vector.broadcast %parallel_loop3A_182 : i32 to vector<16xi32>
        %parallel_loop3A_184 = arith.muli %parallel_loop3A_181, %parallel_loop3A_183 : vector<16xi32>
        %parallel_loop3A_185 = arith.constant 20 : i32
        %parallel_loop3A_186 = vector.broadcast %parallel_loop3A_185 : i32 to vector<16xi32>
        %parallel_loop3A_187 = arith.shrsi %parallel_loop3A_184, %parallel_loop3A_186 : vector<16xi32>
        %parallel_loop3A_188 = tpu.vector_load_idx %arg6[%parallel_loop3A_66, %parallel_loop3A_187] : memref<64x128xi32, #tpu.memory_space<vmem>>[vector<16xi32>, vector<16xi32>], vector<16xi32>,
        %parallel_loop3A_189 = arith.addi %parallel_loop3A_188, %parallel_loop3A_181 : vector<16xi32>
        %parallel_loop3A_190 = tpu.vector_load_idx %arg5[%parallel_loop3A_189] : memref<49408xf32, #tpu.memory_space<vmem>>[vector<16xi32>], vector<16xf32>,
        %parallel_loop3A_191 = arith.constant 112 : i32
        %parallel_loop3A_192 = arith.addi %parallel_loop3A_62, %parallel_loop3A_191 : i32
        %parallel_loop3A_193 = arith.index_cast %parallel_loop3A_192 : i32 to index
        %parallel_loop3A_194 = tpu.vector_load %arg7[%parallel_loop3A_193] {strides = array<i32>} : memref<32832xf32, #tpu.memory_space<vmem>>, vector<16xf32>,
        tpu.vector_store %arg7[%parallel_loop3A_193], %parallel_loop3A_190 {strides = array<i32>} : memref<32832xf32, #tpu.memory_space<vmem>>, vector<16xf32>,
        %parallel_loop3A_195 = arith.constant 128 : i32
        %parallel_loop3A_196 = vector.broadcast %parallel_loop3A_195 : i32 to vector<16xi32>
        %parallel_loop3A_197 = arith.addi %iota3A, %parallel_loop3A_196 : vector<16xi32>
        %parallel_loop3A_198 = arith.constant 55189 : i32
        %parallel_loop3A_199 = vector.broadcast %parallel_loop3A_198 : i32 to vector<16xi32>
        %parallel_loop3A_200 = arith.muli %parallel_loop3A_197, %parallel_loop3A_199 : vector<16xi32>
        %parallel_loop3A_201 = arith.constant 20 : i32
        %parallel_loop3A_202 = vector.broadcast %parallel_loop3A_201 : i32 to vector<16xi32>
        %parallel_loop3A_203 = arith.shrsi %parallel_loop3A_200, %parallel_loop3A_202 : vector<16xi32>
        %parallel_loop3A_204 = tpu.vector_load_idx %arg6[%parallel_loop3A_66, %parallel_loop3A_203] : memref<64x128xi32, #tpu.memory_space<vmem>>[vector<16xi32>, vector<16xi32>], vector<16xi32>,
        %parallel_loop3A_205 = arith.addi %parallel_loop3A_204, %parallel_loop3A_197 : vector<16xi32>
        %parallel_loop3A_206 = tpu.vector_load_idx %arg5[%parallel_loop3A_205] : memref<49408xf32, #tpu.memory_space<vmem>>[vector<16xi32>], vector<16xf32>,
        %parallel_loop3A_207 = arith.constant 128 : i32
        %parallel_loop3A_208 = arith.addi %parallel_loop3A_62, %parallel_loop3A_207 : i32
        %parallel_loop3A_209 = arith.index_cast %parallel_loop3A_208 : i32 to index
        %parallel_loop3A_210 = tpu.vector_load %arg7[%parallel_loop3A_209] {strides = array<i32>} : memref<32832xf32, #tpu.memory_space<vmem>>, vector<16xf32>,
        tpu.vector_store %arg7[%parallel_loop3A_209], %parallel_loop3A_206 {strides = array<i32>} : memref<32832xf32, #tpu.memory_space<vmem>>, vector<16xf32>,
        %parallel_loop3A_211 = arith.constant 144 : i32
        %parallel_loop3A_212 = vector.broadcast %parallel_loop3A_211 : i32 to vector<16xi32>
        %parallel_loop3A_213 = arith.addi %iota3A, %parallel_loop3A_212 : vector<16xi32>
        %parallel_loop3A_214 = arith.constant 55189 : i32
        %parallel_loop3A_215 = vector.broadcast %parallel_loop3A_214 : i32 to vector<16xi32>
        %parallel_loop3A_216 = arith.muli %parallel_loop3A_213, %parallel_loop3A_215 : vector<16xi32>
        %parallel_loop3A_217 = arith.constant 20 : i32
        %parallel_loop3A_218 = vector.broadcast %parallel_loop3A_217 : i32 to vector<16xi32>
        %parallel_loop3A_219 = arith.shrsi %parallel_loop3A_216, %parallel_loop3A_218 : vector<16xi32>
        %parallel_loop3A_220 = tpu.vector_load_idx %arg6[%parallel_loop3A_66, %parallel_loop3A_219] : memref<64x128xi32, #tpu.memory_space<vmem>>[vector<16xi32>, vector<16xi32>], vector<16xi32>,
        %parallel_loop3A_221 = arith.addi %parallel_loop3A_220, %parallel_loop3A_213 : vector<16xi32>
        %parallel_loop3A_222 = tpu.vector_load_idx %arg5[%parallel_loop3A_221] : memref<49408xf32, #tpu.memory_space<vmem>>[vector<16xi32>], vector<16xf32>,
        %parallel_loop3A_223 = arith.constant 144 : i32
        %parallel_loop3A_224 = arith.addi %parallel_loop3A_62, %parallel_loop3A_223 : i32
        %parallel_loop3A_225 = arith.index_cast %parallel_loop3A_224 : i32 to index
        %parallel_loop3A_226 = tpu.vector_load %arg7[%parallel_loop3A_225] {strides = array<i32>} : memref<32832xf32, #tpu.memory_space<vmem>>, vector<16xf32>,
        tpu.vector_store %arg7[%parallel_loop3A_225], %parallel_loop3A_222 {strides = array<i32>} : memref<32832xf32, #tpu.memory_space<vmem>>, vector<16xf32>,
        %parallel_loop3A_227 = arith.constant 160 : i32
        %parallel_loop3A_228 = vector.broadcast %parallel_loop3A_227 : i32 to vector<16xi32>
        %parallel_loop3A_229 = arith.addi %iota3A, %parallel_loop3A_228 : vector<16xi32>
        %parallel_loop3A_230 = arith.constant 55189 : i32
        %parallel_loop3A_231 = vector.broadcast %parallel_loop3A_230 : i32 to vector<16xi32>
        %parallel_loop3A_232 = arith.muli %parallel_loop3A_229, %parallel_loop3A_231 : vector<16xi32>
        %parallel_loop3A_233 = arith.constant 20 : i32
        %parallel_loop3A_234 = vector.broadcast %parallel_loop3A_233 : i32 to vector<16xi32>
        %parallel_loop3A_235 = arith.shrsi %parallel_loop3A_232, %parallel_loop3A_234 : vector<16xi32>
        %parallel_loop3A_236 = tpu.vector_load_idx %arg6[%parallel_loop3A_66, %parallel_loop3A_235] : memref<64x128xi32, #tpu.memory_space<vmem>>[vector<16xi32>, vector<16xi32>], vector<16xi32>,
        %parallel_loop3A_237 = arith.addi %parallel_loop3A_236, %parallel_loop3A_229 : vector<16xi32>
        %parallel_loop3A_238 = tpu.vector_load_idx %arg5[%parallel_loop3A_237] : memref<49408xf32, #tpu.memory_space<vmem>>[vector<16xi32>], vector<16xf32>,
        %parallel_loop3A_239 = arith.constant 160 : i32
        %parallel_loop3A_240 = arith.addi %parallel_loop3A_62, %parallel_loop3A_239 : i32
        %parallel_loop3A_241 = arith.index_cast %parallel_loop3A_240 : i32 to index
        %parallel_loop3A_242 = tpu.vector_load %arg7[%parallel_loop3A_241] {strides = array<i32>} : memref<32832xf32, #tpu.memory_space<vmem>>, vector<16xf32>,
        tpu.vector_store %arg7[%parallel_loop3A_241], %parallel_loop3A_238 {strides = array<i32>} : memref<32832xf32, #tpu.memory_space<vmem>>, vector<16xf32>,
        %parallel_loop3A_243 = arith.constant 176 : i32
        %parallel_loop3A_244 = vector.broadcast %parallel_loop3A_243 : i32 to vector<16xi32>
        %parallel_loop3A_245 = arith.addi %iota3A, %parallel_loop3A_244 : vector<16xi32>
        %parallel_loop3A_246 = arith.constant 55189 : i32
        %parallel_loop3A_247 = vector.broadcast %parallel_loop3A_246 : i32 to vector<16xi32>
        %parallel_loop3A_248 = arith.muli %parallel_loop3A_245, %parallel_loop3A_247 : vector<16xi32>
        %parallel_loop3A_249 = arith.constant 20 : i32
        %parallel_loop3A_250 = vector.broadcast %parallel_loop3A_249 : i32 to vector<16xi32>
        %parallel_loop3A_251 = arith.shrsi %parallel_loop3A_248, %parallel_loop3A_250 : vector<16xi32>
        %parallel_loop3A_252 = tpu.vector_load_idx %arg6[%parallel_loop3A_66, %parallel_loop3A_251] : memref<64x128xi32, #tpu.memory_space<vmem>>[vector<16xi32>, vector<16xi32>], vector<16xi32>,
        %parallel_loop3A_253 = arith.addi %parallel_loop3A_252, %parallel_loop3A_245 : vector<16xi32>
        %parallel_loop3A_254 = tpu.vector_load_idx %arg5[%parallel_loop3A_253] : memref<49408xf32, #tpu.memory_space<vmem>>[vector<16xi32>], vector<16xf32>,
        %parallel_loop3A_255 = arith.constant 176 : i32
        %parallel_loop3A_256 = arith.addi %parallel_loop3A_62, %parallel_loop3A_255 : i32
        %parallel_loop3A_257 = arith.index_cast %parallel_loop3A_256 : i32 to index
        %parallel_loop3A_258 = tpu.vector_load %arg7[%parallel_loop3A_257] {strides = array<i32>} : memref<32832xf32, #tpu.memory_space<vmem>>, vector<16xf32>,
        tpu.vector_store %arg7[%parallel_loop3A_257], %parallel_loop3A_254 {strides = array<i32>} : memref<32832xf32, #tpu.memory_space<vmem>>, vector<16xf32>,
        %parallel_loop3A_259 = arith.constant 192 : i32
        %parallel_loop3A_260 = vector.broadcast %parallel_loop3A_259 : i32 to vector<16xi32>
        %parallel_loop3A_261 = arith.addi %iota3A, %parallel_loop3A_260 : vector<16xi32>
        %parallel_loop3A_262 = arith.constant 55189 : i32
        %parallel_loop3A_263 = vector.broadcast %parallel_loop3A_262 : i32 to vector<16xi32>
        %parallel_loop3A_264 = arith.muli %parallel_loop3A_261, %parallel_loop3A_263 : vector<16xi32>
        %parallel_loop3A_265 = arith.constant 20 : i32
        %parallel_loop3A_266 = vector.broadcast %parallel_loop3A_265 : i32 to vector<16xi32>
        %parallel_loop3A_267 = arith.shrsi %parallel_loop3A_264, %parallel_loop3A_266 : vector<16xi32>
        %parallel_loop3A_268 = tpu.vector_load_idx %arg6[%parallel_loop3A_66, %parallel_loop3A_267] : memref<64x128xi32, #tpu.memory_space<vmem>>[vector<16xi32>, vector<16xi32>], vector<16xi32>,
        %parallel_loop3A_269 = arith.addi %parallel_loop3A_268, %parallel_loop3A_261 : vector<16xi32>
        %parallel_loop3A_270 = tpu.vector_load_idx %arg5[%parallel_loop3A_269] : memref<49408xf32, #tpu.memory_space<vmem>>[vector<16xi32>], vector<16xf32>,
        %parallel_loop3A_271 = arith.constant 192 : i32
        %parallel_loop3A_272 = arith.addi %parallel_loop3A_62, %parallel_loop3A_271 : i32
        %parallel_loop3A_273 = arith.index_cast %parallel_loop3A_272 : i32 to index
        %parallel_loop3A_274 = tpu.vector_load %arg7[%parallel_loop3A_273] {strides = array<i32>} : memref<32832xf32, #tpu.memory_space<vmem>>, vector<16xf32>,
        tpu.vector_store %arg7[%parallel_loop3A_273], %parallel_loop3A_270 {strides = array<i32>} : memref<32832xf32, #tpu.memory_space<vmem>>, vector<16xf32>,
        %parallel_loop3A_275 = arith.constant 208 : i32
        %parallel_loop3A_276 = vector.broadcast %parallel_loop3A_275 : i32 to vector<16xi32>
        %parallel_loop3A_277 = arith.addi %iota3A, %parallel_loop3A_276 : vector<16xi32>
        %parallel_loop3A_278 = arith.constant 55189 : i32
        %parallel_loop3A_279 = vector.broadcast %parallel_loop3A_278 : i32 to vector<16xi32>
        %parallel_loop3A_280 = arith.muli %parallel_loop3A_277, %parallel_loop3A_279 : vector<16xi32>
        %parallel_loop3A_281 = arith.constant 20 : i32
        %parallel_loop3A_282 = vector.broadcast %parallel_loop3A_281 : i32 to vector<16xi32>
        %parallel_loop3A_283 = arith.shrsi %parallel_loop3A_280, %parallel_loop3A_282 : vector<16xi32>
        %parallel_loop3A_284 = tpu.vector_load_idx %arg6[%parallel_loop3A_66, %parallel_loop3A_283] : memref<64x128xi32, #tpu.memory_space<vmem>>[vector<16xi32>, vector<16xi32>], vector<16xi32>,
        %parallel_loop3A_285 = arith.addi %parallel_loop3A_284, %parallel_loop3A_277 : vector<16xi32>
        %parallel_loop3A_286 = tpu.vector_load_idx %arg5[%parallel_loop3A_285] : memref<49408xf32, #tpu.memory_space<vmem>>[vector<16xi32>], vector<16xf32>,
        %parallel_loop3A_287 = arith.constant 208 : i32
        %parallel_loop3A_288 = arith.addi %parallel_loop3A_62, %parallel_loop3A_287 : i32
        %parallel_loop3A_289 = arith.index_cast %parallel_loop3A_288 : i32 to index
        %parallel_loop3A_290 = tpu.vector_load %arg7[%parallel_loop3A_289] {strides = array<i32>} : memref<32832xf32, #tpu.memory_space<vmem>>, vector<16xf32>,
        tpu.vector_store %arg7[%parallel_loop3A_289], %parallel_loop3A_286 {strides = array<i32>} : memref<32832xf32, #tpu.memory_space<vmem>>, vector<16xf32>,
        %parallel_loop3A_291 = arith.constant 224 : i32
        %parallel_loop3A_292 = vector.broadcast %parallel_loop3A_291 : i32 to vector<16xi32>
        %parallel_loop3A_293 = arith.addi %iota3A, %parallel_loop3A_292 : vector<16xi32>
        %parallel_loop3A_294 = arith.constant 55189 : i32
        %parallel_loop3A_295 = vector.broadcast %parallel_loop3A_294 : i32 to vector<16xi32>
        %parallel_loop3A_296 = arith.muli %parallel_loop3A_293, %parallel_loop3A_295 : vector<16xi32>
        %parallel_loop3A_297 = arith.constant 20 : i32
        %parallel_loop3A_298 = vector.broadcast %parallel_loop3A_297 : i32 to vector<16xi32>
        %parallel_loop3A_299 = arith.shrsi %parallel_loop3A_296, %parallel_loop3A_298 : vector<16xi32>
        %parallel_loop3A_300 = tpu.vector_load_idx %arg6[%parallel_loop3A_66, %parallel_loop3A_299] : memref<64x128xi32, #tpu.memory_space<vmem>>[vector<16xi32>, vector<16xi32>], vector<16xi32>,
        %parallel_loop3A_301 = arith.addi %parallel_loop3A_300, %parallel_loop3A_293 : vector<16xi32>
        %parallel_loop3A_302 = tpu.vector_load_idx %arg5[%parallel_loop3A_301] : memref<49408xf32, #tpu.memory_space<vmem>>[vector<16xi32>], vector<16xf32>,
        %parallel_loop3A_303 = arith.constant 224 : i32
        %parallel_loop3A_304 = arith.addi %parallel_loop3A_62, %parallel_loop3A_303 : i32
        %parallel_loop3A_305 = arith.index_cast %parallel_loop3A_304 : i32 to index
        %parallel_loop3A_306 = tpu.vector_load %arg7[%parallel_loop3A_305] {strides = array<i32>} : memref<32832xf32, #tpu.memory_space<vmem>>, vector<16xf32>,
        tpu.vector_store %arg7[%parallel_loop3A_305], %parallel_loop3A_302 {strides = array<i32>} : memref<32832xf32, #tpu.memory_space<vmem>>, vector<16xf32>,
        %parallel_loop3A_307 = arith.constant 240 : i32
        %parallel_loop3A_308 = vector.broadcast %parallel_loop3A_307 : i32 to vector<16xi32>
        %parallel_loop3A_309 = arith.addi %iota3A, %parallel_loop3A_308 : vector<16xi32>
        %parallel_loop3A_310 = arith.constant 55189 : i32
        %parallel_loop3A_311 = vector.broadcast %parallel_loop3A_310 : i32 to vector<16xi32>
        %parallel_loop3A_312 = arith.muli %parallel_loop3A_309, %parallel_loop3A_311 : vector<16xi32>
        %parallel_loop3A_313 = arith.constant 20 : i32
        %parallel_loop3A_314 = vector.broadcast %parallel_loop3A_313 : i32 to vector<16xi32>
        %parallel_loop3A_315 = arith.shrsi %parallel_loop3A_312, %parallel_loop3A_314 : vector<16xi32>
        %parallel_loop3A_316 = tpu.vector_load_idx %arg6[%parallel_loop3A_66, %parallel_loop3A_315] : memref<64x128xi32, #tpu.memory_space<vmem>>[vector<16xi32>, vector<16xi32>], vector<16xi32>,
        %parallel_loop3A_317 = arith.addi %parallel_loop3A_316, %parallel_loop3A_309 : vector<16xi32>
        %parallel_loop3A_318 = tpu.vector_load_idx %arg5[%parallel_loop3A_317] : memref<49408xf32, #tpu.memory_space<vmem>>[vector<16xi32>], vector<16xf32>,
        %parallel_loop3A_319 = arith.constant 240 : i32
        %parallel_loop3A_320 = arith.addi %parallel_loop3A_62, %parallel_loop3A_319 : i32
        %parallel_loop3A_321 = arith.index_cast %parallel_loop3A_320 : i32 to index
        %parallel_loop3A_322 = tpu.vector_load %arg7[%parallel_loop3A_321] {strides = array<i32>} : memref<32832xf32, #tpu.memory_space<vmem>>, vector<16xf32>,
        tpu.vector_store %arg7[%parallel_loop3A_321], %parallel_loop3A_318 {strides = array<i32>} : memref<32832xf32, #tpu.memory_space<vmem>>, vector<16xf32>,
        %parallel_loop3A_323 = arith.constant 256 : i32
        %parallel_loop3A_324 = vector.broadcast %parallel_loop3A_323 : i32 to vector<16xi32>
        %parallel_loop3A_325 = arith.addi %iota3A, %parallel_loop3A_324 : vector<16xi32>
        %parallel_loop3A_326 = arith.constant 55189 : i32
        %parallel_loop3A_327 = vector.broadcast %parallel_loop3A_326 : i32 to vector<16xi32>
        %parallel_loop3A_328 = arith.muli %parallel_loop3A_325, %parallel_loop3A_327 : vector<16xi32>
        %parallel_loop3A_329 = arith.constant 20 : i32
        %parallel_loop3A_330 = vector.broadcast %parallel_loop3A_329 : i32 to vector<16xi32>
        %parallel_loop3A_331 = arith.shrsi %parallel_loop3A_328, %parallel_loop3A_330 : vector<16xi32>
        %parallel_loop3A_332 = tpu.vector_load_idx %arg6[%parallel_loop3A_66, %parallel_loop3A_331] : memref<64x128xi32, #tpu.memory_space<vmem>>[vector<16xi32>, vector<16xi32>], vector<16xi32>,
        %parallel_loop3A_333 = arith.addi %parallel_loop3A_332, %parallel_loop3A_325 : vector<16xi32>
        %parallel_loop3A_334 = tpu.vector_load_idx %arg5[%parallel_loop3A_333] : memref<49408xf32, #tpu.memory_space<vmem>>[vector<16xi32>], vector<16xf32>,
        %parallel_loop3A_335 = arith.constant 256 : i32
        %parallel_loop3A_336 = arith.addi %parallel_loop3A_62, %parallel_loop3A_335 : i32
        %parallel_loop3A_337 = arith.index_cast %parallel_loop3A_336 : i32 to index
        %parallel_loop3A_338 = tpu.vector_load %arg7[%parallel_loop3A_337] {strides = array<i32>} : memref<32832xf32, #tpu.memory_space<vmem>>, vector<16xf32>,
        tpu.vector_store %arg7[%parallel_loop3A_337], %parallel_loop3A_334 {strides = array<i32>} : memref<32832xf32, #tpu.memory_space<vmem>>, vector<16xf32>,
        %parallel_loop3A_339 = arith.constant 272 : i32
        %parallel_loop3A_340 = vector.broadcast %parallel_loop3A_339 : i32 to vector<16xi32>
        %parallel_loop3A_341 = arith.addi %iota3A, %parallel_loop3A_340 : vector<16xi32>
        %parallel_loop3A_342 = arith.constant 55189 : i32
        %parallel_loop3A_343 = vector.broadcast %parallel_loop3A_342 : i32 to vector<16xi32>
        %parallel_loop3A_344 = arith.muli %parallel_loop3A_341, %parallel_loop3A_343 : vector<16xi32>
        %parallel_loop3A_345 = arith.constant 20 : i32
        %parallel_loop3A_346 = vector.broadcast %parallel_loop3A_345 : i32 to vector<16xi32>
        %parallel_loop3A_347 = arith.shrsi %parallel_loop3A_344, %parallel_loop3A_346 : vector<16xi32>
        %parallel_loop3A_348 = tpu.vector_load_idx %arg6[%parallel_loop3A_66, %parallel_loop3A_347] : memref<64x128xi32, #tpu.memory_space<vmem>>[vector<16xi32>, vector<16xi32>], vector<16xi32>,
        %parallel_loop3A_349 = arith.addi %parallel_loop3A_348, %parallel_loop3A_341 : vector<16xi32>
        %parallel_loop3A_350 = tpu.vector_load_idx %arg5[%parallel_loop3A_349] : memref<49408xf32, #tpu.memory_space<vmem>>[vector<16xi32>], vector<16xf32>,
        %parallel_loop3A_351 = arith.constant 272 : i32
        %parallel_loop3A_352 = arith.addi %parallel_loop3A_62, %parallel_loop3A_351 : i32
        %parallel_loop3A_353 = arith.index_cast %parallel_loop3A_352 : i32 to index
        %parallel_loop3A_354 = tpu.vector_load %arg7[%parallel_loop3A_353] {strides = array<i32>} : memref<32832xf32, #tpu.memory_space<vmem>>, vector<16xf32>,
        tpu.vector_store %arg7[%parallel_loop3A_353], %parallel_loop3A_350 {strides = array<i32>} : memref<32832xf32, #tpu.memory_space<vmem>>, vector<16xf32>,
        %parallel_loop3A_355 = arith.constant 288 : i32
        %parallel_loop3A_356 = vector.broadcast %parallel_loop3A_355 : i32 to vector<16xi32>
        %parallel_loop3A_357 = arith.addi %iota3A, %parallel_loop3A_356 : vector<16xi32>
        %parallel_loop3A_358 = arith.constant 55189 : i32
        %parallel_loop3A_359 = vector.broadcast %parallel_loop3A_358 : i32 to vector<16xi32>
        %parallel_loop3A_360 = arith.muli %parallel_loop3A_357, %parallel_loop3A_359 : vector<16xi32>
        %parallel_loop3A_361 = arith.constant 20 : i32
        %parallel_loop3A_362 = vector.broadcast %parallel_loop3A_361 : i32 to vector<16xi32>
        %parallel_loop3A_363 = arith.shrsi %parallel_loop3A_360, %parallel_loop3A_362 : vector<16xi32>
        %parallel_loop3A_364 = tpu.vector_load_idx %arg6[%parallel_loop3A_66, %parallel_loop3A_363] : memref<64x128xi32, #tpu.memory_space<vmem>>[vector<16xi32>, vector<16xi32>], vector<16xi32>,
        %parallel_loop3A_365 = arith.addi %parallel_loop3A_364, %parallel_loop3A_357 : vector<16xi32>
        %parallel_loop3A_366 = tpu.vector_load_idx %arg5[%parallel_loop3A_365] : memref<49408xf32, #tpu.memory_space<vmem>>[vector<16xi32>], vector<16xf32>,
        %parallel_loop3A_367 = arith.constant 288 : i32
        %parallel_loop3A_368 = arith.addi %parallel_loop3A_62, %parallel_loop3A_367 : i32
        %parallel_loop3A_369 = arith.index_cast %parallel_loop3A_368 : i32 to index
        %parallel_loop3A_370 = tpu.vector_load %arg7[%parallel_loop3A_369] {strides = array<i32>} : memref<32832xf32, #tpu.memory_space<vmem>>, vector<16xf32>,
        tpu.vector_store %arg7[%parallel_loop3A_369], %parallel_loop3A_366 {strides = array<i32>} : memref<32832xf32, #tpu.memory_space<vmem>>, vector<16xf32>,
        %parallel_loop3A_371 = arith.constant 304 : i32
        %parallel_loop3A_372 = vector.broadcast %parallel_loop3A_371 : i32 to vector<16xi32>
        %parallel_loop3A_373 = arith.addi %iota3A, %parallel_loop3A_372 : vector<16xi32>
        %parallel_loop3A_374 = arith.constant 55189 : i32
        %parallel_loop3A_375 = vector.broadcast %parallel_loop3A_374 : i32 to vector<16xi32>
        %parallel_loop3A_376 = arith.muli %parallel_loop3A_373, %parallel_loop3A_375 : vector<16xi32>
        %parallel_loop3A_377 = arith.constant 20 : i32
        %parallel_loop3A_378 = vector.broadcast %parallel_loop3A_377 : i32 to vector<16xi32>
        %parallel_loop3A_379 = arith.shrsi %parallel_loop3A_376, %parallel_loop3A_378 : vector<16xi32>
        %parallel_loop3A_380 = tpu.vector_load_idx %arg6[%parallel_loop3A_66, %parallel_loop3A_379] : memref<64x128xi32, #tpu.memory_space<vmem>>[vector<16xi32>, vector<16xi32>], vector<16xi32>,
        %parallel_loop3A_381 = arith.addi %parallel_loop3A_380, %parallel_loop3A_373 : vector<16xi32>
        %parallel_loop3A_382 = tpu.vector_load_idx %arg5[%parallel_loop3A_381] : memref<49408xf32, #tpu.memory_space<vmem>>[vector<16xi32>], vector<16xf32>,
        %parallel_loop3A_383 = arith.constant 304 : i32
        %parallel_loop3A_384 = arith.addi %parallel_loop3A_62, %parallel_loop3A_383 : i32
        %parallel_loop3A_385 = arith.index_cast %parallel_loop3A_384 : i32 to index
        %parallel_loop3A_386 = tpu.vector_load %arg7[%parallel_loop3A_385] {strides = array<i32>} : memref<32832xf32, #tpu.memory_space<vmem>>, vector<16xf32>,
        tpu.vector_store %arg7[%parallel_loop3A_385], %parallel_loop3A_382 {strides = array<i32>} : memref<32832xf32, #tpu.memory_space<vmem>>, vector<16xf32>,
        %parallel_loop3A_387 = arith.constant 320 : i32
        %parallel_loop3A_388 = vector.broadcast %parallel_loop3A_387 : i32 to vector<16xi32>
        %parallel_loop3A_389 = arith.addi %iota3A, %parallel_loop3A_388 : vector<16xi32>
        %parallel_loop3A_390 = arith.constant 55189 : i32
        %parallel_loop3A_391 = vector.broadcast %parallel_loop3A_390 : i32 to vector<16xi32>
        %parallel_loop3A_392 = arith.muli %parallel_loop3A_389, %parallel_loop3A_391 : vector<16xi32>
        %parallel_loop3A_393 = arith.constant 20 : i32
        %parallel_loop3A_394 = vector.broadcast %parallel_loop3A_393 : i32 to vector<16xi32>
        %parallel_loop3A_395 = arith.shrsi %parallel_loop3A_392, %parallel_loop3A_394 : vector<16xi32>
        %parallel_loop3A_396 = tpu.vector_load_idx %arg6[%parallel_loop3A_66, %parallel_loop3A_395] : memref<64x128xi32, #tpu.memory_space<vmem>>[vector<16xi32>, vector<16xi32>], vector<16xi32>,
        %parallel_loop3A_397 = arith.addi %parallel_loop3A_396, %parallel_loop3A_389 : vector<16xi32>
        %parallel_loop3A_398 = tpu.vector_load_idx %arg5[%parallel_loop3A_397] : memref<49408xf32, #tpu.memory_space<vmem>>[vector<16xi32>], vector<16xf32>,
        %parallel_loop3A_399 = arith.constant 320 : i32
        %parallel_loop3A_400 = arith.addi %parallel_loop3A_62, %parallel_loop3A_399 : i32
        %parallel_loop3A_401 = arith.index_cast %parallel_loop3A_400 : i32 to index
        %parallel_loop3A_402 = tpu.vector_load %arg7[%parallel_loop3A_401] {strides = array<i32>} : memref<32832xf32, #tpu.memory_space<vmem>>, vector<16xf32>,
        tpu.vector_store %arg7[%parallel_loop3A_401], %parallel_loop3A_398 {strides = array<i32>} : memref<32832xf32, #tpu.memory_space<vmem>>, vector<16xf32>,
        %parallel_loop3A_403 = arith.constant 336 : i32
        %parallel_loop3A_404 = vector.broadcast %parallel_loop3A_403 : i32 to vector<16xi32>
        %parallel_loop3A_405 = arith.addi %iota3A, %parallel_loop3A_404 : vector<16xi32>
        %parallel_loop3A_406 = arith.constant 55189 : i32
        %parallel_loop3A_407 = vector.broadcast %parallel_loop3A_406 : i32 to vector<16xi32>
        %parallel_loop3A_408 = arith.muli %parallel_loop3A_405, %parallel_loop3A_407 : vector<16xi32>
        %parallel_loop3A_409 = arith.constant 20 : i32
        %parallel_loop3A_410 = vector.broadcast %parallel_loop3A_409 : i32 to vector<16xi32>
        %parallel_loop3A_411 = arith.shrsi %parallel_loop3A_408, %parallel_loop3A_410 : vector<16xi32>
        %parallel_loop3A_412 = tpu.vector_load_idx %arg6[%parallel_loop3A_66, %parallel_loop3A_411] : memref<64x128xi32, #tpu.memory_space<vmem>>[vector<16xi32>, vector<16xi32>], vector<16xi32>,
        %parallel_loop3A_413 = arith.addi %parallel_loop3A_412, %parallel_loop3A_405 : vector<16xi32>
        %parallel_loop3A_414 = tpu.vector_load_idx %arg5[%parallel_loop3A_413] : memref<49408xf32, #tpu.memory_space<vmem>>[vector<16xi32>], vector<16xf32>,
        %parallel_loop3A_415 = arith.constant 336 : i32
        %parallel_loop3A_416 = arith.addi %parallel_loop3A_62, %parallel_loop3A_415 : i32
        %parallel_loop3A_417 = arith.index_cast %parallel_loop3A_416 : i32 to index
        %parallel_loop3A_418 = tpu.vector_load %arg7[%parallel_loop3A_417] {strides = array<i32>} : memref<32832xf32, #tpu.memory_space<vmem>>, vector<16xf32>,
        tpu.vector_store %arg7[%parallel_loop3A_417], %parallel_loop3A_414 {strides = array<i32>} : memref<32832xf32, #tpu.memory_space<vmem>>, vector<16xf32>,
        %parallel_loop3A_419 = arith.constant 352 : i32
        %parallel_loop3A_420 = vector.broadcast %parallel_loop3A_419 : i32 to vector<16xi32>
        %parallel_loop3A_421 = arith.addi %iota3A, %parallel_loop3A_420 : vector<16xi32>
        %parallel_loop3A_422 = arith.constant 55189 : i32
        %parallel_loop3A_423 = vector.broadcast %parallel_loop3A_422 : i32 to vector<16xi32>
        %parallel_loop3A_424 = arith.muli %parallel_loop3A_421, %parallel_loop3A_423 : vector<16xi32>
        %parallel_loop3A_425 = arith.constant 20 : i32
        %parallel_loop3A_426 = vector.broadcast %parallel_loop3A_425 : i32 to vector<16xi32>
        %parallel_loop3A_427 = arith.shrsi %parallel_loop3A_424, %parallel_loop3A_426 : vector<16xi32>
        %parallel_loop3A_428 = tpu.vector_load_idx %arg6[%parallel_loop3A_66, %parallel_loop3A_427] : memref<64x128xi32, #tpu.memory_space<vmem>>[vector<16xi32>, vector<16xi32>], vector<16xi32>,
        %parallel_loop3A_429 = arith.addi %parallel_loop3A_428, %parallel_loop3A_421 : vector<16xi32>
        %parallel_loop3A_430 = tpu.vector_load_idx %arg5[%parallel_loop3A_429] : memref<49408xf32, #tpu.memory_space<vmem>>[vector<16xi32>], vector<16xf32>,
        %parallel_loop3A_431 = arith.constant 352 : i32
        %parallel_loop3A_432 = arith.addi %parallel_loop3A_62, %parallel_loop3A_431 : i32
        %parallel_loop3A_433 = arith.index_cast %parallel_loop3A_432 : i32 to index
        %parallel_loop3A_434 = tpu.vector_load %arg7[%parallel_loop3A_433] {strides = array<i32>} : memref<32832xf32, #tpu.memory_space<vmem>>, vector<16xf32>,
        tpu.vector_store %arg7[%parallel_loop3A_433], %parallel_loop3A_430 {strides = array<i32>} : memref<32832xf32, #tpu.memory_space<vmem>>, vector<16xf32>,
        %parallel_loop3A_435 = arith.constant 368 : i32
        %parallel_loop3A_436 = vector.broadcast %parallel_loop3A_435 : i32 to vector<16xi32>
        %parallel_loop3A_437 = arith.addi %iota3A, %parallel_loop3A_436 : vector<16xi32>
        %parallel_loop3A_438 = arith.constant 55189 : i32
        %parallel_loop3A_439 = vector.broadcast %parallel_loop3A_438 : i32 to vector<16xi32>
        %parallel_loop3A_440 = arith.muli %parallel_loop3A_437, %parallel_loop3A_439 : vector<16xi32>
        %parallel_loop3A_441 = arith.constant 20 : i32
        %parallel_loop3A_442 = vector.broadcast %parallel_loop3A_441 : i32 to vector<16xi32>
        %parallel_loop3A_443 = arith.shrsi %parallel_loop3A_440, %parallel_loop3A_442 : vector<16xi32>
        %parallel_loop3A_444 = tpu.vector_load_idx %arg6[%parallel_loop3A_66, %parallel_loop3A_443] : memref<64x128xi32, #tpu.memory_space<vmem>>[vector<16xi32>, vector<16xi32>], vector<16xi32>,
        %parallel_loop3A_445 = arith.addi %parallel_loop3A_444, %parallel_loop3A_437 : vector<16xi32>
        %parallel_loop3A_446 = tpu.vector_load_idx %arg5[%parallel_loop3A_445] : memref<49408xf32, #tpu.memory_space<vmem>>[vector<16xi32>], vector<16xf32>,
        %parallel_loop3A_447 = arith.constant 368 : i32
        %parallel_loop3A_448 = arith.addi %parallel_loop3A_62, %parallel_loop3A_447 : i32
        %parallel_loop3A_449 = arith.index_cast %parallel_loop3A_448 : i32 to index
        %parallel_loop3A_450 = tpu.vector_load %arg7[%parallel_loop3A_449] {strides = array<i32>} : memref<32832xf32, #tpu.memory_space<vmem>>, vector<16xf32>,
        tpu.vector_store %arg7[%parallel_loop3A_449], %parallel_loop3A_446 {strides = array<i32>} : memref<32832xf32, #tpu.memory_space<vmem>>, vector<16xf32>,
        %parallel_loop3A_451 = arith.constant 384 : i32
        %parallel_loop3A_452 = vector.broadcast %parallel_loop3A_451 : i32 to vector<16xi32>
        %parallel_loop3A_453 = arith.addi %iota3A, %parallel_loop3A_452 : vector<16xi32>
        %parallel_loop3A_454 = arith.constant 55189 : i32
        %parallel_loop3A_455 = vector.broadcast %parallel_loop3A_454 : i32 to vector<16xi32>
        %parallel_loop3A_456 = arith.muli %parallel_loop3A_453, %parallel_loop3A_455 : vector<16xi32>
        %parallel_loop3A_457 = arith.constant 20 : i32
        %parallel_loop3A_458 = vector.broadcast %parallel_loop3A_457 : i32 to vector<16xi32>
        %parallel_loop3A_459 = arith.shrsi %parallel_loop3A_456, %parallel_loop3A_458 : vector<16xi32>
        %parallel_loop3A_460 = tpu.vector_load_idx %arg6[%parallel_loop3A_66, %parallel_loop3A_459] : memref<64x128xi32, #tpu.memory_space<vmem>>[vector<16xi32>, vector<16xi32>], vector<16xi32>,
        %parallel_loop3A_461 = arith.addi %parallel_loop3A_460, %parallel_loop3A_453 : vector<16xi32>
        %parallel_loop3A_462 = tpu.vector_load_idx %arg5[%parallel_loop3A_461] : memref<49408xf32, #tpu.memory_space<vmem>>[vector<16xi32>], vector<16xf32>,
        %parallel_loop3A_463 = arith.constant 384 : i32
        %parallel_loop3A_464 = arith.addi %parallel_loop3A_62, %parallel_loop3A_463 : i32
        %parallel_loop3A_465 = arith.index_cast %parallel_loop3A_464 : i32 to index
        %parallel_loop3A_466 = tpu.vector_load %arg7[%parallel_loop3A_465] {strides = array<i32>} : memref<32832xf32, #tpu.memory_space<vmem>>, vector<16xf32>,
        tpu.vector_store %arg7[%parallel_loop3A_465], %parallel_loop3A_462 {strides = array<i32>} : memref<32832xf32, #tpu.memory_space<vmem>>, vector<16xf32>,
        %parallel_loop3A_467 = arith.constant 400 : i32
        %parallel_loop3A_468 = vector.broadcast %parallel_loop3A_467 : i32 to vector<16xi32>
        %parallel_loop3A_469 = arith.addi %iota3A, %parallel_loop3A_468 : vector<16xi32>
        %parallel_loop3A_470 = arith.constant 55189 : i32
        %parallel_loop3A_471 = vector.broadcast %parallel_loop3A_470 : i32 to vector<16xi32>
        %parallel_loop3A_472 = arith.muli %parallel_loop3A_469, %parallel_loop3A_471 : vector<16xi32>
        %parallel_loop3A_473 = arith.constant 20 : i32
        %parallel_loop3A_474 = vector.broadcast %parallel_loop3A_473 : i32 to vector<16xi32>
        %parallel_loop3A_475 = arith.shrsi %parallel_loop3A_472, %parallel_loop3A_474 : vector<16xi32>
        %parallel_loop3A_476 = tpu.vector_load_idx %arg6[%parallel_loop3A_66, %parallel_loop3A_475] : memref<64x128xi32, #tpu.memory_space<vmem>>[vector<16xi32>, vector<16xi32>], vector<16xi32>,
        %parallel_loop3A_477 = arith.addi %parallel_loop3A_476, %parallel_loop3A_469 : vector<16xi32>
        %parallel_loop3A_478 = tpu.vector_load_idx %arg5[%parallel_loop3A_477] : memref<49408xf32, #tpu.memory_space<vmem>>[vector<16xi32>], vector<16xf32>,
        %parallel_loop3A_479 = arith.constant 400 : i32
        %parallel_loop3A_480 = arith.addi %parallel_loop3A_62, %parallel_loop3A_479 : i32
        %parallel_loop3A_481 = arith.index_cast %parallel_loop3A_480 : i32 to index
        %parallel_loop3A_482 = tpu.vector_load %arg7[%parallel_loop3A_481] {strides = array<i32>} : memref<32832xf32, #tpu.memory_space<vmem>>, vector<16xf32>,
        tpu.vector_store %arg7[%parallel_loop3A_481], %parallel_loop3A_478 {strides = array<i32>} : memref<32832xf32, #tpu.memory_space<vmem>>, vector<16xf32>,
        %parallel_loop3A_483 = arith.constant 416 : i32
        %parallel_loop3A_484 = vector.broadcast %parallel_loop3A_483 : i32 to vector<16xi32>
        %parallel_loop3A_485 = arith.addi %iota3A, %parallel_loop3A_484 : vector<16xi32>
        %parallel_loop3A_486 = arith.constant 55189 : i32
        %parallel_loop3A_487 = vector.broadcast %parallel_loop3A_486 : i32 to vector<16xi32>
        %parallel_loop3A_488 = arith.muli %parallel_loop3A_485, %parallel_loop3A_487 : vector<16xi32>
        %parallel_loop3A_489 = arith.constant 20 : i32
        %parallel_loop3A_490 = vector.broadcast %parallel_loop3A_489 : i32 to vector<16xi32>
        %parallel_loop3A_491 = arith.shrsi %parallel_loop3A_488, %parallel_loop3A_490 : vector<16xi32>
        %parallel_loop3A_492 = tpu.vector_load_idx %arg6[%parallel_loop3A_66, %parallel_loop3A_491] : memref<64x128xi32, #tpu.memory_space<vmem>>[vector<16xi32>, vector<16xi32>], vector<16xi32>,
        %parallel_loop3A_493 = arith.addi %parallel_loop3A_492, %parallel_loop3A_485 : vector<16xi32>
        %parallel_loop3A_494 = tpu.vector_load_idx %arg5[%parallel_loop3A_493] : memref<49408xf32, #tpu.memory_space<vmem>>[vector<16xi32>], vector<16xf32>,
        %parallel_loop3A_495 = arith.constant 416 : i32
        %parallel_loop3A_496 = arith.addi %parallel_loop3A_62, %parallel_loop3A_495 : i32
        %parallel_loop3A_497 = arith.index_cast %parallel_loop3A_496 : i32 to index
        %parallel_loop3A_498 = tpu.vector_load %arg7[%parallel_loop3A_497] {strides = array<i32>} : memref<32832xf32, #tpu.memory_space<vmem>>, vector<16xf32>,
        tpu.vector_store %arg7[%parallel_loop3A_497], %parallel_loop3A_494 {strides = array<i32>} : memref<32832xf32, #tpu.memory_space<vmem>>, vector<16xf32>,
        %parallel_loop3A_499 = arith.constant 432 : i32
        %parallel_loop3A_500 = vector.broadcast %parallel_loop3A_499 : i32 to vector<16xi32>
        %parallel_loop3A_501 = arith.addi %iota3A, %parallel_loop3A_500 : vector<16xi32>
        %parallel_loop3A_502 = arith.constant 55189 : i32
        %parallel_loop3A_503 = vector.broadcast %parallel_loop3A_502 : i32 to vector<16xi32>
        %parallel_loop3A_504 = arith.muli %parallel_loop3A_501, %parallel_loop3A_503 : vector<16xi32>
        %parallel_loop3A_505 = arith.constant 20 : i32
        %parallel_loop3A_506 = vector.broadcast %parallel_loop3A_505 : i32 to vector<16xi32>
        %parallel_loop3A_507 = arith.shrsi %parallel_loop3A_504, %parallel_loop3A_506 : vector<16xi32>
        %parallel_loop3A_508 = tpu.vector_load_idx %arg6[%parallel_loop3A_66, %parallel_loop3A_507] : memref<64x128xi32, #tpu.memory_space<vmem>>[vector<16xi32>, vector<16xi32>], vector<16xi32>,
        %parallel_loop3A_509 = arith.addi %parallel_loop3A_508, %parallel_loop3A_501 : vector<16xi32>
        %parallel_loop3A_510 = tpu.vector_load_idx %arg5[%parallel_loop3A_509] : memref<49408xf32, #tpu.memory_space<vmem>>[vector<16xi32>], vector<16xf32>,
        %parallel_loop3A_511 = arith.constant 432 : i32
        %parallel_loop3A_512 = arith.addi %parallel_loop3A_62, %parallel_loop3A_511 : i32
        %parallel_loop3A_513 = arith.index_cast %parallel_loop3A_512 : i32 to index
        %parallel_loop3A_514 = tpu.vector_load %arg7[%parallel_loop3A_513] {strides = array<i32>} : memref<32832xf32, #tpu.memory_space<vmem>>, vector<16xf32>,
        tpu.vector_store %arg7[%parallel_loop3A_513], %parallel_loop3A_510 {strides = array<i32>} : memref<32832xf32, #tpu.memory_space<vmem>>, vector<16xf32>,
        %parallel_loop3A_515 = arith.constant 448 : i32
        %parallel_loop3A_516 = vector.broadcast %parallel_loop3A_515 : i32 to vector<16xi32>
        %parallel_loop3A_517 = arith.addi %iota3A, %parallel_loop3A_516 : vector<16xi32>
        %parallel_loop3A_518 = arith.constant 55189 : i32
        %parallel_loop3A_519 = vector.broadcast %parallel_loop3A_518 : i32 to vector<16xi32>
        %parallel_loop3A_520 = arith.muli %parallel_loop3A_517, %parallel_loop3A_519 : vector<16xi32>
        %parallel_loop3A_521 = arith.constant 20 : i32
        %parallel_loop3A_522 = vector.broadcast %parallel_loop3A_521 : i32 to vector<16xi32>
        %parallel_loop3A_523 = arith.shrsi %parallel_loop3A_520, %parallel_loop3A_522 : vector<16xi32>
        %parallel_loop3A_524 = tpu.vector_load_idx %arg6[%parallel_loop3A_66, %parallel_loop3A_523] : memref<64x128xi32, #tpu.memory_space<vmem>>[vector<16xi32>, vector<16xi32>], vector<16xi32>,
        %parallel_loop3A_525 = arith.addi %parallel_loop3A_524, %parallel_loop3A_517 : vector<16xi32>
        %parallel_loop3A_526 = tpu.vector_load_idx %arg5[%parallel_loop3A_525] : memref<49408xf32, #tpu.memory_space<vmem>>[vector<16xi32>], vector<16xf32>,
        %parallel_loop3A_527 = arith.constant 448 : i32
        %parallel_loop3A_528 = arith.addi %parallel_loop3A_62, %parallel_loop3A_527 : i32
        %parallel_loop3A_529 = arith.index_cast %parallel_loop3A_528 : i32 to index
        %parallel_loop3A_530 = tpu.vector_load %arg7[%parallel_loop3A_529] {strides = array<i32>} : memref<32832xf32, #tpu.memory_space<vmem>>, vector<16xf32>,
        tpu.vector_store %arg7[%parallel_loop3A_529], %parallel_loop3A_526 {strides = array<i32>} : memref<32832xf32, #tpu.memory_space<vmem>>, vector<16xf32>,
        %parallel_loop3A_531 = arith.constant 464 : i32
        %parallel_loop3A_532 = vector.broadcast %parallel_loop3A_531 : i32 to vector<16xi32>
        %parallel_loop3A_533 = arith.addi %iota3A, %parallel_loop3A_532 : vector<16xi32>
        %parallel_loop3A_534 = arith.constant 55189 : i32
        %parallel_loop3A_535 = vector.broadcast %parallel_loop3A_534 : i32 to vector<16xi32>
        %parallel_loop3A_536 = arith.muli %parallel_loop3A_533, %parallel_loop3A_535 : vector<16xi32>
        %parallel_loop3A_537 = arith.constant 20 : i32
        %parallel_loop3A_538 = vector.broadcast %parallel_loop3A_537 : i32 to vector<16xi32>
        %parallel_loop3A_539 = arith.shrsi %parallel_loop3A_536, %parallel_loop3A_538 : vector<16xi32>
        %parallel_loop3A_540 = tpu.vector_load_idx %arg6[%parallel_loop3A_66, %parallel_loop3A_539] : memref<64x128xi32, #tpu.memory_space<vmem>>[vector<16xi32>, vector<16xi32>], vector<16xi32>,
        %parallel_loop3A_541 = arith.addi %parallel_loop3A_540, %parallel_loop3A_533 : vector<16xi32>
        %parallel_loop3A_542 = tpu.vector_load_idx %arg5[%parallel_loop3A_541] : memref<49408xf32, #tpu.memory_space<vmem>>[vector<16xi32>], vector<16xf32>,
        %parallel_loop3A_543 = arith.constant 464 : i32
        %parallel_loop3A_544 = arith.addi %parallel_loop3A_62, %parallel_loop3A_543 : i32
        %parallel_loop3A_545 = arith.index_cast %parallel_loop3A_544 : i32 to index
        %parallel_loop3A_546 = tpu.vector_load %arg7[%parallel_loop3A_545] {strides = array<i32>} : memref<32832xf32, #tpu.memory_space<vmem>>, vector<16xf32>,
        tpu.vector_store %arg7[%parallel_loop3A_545], %parallel_loop3A_542 {strides = array<i32>} : memref<32832xf32, #tpu.memory_space<vmem>>, vector<16xf32>,
        %parallel_loop3A_547 = arith.constant 480 : i32
        %parallel_loop3A_548 = vector.broadcast %parallel_loop3A_547 : i32 to vector<16xi32>
        %parallel_loop3A_549 = arith.addi %iota3A, %parallel_loop3A_548 : vector<16xi32>
        %parallel_loop3A_550 = arith.constant 55189 : i32
        %parallel_loop3A_551 = vector.broadcast %parallel_loop3A_550 : i32 to vector<16xi32>
        %parallel_loop3A_552 = arith.muli %parallel_loop3A_549, %parallel_loop3A_551 : vector<16xi32>
        %parallel_loop3A_553 = arith.constant 20 : i32
        %parallel_loop3A_554 = vector.broadcast %parallel_loop3A_553 : i32 to vector<16xi32>
        %parallel_loop3A_555 = arith.shrsi %parallel_loop3A_552, %parallel_loop3A_554 : vector<16xi32>
        %parallel_loop3A_556 = tpu.vector_load_idx %arg6[%parallel_loop3A_66, %parallel_loop3A_555] : memref<64x128xi32, #tpu.memory_space<vmem>>[vector<16xi32>, vector<16xi32>], vector<16xi32>,
        %parallel_loop3A_557 = arith.addi %parallel_loop3A_556, %parallel_loop3A_549 : vector<16xi32>
        %parallel_loop3A_558 = tpu.vector_load_idx %arg5[%parallel_loop3A_557] : memref<49408xf32, #tpu.memory_space<vmem>>[vector<16xi32>], vector<16xf32>,
        %parallel_loop3A_559 = vector.broadcast %parallel_loop3A_62 : i32 to vector<16xi32>
        %parallel_loop3A_560 = arith.addi %parallel_loop3A_559, %parallel_loop3A_549 : vector<16xi32>
        tpu.vector_store_idx %arg7[%parallel_loop3A_560], %parallel_loop3A_558 masked %lt3A_4 : memref<32832xf32, #tpu.memory_space<vmem>>[vector<16xi32>], vector<16xf32>, vector<16xi1>
        %parallel_loop3A_561 = arith.index_cast %parallel_loop3A_60 : i32 to index
        %parallel_loop3A_562 = arith.constant 32 : index
        %parallel_loop3A_563 = tpu.vector_load %arg6[%parallel_loop3A_561, %parallel_loop3A_562] {strides = array<i32>} : memref<64x128xi32, #tpu.memory_space<vmem>>, vector<16xi32>,
        %parallel_loop3A_564 = arith.index_cast %parallel_loop3A_60 : i32 to index
        %parallel_loop3A_565 = arith.constant 35 : index
        %parallel_loop3A_566 = tpu.vector_load %arg6[%parallel_loop3A_564, %parallel_loop3A_565] {strides = array<i32>} : memref<64x128xi32, #tpu.memory_space<vmem>>, vector<16xi32>,
        %parallel_loop3A_567 = vector.bitcast %parallel_loop3A_563 : vector<16xi32> to vector<16xf32>
        %parallel_loop3A_568 = arith.constant 494 : i32
        %parallel_loop3A_569 = arith.addi %parallel_loop3A_62, %parallel_loop3A_568 : i32
        %parallel_loop3A_570 = arith.index_cast %parallel_loop3A_569 : i32 to index
        %parallel_loop3A_571 = tpu.vector_load %arg7[%parallel_loop3A_570] {strides = array<i32>} : memref<32832xf32, #tpu.memory_space<vmem>>, vector<16xf32>,
        tpu.vector_store %arg7[%parallel_loop3A_570], %parallel_loop3A_567 {strides = array<i32>} : memref<32832xf32, #tpu.memory_space<vmem>>, vector<16xf32>,
        %parallel_loop3A_572 = vector.bitcast %parallel_loop3A_566 : vector<16xi32> to vector<16xf32>
        %parallel_loop3A_573 = arith.constant 497 : i32
        %parallel_loop3A_574 = arith.addi %parallel_loop3A_62, %parallel_loop3A_573 : i32
        %parallel_loop3A_575 = arith.index_cast %parallel_loop3A_574 : i32 to index
        %parallel_loop3A_576 = tpu.vector_load %arg7[%parallel_loop3A_575] {strides = array<i32>} : memref<32832xf32, #tpu.memory_space<vmem>>, vector<16xf32>,
        tpu.vector_store %arg7[%parallel_loop3A_575], %parallel_loop3A_572 {strides = array<i32>} : memref<32832xf32, #tpu.memory_space<vmem>>, vector<16xf32>,
      } {sc.loop_unroll_factor = 8 : i64, sc.parallel_access}
      %dma_start3A = tpu.memref_slice %arg4[%add3A_31] : memref<8404992xf32, #tpu.memory_space<hbm>> -> memref<32832xf32, #tpu.memory_space<hbm>>
      %dma_start3A_39 = tpu.memref_slice %arg4[%add3A_31] : memref<8404992xf32, #tpu.memory_space<hbm>> -> memref<32832xf32, #tpu.memory_space<hbm>>
      tpu.enqueue_dma source(%arg7 : memref<32832xf32, #tpu.memory_space<vmem>>) target(%dma_start3A_39 : memref<32832xf32, #tpu.memory_space<hbm>>) target_semaphore(%arg9 : memref<!tpu.dma_semaphore, #tpu.memory_space<semaphore_mem>>)
      %mul3A_40 = arith.constant 2 : i32
      %mul3A_41 = arith.muli %add3A_24, %mul3A_40 : i32
      %add3A_42 = arith.constant 1 : i32
      %add3A_43 = arith.addi %mul3A_41, %add3A_42 : i32
      %mul3A_44 = arith.constant 32832 : i32
      %mul3A_45 = arith.muli %add3A_43, %mul3A_44 : i32
      %add3A_46 = arith.addi %mul3A_8, %mul3A_45 : i32
      %mul3A_47 = arith.constant 64 : i32
      %mul3A_48 = arith.muli %add3A_43, %mul3A_47 : i32
      %add3A_49 = arith.addi %mul3A_2, %mul3A_48 : i32
      "tpu.region"() ({
        %run_scoped3A = tpu.sem_alloc : memref<!tpu.dma_semaphore, #tpu.memory_space<semaphore_mem>>
        %dma_start3A_60 = arith.constant 0 : i32
        %dma_start3A_61 = tpu.memref_slice %arg3[%add3A_49, %dma_start3A_60] : memref<16384x128xi32, #tpu.memory_space<hbm>> -> memref<64x128xi32, #tpu.memory_space<hbm>>
        %dma_start3A_62 = arith.constant 0 : i32
        %dma_start3A_63 = tpu.memref_slice %arg3[%add3A_49, %dma_start3A_62] : memref<16384x128xi32, #tpu.memory_space<hbm>> -> memref<64x128xi32, #tpu.memory_space<hbm>>
        tpu.enqueue_dma source(%dma_start3A_63 : memref<64x128xi32, #tpu.memory_space<hbm>>) target(%arg6 : memref<64x128xi32, #tpu.memory_space<vmem>>) target_semaphore(%run_scoped3A : memref<!tpu.dma_semaphore, #tpu.memory_space<semaphore_mem>>)
        %dma_wait3A_64 = arith.constant 0 : i32
        %dma_wait3A_65 = tpu.memref_slice %arg3[%add3A_49, %dma_wait3A_64] : memref<16384x128xi32, #tpu.memory_space<hbm>> -> memref<64x128xi32, #tpu.memory_space<hbm>>
        %dma_wait3A_66 = arith.constant 0 : i32
        %dma_wait3A_67 = tpu.memref_slice %arg3[%add3A_49, %dma_wait3A_66] : memref<16384x128xi32, #tpu.memory_space<hbm>> -> memref<64x128xi32, #tpu.memory_space<hbm>>
        tpu.wait_dma2 semaphore(%run_scoped3A : memref<!tpu.dma_semaphore, #tpu.memory_space<semaphore_mem>>) src(%dma_wait3A_67 : memref<64x128xi32, #tpu.memory_space<hbm>>) dst(%arg6 : memref<64x128xi32, #tpu.memory_space<vmem>>)
        tpu.yield
      }) : () -> ()
      %gt3A_50 = arith.constant 0 : i32
      %gt3A_51 = arith.cmpi sgt, %add3A_24, %gt3A_50 : i32
      %convert_element_type3A_52 = arith.extui %gt3A_51 : i1 to i32
      %cond3A_53 = arith.constant 0 : i32
      %cond3A_54 = arith.cmpi ne, %convert_element_type3A_52, %cond3A_53 : i32
      scf.if %cond3A_54 {
        %dma_wait3A_60 = tpu.memref_slice %arg4[%add3A_46] : memref<8404992xf32, #tpu.memory_space<hbm>> -> memref<32832xf32, #tpu.memory_space<hbm>>
        %dma_wait3A_61 = tpu.memref_slice %arg4[%add3A_46] : memref<8404992xf32, #tpu.memory_space<hbm>> -> memref<32832xf32, #tpu.memory_space<hbm>>
        tpu.wait_dma2 semaphore(%arg10 : memref<!tpu.dma_semaphore, #tpu.memory_space<semaphore_mem>>) src(%arg8 : memref<32832xf32, #tpu.memory_space<vmem>>) dst(%dma_wait3A_61 : memref<32832xf32, #tpu.memory_space<hbm>>)
      } else {
      }
      %parallel_loop3A_55 = arith.constant 0 : i32
      %parallel_loop3A_56 = arith.constant 64 : i32
      %parallel_loop3A_57 = arith.constant 1 : i32
      scf.for %parallel_loop3A_60 = %parallel_loop3A_55 to %parallel_loop3A_56 step %parallel_loop3A_57  : i32 {
        %parallel_loop3A_61 = arith.constant 513 : i32
        %parallel_loop3A_62 = arith.muli %parallel_loop3A_60, %parallel_loop3A_61 : i32
        %parallel_loop3A_63 = arith.constant 0 : i32
        %parallel_loop3A_64 = vector.broadcast %parallel_loop3A_63 : i32 to vector<16xi32>
        %parallel_loop3A_65 = vector.broadcast %parallel_loop3A_60 : i32 to vector<16xi32>
        %parallel_loop3A_66 = arith.addi %parallel_loop3A_64, %parallel_loop3A_65 : vector<16xi32>
        %parallel_loop3A_67 = arith.constant 0 : i32
        %parallel_loop3A_68 = vector.broadcast %parallel_loop3A_67 : i32 to vector<16xi32>
        %parallel_loop3A_69 = arith.addi %iota3A, %parallel_loop3A_68 : vector<16xi32>
        %parallel_loop3A_70 = arith.constant 55189 : i32
        %parallel_loop3A_71 = vector.broadcast %parallel_loop3A_70 : i32 to vector<16xi32>
        %parallel_loop3A_72 = arith.muli %parallel_loop3A_69, %parallel_loop3A_71 : vector<16xi32>
        %parallel_loop3A_73 = arith.constant 20 : i32
        %parallel_loop3A_74 = vector.broadcast %parallel_loop3A_73 : i32 to vector<16xi32>
        %parallel_loop3A_75 = arith.shrsi %parallel_loop3A_72, %parallel_loop3A_74 : vector<16xi32>
        %parallel_loop3A_76 = tpu.vector_load_idx %arg6[%parallel_loop3A_66, %parallel_loop3A_75] : memref<64x128xi32, #tpu.memory_space<vmem>>[vector<16xi32>, vector<16xi32>], vector<16xi32>,
        %parallel_loop3A_77 = arith.addi %parallel_loop3A_76, %parallel_loop3A_69 : vector<16xi32>
        %parallel_loop3A_78 = tpu.vector_load_idx %arg5[%parallel_loop3A_77] : memref<49408xf32, #tpu.memory_space<vmem>>[vector<16xi32>], vector<16xf32>,
        %parallel_loop3A_79 = arith.constant 0 : i32
        %parallel_loop3A_80 = arith.addi %parallel_loop3A_62, %parallel_loop3A_79 : i32
        %parallel_loop3A_81 = arith.index_cast %parallel_loop3A_80 : i32 to index
        %parallel_loop3A_82 = tpu.vector_load %arg8[%parallel_loop3A_81] {strides = array<i32>} : memref<32832xf32, #tpu.memory_space<vmem>>, vector<16xf32>,
        tpu.vector_store %arg8[%parallel_loop3A_81], %parallel_loop3A_78 {strides = array<i32>} : memref<32832xf32, #tpu.memory_space<vmem>>, vector<16xf32>,
        %parallel_loop3A_83 = arith.constant 16 : i32
        %parallel_loop3A_84 = vector.broadcast %parallel_loop3A_83 : i32 to vector<16xi32>
        %parallel_loop3A_85 = arith.addi %iota3A, %parallel_loop3A_84 : vector<16xi32>
        %parallel_loop3A_86 = arith.constant 55189 : i32
        %parallel_loop3A_87 = vector.broadcast %parallel_loop3A_86 : i32 to vector<16xi32>
        %parallel_loop3A_88 = arith.muli %parallel_loop3A_85, %parallel_loop3A_87 : vector<16xi32>
        %parallel_loop3A_89 = arith.constant 20 : i32
        %parallel_loop3A_90 = vector.broadcast %parallel_loop3A_89 : i32 to vector<16xi32>
        %parallel_loop3A_91 = arith.shrsi %parallel_loop3A_88, %parallel_loop3A_90 : vector<16xi32>
        %parallel_loop3A_92 = tpu.vector_load_idx %arg6[%parallel_loop3A_66, %parallel_loop3A_91] : memref<64x128xi32, #tpu.memory_space<vmem>>[vector<16xi32>, vector<16xi32>], vector<16xi32>,
        %parallel_loop3A_93 = arith.addi %parallel_loop3A_92, %parallel_loop3A_85 : vector<16xi32>
        %parallel_loop3A_94 = tpu.vector_load_idx %arg5[%parallel_loop3A_93] : memref<49408xf32, #tpu.memory_space<vmem>>[vector<16xi32>], vector<16xf32>,
        %parallel_loop3A_95 = arith.constant 16 : i32
        %parallel_loop3A_96 = arith.addi %parallel_loop3A_62, %parallel_loop3A_95 : i32
        %parallel_loop3A_97 = arith.index_cast %parallel_loop3A_96 : i32 to index
        %parallel_loop3A_98 = tpu.vector_load %arg8[%parallel_loop3A_97] {strides = array<i32>} : memref<32832xf32, #tpu.memory_space<vmem>>, vector<16xf32>,
        tpu.vector_store %arg8[%parallel_loop3A_97], %parallel_loop3A_94 {strides = array<i32>} : memref<32832xf32, #tpu.memory_space<vmem>>, vector<16xf32>,
        %parallel_loop3A_99 = arith.constant 32 : i32
        %parallel_loop3A_100 = vector.broadcast %parallel_loop3A_99 : i32 to vector<16xi32>
        %parallel_loop3A_101 = arith.addi %iota3A, %parallel_loop3A_100 : vector<16xi32>
        %parallel_loop3A_102 = arith.constant 55189 : i32
        %parallel_loop3A_103 = vector.broadcast %parallel_loop3A_102 : i32 to vector<16xi32>
        %parallel_loop3A_104 = arith.muli %parallel_loop3A_101, %parallel_loop3A_103 : vector<16xi32>
        %parallel_loop3A_105 = arith.constant 20 : i32
        %parallel_loop3A_106 = vector.broadcast %parallel_loop3A_105 : i32 to vector<16xi32>
        %parallel_loop3A_107 = arith.shrsi %parallel_loop3A_104, %parallel_loop3A_106 : vector<16xi32>
        %parallel_loop3A_108 = tpu.vector_load_idx %arg6[%parallel_loop3A_66, %parallel_loop3A_107] : memref<64x128xi32, #tpu.memory_space<vmem>>[vector<16xi32>, vector<16xi32>], vector<16xi32>,
        %parallel_loop3A_109 = arith.addi %parallel_loop3A_108, %parallel_loop3A_101 : vector<16xi32>
        %parallel_loop3A_110 = tpu.vector_load_idx %arg5[%parallel_loop3A_109] : memref<49408xf32, #tpu.memory_space<vmem>>[vector<16xi32>], vector<16xf32>,
        %parallel_loop3A_111 = arith.constant 32 : i32
        %parallel_loop3A_112 = arith.addi %parallel_loop3A_62, %parallel_loop3A_111 : i32
        %parallel_loop3A_113 = arith.index_cast %parallel_loop3A_112 : i32 to index
        %parallel_loop3A_114 = tpu.vector_load %arg8[%parallel_loop3A_113] {strides = array<i32>} : memref<32832xf32, #tpu.memory_space<vmem>>, vector<16xf32>,
        tpu.vector_store %arg8[%parallel_loop3A_113], %parallel_loop3A_110 {strides = array<i32>} : memref<32832xf32, #tpu.memory_space<vmem>>, vector<16xf32>,
        %parallel_loop3A_115 = arith.constant 48 : i32
        %parallel_loop3A_116 = vector.broadcast %parallel_loop3A_115 : i32 to vector<16xi32>
        %parallel_loop3A_117 = arith.addi %iota3A, %parallel_loop3A_116 : vector<16xi32>
        %parallel_loop3A_118 = arith.constant 55189 : i32
        %parallel_loop3A_119 = vector.broadcast %parallel_loop3A_118 : i32 to vector<16xi32>
        %parallel_loop3A_120 = arith.muli %parallel_loop3A_117, %parallel_loop3A_119 : vector<16xi32>
        %parallel_loop3A_121 = arith.constant 20 : i32
        %parallel_loop3A_122 = vector.broadcast %parallel_loop3A_121 : i32 to vector<16xi32>
        %parallel_loop3A_123 = arith.shrsi %parallel_loop3A_120, %parallel_loop3A_122 : vector<16xi32>
        %parallel_loop3A_124 = tpu.vector_load_idx %arg6[%parallel_loop3A_66, %parallel_loop3A_123] : memref<64x128xi32, #tpu.memory_space<vmem>>[vector<16xi32>, vector<16xi32>], vector<16xi32>,
        %parallel_loop3A_125 = arith.addi %parallel_loop3A_124, %parallel_loop3A_117 : vector<16xi32>
        %parallel_loop3A_126 = tpu.vector_load_idx %arg5[%parallel_loop3A_125] : memref<49408xf32, #tpu.memory_space<vmem>>[vector<16xi32>], vector<16xf32>,
        %parallel_loop3A_127 = arith.constant 48 : i32
        %parallel_loop3A_128 = arith.addi %parallel_loop3A_62, %parallel_loop3A_127 : i32
        %parallel_loop3A_129 = arith.index_cast %parallel_loop3A_128 : i32 to index
        %parallel_loop3A_130 = tpu.vector_load %arg8[%parallel_loop3A_129] {strides = array<i32>} : memref<32832xf32, #tpu.memory_space<vmem>>, vector<16xf32>,
        tpu.vector_store %arg8[%parallel_loop3A_129], %parallel_loop3A_126 {strides = array<i32>} : memref<32832xf32, #tpu.memory_space<vmem>>, vector<16xf32>,
        %parallel_loop3A_131 = arith.constant 64 : i32
        %parallel_loop3A_132 = vector.broadcast %parallel_loop3A_131 : i32 to vector<16xi32>
        %parallel_loop3A_133 = arith.addi %iota3A, %parallel_loop3A_132 : vector<16xi32>
        %parallel_loop3A_134 = arith.constant 55189 : i32
        %parallel_loop3A_135 = vector.broadcast %parallel_loop3A_134 : i32 to vector<16xi32>
        %parallel_loop3A_136 = arith.muli %parallel_loop3A_133, %parallel_loop3A_135 : vector<16xi32>
        %parallel_loop3A_137 = arith.constant 20 : i32
        %parallel_loop3A_138 = vector.broadcast %parallel_loop3A_137 : i32 to vector<16xi32>
        %parallel_loop3A_139 = arith.shrsi %parallel_loop3A_136, %parallel_loop3A_138 : vector<16xi32>
        %parallel_loop3A_140 = tpu.vector_load_idx %arg6[%parallel_loop3A_66, %parallel_loop3A_139] : memref<64x128xi32, #tpu.memory_space<vmem>>[vector<16xi32>, vector<16xi32>], vector<16xi32>,
        %parallel_loop3A_141 = arith.addi %parallel_loop3A_140, %parallel_loop3A_133 : vector<16xi32>
        %parallel_loop3A_142 = tpu.vector_load_idx %arg5[%parallel_loop3A_141] : memref<49408xf32, #tpu.memory_space<vmem>>[vector<16xi32>], vector<16xf32>,
        %parallel_loop3A_143 = arith.constant 64 : i32
        %parallel_loop3A_144 = arith.addi %parallel_loop3A_62, %parallel_loop3A_143 : i32
        %parallel_loop3A_145 = arith.index_cast %parallel_loop3A_144 : i32 to index
        %parallel_loop3A_146 = tpu.vector_load %arg8[%parallel_loop3A_145] {strides = array<i32>} : memref<32832xf32, #tpu.memory_space<vmem>>, vector<16xf32>,
        tpu.vector_store %arg8[%parallel_loop3A_145], %parallel_loop3A_142 {strides = array<i32>} : memref<32832xf32, #tpu.memory_space<vmem>>, vector<16xf32>,
        %parallel_loop3A_147 = arith.constant 80 : i32
        %parallel_loop3A_148 = vector.broadcast %parallel_loop3A_147 : i32 to vector<16xi32>
        %parallel_loop3A_149 = arith.addi %iota3A, %parallel_loop3A_148 : vector<16xi32>
        %parallel_loop3A_150 = arith.constant 55189 : i32
        %parallel_loop3A_151 = vector.broadcast %parallel_loop3A_150 : i32 to vector<16xi32>
        %parallel_loop3A_152 = arith.muli %parallel_loop3A_149, %parallel_loop3A_151 : vector<16xi32>
        %parallel_loop3A_153 = arith.constant 20 : i32
        %parallel_loop3A_154 = vector.broadcast %parallel_loop3A_153 : i32 to vector<16xi32>
        %parallel_loop3A_155 = arith.shrsi %parallel_loop3A_152, %parallel_loop3A_154 : vector<16xi32>
        %parallel_loop3A_156 = tpu.vector_load_idx %arg6[%parallel_loop3A_66, %parallel_loop3A_155] : memref<64x128xi32, #tpu.memory_space<vmem>>[vector<16xi32>, vector<16xi32>], vector<16xi32>,
        %parallel_loop3A_157 = arith.addi %parallel_loop3A_156, %parallel_loop3A_149 : vector<16xi32>
        %parallel_loop3A_158 = tpu.vector_load_idx %arg5[%parallel_loop3A_157] : memref<49408xf32, #tpu.memory_space<vmem>>[vector<16xi32>], vector<16xf32>,
        %parallel_loop3A_159 = arith.constant 80 : i32
        %parallel_loop3A_160 = arith.addi %parallel_loop3A_62, %parallel_loop3A_159 : i32
        %parallel_loop3A_161 = arith.index_cast %parallel_loop3A_160 : i32 to index
        %parallel_loop3A_162 = tpu.vector_load %arg8[%parallel_loop3A_161] {strides = array<i32>} : memref<32832xf32, #tpu.memory_space<vmem>>, vector<16xf32>,
        tpu.vector_store %arg8[%parallel_loop3A_161], %parallel_loop3A_158 {strides = array<i32>} : memref<32832xf32, #tpu.memory_space<vmem>>, vector<16xf32>,
        %parallel_loop3A_163 = arith.constant 96 : i32
        %parallel_loop3A_164 = vector.broadcast %parallel_loop3A_163 : i32 to vector<16xi32>
        %parallel_loop3A_165 = arith.addi %iota3A, %parallel_loop3A_164 : vector<16xi32>
        %parallel_loop3A_166 = arith.constant 55189 : i32
        %parallel_loop3A_167 = vector.broadcast %parallel_loop3A_166 : i32 to vector<16xi32>
        %parallel_loop3A_168 = arith.muli %parallel_loop3A_165, %parallel_loop3A_167 : vector<16xi32>
        %parallel_loop3A_169 = arith.constant 20 : i32
        %parallel_loop3A_170 = vector.broadcast %parallel_loop3A_169 : i32 to vector<16xi32>
        %parallel_loop3A_171 = arith.shrsi %parallel_loop3A_168, %parallel_loop3A_170 : vector<16xi32>
        %parallel_loop3A_172 = tpu.vector_load_idx %arg6[%parallel_loop3A_66, %parallel_loop3A_171] : memref<64x128xi32, #tpu.memory_space<vmem>>[vector<16xi32>, vector<16xi32>], vector<16xi32>,
        %parallel_loop3A_173 = arith.addi %parallel_loop3A_172, %parallel_loop3A_165 : vector<16xi32>
        %parallel_loop3A_174 = tpu.vector_load_idx %arg5[%parallel_loop3A_173] : memref<49408xf32, #tpu.memory_space<vmem>>[vector<16xi32>], vector<16xf32>,
        %parallel_loop3A_175 = arith.constant 96 : i32
        %parallel_loop3A_176 = arith.addi %parallel_loop3A_62, %parallel_loop3A_175 : i32
        %parallel_loop3A_177 = arith.index_cast %parallel_loop3A_176 : i32 to index
        %parallel_loop3A_178 = tpu.vector_load %arg8[%parallel_loop3A_177] {strides = array<i32>} : memref<32832xf32, #tpu.memory_space<vmem>>, vector<16xf32>,
        tpu.vector_store %arg8[%parallel_loop3A_177], %parallel_loop3A_174 {strides = array<i32>} : memref<32832xf32, #tpu.memory_space<vmem>>, vector<16xf32>,
        %parallel_loop3A_179 = arith.constant 112 : i32
        %parallel_loop3A_180 = vector.broadcast %parallel_loop3A_179 : i32 to vector<16xi32>
        %parallel_loop3A_181 = arith.addi %iota3A, %parallel_loop3A_180 : vector<16xi32>
        %parallel_loop3A_182 = arith.constant 55189 : i32
        %parallel_loop3A_183 = vector.broadcast %parallel_loop3A_182 : i32 to vector<16xi32>
        %parallel_loop3A_184 = arith.muli %parallel_loop3A_181, %parallel_loop3A_183 : vector<16xi32>
        %parallel_loop3A_185 = arith.constant 20 : i32
        %parallel_loop3A_186 = vector.broadcast %parallel_loop3A_185 : i32 to vector<16xi32>
        %parallel_loop3A_187 = arith.shrsi %parallel_loop3A_184, %parallel_loop3A_186 : vector<16xi32>
        %parallel_loop3A_188 = tpu.vector_load_idx %arg6[%parallel_loop3A_66, %parallel_loop3A_187] : memref<64x128xi32, #tpu.memory_space<vmem>>[vector<16xi32>, vector<16xi32>], vector<16xi32>,
        %parallel_loop3A_189 = arith.addi %parallel_loop3A_188, %parallel_loop3A_181 : vector<16xi32>
        %parallel_loop3A_190 = tpu.vector_load_idx %arg5[%parallel_loop3A_189] : memref<49408xf32, #tpu.memory_space<vmem>>[vector<16xi32>], vector<16xf32>,
        %parallel_loop3A_191 = arith.constant 112 : i32
        %parallel_loop3A_192 = arith.addi %parallel_loop3A_62, %parallel_loop3A_191 : i32
        %parallel_loop3A_193 = arith.index_cast %parallel_loop3A_192 : i32 to index
        %parallel_loop3A_194 = tpu.vector_load %arg8[%parallel_loop3A_193] {strides = array<i32>} : memref<32832xf32, #tpu.memory_space<vmem>>, vector<16xf32>,
        tpu.vector_store %arg8[%parallel_loop3A_193], %parallel_loop3A_190 {strides = array<i32>} : memref<32832xf32, #tpu.memory_space<vmem>>, vector<16xf32>,
        %parallel_loop3A_195 = arith.constant 128 : i32
        %parallel_loop3A_196 = vector.broadcast %parallel_loop3A_195 : i32 to vector<16xi32>
        %parallel_loop3A_197 = arith.addi %iota3A, %parallel_loop3A_196 : vector<16xi32>
        %parallel_loop3A_198 = arith.constant 55189 : i32
        %parallel_loop3A_199 = vector.broadcast %parallel_loop3A_198 : i32 to vector<16xi32>
        %parallel_loop3A_200 = arith.muli %parallel_loop3A_197, %parallel_loop3A_199 : vector<16xi32>
        %parallel_loop3A_201 = arith.constant 20 : i32
        %parallel_loop3A_202 = vector.broadcast %parallel_loop3A_201 : i32 to vector<16xi32>
        %parallel_loop3A_203 = arith.shrsi %parallel_loop3A_200, %parallel_loop3A_202 : vector<16xi32>
        %parallel_loop3A_204 = tpu.vector_load_idx %arg6[%parallel_loop3A_66, %parallel_loop3A_203] : memref<64x128xi32, #tpu.memory_space<vmem>>[vector<16xi32>, vector<16xi32>], vector<16xi32>,
        %parallel_loop3A_205 = arith.addi %parallel_loop3A_204, %parallel_loop3A_197 : vector<16xi32>
        %parallel_loop3A_206 = tpu.vector_load_idx %arg5[%parallel_loop3A_205] : memref<49408xf32, #tpu.memory_space<vmem>>[vector<16xi32>], vector<16xf32>,
        %parallel_loop3A_207 = arith.constant 128 : i32
        %parallel_loop3A_208 = arith.addi %parallel_loop3A_62, %parallel_loop3A_207 : i32
        %parallel_loop3A_209 = arith.index_cast %parallel_loop3A_208 : i32 to index
        %parallel_loop3A_210 = tpu.vector_load %arg8[%parallel_loop3A_209] {strides = array<i32>} : memref<32832xf32, #tpu.memory_space<vmem>>, vector<16xf32>,
        tpu.vector_store %arg8[%parallel_loop3A_209], %parallel_loop3A_206 {strides = array<i32>} : memref<32832xf32, #tpu.memory_space<vmem>>, vector<16xf32>,
        %parallel_loop3A_211 = arith.constant 144 : i32
        %parallel_loop3A_212 = vector.broadcast %parallel_loop3A_211 : i32 to vector<16xi32>
        %parallel_loop3A_213 = arith.addi %iota3A, %parallel_loop3A_212 : vector<16xi32>
        %parallel_loop3A_214 = arith.constant 55189 : i32
        %parallel_loop3A_215 = vector.broadcast %parallel_loop3A_214 : i32 to vector<16xi32>
        %parallel_loop3A_216 = arith.muli %parallel_loop3A_213, %parallel_loop3A_215 : vector<16xi32>
        %parallel_loop3A_217 = arith.constant 20 : i32
        %parallel_loop3A_218 = vector.broadcast %parallel_loop3A_217 : i32 to vector<16xi32>
        %parallel_loop3A_219 = arith.shrsi %parallel_loop3A_216, %parallel_loop3A_218 : vector<16xi32>
        %parallel_loop3A_220 = tpu.vector_load_idx %arg6[%parallel_loop3A_66, %parallel_loop3A_219] : memref<64x128xi32, #tpu.memory_space<vmem>>[vector<16xi32>, vector<16xi32>], vector<16xi32>,
        %parallel_loop3A_221 = arith.addi %parallel_loop3A_220, %parallel_loop3A_213 : vector<16xi32>
        %parallel_loop3A_222 = tpu.vector_load_idx %arg5[%parallel_loop3A_221] : memref<49408xf32, #tpu.memory_space<vmem>>[vector<16xi32>], vector<16xf32>,
        %parallel_loop3A_223 = arith.constant 144 : i32
        %parallel_loop3A_224 = arith.addi %parallel_loop3A_62, %parallel_loop3A_223 : i32
        %parallel_loop3A_225 = arith.index_cast %parallel_loop3A_224 : i32 to index
        %parallel_loop3A_226 = tpu.vector_load %arg8[%parallel_loop3A_225] {strides = array<i32>} : memref<32832xf32, #tpu.memory_space<vmem>>, vector<16xf32>,
        tpu.vector_store %arg8[%parallel_loop3A_225], %parallel_loop3A_222 {strides = array<i32>} : memref<32832xf32, #tpu.memory_space<vmem>>, vector<16xf32>,
        %parallel_loop3A_227 = arith.constant 160 : i32
        %parallel_loop3A_228 = vector.broadcast %parallel_loop3A_227 : i32 to vector<16xi32>
        %parallel_loop3A_229 = arith.addi %iota3A, %parallel_loop3A_228 : vector<16xi32>
        %parallel_loop3A_230 = arith.constant 55189 : i32
        %parallel_loop3A_231 = vector.broadcast %parallel_loop3A_230 : i32 to vector<16xi32>
        %parallel_loop3A_232 = arith.muli %parallel_loop3A_229, %parallel_loop3A_231 : vector<16xi32>
        %parallel_loop3A_233 = arith.constant 20 : i32
        %parallel_loop3A_234 = vector.broadcast %parallel_loop3A_233 : i32 to vector<16xi32>
        %parallel_loop3A_235 = arith.shrsi %parallel_loop3A_232, %parallel_loop3A_234 : vector<16xi32>
        %parallel_loop3A_236 = tpu.vector_load_idx %arg6[%parallel_loop3A_66, %parallel_loop3A_235] : memref<64x128xi32, #tpu.memory_space<vmem>>[vector<16xi32>, vector<16xi32>], vector<16xi32>,
        %parallel_loop3A_237 = arith.addi %parallel_loop3A_236, %parallel_loop3A_229 : vector<16xi32>
        %parallel_loop3A_238 = tpu.vector_load_idx %arg5[%parallel_loop3A_237] : memref<49408xf32, #tpu.memory_space<vmem>>[vector<16xi32>], vector<16xf32>,
        %parallel_loop3A_239 = arith.constant 160 : i32
        %parallel_loop3A_240 = arith.addi %parallel_loop3A_62, %parallel_loop3A_239 : i32
        %parallel_loop3A_241 = arith.index_cast %parallel_loop3A_240 : i32 to index
        %parallel_loop3A_242 = tpu.vector_load %arg8[%parallel_loop3A_241] {strides = array<i32>} : memref<32832xf32, #tpu.memory_space<vmem>>, vector<16xf32>,
        tpu.vector_store %arg8[%parallel_loop3A_241], %parallel_loop3A_238 {strides = array<i32>} : memref<32832xf32, #tpu.memory_space<vmem>>, vector<16xf32>,
        %parallel_loop3A_243 = arith.constant 176 : i32
        %parallel_loop3A_244 = vector.broadcast %parallel_loop3A_243 : i32 to vector<16xi32>
        %parallel_loop3A_245 = arith.addi %iota3A, %parallel_loop3A_244 : vector<16xi32>
        %parallel_loop3A_246 = arith.constant 55189 : i32
        %parallel_loop3A_247 = vector.broadcast %parallel_loop3A_246 : i32 to vector<16xi32>
        %parallel_loop3A_248 = arith.muli %parallel_loop3A_245, %parallel_loop3A_247 : vector<16xi32>
        %parallel_loop3A_249 = arith.constant 20 : i32
        %parallel_loop3A_250 = vector.broadcast %parallel_loop3A_249 : i32 to vector<16xi32>
        %parallel_loop3A_251 = arith.shrsi %parallel_loop3A_248, %parallel_loop3A_250 : vector<16xi32>
        %parallel_loop3A_252 = tpu.vector_load_idx %arg6[%parallel_loop3A_66, %parallel_loop3A_251] : memref<64x128xi32, #tpu.memory_space<vmem>>[vector<16xi32>, vector<16xi32>], vector<16xi32>,
        %parallel_loop3A_253 = arith.addi %parallel_loop3A_252, %parallel_loop3A_245 : vector<16xi32>
        %parallel_loop3A_254 = tpu.vector_load_idx %arg5[%parallel_loop3A_253] : memref<49408xf32, #tpu.memory_space<vmem>>[vector<16xi32>], vector<16xf32>,
        %parallel_loop3A_255 = arith.constant 176 : i32
        %parallel_loop3A_256 = arith.addi %parallel_loop3A_62, %parallel_loop3A_255 : i32
        %parallel_loop3A_257 = arith.index_cast %parallel_loop3A_256 : i32 to index
        %parallel_loop3A_258 = tpu.vector_load %arg8[%parallel_loop3A_257] {strides = array<i32>} : memref<32832xf32, #tpu.memory_space<vmem>>, vector<16xf32>,
        tpu.vector_store %arg8[%parallel_loop3A_257], %parallel_loop3A_254 {strides = array<i32>} : memref<32832xf32, #tpu.memory_space<vmem>>, vector<16xf32>,
        %parallel_loop3A_259 = arith.constant 192 : i32
        %parallel_loop3A_260 = vector.broadcast %parallel_loop3A_259 : i32 to vector<16xi32>
        %parallel_loop3A_261 = arith.addi %iota3A, %parallel_loop3A_260 : vector<16xi32>
        %parallel_loop3A_262 = arith.constant 55189 : i32
        %parallel_loop3A_263 = vector.broadcast %parallel_loop3A_262 : i32 to vector<16xi32>
        %parallel_loop3A_264 = arith.muli %parallel_loop3A_261, %parallel_loop3A_263 : vector<16xi32>
        %parallel_loop3A_265 = arith.constant 20 : i32
        %parallel_loop3A_266 = vector.broadcast %parallel_loop3A_265 : i32 to vector<16xi32>
        %parallel_loop3A_267 = arith.shrsi %parallel_loop3A_264, %parallel_loop3A_266 : vector<16xi32>
        %parallel_loop3A_268 = tpu.vector_load_idx %arg6[%parallel_loop3A_66, %parallel_loop3A_267] : memref<64x128xi32, #tpu.memory_space<vmem>>[vector<16xi32>, vector<16xi32>], vector<16xi32>,
        %parallel_loop3A_269 = arith.addi %parallel_loop3A_268, %parallel_loop3A_261 : vector<16xi32>
        %parallel_loop3A_270 = tpu.vector_load_idx %arg5[%parallel_loop3A_269] : memref<49408xf32, #tpu.memory_space<vmem>>[vector<16xi32>], vector<16xf32>,
        %parallel_loop3A_271 = arith.constant 192 : i32
        %parallel_loop3A_272 = arith.addi %parallel_loop3A_62, %parallel_loop3A_271 : i32
        %parallel_loop3A_273 = arith.index_cast %parallel_loop3A_272 : i32 to index
        %parallel_loop3A_274 = tpu.vector_load %arg8[%parallel_loop3A_273] {strides = array<i32>} : memref<32832xf32, #tpu.memory_space<vmem>>, vector<16xf32>,
        tpu.vector_store %arg8[%parallel_loop3A_273], %parallel_loop3A_270 {strides = array<i32>} : memref<32832xf32, #tpu.memory_space<vmem>>, vector<16xf32>,
        %parallel_loop3A_275 = arith.constant 208 : i32
        %parallel_loop3A_276 = vector.broadcast %parallel_loop3A_275 : i32 to vector<16xi32>
        %parallel_loop3A_277 = arith.addi %iota3A, %parallel_loop3A_276 : vector<16xi32>
        %parallel_loop3A_278 = arith.constant 55189 : i32
        %parallel_loop3A_279 = vector.broadcast %parallel_loop3A_278 : i32 to vector<16xi32>
        %parallel_loop3A_280 = arith.muli %parallel_loop3A_277, %parallel_loop3A_279 : vector<16xi32>
        %parallel_loop3A_281 = arith.constant 20 : i32
        %parallel_loop3A_282 = vector.broadcast %parallel_loop3A_281 : i32 to vector<16xi32>
        %parallel_loop3A_283 = arith.shrsi %parallel_loop3A_280, %parallel_loop3A_282 : vector<16xi32>
        %parallel_loop3A_284 = tpu.vector_load_idx %arg6[%parallel_loop3A_66, %parallel_loop3A_283] : memref<64x128xi32, #tpu.memory_space<vmem>>[vector<16xi32>, vector<16xi32>], vector<16xi32>,
        %parallel_loop3A_285 = arith.addi %parallel_loop3A_284, %parallel_loop3A_277 : vector<16xi32>
        %parallel_loop3A_286 = tpu.vector_load_idx %arg5[%parallel_loop3A_285] : memref<49408xf32, #tpu.memory_space<vmem>>[vector<16xi32>], vector<16xf32>,
        %parallel_loop3A_287 = arith.constant 208 : i32
        %parallel_loop3A_288 = arith.addi %parallel_loop3A_62, %parallel_loop3A_287 : i32
        %parallel_loop3A_289 = arith.index_cast %parallel_loop3A_288 : i32 to index
        %parallel_loop3A_290 = tpu.vector_load %arg8[%parallel_loop3A_289] {strides = array<i32>} : memref<32832xf32, #tpu.memory_space<vmem>>, vector<16xf32>,
        tpu.vector_store %arg8[%parallel_loop3A_289], %parallel_loop3A_286 {strides = array<i32>} : memref<32832xf32, #tpu.memory_space<vmem>>, vector<16xf32>,
        %parallel_loop3A_291 = arith.constant 224 : i32
        %parallel_loop3A_292 = vector.broadcast %parallel_loop3A_291 : i32 to vector<16xi32>
        %parallel_loop3A_293 = arith.addi %iota3A, %parallel_loop3A_292 : vector<16xi32>
        %parallel_loop3A_294 = arith.constant 55189 : i32
        %parallel_loop3A_295 = vector.broadcast %parallel_loop3A_294 : i32 to vector<16xi32>
        %parallel_loop3A_296 = arith.muli %parallel_loop3A_293, %parallel_loop3A_295 : vector<16xi32>
        %parallel_loop3A_297 = arith.constant 20 : i32
        %parallel_loop3A_298 = vector.broadcast %parallel_loop3A_297 : i32 to vector<16xi32>
        %parallel_loop3A_299 = arith.shrsi %parallel_loop3A_296, %parallel_loop3A_298 : vector<16xi32>
        %parallel_loop3A_300 = tpu.vector_load_idx %arg6[%parallel_loop3A_66, %parallel_loop3A_299] : memref<64x128xi32, #tpu.memory_space<vmem>>[vector<16xi32>, vector<16xi32>], vector<16xi32>,
        %parallel_loop3A_301 = arith.addi %parallel_loop3A_300, %parallel_loop3A_293 : vector<16xi32>
        %parallel_loop3A_302 = tpu.vector_load_idx %arg5[%parallel_loop3A_301] : memref<49408xf32, #tpu.memory_space<vmem>>[vector<16xi32>], vector<16xf32>,
        %parallel_loop3A_303 = arith.constant 224 : i32
        %parallel_loop3A_304 = arith.addi %parallel_loop3A_62, %parallel_loop3A_303 : i32
        %parallel_loop3A_305 = arith.index_cast %parallel_loop3A_304 : i32 to index
        %parallel_loop3A_306 = tpu.vector_load %arg8[%parallel_loop3A_305] {strides = array<i32>} : memref<32832xf32, #tpu.memory_space<vmem>>, vector<16xf32>,
        tpu.vector_store %arg8[%parallel_loop3A_305], %parallel_loop3A_302 {strides = array<i32>} : memref<32832xf32, #tpu.memory_space<vmem>>, vector<16xf32>,
        %parallel_loop3A_307 = arith.constant 240 : i32
        %parallel_loop3A_308 = vector.broadcast %parallel_loop3A_307 : i32 to vector<16xi32>
        %parallel_loop3A_309 = arith.addi %iota3A, %parallel_loop3A_308 : vector<16xi32>
        %parallel_loop3A_310 = arith.constant 55189 : i32
        %parallel_loop3A_311 = vector.broadcast %parallel_loop3A_310 : i32 to vector<16xi32>
        %parallel_loop3A_312 = arith.muli %parallel_loop3A_309, %parallel_loop3A_311 : vector<16xi32>
        %parallel_loop3A_313 = arith.constant 20 : i32
        %parallel_loop3A_314 = vector.broadcast %parallel_loop3A_313 : i32 to vector<16xi32>
        %parallel_loop3A_315 = arith.shrsi %parallel_loop3A_312, %parallel_loop3A_314 : vector<16xi32>
        %parallel_loop3A_316 = tpu.vector_load_idx %arg6[%parallel_loop3A_66, %parallel_loop3A_315] : memref<64x128xi32, #tpu.memory_space<vmem>>[vector<16xi32>, vector<16xi32>], vector<16xi32>,
        %parallel_loop3A_317 = arith.addi %parallel_loop3A_316, %parallel_loop3A_309 : vector<16xi32>
        %parallel_loop3A_318 = tpu.vector_load_idx %arg5[%parallel_loop3A_317] : memref<49408xf32, #tpu.memory_space<vmem>>[vector<16xi32>], vector<16xf32>,
        %parallel_loop3A_319 = arith.constant 240 : i32
        %parallel_loop3A_320 = arith.addi %parallel_loop3A_62, %parallel_loop3A_319 : i32
        %parallel_loop3A_321 = arith.index_cast %parallel_loop3A_320 : i32 to index
        %parallel_loop3A_322 = tpu.vector_load %arg8[%parallel_loop3A_321] {strides = array<i32>} : memref<32832xf32, #tpu.memory_space<vmem>>, vector<16xf32>,
        tpu.vector_store %arg8[%parallel_loop3A_321], %parallel_loop3A_318 {strides = array<i32>} : memref<32832xf32, #tpu.memory_space<vmem>>, vector<16xf32>,
        %parallel_loop3A_323 = arith.constant 256 : i32
        %parallel_loop3A_324 = vector.broadcast %parallel_loop3A_323 : i32 to vector<16xi32>
        %parallel_loop3A_325 = arith.addi %iota3A, %parallel_loop3A_324 : vector<16xi32>
        %parallel_loop3A_326 = arith.constant 55189 : i32
        %parallel_loop3A_327 = vector.broadcast %parallel_loop3A_326 : i32 to vector<16xi32>
        %parallel_loop3A_328 = arith.muli %parallel_loop3A_325, %parallel_loop3A_327 : vector<16xi32>
        %parallel_loop3A_329 = arith.constant 20 : i32
        %parallel_loop3A_330 = vector.broadcast %parallel_loop3A_329 : i32 to vector<16xi32>
        %parallel_loop3A_331 = arith.shrsi %parallel_loop3A_328, %parallel_loop3A_330 : vector<16xi32>
        %parallel_loop3A_332 = tpu.vector_load_idx %arg6[%parallel_loop3A_66, %parallel_loop3A_331] : memref<64x128xi32, #tpu.memory_space<vmem>>[vector<16xi32>, vector<16xi32>], vector<16xi32>,
        %parallel_loop3A_333 = arith.addi %parallel_loop3A_332, %parallel_loop3A_325 : vector<16xi32>
        %parallel_loop3A_334 = tpu.vector_load_idx %arg5[%parallel_loop3A_333] : memref<49408xf32, #tpu.memory_space<vmem>>[vector<16xi32>], vector<16xf32>,
        %parallel_loop3A_335 = arith.constant 256 : i32
        %parallel_loop3A_336 = arith.addi %parallel_loop3A_62, %parallel_loop3A_335 : i32
        %parallel_loop3A_337 = arith.index_cast %parallel_loop3A_336 : i32 to index
        %parallel_loop3A_338 = tpu.vector_load %arg8[%parallel_loop3A_337] {strides = array<i32>} : memref<32832xf32, #tpu.memory_space<vmem>>, vector<16xf32>,
        tpu.vector_store %arg8[%parallel_loop3A_337], %parallel_loop3A_334 {strides = array<i32>} : memref<32832xf32, #tpu.memory_space<vmem>>, vector<16xf32>,
        %parallel_loop3A_339 = arith.constant 272 : i32
        %parallel_loop3A_340 = vector.broadcast %parallel_loop3A_339 : i32 to vector<16xi32>
        %parallel_loop3A_341 = arith.addi %iota3A, %parallel_loop3A_340 : vector<16xi32>
        %parallel_loop3A_342 = arith.constant 55189 : i32
        %parallel_loop3A_343 = vector.broadcast %parallel_loop3A_342 : i32 to vector<16xi32>
        %parallel_loop3A_344 = arith.muli %parallel_loop3A_341, %parallel_loop3A_343 : vector<16xi32>
        %parallel_loop3A_345 = arith.constant 20 : i32
        %parallel_loop3A_346 = vector.broadcast %parallel_loop3A_345 : i32 to vector<16xi32>
        %parallel_loop3A_347 = arith.shrsi %parallel_loop3A_344, %parallel_loop3A_346 : vector<16xi32>
        %parallel_loop3A_348 = tpu.vector_load_idx %arg6[%parallel_loop3A_66, %parallel_loop3A_347] : memref<64x128xi32, #tpu.memory_space<vmem>>[vector<16xi32>, vector<16xi32>], vector<16xi32>,
        %parallel_loop3A_349 = arith.addi %parallel_loop3A_348, %parallel_loop3A_341 : vector<16xi32>
        %parallel_loop3A_350 = tpu.vector_load_idx %arg5[%parallel_loop3A_349] : memref<49408xf32, #tpu.memory_space<vmem>>[vector<16xi32>], vector<16xf32>,
        %parallel_loop3A_351 = arith.constant 272 : i32
        %parallel_loop3A_352 = arith.addi %parallel_loop3A_62, %parallel_loop3A_351 : i32
        %parallel_loop3A_353 = arith.index_cast %parallel_loop3A_352 : i32 to index
        %parallel_loop3A_354 = tpu.vector_load %arg8[%parallel_loop3A_353] {strides = array<i32>} : memref<32832xf32, #tpu.memory_space<vmem>>, vector<16xf32>,
        tpu.vector_store %arg8[%parallel_loop3A_353], %parallel_loop3A_350 {strides = array<i32>} : memref<32832xf32, #tpu.memory_space<vmem>>, vector<16xf32>,
        %parallel_loop3A_355 = arith.constant 288 : i32
        %parallel_loop3A_356 = vector.broadcast %parallel_loop3A_355 : i32 to vector<16xi32>
        %parallel_loop3A_357 = arith.addi %iota3A, %parallel_loop3A_356 : vector<16xi32>
        %parallel_loop3A_358 = arith.constant 55189 : i32
        %parallel_loop3A_359 = vector.broadcast %parallel_loop3A_358 : i32 to vector<16xi32>
        %parallel_loop3A_360 = arith.muli %parallel_loop3A_357, %parallel_loop3A_359 : vector<16xi32>
        %parallel_loop3A_361 = arith.constant 20 : i32
        %parallel_loop3A_362 = vector.broadcast %parallel_loop3A_361 : i32 to vector<16xi32>
        %parallel_loop3A_363 = arith.shrsi %parallel_loop3A_360, %parallel_loop3A_362 : vector<16xi32>
        %parallel_loop3A_364 = tpu.vector_load_idx %arg6[%parallel_loop3A_66, %parallel_loop3A_363] : memref<64x128xi32, #tpu.memory_space<vmem>>[vector<16xi32>, vector<16xi32>], vector<16xi32>,
        %parallel_loop3A_365 = arith.addi %parallel_loop3A_364, %parallel_loop3A_357 : vector<16xi32>
        %parallel_loop3A_366 = tpu.vector_load_idx %arg5[%parallel_loop3A_365] : memref<49408xf32, #tpu.memory_space<vmem>>[vector<16xi32>], vector<16xf32>,
        %parallel_loop3A_367 = arith.constant 288 : i32
        %parallel_loop3A_368 = arith.addi %parallel_loop3A_62, %parallel_loop3A_367 : i32
        %parallel_loop3A_369 = arith.index_cast %parallel_loop3A_368 : i32 to index
        %parallel_loop3A_370 = tpu.vector_load %arg8[%parallel_loop3A_369] {strides = array<i32>} : memref<32832xf32, #tpu.memory_space<vmem>>, vector<16xf32>,
        tpu.vector_store %arg8[%parallel_loop3A_369], %parallel_loop3A_366 {strides = array<i32>} : memref<32832xf32, #tpu.memory_space<vmem>>, vector<16xf32>,
        %parallel_loop3A_371 = arith.constant 304 : i32
        %parallel_loop3A_372 = vector.broadcast %parallel_loop3A_371 : i32 to vector<16xi32>
        %parallel_loop3A_373 = arith.addi %iota3A, %parallel_loop3A_372 : vector<16xi32>
        %parallel_loop3A_374 = arith.constant 55189 : i32
        %parallel_loop3A_375 = vector.broadcast %parallel_loop3A_374 : i32 to vector<16xi32>
        %parallel_loop3A_376 = arith.muli %parallel_loop3A_373, %parallel_loop3A_375 : vector<16xi32>
        %parallel_loop3A_377 = arith.constant 20 : i32
        %parallel_loop3A_378 = vector.broadcast %parallel_loop3A_377 : i32 to vector<16xi32>
        %parallel_loop3A_379 = arith.shrsi %parallel_loop3A_376, %parallel_loop3A_378 : vector<16xi32>
        %parallel_loop3A_380 = tpu.vector_load_idx %arg6[%parallel_loop3A_66, %parallel_loop3A_379] : memref<64x128xi32, #tpu.memory_space<vmem>>[vector<16xi32>, vector<16xi32>], vector<16xi32>,
        %parallel_loop3A_381 = arith.addi %parallel_loop3A_380, %parallel_loop3A_373 : vector<16xi32>
        %parallel_loop3A_382 = tpu.vector_load_idx %arg5[%parallel_loop3A_381] : memref<49408xf32, #tpu.memory_space<vmem>>[vector<16xi32>], vector<16xf32>,
        %parallel_loop3A_383 = arith.constant 304 : i32
        %parallel_loop3A_384 = arith.addi %parallel_loop3A_62, %parallel_loop3A_383 : i32
        %parallel_loop3A_385 = arith.index_cast %parallel_loop3A_384 : i32 to index
        %parallel_loop3A_386 = tpu.vector_load %arg8[%parallel_loop3A_385] {strides = array<i32>} : memref<32832xf32, #tpu.memory_space<vmem>>, vector<16xf32>,
        tpu.vector_store %arg8[%parallel_loop3A_385], %parallel_loop3A_382 {strides = array<i32>} : memref<32832xf32, #tpu.memory_space<vmem>>, vector<16xf32>,
        %parallel_loop3A_387 = arith.constant 320 : i32
        %parallel_loop3A_388 = vector.broadcast %parallel_loop3A_387 : i32 to vector<16xi32>
        %parallel_loop3A_389 = arith.addi %iota3A, %parallel_loop3A_388 : vector<16xi32>
        %parallel_loop3A_390 = arith.constant 55189 : i32
        %parallel_loop3A_391 = vector.broadcast %parallel_loop3A_390 : i32 to vector<16xi32>
        %parallel_loop3A_392 = arith.muli %parallel_loop3A_389, %parallel_loop3A_391 : vector<16xi32>
        %parallel_loop3A_393 = arith.constant 20 : i32
        %parallel_loop3A_394 = vector.broadcast %parallel_loop3A_393 : i32 to vector<16xi32>
        %parallel_loop3A_395 = arith.shrsi %parallel_loop3A_392, %parallel_loop3A_394 : vector<16xi32>
        %parallel_loop3A_396 = tpu.vector_load_idx %arg6[%parallel_loop3A_66, %parallel_loop3A_395] : memref<64x128xi32, #tpu.memory_space<vmem>>[vector<16xi32>, vector<16xi32>], vector<16xi32>,
        %parallel_loop3A_397 = arith.addi %parallel_loop3A_396, %parallel_loop3A_389 : vector<16xi32>
        %parallel_loop3A_398 = tpu.vector_load_idx %arg5[%parallel_loop3A_397] : memref<49408xf32, #tpu.memory_space<vmem>>[vector<16xi32>], vector<16xf32>,
        %parallel_loop3A_399 = arith.constant 320 : i32
        %parallel_loop3A_400 = arith.addi %parallel_loop3A_62, %parallel_loop3A_399 : i32
        %parallel_loop3A_401 = arith.index_cast %parallel_loop3A_400 : i32 to index
        %parallel_loop3A_402 = tpu.vector_load %arg8[%parallel_loop3A_401] {strides = array<i32>} : memref<32832xf32, #tpu.memory_space<vmem>>, vector<16xf32>,
        tpu.vector_store %arg8[%parallel_loop3A_401], %parallel_loop3A_398 {strides = array<i32>} : memref<32832xf32, #tpu.memory_space<vmem>>, vector<16xf32>,
        %parallel_loop3A_403 = arith.constant 336 : i32
        %parallel_loop3A_404 = vector.broadcast %parallel_loop3A_403 : i32 to vector<16xi32>
        %parallel_loop3A_405 = arith.addi %iota3A, %parallel_loop3A_404 : vector<16xi32>
        %parallel_loop3A_406 = arith.constant 55189 : i32
        %parallel_loop3A_407 = vector.broadcast %parallel_loop3A_406 : i32 to vector<16xi32>
        %parallel_loop3A_408 = arith.muli %parallel_loop3A_405, %parallel_loop3A_407 : vector<16xi32>
        %parallel_loop3A_409 = arith.constant 20 : i32
        %parallel_loop3A_410 = vector.broadcast %parallel_loop3A_409 : i32 to vector<16xi32>
        %parallel_loop3A_411 = arith.shrsi %parallel_loop3A_408, %parallel_loop3A_410 : vector<16xi32>
        %parallel_loop3A_412 = tpu.vector_load_idx %arg6[%parallel_loop3A_66, %parallel_loop3A_411] : memref<64x128xi32, #tpu.memory_space<vmem>>[vector<16xi32>, vector<16xi32>], vector<16xi32>,
        %parallel_loop3A_413 = arith.addi %parallel_loop3A_412, %parallel_loop3A_405 : vector<16xi32>
        %parallel_loop3A_414 = tpu.vector_load_idx %arg5[%parallel_loop3A_413] : memref<49408xf32, #tpu.memory_space<vmem>>[vector<16xi32>], vector<16xf32>,
        %parallel_loop3A_415 = arith.constant 336 : i32
        %parallel_loop3A_416 = arith.addi %parallel_loop3A_62, %parallel_loop3A_415 : i32
        %parallel_loop3A_417 = arith.index_cast %parallel_loop3A_416 : i32 to index
        %parallel_loop3A_418 = tpu.vector_load %arg8[%parallel_loop3A_417] {strides = array<i32>} : memref<32832xf32, #tpu.memory_space<vmem>>, vector<16xf32>,
        tpu.vector_store %arg8[%parallel_loop3A_417], %parallel_loop3A_414 {strides = array<i32>} : memref<32832xf32, #tpu.memory_space<vmem>>, vector<16xf32>,
        %parallel_loop3A_419 = arith.constant 352 : i32
        %parallel_loop3A_420 = vector.broadcast %parallel_loop3A_419 : i32 to vector<16xi32>
        %parallel_loop3A_421 = arith.addi %iota3A, %parallel_loop3A_420 : vector<16xi32>
        %parallel_loop3A_422 = arith.constant 55189 : i32
        %parallel_loop3A_423 = vector.broadcast %parallel_loop3A_422 : i32 to vector<16xi32>
        %parallel_loop3A_424 = arith.muli %parallel_loop3A_421, %parallel_loop3A_423 : vector<16xi32>
        %parallel_loop3A_425 = arith.constant 20 : i32
        %parallel_loop3A_426 = vector.broadcast %parallel_loop3A_425 : i32 to vector<16xi32>
        %parallel_loop3A_427 = arith.shrsi %parallel_loop3A_424, %parallel_loop3A_426 : vector<16xi32>
        %parallel_loop3A_428 = tpu.vector_load_idx %arg6[%parallel_loop3A_66, %parallel_loop3A_427] : memref<64x128xi32, #tpu.memory_space<vmem>>[vector<16xi32>, vector<16xi32>], vector<16xi32>,
        %parallel_loop3A_429 = arith.addi %parallel_loop3A_428, %parallel_loop3A_421 : vector<16xi32>
        %parallel_loop3A_430 = tpu.vector_load_idx %arg5[%parallel_loop3A_429] : memref<49408xf32, #tpu.memory_space<vmem>>[vector<16xi32>], vector<16xf32>,
        %parallel_loop3A_431 = arith.constant 352 : i32
        %parallel_loop3A_432 = arith.addi %parallel_loop3A_62, %parallel_loop3A_431 : i32
        %parallel_loop3A_433 = arith.index_cast %parallel_loop3A_432 : i32 to index
        %parallel_loop3A_434 = tpu.vector_load %arg8[%parallel_loop3A_433] {strides = array<i32>} : memref<32832xf32, #tpu.memory_space<vmem>>, vector<16xf32>,
        tpu.vector_store %arg8[%parallel_loop3A_433], %parallel_loop3A_430 {strides = array<i32>} : memref<32832xf32, #tpu.memory_space<vmem>>, vector<16xf32>,
        %parallel_loop3A_435 = arith.constant 368 : i32
        %parallel_loop3A_436 = vector.broadcast %parallel_loop3A_435 : i32 to vector<16xi32>
        %parallel_loop3A_437 = arith.addi %iota3A, %parallel_loop3A_436 : vector<16xi32>
        %parallel_loop3A_438 = arith.constant 55189 : i32
        %parallel_loop3A_439 = vector.broadcast %parallel_loop3A_438 : i32 to vector<16xi32>
        %parallel_loop3A_440 = arith.muli %parallel_loop3A_437, %parallel_loop3A_439 : vector<16xi32>
        %parallel_loop3A_441 = arith.constant 20 : i32
        %parallel_loop3A_442 = vector.broadcast %parallel_loop3A_441 : i32 to vector<16xi32>
        %parallel_loop3A_443 = arith.shrsi %parallel_loop3A_440, %parallel_loop3A_442 : vector<16xi32>
        %parallel_loop3A_444 = tpu.vector_load_idx %arg6[%parallel_loop3A_66, %parallel_loop3A_443] : memref<64x128xi32, #tpu.memory_space<vmem>>[vector<16xi32>, vector<16xi32>], vector<16xi32>,
        %parallel_loop3A_445 = arith.addi %parallel_loop3A_444, %parallel_loop3A_437 : vector<16xi32>
        %parallel_loop3A_446 = tpu.vector_load_idx %arg5[%parallel_loop3A_445] : memref<49408xf32, #tpu.memory_space<vmem>>[vector<16xi32>], vector<16xf32>,
        %parallel_loop3A_447 = arith.constant 368 : i32
        %parallel_loop3A_448 = arith.addi %parallel_loop3A_62, %parallel_loop3A_447 : i32
        %parallel_loop3A_449 = arith.index_cast %parallel_loop3A_448 : i32 to index
        %parallel_loop3A_450 = tpu.vector_load %arg8[%parallel_loop3A_449] {strides = array<i32>} : memref<32832xf32, #tpu.memory_space<vmem>>, vector<16xf32>,
        tpu.vector_store %arg8[%parallel_loop3A_449], %parallel_loop3A_446 {strides = array<i32>} : memref<32832xf32, #tpu.memory_space<vmem>>, vector<16xf32>,
        %parallel_loop3A_451 = arith.constant 384 : i32
        %parallel_loop3A_452 = vector.broadcast %parallel_loop3A_451 : i32 to vector<16xi32>
        %parallel_loop3A_453 = arith.addi %iota3A, %parallel_loop3A_452 : vector<16xi32>
        %parallel_loop3A_454 = arith.constant 55189 : i32
        %parallel_loop3A_455 = vector.broadcast %parallel_loop3A_454 : i32 to vector<16xi32>
        %parallel_loop3A_456 = arith.muli %parallel_loop3A_453, %parallel_loop3A_455 : vector<16xi32>
        %parallel_loop3A_457 = arith.constant 20 : i32
        %parallel_loop3A_458 = vector.broadcast %parallel_loop3A_457 : i32 to vector<16xi32>
        %parallel_loop3A_459 = arith.shrsi %parallel_loop3A_456, %parallel_loop3A_458 : vector<16xi32>
        %parallel_loop3A_460 = tpu.vector_load_idx %arg6[%parallel_loop3A_66, %parallel_loop3A_459] : memref<64x128xi32, #tpu.memory_space<vmem>>[vector<16xi32>, vector<16xi32>], vector<16xi32>,
        %parallel_loop3A_461 = arith.addi %parallel_loop3A_460, %parallel_loop3A_453 : vector<16xi32>
        %parallel_loop3A_462 = tpu.vector_load_idx %arg5[%parallel_loop3A_461] : memref<49408xf32, #tpu.memory_space<vmem>>[vector<16xi32>], vector<16xf32>,
        %parallel_loop3A_463 = arith.constant 384 : i32
        %parallel_loop3A_464 = arith.addi %parallel_loop3A_62, %parallel_loop3A_463 : i32
        %parallel_loop3A_465 = arith.index_cast %parallel_loop3A_464 : i32 to index
        %parallel_loop3A_466 = tpu.vector_load %arg8[%parallel_loop3A_465] {strides = array<i32>} : memref<32832xf32, #tpu.memory_space<vmem>>, vector<16xf32>,
        tpu.vector_store %arg8[%parallel_loop3A_465], %parallel_loop3A_462 {strides = array<i32>} : memref<32832xf32, #tpu.memory_space<vmem>>, vector<16xf32>,
        %parallel_loop3A_467 = arith.constant 400 : i32
        %parallel_loop3A_468 = vector.broadcast %parallel_loop3A_467 : i32 to vector<16xi32>
        %parallel_loop3A_469 = arith.addi %iota3A, %parallel_loop3A_468 : vector<16xi32>
        %parallel_loop3A_470 = arith.constant 55189 : i32
        %parallel_loop3A_471 = vector.broadcast %parallel_loop3A_470 : i32 to vector<16xi32>
        %parallel_loop3A_472 = arith.muli %parallel_loop3A_469, %parallel_loop3A_471 : vector<16xi32>
        %parallel_loop3A_473 = arith.constant 20 : i32
        %parallel_loop3A_474 = vector.broadcast %parallel_loop3A_473 : i32 to vector<16xi32>
        %parallel_loop3A_475 = arith.shrsi %parallel_loop3A_472, %parallel_loop3A_474 : vector<16xi32>
        %parallel_loop3A_476 = tpu.vector_load_idx %arg6[%parallel_loop3A_66, %parallel_loop3A_475] : memref<64x128xi32, #tpu.memory_space<vmem>>[vector<16xi32>, vector<16xi32>], vector<16xi32>,
        %parallel_loop3A_477 = arith.addi %parallel_loop3A_476, %parallel_loop3A_469 : vector<16xi32>
        %parallel_loop3A_478 = tpu.vector_load_idx %arg5[%parallel_loop3A_477] : memref<49408xf32, #tpu.memory_space<vmem>>[vector<16xi32>], vector<16xf32>,
        %parallel_loop3A_479 = arith.constant 400 : i32
        %parallel_loop3A_480 = arith.addi %parallel_loop3A_62, %parallel_loop3A_479 : i32
        %parallel_loop3A_481 = arith.index_cast %parallel_loop3A_480 : i32 to index
        %parallel_loop3A_482 = tpu.vector_load %arg8[%parallel_loop3A_481] {strides = array<i32>} : memref<32832xf32, #tpu.memory_space<vmem>>, vector<16xf32>,
        tpu.vector_store %arg8[%parallel_loop3A_481], %parallel_loop3A_478 {strides = array<i32>} : memref<32832xf32, #tpu.memory_space<vmem>>, vector<16xf32>,
        %parallel_loop3A_483 = arith.constant 416 : i32
        %parallel_loop3A_484 = vector.broadcast %parallel_loop3A_483 : i32 to vector<16xi32>
        %parallel_loop3A_485 = arith.addi %iota3A, %parallel_loop3A_484 : vector<16xi32>
        %parallel_loop3A_486 = arith.constant 55189 : i32
        %parallel_loop3A_487 = vector.broadcast %parallel_loop3A_486 : i32 to vector<16xi32>
        %parallel_loop3A_488 = arith.muli %parallel_loop3A_485, %parallel_loop3A_487 : vector<16xi32>
        %parallel_loop3A_489 = arith.constant 20 : i32
        %parallel_loop3A_490 = vector.broadcast %parallel_loop3A_489 : i32 to vector<16xi32>
        %parallel_loop3A_491 = arith.shrsi %parallel_loop3A_488, %parallel_loop3A_490 : vector<16xi32>
        %parallel_loop3A_492 = tpu.vector_load_idx %arg6[%parallel_loop3A_66, %parallel_loop3A_491] : memref<64x128xi32, #tpu.memory_space<vmem>>[vector<16xi32>, vector<16xi32>], vector<16xi32>,
        %parallel_loop3A_493 = arith.addi %parallel_loop3A_492, %parallel_loop3A_485 : vector<16xi32>
        %parallel_loop3A_494 = tpu.vector_load_idx %arg5[%parallel_loop3A_493] : memref<49408xf32, #tpu.memory_space<vmem>>[vector<16xi32>], vector<16xf32>,
        %parallel_loop3A_495 = arith.constant 416 : i32
        %parallel_loop3A_496 = arith.addi %parallel_loop3A_62, %parallel_loop3A_495 : i32
        %parallel_loop3A_497 = arith.index_cast %parallel_loop3A_496 : i32 to index
        %parallel_loop3A_498 = tpu.vector_load %arg8[%parallel_loop3A_497] {strides = array<i32>} : memref<32832xf32, #tpu.memory_space<vmem>>, vector<16xf32>,
        tpu.vector_store %arg8[%parallel_loop3A_497], %parallel_loop3A_494 {strides = array<i32>} : memref<32832xf32, #tpu.memory_space<vmem>>, vector<16xf32>,
        %parallel_loop3A_499 = arith.constant 432 : i32
        %parallel_loop3A_500 = vector.broadcast %parallel_loop3A_499 : i32 to vector<16xi32>
        %parallel_loop3A_501 = arith.addi %iota3A, %parallel_loop3A_500 : vector<16xi32>
        %parallel_loop3A_502 = arith.constant 55189 : i32
        %parallel_loop3A_503 = vector.broadcast %parallel_loop3A_502 : i32 to vector<16xi32>
        %parallel_loop3A_504 = arith.muli %parallel_loop3A_501, %parallel_loop3A_503 : vector<16xi32>
        %parallel_loop3A_505 = arith.constant 20 : i32
        %parallel_loop3A_506 = vector.broadcast %parallel_loop3A_505 : i32 to vector<16xi32>
        %parallel_loop3A_507 = arith.shrsi %parallel_loop3A_504, %parallel_loop3A_506 : vector<16xi32>
        %parallel_loop3A_508 = tpu.vector_load_idx %arg6[%parallel_loop3A_66, %parallel_loop3A_507] : memref<64x128xi32, #tpu.memory_space<vmem>>[vector<16xi32>, vector<16xi32>], vector<16xi32>,
        %parallel_loop3A_509 = arith.addi %parallel_loop3A_508, %parallel_loop3A_501 : vector<16xi32>
        %parallel_loop3A_510 = tpu.vector_load_idx %arg5[%parallel_loop3A_509] : memref<49408xf32, #tpu.memory_space<vmem>>[vector<16xi32>], vector<16xf32>,
        %parallel_loop3A_511 = arith.constant 432 : i32
        %parallel_loop3A_512 = arith.addi %parallel_loop3A_62, %parallel_loop3A_511 : i32
        %parallel_loop3A_513 = arith.index_cast %parallel_loop3A_512 : i32 to index
        %parallel_loop3A_514 = tpu.vector_load %arg8[%parallel_loop3A_513] {strides = array<i32>} : memref<32832xf32, #tpu.memory_space<vmem>>, vector<16xf32>,
        tpu.vector_store %arg8[%parallel_loop3A_513], %parallel_loop3A_510 {strides = array<i32>} : memref<32832xf32, #tpu.memory_space<vmem>>, vector<16xf32>,
        %parallel_loop3A_515 = arith.constant 448 : i32
        %parallel_loop3A_516 = vector.broadcast %parallel_loop3A_515 : i32 to vector<16xi32>
        %parallel_loop3A_517 = arith.addi %iota3A, %parallel_loop3A_516 : vector<16xi32>
        %parallel_loop3A_518 = arith.constant 55189 : i32
        %parallel_loop3A_519 = vector.broadcast %parallel_loop3A_518 : i32 to vector<16xi32>
        %parallel_loop3A_520 = arith.muli %parallel_loop3A_517, %parallel_loop3A_519 : vector<16xi32>
        %parallel_loop3A_521 = arith.constant 20 : i32
        %parallel_loop3A_522 = vector.broadcast %parallel_loop3A_521 : i32 to vector<16xi32>
        %parallel_loop3A_523 = arith.shrsi %parallel_loop3A_520, %parallel_loop3A_522 : vector<16xi32>
        %parallel_loop3A_524 = tpu.vector_load_idx %arg6[%parallel_loop3A_66, %parallel_loop3A_523] : memref<64x128xi32, #tpu.memory_space<vmem>>[vector<16xi32>, vector<16xi32>], vector<16xi32>,
        %parallel_loop3A_525 = arith.addi %parallel_loop3A_524, %parallel_loop3A_517 : vector<16xi32>
        %parallel_loop3A_526 = tpu.vector_load_idx %arg5[%parallel_loop3A_525] : memref<49408xf32, #tpu.memory_space<vmem>>[vector<16xi32>], vector<16xf32>,
        %parallel_loop3A_527 = arith.constant 448 : i32
        %parallel_loop3A_528 = arith.addi %parallel_loop3A_62, %parallel_loop3A_527 : i32
        %parallel_loop3A_529 = arith.index_cast %parallel_loop3A_528 : i32 to index
        %parallel_loop3A_530 = tpu.vector_load %arg8[%parallel_loop3A_529] {strides = array<i32>} : memref<32832xf32, #tpu.memory_space<vmem>>, vector<16xf32>,
        tpu.vector_store %arg8[%parallel_loop3A_529], %parallel_loop3A_526 {strides = array<i32>} : memref<32832xf32, #tpu.memory_space<vmem>>, vector<16xf32>,
        %parallel_loop3A_531 = arith.constant 464 : i32
        %parallel_loop3A_532 = vector.broadcast %parallel_loop3A_531 : i32 to vector<16xi32>
        %parallel_loop3A_533 = arith.addi %iota3A, %parallel_loop3A_532 : vector<16xi32>
        %parallel_loop3A_534 = arith.constant 55189 : i32
        %parallel_loop3A_535 = vector.broadcast %parallel_loop3A_534 : i32 to vector<16xi32>
        %parallel_loop3A_536 = arith.muli %parallel_loop3A_533, %parallel_loop3A_535 : vector<16xi32>
        %parallel_loop3A_537 = arith.constant 20 : i32
        %parallel_loop3A_538 = vector.broadcast %parallel_loop3A_537 : i32 to vector<16xi32>
        %parallel_loop3A_539 = arith.shrsi %parallel_loop3A_536, %parallel_loop3A_538 : vector<16xi32>
        %parallel_loop3A_540 = tpu.vector_load_idx %arg6[%parallel_loop3A_66, %parallel_loop3A_539] : memref<64x128xi32, #tpu.memory_space<vmem>>[vector<16xi32>, vector<16xi32>], vector<16xi32>,
        %parallel_loop3A_541 = arith.addi %parallel_loop3A_540, %parallel_loop3A_533 : vector<16xi32>
        %parallel_loop3A_542 = tpu.vector_load_idx %arg5[%parallel_loop3A_541] : memref<49408xf32, #tpu.memory_space<vmem>>[vector<16xi32>], vector<16xf32>,
        %parallel_loop3A_543 = arith.constant 464 : i32
        %parallel_loop3A_544 = arith.addi %parallel_loop3A_62, %parallel_loop3A_543 : i32
        %parallel_loop3A_545 = arith.index_cast %parallel_loop3A_544 : i32 to index
        %parallel_loop3A_546 = tpu.vector_load %arg8[%parallel_loop3A_545] {strides = array<i32>} : memref<32832xf32, #tpu.memory_space<vmem>>, vector<16xf32>,
        tpu.vector_store %arg8[%parallel_loop3A_545], %parallel_loop3A_542 {strides = array<i32>} : memref<32832xf32, #tpu.memory_space<vmem>>, vector<16xf32>,
        %parallel_loop3A_547 = arith.constant 480 : i32
        %parallel_loop3A_548 = vector.broadcast %parallel_loop3A_547 : i32 to vector<16xi32>
        %parallel_loop3A_549 = arith.addi %iota3A, %parallel_loop3A_548 : vector<16xi32>
        %parallel_loop3A_550 = arith.constant 55189 : i32
        %parallel_loop3A_551 = vector.broadcast %parallel_loop3A_550 : i32 to vector<16xi32>
        %parallel_loop3A_552 = arith.muli %parallel_loop3A_549, %parallel_loop3A_551 : vector<16xi32>
        %parallel_loop3A_553 = arith.constant 20 : i32
        %parallel_loop3A_554 = vector.broadcast %parallel_loop3A_553 : i32 to vector<16xi32>
        %parallel_loop3A_555 = arith.shrsi %parallel_loop3A_552, %parallel_loop3A_554 : vector<16xi32>
        %parallel_loop3A_556 = tpu.vector_load_idx %arg6[%parallel_loop3A_66, %parallel_loop3A_555] : memref<64x128xi32, #tpu.memory_space<vmem>>[vector<16xi32>, vector<16xi32>], vector<16xi32>,
        %parallel_loop3A_557 = arith.addi %parallel_loop3A_556, %parallel_loop3A_549 : vector<16xi32>
        %parallel_loop3A_558 = tpu.vector_load_idx %arg5[%parallel_loop3A_557] : memref<49408xf32, #tpu.memory_space<vmem>>[vector<16xi32>], vector<16xf32>,
        %parallel_loop3A_559 = vector.broadcast %parallel_loop3A_62 : i32 to vector<16xi32>
        %parallel_loop3A_560 = arith.addi %parallel_loop3A_559, %parallel_loop3A_549 : vector<16xi32>
        tpu.vector_store_idx %arg8[%parallel_loop3A_560], %parallel_loop3A_558 masked %lt3A_4 : memref<32832xf32, #tpu.memory_space<vmem>>[vector<16xi32>], vector<16xf32>, vector<16xi1>
        %parallel_loop3A_561 = arith.index_cast %parallel_loop3A_60 : i32 to index
        %parallel_loop3A_562 = arith.constant 32 : index
        %parallel_loop3A_563 = tpu.vector_load %arg6[%parallel_loop3A_561, %parallel_loop3A_562] {strides = array<i32>} : memref<64x128xi32, #tpu.memory_space<vmem>>, vector<16xi32>,
        %parallel_loop3A_564 = arith.index_cast %parallel_loop3A_60 : i32 to index
        %parallel_loop3A_565 = arith.constant 35 : index
        %parallel_loop3A_566 = tpu.vector_load %arg6[%parallel_loop3A_564, %parallel_loop3A_565] {strides = array<i32>} : memref<64x128xi32, #tpu.memory_space<vmem>>, vector<16xi32>,
        %parallel_loop3A_567 = vector.bitcast %parallel_loop3A_563 : vector<16xi32> to vector<16xf32>
        %parallel_loop3A_568 = arith.constant 494 : i32
        %parallel_loop3A_569 = arith.addi %parallel_loop3A_62, %parallel_loop3A_568 : i32
        %parallel_loop3A_570 = arith.index_cast %parallel_loop3A_569 : i32 to index
        %parallel_loop3A_571 = tpu.vector_load %arg8[%parallel_loop3A_570] {strides = array<i32>} : memref<32832xf32, #tpu.memory_space<vmem>>, vector<16xf32>,
        tpu.vector_store %arg8[%parallel_loop3A_570], %parallel_loop3A_567 {strides = array<i32>} : memref<32832xf32, #tpu.memory_space<vmem>>, vector<16xf32>,
        %parallel_loop3A_572 = vector.bitcast %parallel_loop3A_566 : vector<16xi32> to vector<16xf32>
        %parallel_loop3A_573 = arith.constant 497 : i32
        %parallel_loop3A_574 = arith.addi %parallel_loop3A_62, %parallel_loop3A_573 : i32
        %parallel_loop3A_575 = arith.index_cast %parallel_loop3A_574 : i32 to index
        %parallel_loop3A_576 = tpu.vector_load %arg8[%parallel_loop3A_575] {strides = array<i32>} : memref<32832xf32, #tpu.memory_space<vmem>>, vector<16xf32>,
        tpu.vector_store %arg8[%parallel_loop3A_575], %parallel_loop3A_572 {strides = array<i32>} : memref<32832xf32, #tpu.memory_space<vmem>>, vector<16xf32>,
      } {sc.loop_unroll_factor = 8 : i64, sc.parallel_access}
      %dma_start3A_58 = tpu.memref_slice %arg4[%add3A_46] : memref<8404992xf32, #tpu.memory_space<hbm>> -> memref<32832xf32, #tpu.memory_space<hbm>>
      %dma_start3A_59 = tpu.memref_slice %arg4[%add3A_46] : memref<8404992xf32, #tpu.memory_space<hbm>> -> memref<32832xf32, #tpu.memory_space<hbm>>
      tpu.enqueue_dma source(%arg8 : memref<32832xf32, #tpu.memory_space<vmem>>) target(%dma_start3A_59 : memref<32832xf32, #tpu.memory_space<hbm>>) target_semaphore(%arg10 : memref<!tpu.dma_semaphore, #tpu.memory_space<semaphore_mem>>)
    }
    %scan3A_12 = arith.constant 4 : i32
    %add3A_13 = arith.constant 196992 : i32
    %add3A_14 = arith.addi %mul3A_8, %add3A_13 : i32
    %dma_wait3A = tpu.memref_slice %arg4[%add3A_14] : memref<8404992xf32, #tpu.memory_space<hbm>> -> memref<32832xf32, #tpu.memory_space<hbm>>
    %dma_wait3A_15 = tpu.memref_slice %arg4[%add3A_14] : memref<8404992xf32, #tpu.memory_space<hbm>> -> memref<32832xf32, #tpu.memory_space<hbm>>
    tpu.wait_dma2 semaphore(%arg9 : memref<!tpu.dma_semaphore, #tpu.memory_space<semaphore_mem>>) src(%arg7 : memref<32832xf32, #tpu.memory_space<vmem>>) dst(%dma_wait3A_15 : memref<32832xf32, #tpu.memory_space<hbm>>)
    %add3A_16 = arith.constant 229824 : i32
    %add3A_17 = arith.addi %mul3A_8, %add3A_16 : i32
    %dma_wait3A_18 = tpu.memref_slice %arg4[%add3A_17] : memref<8404992xf32, #tpu.memory_space<hbm>> -> memref<32832xf32, #tpu.memory_space<hbm>>
    %dma_wait3A_19 = tpu.memref_slice %arg4[%add3A_17] : memref<8404992xf32, #tpu.memory_space<hbm>> -> memref<32832xf32, #tpu.memory_space<hbm>>
    tpu.wait_dma2 semaphore(%arg10 : memref<!tpu.dma_semaphore, #tpu.memory_space<semaphore_mem>>) src(%arg8 : memref<32832xf32, #tpu.memory_space<vmem>>) dst(%dma_wait3A_19 : memref<32832xf32, #tpu.memory_space<hbm>>)
    return
  }
}

module attributes {stable_mosaic.version = 14 : i64} {
  func.func @_prep_body(%arg0: i32, %arg1: memref<2048x26xi32, #tpu.memory_space<vmem>>, %arg2: memref<2048x13xf32, #tpu.memory_space<vmem>>, %arg3: memref<13x19xf32, #tpu.memory_space<vmem>>, %arg4: memref<1x19xf32, #tpu.memory_space<vmem>>, %arg5: memref<2048x128xi32, #tpu.memory_space<vmem>>, %arg6: memref<2048x1xi32, #tpu.memory_space<vmem>>) attributes {dimension_semantics = [#tpu.dimension_semantics<arbitrary>], iteration_bounds = array<i64: 8>, scalar_prefetch = 0 : i64, scratch_operands = 0 : i64, tpu.core_type = #tpu.core_type<tc>, window_params = [{transform_indices = @transform_0, window_bounds = array<i64: 2048, 26>}, {transform_indices = @transform_1, window_bounds = array<i64: 2048, 13>}, {pipeline_mode = #tpu.pipeline_mode<synchronous>, transform_indices = @transform_2, window_bounds = array<i64: 13, 19>}, {pipeline_mode = #tpu.pipeline_mode<synchronous>, transform_indices = @transform_3, window_bounds = array<i64: 1, 19>}, {transform_indices = @transform_4, window_bounds = array<i64: 2048, 128>}, {transform_indices = @transform_5, window_bounds = array<i64: 2048, 1>}]} {
    %get3A = arith.constant 0 : index
    %get3A_0 = arith.constant 0 : index
    %get3A_1 = vector.load %arg1[%get3A, %get3A_0] : memref<2048x26xi32, #tpu.memory_space<vmem>>, vector<2048x26xi32>
    %get3A_2 = arith.constant 0 : index
    %get3A_3 = arith.constant 0 : index
    %get3A_4 = vector.load %arg2[%get3A_2, %get3A_3] : memref<2048x13xf32, #tpu.memory_space<vmem>>, vector<2048x13xf32>
    %get3A_5 = arith.constant 0 : index
    %get3A_6 = arith.constant 0 : index
    %get3A_7 = vector.load %arg3[%get3A_5, %get3A_6] : memref<13x19xf32, #tpu.memory_space<vmem>>, vector<13x19xf32>
    %dot_general3A = arith.constant dense<0.000000e+00> : vector<2048x19xf32>
    %dot_general3A_8 = tpu.matmul %get3A_4, %get3A_7, %dot_general3A {dimension_numbers = #tpu.dot_dimension_numbers<[1], [0], [0], [1], [0, 0, 1, 1], [], []>, transpose_lhs_hint = false} : vector<2048x13xf32>, vector<13x19xf32>, vector<2048x19xf32> -> vector<2048x19xf32>
    %get3A_9 = arith.constant 0 : index
    %get3A_10 = arith.constant 0 : index
    %get3A_11 = vector.load %arg4[%get3A_9, %get3A_10] : memref<1x19xf32, #tpu.memory_space<vmem>>, vector<1x19xf32>
    %add3A = vector.broadcast %get3A_11 : vector<1x19xf32> to vector<2048x19xf32>
    %add3A_12 = arith.addf %dot_general3A_8, %add3A : vector<2048x19xf32>
    %iota3A = tpu.iota {dimensions = array<i32: 1>} : vector<2048x26xi32>
    %mul3A = arith.constant 19 : i32
    %mul3A_13 = vector.broadcast %mul3A : i32 to vector<2048x26xi32>
    %mul3A_14 = arith.muli %get3A_1, %mul3A_13 : vector<2048x26xi32>
    %mul3A_15 = arith.constant 1881 : i32
    %mul3A_16 = vector.broadcast %mul3A_15 : i32 to vector<2048x26xi32>
    %mul3A_17 = arith.muli %mul3A_16, %iota3A : vector<2048x26xi32>
    %add3A_18 = arith.addi %mul3A_14, %mul3A_17 : vector<2048x26xi32>
    %broadcast_in_dim3A = arith.constant 0 : i32
    %broadcast_in_dim3A_19 = vector.broadcast %broadcast_in_dim3A : i32 to vector<2048x6xi32>
    %bitcast_convert_type3A = tpu.bitcast %add3A_12 : vector<2048x19xf32> -> vector<2048x19xi32>
    %broadcast_in_dim3A_20 = arith.constant 0 : i32
    %broadcast_in_dim3A_21 = vector.broadcast %broadcast_in_dim3A_20 : i32 to vector<2048x77xi32>
    %concatenate3A = tpu.concatenate %add3A_18, %broadcast_in_dim3A_19, %bitcast_convert_type3A, %broadcast_in_dim3A_21 in 1 : vector<2048x26xi32>, vector<2048x6xi32>, vector<2048x19xi32>, vector<2048x77xi32> -> vector<2048x128xi32>
    %swap3A = arith.constant 0 : index
    %swap3A_22 = arith.constant 0 : index
    %swap3A_23 = vector.load %arg5[%swap3A, %swap3A_22] : memref<2048x128xi32, #tpu.memory_space<vmem>>, vector<2048x128xi32>
    tpu.vector_store %arg5[%swap3A, %swap3A_22], %concatenate3A {strides = array<i32>} : memref<2048x128xi32, #tpu.memory_space<vmem>>, vector<2048x128xi32>,
    %ne3A = arith.constant 0 : i32
    %ne3A_24 = vector.broadcast %ne3A : i32 to vector<2048x26xi32>
    %ne3A_25 = arith.cmpi ne, %get3A_1, %ne3A_24 : vector<2048x26xi32>
    %convert_element_type3A = arith.extui %ne3A_25 : vector<2048x26xi1> to vector<2048x26xi32>
    %reduce_sum3A = arith.constant dense<0> : vector<2048xi32>
    %reduce_sum3A_26 = vector.multi_reduction <add>, %convert_element_type3A, %reduce_sum3A [1] : vector<2048x26xi32> to vector<2048xi32>
    %broadcast_in_dim3A_27 = vector.shape_cast %reduce_sum3A_26 : vector<2048xi32> to vector<2048x1xi32>
    %swap3A_28 = arith.constant 0 : index
    %swap3A_29 = arith.constant 0 : index
    %swap3A_30 = vector.load %arg6[%swap3A_28, %swap3A_29] : memref<2048x1xi32, #tpu.memory_space<vmem>>, vector<2048x1xi32>
    tpu.vector_store %arg6[%swap3A_28, %swap3A_29], %broadcast_in_dim3A_27 {strides = array<i32>} : memref<2048x1xi32, #tpu.memory_space<vmem>>, vector<2048x1xi32>,
    return
  }
  func.func @transform_0(%arg0: i32) -> (i32, i32) {
    %c0_i32 = arith.constant 0 : i32
    %c0_i32_0 = arith.constant 0 : i32
    return %arg0, %c0_i32 : i32, i32
  }
  func.func @transform_1(%arg0: i32) -> (i32, i32) {
    %c0_i32 = arith.constant 0 : i32
    %c0_i32_0 = arith.constant 0 : i32
    return %arg0, %c0_i32 : i32, i32
  }
  func.func @transform_2(%arg0: i32) -> (i32, i32) {
    %c0_i32 = arith.constant 0 : i32
    %c0_i32_0 = arith.constant 0 : i32
    %c0_i32_1 = arith.constant 0 : i32
    return %c0_i32, %c0_i32_0 : i32, i32
  }
  func.func @transform_3(%arg0: i32) -> (i32, i32) {
    %c0_i32 = arith.constant 0 : i32
    %c0_i32_0 = arith.constant 0 : i32
    %c0_i32_1 = arith.constant 0 : i32
    return %c0_i32, %c0_i32_0 : i32, i32
  }
  func.func @transform_4(%arg0: i32) -> (i32, i32) {
    %c0_i32 = arith.constant 0 : i32
    %c0_i32_0 = arith.constant 0 : i32
    return %arg0, %c0_i32 : i32, i32
  }
  func.func @transform_5(%arg0: i32) -> (i32, i32) {
    %c0_i32 = arith.constant 0 : i32
    %c0_i32_0 = arith.constant 0 : i32
    return %arg0, %c0_i32 : i32, i32
  }
}

</mosaic_0001>

<sc_bundles>
// kernel: kernel.4.cloned.1.call-start
scs
__scs_entry_jumppad:
0x0: {  	(pc) =	sbr.rel $0x88, $3  }
0x1: {  	(tag) =	ssettag $0x0;
	lr =	simm.s32 $0x1  }
0x2: {  	[smem:$0x3F9C] =	sst lr;
	_ =	strace $0xD0000000  }
0x3: {  	_ = 	snop  }
0x4: {  	_ = 	snop  }
0x5: {  	_ = 	snop  }
0x6: {  	_ = 	snop  }
0x7: {  	_ = 	snop  }
__scs_overlays_trampoline_lowered:
0x8: {  	[smem:$0x3FAB] =	sst s0  }
0x9: {  	[smem:$0x3FAC] =	sst s1  }
0xa: {  	[smem:$0x3FAD] =	sst s2  }
0xb: {  	[smem:$0x3FAE] =	sst s3  }
0xc: {  	[smem:$0x3FAF] =	sst s4  }
0xd: {  	[smem:$0x3FB0] =	sst s5  }
0xe: {  	[smem:$0x3FB1] =	sst s6  }
0xf: {  	[smem:$0x3FB2] =	sst s7  }
0x10: {  	[smem:$0x3FB3] =	sst s8  }
0x11: {  	[smem:$0x3FB4] =	sst s9;
	s0 =	simm.s32 @!p0 $0x0  }
0x12: {  	s1 =	sld [smem:$0x3F9A];
	s0 =	simm.s32 @p0 $0x1  }
0x13: {  	[smem:$0x3FB5] =	sst s0;
	s0 =	simm.s32 @!p1 $0x0  }
0x14: {  	s2 =	sld [smem:$0x3F99];
	s0 =	simm.s32 @p1 $0x1  }
0x15: {  	[smem:$0x3FB6] =	sst s0;
	s0 =	simm.s32 @!p2 $0x0  }
0x16: {  	s3 =	sld [smem:$0x3FDB];
	s0 =	simm.s32 @p2 $0x1  }
0x17: {  	s4 =	simm.s32 $0x1BF5;
	[smem:$0x3FB8] =	sst s0  }
0x18: {  	s0 =	sld [smem:$0x3F9B];
	_ =	swait.ge [sflag:s4], $0x0  }
0x19: {  	s7 =	sld [smem:$0x3F9C]  }
0x1a: {  	s8 =	sadd.s32 $0xFFFFE003, lr  }
0x1b: {  	s9 =	sadd.s32 $0xFFFFFEF7, lr;
	s5 =	simm.s32 $0xFFFFFFFF;
	p2 =	slt.u32 s8, $0xFFFFF086  }
0x1c: {  	p1 =	slt.u32 s9, $0xF7A;
	s5 =	simm.s32 @!p2 $0x0  }
0x1d: {  	s5 =	simm.s32 @p1 $0x1;
	p0 =	seq.s32 s7, s2  }
0x1e: {  	s7 =	smul.u32 @!p0 $0xF7A, s2;
	p2 =	seq.s32 @!p0 s5, $0x0  }
0x1f: {  	s9 =	smul.u32 $0xF7A, s1;
	s8 =	simm.s32 @!p0 $0x1BF5;
	p2 =	por !p2, p0  }
0x20: {  	[sflag:s8] =	ssyncset.s32 @!p0 $0xFFFFF086;
	s6 =	sadd.s32 @!p0 s3, s7;
	s7 =	simm.s32 @!p0 $0x108  }
0x21: {  	s3 =	sadd.s32 s3, s9;
	s6 =	sadd.s32 @!p0 $0x88, s6;
	s7 =	simm.s32 @p2 $0x1082  }
0x22: {  	[simem:s7], [sflag:s8] =	dma.local @!p0 [hbm:s6], $0xF7A  }
0x23: {  	s9 =	sor.u32 $0xD0000000, s2;
	s6 =	simm.s32 $0x108;
	_ =	swait.ge @!p0 [sflag:s8], $0x0  }
0x24: {  	s3 =	sadd.s32 $0x88, s3;
	s6 =	simm.s32 @!p1 $0x1082;
	[sflag:s4] =	ssyncset.s32 $0xFFFFF086  }
0x25: {  	[simem:s6], [sflag:s4] =	dma.local [hbm:s3], $0xF7A  }
0x26: {  	[smem:$0x3F9C] =	sst s1;
	(tag) =	ssettag s2;
	_ =	strace s9  }
0x27: {  	s1 =	sld [smem:$0x3FAC]  }
0x28: {  	s2 =	sld [smem:$0x3FAD]  }
0x29: {  	s4 =	sld [smem:$0x3FAF]  }
0x2a: {  	p0 =	seq.s32 s5, $0x0;
	s5 =	sld [smem:$0x3FB0]  }
0x2b: {  	s6 =	sld [smem:$0x3FB1]  }
0x2c: {  	s7 =	sld [smem:$0x3FB2]  }
0x2d: {  	s3 =	simm.s32 $0x108;
	s8 =	sld [smem:$0x3FB3]  }
0x2e: {  	s3 =	simm.s32 @!p0 $0x1082;
	s9 =	sld [smem:$0x3FB4]  }
0x2f: {  	lr =	sadd.s32 s0, s3;
	s0 =	sld [smem:$0x3FAB]  }
0x30: {  	s3 =	sld [smem:$0x3FAE]  }
0x31: {  	[smem:$0x3FB7] =	sst s10  }
0x32: {  	s10 =	sld [smem:$0x3FB5];
	_ =	sdelay $0x3  }
0x33: {  	p0 =	seq.s32 s10, $0x1;
	s10 =	sld [smem:$0x3FB7];
	_ =	sdelay $0x3  }
0x34: {  	[smem:$0x3FB7] =	sst s10  }
0x35: {  	s10 =	sld [smem:$0x3FB6];
	_ =	sdelay $0x3  }
0x36: {  	p1 =	seq.s32 s10, $0x1;
	s10 =	sld [smem:$0x3FB7];
	_ =	sdelay $0x3  }
0x37: {  	[smem:$0x3FB7] =	sst s10  }
0x38: {  	s10 =	sld [smem:$0x3FB8]  }
0x39: {  	_ = 	snop;
	(pc) =	sbr.ind lr, $3  }
0x3a: {  	_ = 	snop  }
0x3b: {  	_ = 	snop  }
0x3c: {  	p2 =	seq.s32 s10, $0x1;
	s10 =	sld [smem:$0x3FB7]  }
0x3d: {  	_ =	shalt  }
0x3e: {  	_ =	shalt  }
0x3f: {  	_ =	shalt  }
0x40: {  	_ =	shalt  }
0x41: {  	_ =	shalt  }
0x42: {  	_ =	shalt  }
0x43: {  	_ =	shalt  }
0x44: {  	_ =	shalt  }
0x45: {  	_ =	shalt  }
0x46: {  	_ =	shalt  }
0x47: {  	_ =	shalt  }
0x48: {  	_ =	shalt  }
0x49: {  	_ =	shalt  }
0x4a: {  	_ =	shalt  }
0x4b: {  	_ =	shalt  }
0x4c: {  	_ =	shalt  }
0x4d: {  	_ =	shalt  }
0x4e: {  	_ =	shalt  }
0x4f: {  	_ =	shalt  }
0x50: {  	_ =	shalt  }
0x51: {  	_ =	shalt  }
0x52: {  	_ =	shalt  }
0x53: {  	_ =	shalt  }
0x54: {  	_ =	shalt  }
0x55: {  	_ =	shalt  }
0x56: {  	_ =	shalt  }
0x57: {  	_ =	shalt  }
0x58: {  	_ =	shalt  }
0x59: {  	_ =	shalt  }
0x5a: {  	_ =	shalt  }
0x5b: {  	_ =	shalt  }
0x5c: {  	_ =	shalt  }
0x5d: {  	_ =	shalt  }
0x5e: {  	_ =	shalt  }
0x5f: {  	_ =	shalt  }
0x60: {  	_ =	shalt  }
0x61: {  	_ =	shalt  }
0x62: {  	_ =	shalt  }
0x63: {  	_ =	shalt  }
0x64: {  	_ =	shalt  }
0x65: {  	_ =	shalt  }
0x66: {  	_ =	shalt  }
0x67: {  	_ =	shalt  }
0x68: {  	_ =	shalt  }
0x69: {  	_ =	shalt  }
0x6a: {  	_ =	shalt  }
0x6b: {  	_ =	shalt  }
0x6c: {  	_ =	shalt  }
0x6d: {  	_ =	shalt  }
0x6e: {  	_ =	shalt  }
0x6f: {  	_ =	shalt  }
0x70: {  	_ =	shalt  }
0x71: {  	_ =	shalt  }
0x72: {  	_ =	shalt  }
0x73: {  	_ =	shalt  }
0x74: {  	_ =	shalt  }
0x75: {  	_ =	shalt  }
0x76: {  	_ =	shalt  }
0x77: {  	_ =	shalt  }
0x78: {  	_ =	shalt  }
0x79: {  	_ =	shalt  }
0x7a: {  	_ =	shalt  }
0x7b: {  	_ =	shalt  }
0x7c: {  	_ =	shalt  }
0x7d: {  	_ =	shalt  }
0x7e: {  	_ =	shalt  }
0x7f: {  	_ =	shalt  }
0x80: {  	_ =	shalt  }
0x81: {  	_ =	shalt  }
0x82: {  	_ =	shalt  }
0x83: {  	_ =	shalt  }
0x84: {  	_ =	shalt  }
0x85: {  	_ =	shalt  }
0x86: {  	_ =	shalt  }
0x87: {  	_ =	shalt  }
.Lfunc_end0:
.L_simem_size_0:
called_computation.1_lowered:
.L_overlay_start_0:
0x88: {  	s2 =	sld [smem:$0x3FD9]  }
0x89: {  	s3 =	sld [smem:$0x3FFE];
	_ =	sdelay $0x1  }
0x8a: {  	s1 =	srdreg.scid  }
0x8b: {  	s0 =	sand.u32 $0x1, s1  }
0x8c: {  	s14 =	sshll.u32 s0, $0xA;
	s2 =	sadd.s32 s3, s2  }
0x8d: {  	s2 =	sadd.s32 s2, s14  }
0x8e: {  	[smem:$0x3FC3] =	sst s2  }
0x8f: {  	_ = 	snop  }
0x90: {  	s2 =	sld [smem:$0x3FD0];
	_ =	sdelay $0x2  }
0x91: {  	s15 =	simm.s32 $0xA;
	s4 =	simm.s32 $0x10  }
0x92: {  	[smem:s4], [sflag:s15] =	dma.local [hbm:s2], $0x1  }
0x93: {  	_ =	swait.eq [sflag:s15], $0x1  }
0x94: {  	[sflag:s15] =	ssyncset.done $0x0  }
0x95: {  	[sflag:s15] =	ssyncadd.s32 $0xFFFFFFFF  }
0x96: {  	s16 =	sld [smem:$0x10];
	(tm) =	ssettm $0x1  }
0x97: {  	s17 =	sld [smem:$0x3FFB];
	_ =	sdelay $0x3  }
0x98: {  	_ =	strace s17  }
0x99: {  	s3 =	sld [smem:$0x3FFC];
	_ =	sdelay $0x3  }
0x9a: {  	_ =	strace s3  }
0x9b: {  	s3 =	sld [smem:$0x3FFD];
	_ =	sdelay $0x3  }
0x9c: {  	_ =	strace s3  }
0x9d: {  	_ =	strace $0x8FFFFFFF  }
0x9e: {  	s18 =	sld [smem:$0x3FDB];
	_ =	sdelay $0x1  }
0x9f: {  	s19 =	simm.s32 $_scs_section_size  }
0xa0: {  	s5 =	simm.s32 $_size__tile_overlayer_lowered;
	s6 =	simm.s32 $_tile_overlayer_lowered  }
0xa1: {  	s22 =	simm.s32 $0x1BFF;
	s21 =	sshll.u32 s6, $0x1;
	s3 =	sadd.s32 s19, s18  }
0xa2: {  	s7 =	simm.s32 $0x0;
	s20 =	sshll.u32 s5, $0x1;
	s5 =	sadd.s32 s21, s3  }
0xa3: {  	[timem:s7], [sflag:s22] =	dma.local [hbm:s5], s20  }
0xa4: {  	_ =	swait.ge [sflag:s22], s20  }
0xa5: {  	s4 =	ssub.s32 $0x0, s20;
	[sflag:s22] =	ssyncset.done $0x0  }
0xa6: {  	[sflag:s22] =	ssyncadd.s32 s4;
	_ =	sdelay $0x1  }
0xa7: {  	s23 =	simm.s32 $0x1B8B  }
0xa8: {  	_ =	swait.ge [sflag:s23], $0x1  }
0xa9: {  	[sflag:s23] =	ssyncset.done $0x0  }
0xaa: {  	s25 =	simm.s32 $0x1B8E;
	s24 =	sld [smem:$0x3FFE];
	[sflag:s23] =	ssyncadd.s32 $0xFFFFFFFF  }
0xab: {  	s26 =	simm.s32 $execute0_lowered;
	[smem:$0x3FD2] =	sst s25  }
0xac: {  	s5 =	sshll.u32 s26, $0x1;
	_ =	strace $0x80000046;
	[dreg:$0x1] =	wrdreg $0xFFFFFFFF  }
0xad: {  	s28 =	simm.s32 $_size_execute0_lowered;
	s3 =	sadd.s32 s3, s5;
	[dreg:$0x0] =	wrdreg $0x0  }
0xae: {  	s5 =	sshll.u32 s28, $0x1;
	[dreg:$0x2] =	wrdreg s3  }
0xaf: {  	[dreg:$0x3] =	wrdreg s5  }
0xb0: {  	[dreg:$0x4] =	wrdreg $0xC0  }
0xb1: {  	_ =	task [dreg:s7], $0x5FFFF  }
0xb2: {  	[dreg:$0x1] =	wrdreg $0xFFFFFFFF  }
0xb3: {  	[dreg:$0x0] =	wrdreg $0x60  }
0xb4: {  	[dreg:$0x2] =	wrdreg s24  }
0xb5: {  	[dreg:$0x3] =	wrdreg s16  }
0xb6: {  	[dreg:$0x4] =	wrdreg $0x9  }
0xb7: {  	_ =	task.clear_ibuf [dreg:s7], $0x5FFFF;
	_ =	strace $0x90000046  }
0xb8: {  	s29 =	simm.s32 $0x9;
	_ =	strace $0x80000048  }
0xb9: {  	_ =	swait.ge [sflag:s29], $0x1  }
0xba: {  	[sflag:s29] =	ssyncadd.s32 $0xFFFFFFFF  }
0xbb: {  	_ =	strace $0x90000048  }
0xbc: {  	_ =	sfence  }
0xbd: {  	s30 =	sld [smem:$0x0];
	_ =	sdelay $0x2  }
0xbe: {  	s31 =	sshll.u32 s1, $0xD;
	s1 =	sshrl.u32 s1, $0x2  }
0xbf: {  	s3 =	sand.u32 $0x4000, s31;
	s1 =	sadd.s32 s1, s30  }
0xc0: {  	s0 =	sor.u32 s3, s0;
	s1 =	sshll.u32 s1, $0x11  }
0xc1: {  	s0 =	sor.u32 s1, s0  }
0xc2: {  	s0 =	sadd.s32 $0x8F2B, s0  }
0xc3: {  	[sflag:s0] =	ssyncadd.remote.s32 $0x1  }
0xc4: {  	_ =	sfence.sel $0xFFFF  }
0xc5: {  	[dreg:$0x0] =	wrdreg $0xFFFFFFFF;
	(pc) =	sbr.abs _section_cstart, $3  }
0xc6: {  	[dreg:$0x1] =	wrdreg $0xFFFFFFFF  }
0xc7: {  	_ =	task.clear_ibuf [dreg:s7], $0x2FFFF;
	_ =	strace $0x9FFFFFFF  }
0xc8: {  	(tm) =	ssettm $0x7FFFFFFF  }
0xc9: {  	_ =	shalt  }
tec
execute0_lowered:
.L_overlay_start_1:
0x0: {  	(tag) =	ssettag $0x1  }
0x1: {  	v4 =	vlaneseq.u32  }
0x2: {  	vm7 =	vcmask $0x2300;
	v5 =	vimm.s32 $0x3;
	v0 =	vor.u32 $0x20, v4  }
0x3: {  	[tilespmem:$0x1FCC0] =	vst v0;
	v0 =	vsel vm7, $0x2, v5  }
0x4: {  	vm5 =	vcmask $0x2F00;
	v7 =	vimm.s32 $0x4;
	[tilespmem:$0x1FCD0] =	vst v0;
	v0 =	vor.u32 $0x30, v4  }
0x5: {  	[tilespmem:$0x1FCE0] =	vst v0;
	v0 =	vsel vm5, $0x3, v7  }
0x6: {  	vm4 =	vcmask $0x3B00;
	v9 =	vimm.s32 $0x5;
	[tilespmem:$0x1FCF0] =	vst v0;
	v0 =	vor.u32 $0x40, v4  }
0x7: {  	[tilespmem:$0x1FD00] =	vst v0;
	v0 =	vsel vm4, $0x4, v9  }
0x8: {  	[tilespmem:$0x1FD10] =	vst v0;
	v0 =	vor.u32 $0x50, v4  }
0x9: {  	vm3 =	vcmask $0x700;
	v12 =	vimm.s32 $0x6;
	[tilespmem:$0x1FD20] =	vst v0;
	v0 =	vor.u32 $0x60, v4  }
0xa: {  	[tilespmem:$0x1FD30] =	vst v0;
	v0 =	vsel vm3, $0x5, v12  }
0xb: {  	vm2 =	vcmask $0x1300;
	v14 =	vimm.s32 $0x7;
	[tilespmem:$0x1FD40] =	vst v0;
	v0 =	vor.u32 $0x70, v4  }
0xc: {  	[tilespmem:$0x1FD50] =	vst v0;
	v0 =	vsel vm2, $0x6, v14  }
0xd: {  	v50 =	vshrl.u32 v4, $0x3;
	[tilespmem:$0x1FD60] =	vst v0;
	v0 =	vor.u32 $0x80, v4  }
0xe: {  	[tilespmem:$0x1FD70] =	vst v0;
	v0 =	vadd.s32 $0x7, v50  }
0xf: {  	vm1 =	vcmask $0x2B00;
	v18 =	vimm.s32 $0x9;
	[tilespmem:$0x1FD80] =	vst v0;
	v0 =	vor.u32 $0x90, v4  }
0x10: {  	[tilespmem:$0x1FD90] =	vst v0;
	v0 =	vsel vm1, $0x8, v18  }
0x11: {  	vm0 =	vcmask $0x3700;
	v20 =	vimm.s32 $0xA;
	[tilespmem:$0x1FDA0] =	vst v0;
	v0 =	vor.u32 $0xA0, v4  }
0x12: {  	[tilespmem:$0x1FDB0] =	vst v0;
	v0 =	vsel vm0, $0x9, v20  }
0x13: {  	[tilespmem:$0x1FDC0] =	vst v0;
	v0 =	vor.u32 $0xB0, v4  }
0x14: {  	vm9 =	vcmask $0x300;
	v23 =	vimm.s32 $0xB;
	[tilespmem:$0x1FDD0] =	vst v0;
	v0 =	vor.u32 $0xC0, v4  }
0x15: {  	vm12 =	vcmask $0xF00;
	v24 =	vimm.s32 $0xC;
	[tilespmem:$0x1FDE0] =	vst v0;
	v0 =	vsel vm9, $0xA, v23  }
0x16: {  	[tilespmem:$0x1FDF0] =	vst v0;
	v0 =	vsel vm12, $0xB, v24  }
0x17: {  	[tilespmem:$0x1FE00] =	vst v0;
	v0 =	vor.u32 $0xD0, v4  }
0x18: {  	vm13 =	vcmask $0x1B00;
	v27 =	vimm.s32 $0xD;
	[tilespmem:$0x1FE10] =	vst v0;
	v0 =	vor.u32 $0xE0, v4  }
0x19: {  	[tilespmem:$0x1FE20] =	vst v0;
	v0 =	vsel vm13, $0xC, v27  }
0x1a: {  	vm14 =	vcmask $0x2700;
	v29 =	vimm.s32 $0xE;
	[tilespmem:$0x1FE30] =	vst v0;
	v0 =	vor.u32 $0xF0, v4  }
0x1b: {  	[tilespmem:$0x1FE40] =	vst v0;
	v0 =	vsel vm14, $0xD, v29  }
0x1c: {  	vm15 =	vcmask $0x3300;
	v31 =	vimm.s32 $0xF;
	[tilespmem:$0x1FE50] =	vst v0;
	v0 =	vor.u32 $0x100, v4  }
0x1d: {  	[tilespmem:$0x1FE60] =	vst v0;
	v0 =	vsel vm15, $0xE, v31  }
0x1e: {  	[tilespmem:$0x1FE70] =	vst v0;
	v0 =	vor.u32 $0x110, v4  }
0x1f: {  	[tilespmem:$0x1FE80] =	vst v0;
	v0 =	vor.u32 $0x120, v4  }
0x20: {  	vm8 =	vcmask $0xB00;
	v35 =	vimm.s32 $0x11;
	[tilespmem:$0x1FE90] =	vst v0;
	v0 =	vor.u32 $0x130, v4  }
0x21: {  	[tilespmem:$0x1FEA0] =	vst v0;
	v0 =	vsel vm8, $0x10, v35  }
0x22: {  	vm6 =	vcmask $0x1700;
	v37 =	vimm.s32 $0x12;
	[tilespmem:$0x1FEB0] =	vst v0;
	v0 =	vor.u32 $0x140, v4  }
0x23: {  	[tilespmem:$0x1FEC0] =	vst v0;
	v0 =	vsel vm6, $0x11, v37  }
0x24: {  	v39 =	vimm.s32 $0x13;
	[tilespmem:$0x1FED0] =	vst v0;
	v0 =	vor.u32 $0x150, v4  }
0x25: {  	[tilespmem:$0x1FEE0] =	vst v0;
	v0 =	vsel vm7, $0x12, v39  }
0x26: {  	v41 =	vimm.s32 $0x14;
	[tilespmem:$0x1FEF0] =	vst v0;
	v0 =	vor.u32 $0x160, v4  }
0x27: {  	[tilespmem:$0x1FF00] =	vst v0;
	v0 =	vsel vm5, $0x13, v41  }
0x28: {  	s0 =	rddreg [dreg:$0x0];
	s3 =	simm.s32 $0x0;
	v43 =	vimm.s32 $0x15;
	[tilespmem:$0x1FF10] =	vst v0;
	v0 =	vor.u32 $0x170, v4  }
0x29: {  	[smem:$0x7FF] =	sst s3;
	[tilespmem:$0x1FF20] =	vst v0;
	v0 =	vsel vm4, $0x14, v43  }
0x2a: {  	s1 =	rddreg [dreg:$0x1];
	v62 =	vor.u32 $0x180, v4;
	_ =	strace $0x80000047;
	[tilespmem:$0x1FF30] =	vst v0  }
0x2b: {  	v46 =	vimm.s32 $0x16;
	v60 =	vor.u32 $0x190, v4;
	[tilespmem:$0x1FFD0] =	vst v62  }
0x2c: {  	v61 =	vsel vm3, $0x15, v46;
	[tilespmem:$0x1FFE0] =	vst v60  }
0x2d: {  	v48 =	vimm.s32 $0x17;
	v0 =	vor.u32 $0x1A0, v4;
	[tilespmem:$0x1FFF0] =	vst v61  }
0x2e: {  	[tilespmem:$0x1FF40] =	vst v0;
	v0 =	vsel vm2, $0x16, v48  }
0x2f: {  	s2 =	srdreg.scid;
	[tilespmem:$0x1FF50] =	vst v0;
	v0 =	vor.u32 $0x1B0, v4  }
0x30: {  	s4 =	stileid.u32;
	s8 =	simm.s32 $0x3;
	s9 =	simm.s32 $0xC100;
	[tilespmem:$0x1FF60] =	vst v0;
	v0 =	vadd.s32 $0x17, v50  }
0x31: {  	v52 =	vimm.s32 $0x19;
	s10 =	simm.s32 $0xE100;
	s2 =	sand.u32 $0x1, s2;
	s4 =	sshll.u32 s4, $0x1;
	[tilespmem:$0x1FF70] =	vst v0;
	v0 =	vor.u32 $0x1C0, v4  }
0x32: {  	s11 =	simm.s32 $0x16140;
	s4 =	sor.u32 s2, s4;
	s2 =	ssub.s32 $0x2, s2;
	[tilespmem:$0x1FF80] =	vst v0;
	v0 =	vsel vm1, $0x18, v52  }
0x33: {  	v54 =	vimm.s32 $0x1A;
	s13 =	simm.s32 $0x2;
	s14 =	simm.s32 $0x0;
	s6 =	sshrl.u32 s2, $0x1;
	[tilespmem:$0x1FF90] =	vst v0;
	v0 =	vor.u32 $0x1D0, v4  }
0x34: {  	v1 =	vimm.s32 $0x1;
	s5 =	sadd.s32 $0x40E00, s0;
	s30 =	sshll.u32 s4, $0xD;
	s2 =	ssub.s32 s2, s6;
	[tilespmem:$0x1FFA0] =	vst v0;
	v0 =	vsel vm0, $0x19, v54  }
0x35: {  	v3 =	vimm.s32 $0x2;
	v2 =	vsel vm8, $0x0, v1;
	s0 =	sadd.s32 s30, s0;
	s31 =	smax.u32 s2, $0x1;
	[dreg:$0x3] =	wrdreg s5;
	[tilespmem:$0x1FFB0] =	vst v0;
	v0 =	vand.u32 $0x7, v4  }
0x36: {  	v56 =	vor.u32 $0x10, v4;
	v63 =	vsel vm6, $0x1, v3;
	v55 =	vor.u32 $0x1E0, v4;
	s6 =	sadd.s32 $0xE00, s0;
	s5 =	smul.u32 $0x40200, s4;
	[dreg:$0x4] =	wrdreg s31;
	[tilespmem:$0x1FFC0] =	vst v0  }
.LBB2_1:
0x37: {  	s0 =	rddreg [dreg:$0x3]  }
0x38: {  	[tilespmem:s3], [sflag:$0x3] =	stream.linear.gather [hbm4b:s0+s3], $0xC100, $0x38;
	[tilespmem:$0x1E180] =	vst v63  }
0x39: {  	_ =	swait.ge [sflag:s8], $0xC100  }
0x3a: {  	[sflag:s8] =	ssyncset.done $0x0  }
0x3b: {  	s15 =	simm.s32 $0x0;
	[sflag:s8] =	ssyncadd.s32 $0xFFFF3F00  }
.LBB2_2:
0x3c: {  	s0 =	sshll.u32 s15, $0xB  }
0x3d: {  	s0 =	sadd.s32 s0, s6  }
0x3e: {  	[tilespmem:s9], [sflag:$0x3] =	stream.linear.gather [hbm4b:s0+s3], $0x2000, $0x38;
	[tilespmem:$0x1E180] =	vst v63  }
0x3f: {  	_ =	swait.ge [sflag:s8], $0x2000  }
0x40: {  	p0 =	seq.s32 s15, $0x0;
	[sflag:s8] =	ssyncset.done $0x0  }
0x41: {  	s0 =	simm.s32 @!p0 $0x1;
	[sflag:s8] =	ssyncadd.s32 $0xFFFFE000  }
0x42: {  	_ =	swait.ge @!p0 [sflag:s0], $0x8040  }
0x43: {  	v10 =	vld [tilespmem:$0x1FCE0]  }
0x44: {  	v11 =	vld [tilespmem:$0x1FCF0]  }
0x45: {  	v12 =	vld [tilespmem:$0x1FD00]  }
0x46: {  	v13 =	vld [tilespmem:$0x1FD10]  }
0x47: {  	v14 =	vld [tilespmem:$0x1FD20]  }
0x48: {  	v15 =	vld [tilespmem:$0x1FD30]  }
0x49: {  	v16 =	vld [tilespmem:$0x1FD40]  }
0x4a: {  	v17 =	vld [tilespmem:$0x1FD50]  }
0x4b: {  	v18 =	vld [tilespmem:$0x1FD60]  }
0x4c: {  	v19 =	vld [tilespmem:$0x1FD70]  }
0x4d: {  	v20 =	vld [tilespmem:$0x1FD80]  }
0x4e: {  	v21 =	vld [tilespmem:$0x1FD90]  }
0x4f: {  	v22 =	vld [tilespmem:$0x1FDA0]  }
0x50: {  	v23 =	vld [tilespmem:$0x1FDB0]  }
0x51: {  	v24 =	vld [tilespmem:$0x1FDC0]  }
0x52: {  	v25 =	vld [tilespmem:$0x1FDD0]  }
0x53: {  	v26 =	vld [tilespmem:$0x1FDE0]  }
0x54: {  	v27 =	vld [tilespmem:$0x1FDF0]  }
0x55: {  	v28 =	vld [tilespmem:$0x1FE00]  }
0x56: {  	v29 =	vld [tilespmem:$0x1FE10]  }
0x57: {  	v30 =	vld [tilespmem:$0x1FE20]  }
0x58: {  	v31 =	vld [tilespmem:$0x1FE30]  }
0x59: {  	v32 =	vld [tilespmem:$0x1FE40]  }
0x5a: {  	v33 =	vld [tilespmem:$0x1FE50]  }
0x5b: {  	v34 =	vld [tilespmem:$0x1FE60]  }
0x5c: {  	v35 =	vld [tilespmem:$0x1FE70]  }
0x5d: {  	v36 =	vld [tilespmem:$0x1FE80]  }
0x5e: {  	v37 =	vld [tilespmem:$0x1FE90]  }
0x5f: {  	v38 =	vld [tilespmem:$0x1FEA0]  }
0x60: {  	v39 =	vld [tilespmem:$0x1FEB0]  }
0x61: {  	v40 =	vld [tilespmem:$0x1FEC0]  }
0x62: {  	v41 =	vld [tilespmem:$0x1FED0]  }
0x63: {  	v42 =	vld [tilespmem:$0x1FEE0]  }
0x64: {  	v43 =	vld [tilespmem:$0x1FEF0]  }
0x65: {  	v44 =	vld [tilespmem:$0x1FF00]  }
0x66: {  	v45 =	vld [tilespmem:$0x1FF10]  }
0x67: {  	v46 =	vld [tilespmem:$0x1FF20]  }
0x68: {  	v47 =	vld [tilespmem:$0x1FF30]  }
0x69: {  	v48 =	vld [tilespmem:$0x1FF40]  }
0x6a: {  	v49 =	vld [tilespmem:$0x1FF50]  }
0x6b: {  	v50 =	vld [tilespmem:$0x1FF60]  }
0x6c: {  	v51 =	vld [tilespmem:$0x1FF70]  }
0x6d: {  	v52 =	vld [tilespmem:$0x1FF80]  }
0x6e: {  	s2 =	smul.u32 $0x10080, s15;
	v53 =	vld [tilespmem:$0x1FF90]  }
0x6f: {  	[sflag:s0] =	ssyncset.done @!p0 $0x0;
	v54 =	vld [tilespmem:$0x1FFA0]  }
0x70: {  	s17 =	simm.s32 $0x0;
	s16 =	sadd.s32 s5, s2;
	v8 =	vld [tilespmem:$0x1FFB0];
	[sflag:s0] =	ssyncadd.s32 @!p0 $0xFFFF7FC0  }
.LBB2_3:
0x71: {  	s4 =	sshll.u32 s17, $0x7  }
0x72: {  	v58 =	vmov s4;
	_ =	sdelay $0x1  }
0x73: {  	s7 =	sor.u32 $0x1, s17  }
0x74: {  	s0 =	sshll.u32 s7, $0x7  }
0x75: {  	v59 =	vmov s0  }
0x76: {  	v57 =	vld.idx.msk [tilespmem:v58+s9+$0x0], $0xffff;
	_ =	sdelay $0x3  }
0x77: {  	v60 =	vld.idx.msk [tilespmem:v59+s9+$0x0], $0xffff  }
0x78: {  	v57 =	vadd.s32 v4, v57;
	_ =	sdelay $0x3  }
0x79: {  	v60 =	vadd.s32 v4, v60  }
0x7a: {  	v57 =	vld.idx.msk [tilespmem:v57+s3+$0x0], $0xffff  }
0x7b: {  	v61 =	vor.u32 s4, v2;
	_ =	sdelay $0x1  }
0x7c: {  	s2 =	smul.u32 $0x201, s17  }
0x7d: {  	v60 =	vld.idx.msk [tilespmem:v60+s3+$0x0], $0xffff  }
0x7e: {  	v62 =	vor.u32 s0, v2;
	[tilespmem:s2+$0xE100] =	vst v57  }
0x7f: {  	v57 =	vld.idx.msk [tilespmem:v61+s9+$0x0], $0xffff  }
0x80: {  	s7 =	smul.u32 $0x201, s7;
	_ =	sdelay $0x1  }
0x81: {  	[tilespmem:s7+$0xE100] =	vst v60  }
0x82: {  	v60 =	vld.idx.msk [tilespmem:v62+s9+$0x0], $0xffff  }
0x83: {  	v57 =	vadd.s32 v56, v57;
	_ =	sdelay $0x3  }
0x84: {  	v60 =	vadd.s32 v56, v60  }
0x85: {  	v57 =	vld.idx.msk [tilespmem:v57+s3+$0x0], $0xffff  }
0x86: {  	v61 =	vor.u32 s4, v63;
	_ =	sdelay $0x2  }
0x87: {  	v60 =	vld.idx.msk [tilespmem:v60+s3+$0x0], $0xffff  }
0x88: {  	v9 =	vld [tilespmem:$0x1FCC0];
	v62 =	vor.u32 s0, v63;
	[tilespmem:s2+$0xE110] =	vst v57  }
0x89: {  	v57 =	vld.idx.msk [tilespmem:v61+s9+$0x0], $0xffff;
	_ =	sdelay $0x1  }
0x8a: {  	s12 =	sand.u32 $0x7FF8, s7  }
0x8b: {  	v0 =	vld [tilespmem:$0x1FCD0];
	[tilespmem:s12+$0xE111] =	vst v60  }
0x8c: {  	v60 =	vld.idx.msk [tilespmem:v62+s9+$0x0], $0xffff  }
0x8d: {  	v57 =	vadd.s32 v9, v57;
	_ =	sdelay $0x3  }
0x8e: {  	v61 =	vor.u32 s4, v0;
	v0 =	vld [tilespmem:$0x1FCD0];
	v60 =	vadd.s32 v9, v60  }
0x8f: {  	v57 =	vld.idx.msk [tilespmem:v57+s3+$0x0], $0xffff;
	_ =	sdelay $0x3  }
0x90: {  	v60 =	vld.idx.msk [tilespmem:v60+s3+$0x0], $0xffff  }
0x91: {  	v62 =	vor.u32 s0, v0;
	[tilespmem:s2+$0xE120] =	vst v57  }
0x92: {  	v57 =	vld.idx.msk [tilespmem:v61+s9+$0x0], $0xffff;
	_ =	sdelay $0x2  }
0x93: {  	[tilespmem:s12+$0xE121] =	vst v60  }
0x94: {  	v60 =	vld.idx.msk [tilespmem:v62+s9+$0x0], $0xffff  }
0x95: {  	v57 =	vadd.s32 v10, v57;
	_ =	sdelay $0x3  }
0x96: {  	v60 =	vadd.s32 v10, v60  }
0x97: {  	s19 =	sor.u32 $0x2, s17;
	v61 =	vld.idx.msk [tilespmem:v57+s3+$0x0], $0xffff  }
0x98: {  	s18 =	sshll.u32 s19, $0x7;
	v62 =	vor.u32 s4, v11  }
0x99: {  	v57 =	vmov s18;
	_ =	sdelay $0x1  }
0x9a: {  	v60 =	vld.idx.msk [tilespmem:v60+s3+$0x0], $0xffff  }
0x9b: {  	v7 =	vmov v63;
	v63 =	vor.u32 s0, v11;
	[tilespmem:s2+$0xE130] =	vst v61  }
0x9c: {  	v62 =	vld.idx.msk [tilespmem:v62+s9+$0x0], $0xffff  }
0x9d: {  	v61 =	vld.idx.msk [tilespmem:v57+s9+$0x0], $0xffff;
	_ =	sdelay $0x1  }
0x9e: {  	[tilespmem:s12+$0xE131] =	vst v60  }
0x9f: {  	v60 =	vld.idx.msk [tilespmem:v63+s9+$0x0], $0xffff  }
0xa0: {  	v62 =	vadd.s32 v12, v62  }
0xa1: {  	v61 =	vadd.s32 v4, v61;
	_ =	sdelay $0x2  }
0xa2: {  	v60 =	vadd.s32 v12, v60  }
0xa3: {  	v62 =	vld.idx.msk [tilespmem:v62+s3+$0x0], $0xffff  }
0xa4: {  	v6 =	vmov v56;
	v56 =	vor.u32 s4, v13;
	v61 =	vld.idx.msk [tilespmem:v61+s3+$0x0], $0xffff  }
0xa5: {  	v63 =	vor.u32 s18, v2;
	_ =	sdelay $0x1  }
0xa6: {  	s19 =	smul.u32 $0x201, s19;
	v60 =	vld.idx.msk [tilespmem:v60+s3+$0x0], $0xffff  }
0xa7: {  	v0 =	vor.u32 s0, v13;
	[tilespmem:s2+$0xE140] =	vst v62  }
0xa8: {  	[tilespmem:s19+$0xE100] =	vst v61;
	v56 =	vld.idx.msk [tilespmem:v56+s9+$0x0], $0xffff  }
0xa9: {  	v61 =	vld.idx.msk [tilespmem:v63+s9+$0x0], $0xffff;
	_ =	sdelay $0x1  }
0xaa: {  	[tilespmem:s12+$0xE141] =	vst v60  }
0xab: {  	v0 =	vld.idx.msk [tilespmem:v0+s9+$0x0], $0xffff  }
0xac: {  	v56 =	vadd.s32 v14, v56  }
0xad: {  	v60 =	vadd.s32 v6, v61;
	_ =	sdelay $0x2  }
0xae: {  	v0 =	vadd.s32 v14, v0  }
0xaf: {  	v56 =	vld.idx.msk [tilespmem:v56+s3+$0x0], $0xffff  }
0xb0: {  	v62 =	vor.u32 $0x5, v58;
	v60 =	vld.idx.msk [tilespmem:v60+s3+$0x0], $0xffff;
	_ =	sdelay $0x2  }
0xb1: {  	v61 =	vor.u32 s18, v7;
	v0 =	vld.idx.msk [tilespmem:v0+s3+$0x0], $0xffff  }
0xb2: {  	s20 =	sand.u32 $0x7FF8, s19;
	v63 =	vor.u32 $0x5, v59;
	[tilespmem:s2+$0xE150] =	vst v56  }
0xb3: {  	[tilespmem:s20+$0xE112] =	vst v60;
	v60 =	vld.idx.msk [tilespmem:v62+s9+$0x0], $0xffff;
	_ =	sdelay $0x2  }
0xb4: {  	v56 =	vld.idx.msk [tilespmem:v61+s9+$0x0], $0xffff;
	[tilespmem:s12+$0xE151] =	vst v0  }
0xb5: {  	v0 =	vld.idx.msk [tilespmem:v63+s9+$0x0], $0xffff  }
0xb6: {  	v60 =	vadd.s32 v15, v60;
	_ =	sdelay $0x2  }
0xb7: {  	v56 =	vadd.s32 v9, v56  }
0xb8: {  	v1 =	vld [tilespmem:$0x1FCD0];
	v0 =	vadd.s32 v15, v0  }
0xb9: {  	v60 =	vld.idx.msk [tilespmem:v60+s3+$0x0], $0xffff  }
0xba: {  	v62 =	vor.u32 s4, v16;
	_ =	sdelay $0x1  }
0xbb: {  	v56 =	vld.idx.msk [tilespmem:v56+s3+$0x0], $0xffff  }
0xbc: {  	v61 =	vor.u32 s18, v1;
	v0 =	vld.idx.msk [tilespmem:v0+s3+$0x0], $0xffff  }
0xbd: {  	v63 =	vor.u32 s0, v16;
	[tilespmem:s2+$0xE160] =	vst v60  }
0xbe: {  	v60 =	vld.idx.msk [tilespmem:v62+s9+$0x0], $0xffff;
	_ =	sdelay $0x1  }
0xbf: {  	[tilespmem:s20+$0xE122] =	vst v56  }
0xc0: {  	v56 =	vld.idx.msk [tilespmem:v61+s9+$0x0], $0xffff;
	[tilespmem:s12+$0xE161] =	vst v0  }
0xc1: {  	v0 =	vld.idx.msk [tilespmem:v63+s9+$0x0], $0xffff  }
0xc2: {  	v60 =	vadd.s32 v17, v60;
	_ =	sdelay $0x2  }
0xc3: {  	v56 =	vadd.s32 v10, v56  }
0xc4: {  	v0 =	vadd.s32 v17, v0  }
0xc5: {  	v60 =	vld.idx.msk [tilespmem:v60+s3+$0x0], $0xffff  }
0xc6: {  	v62 =	vor.u32 s4, v18;
	_ =	sdelay $0x1  }
0xc7: {  	v56 =	vld.idx.msk [tilespmem:v56+s3+$0x0], $0xffff  }
0xc8: {  	v61 =	vor.u32 s18, v11;
	v0 =	vld.idx.msk [tilespmem:v0+s3+$0x0], $0xffff  }
0xc9: {  	v63 =	vor.u32 s0, v18;
	[tilespmem:s2+$0xE170] =	vst v60  }
0xca: {  	v60 =	vld.idx.msk [tilespmem:v62+s9+$0x0], $0xffff;
	_ =	sdelay $0x1  }
0xcb: {  	[tilespmem:s20+$0xE132] =	vst v56  }
0xcc: {  	v56 =	vld.idx.msk [tilespmem:v61+s9+$0x0], $0xffff;
	[tilespmem:s12+$0xE171] =	vst v0  }
0xcd: {  	v0 =	vld.idx.msk [tilespmem:v63+s9+$0x0], $0xffff  }
0xce: {  	v60 =	vadd.s32 v19, v60;
	_ =	sdelay $0x2  }
0xcf: {  	v56 =	vadd.s32 v12, v56  }
0xd0: {  	v0 =	vadd.s32 v19, v0  }
0xd1: {  	v60 =	vld.idx.msk [tilespmem:v60+s3+$0x0], $0xffff  }
0xd2: {  	v62 =	vor.u32 s4, v20;
	_ =	sdelay $0x1  }
0xd3: {  	v56 =	vld.idx.msk [tilespmem:v56+s3+$0x0], $0xffff  }
0xd4: {  	v61 =	vor.u32 s18, v13;
	v0 =	vld.idx.msk [tilespmem:v0+s3+$0x0], $0xffff  }
0xd5: {  	v63 =	vor.u32 s0, v20;
	[tilespmem:s2+$0xE180] =	vst v60  }
0xd6: {  	v60 =	vld.idx.msk [tilespmem:v62+s9+$0x0], $0xffff;
	_ =	sdelay $0x1  }
0xd7: {  	[tilespmem:s20+$0xE142] =	vst v56  }
0xd8: {  	v56 =	vld.idx.msk [tilespmem:v61+s9+$0x0], $0xffff;
	[tilespmem:s12+$0xE181] =	vst v0  }
0xd9: {  	v0 =	vld.idx.msk [tilespmem:v63+s9+$0x0], $0xffff  }
0xda: {  	v60 =	vadd.s32 v21, v60;
	_ =	sdelay $0x2  }
0xdb: {  	v56 =	vadd.s32 v14, v56  }
0xdc: {  	v0 =	vadd.s32 v21, v0  }
0xdd: {  	v60 =	vld.idx.msk [tilespmem:v60+s3+$0x0], $0xffff  }
0xde: {  	v62 =	vor.u32 s4, v22;
	_ =	sdelay $0x1  }
0xdf: {  	v56 =	vld.idx.msk [tilespmem:v56+s3+$0x0], $0xffff  }
0xe0: {  	v61 =	vor.u32 $0x5, v57;
	v0 =	vld.idx.msk [tilespmem:v0+s3+$0x0], $0xffff  }
0xe1: {  	v63 =	vor.u32 s0, v22;
	[tilespmem:s2+$0xE190] =	vst v60  }
0xe2: {  	v60 =	vld.idx.msk [tilespmem:v62+s9+$0x0], $0xffff;
	_ =	sdelay $0x1  }
0xe3: {  	[tilespmem:s20+$0xE152] =	vst v56  }
0xe4: {  	v56 =	vld.idx.msk [tilespmem:v61+s9+$0x0], $0xffff;
	[tilespmem:s12+$0xE191] =	vst v0  }
0xe5: {  	v0 =	vld.idx.msk [tilespmem:v63+s9+$0x0], $0xffff  }
0xe6: {  	v60 =	vadd.s32 v23, v60;
	_ =	sdelay $0x2  }
0xe7: {  	v56 =	vadd.s32 v15, v56  }
0xe8: {  	v0 =	vadd.s32 v23, v0  }
0xe9: {  	v60 =	vld.idx.msk [tilespmem:v60+s3+$0x0], $0xffff  }
0xea: {  	v62 =	vor.u32 s4, v24;
	_ =	sdelay $0x1  }
0xeb: {  	v56 =	vld.idx.msk [tilespmem:v56+s3+$0x0], $0xffff  }
0xec: {  	v61 =	vor.u32 s18, v16;
	v0 =	vld.idx.msk [tilespmem:v0+s3+$0x0], $0xffff  }
0xed: {  	v63 =	vor.u32 s0, v24;
	[tilespmem:s2+$0xE1A0] =	vst v60  }
0xee: {  	v60 =	vld.idx.msk [tilespmem:v62+s9+$0x0], $0xffff;
	_ =	sdelay $0x1  }
0xef: {  	[tilespmem:s20+$0xE162] =	vst v56  }
0xf0: {  	v56 =	vld.idx.msk [tilespmem:v61+s9+$0x0], $0xffff;
	[tilespmem:s12+$0xE1A1] =	vst v0  }
0xf1: {  	v0 =	vld.idx.msk [tilespmem:v63+s9+$0x0], $0xffff  }
0xf2: {  	v60 =	vadd.s32 v25, v60;
	_ =	sdelay $0x2  }
0xf3: {  	v56 =	vadd.s32 v17, v56  }
0xf4: {  	v0 =	vadd.s32 v25, v0  }
0xf5: {  	v60 =	vld.idx.msk [tilespmem:v60+s3+$0x0], $0xffff  }
0xf6: {  	v62 =	vor.u32 $0xA, v58;
	_ =	sdelay $0x1  }
0xf7: {  	v56 =	vld.idx.msk [tilespmem:v56+s3+$0x0], $0xffff  }
0xf8: {  	v61 =	vor.u32 s18, v18;
	v0 =	vld.idx.msk [tilespmem:v0+s3+$0x0], $0xffff  }
0xf9: {  	v63 =	vor.u32 $0xA, v59;
	[tilespmem:s2+$0xE1B0] =	vst v60  }
0xfa: {  	v60 =	vld.idx.msk [tilespmem:v62+s9+$0x0], $0xffff;
	_ =	sdelay $0x1  }
0xfb: {  	[tilespmem:s20+$0xE172] =	vst v56  }
0xfc: {  	v56 =	vld.idx.msk [tilespmem:v61+s9+$0x0], $0xffff;
	[tilespmem:s12+$0xE1B1] =	vst v0  }
0xfd: {  	v0 =	vld.idx.msk [tilespmem:v63+s9+$0x0], $0xffff  }
0xfe: {  	v60 =	vadd.s32 v26, v60;
	_ =	sdelay $0x2  }
0xff: {  	v56 =	vadd.s32 v19, v56  }
0x100: {  	v0 =	vadd.s32 v26, v0  }
0x101: {  	v60 =	vld.idx.msk [tilespmem:v60+s3+$0x0], $0xffff  }
0x102: {  	v62 =	vor.u32 s4, v27;
	_ =	sdelay $0x1  }
0x103: {  	v56 =	vld.idx.msk [tilespmem:v56+s3+$0x0], $0xffff  }
0x104: {  	v61 =	vor.u32 s18, v20;
	v0 =	vld.idx.msk [tilespmem:v0+s3+$0x0], $0xffff  }
0x105: {  	v63 =	vor.u32 s0, v27;
	[tilespmem:s2+$0xE1C0] =	vst v60  }
0x106: {  	v60 =	vld.idx.msk [tilespmem:v62+s9+$0x0], $0xffff;
	_ =	sdelay $0x1  }
0x107: {  	[tilespmem:s20+$0xE182] =	vst v56  }
0x108: {  	v56 =	vld.idx.msk [tilespmem:v61+s9+$0x0], $0xffff;
	[tilespmem:s12+$0xE1C1] =	vst v0  }
0x109: {  	v0 =	vld.idx.msk [tilespmem:v63+s9+$0x0], $0xffff  }
0x10a: {  	v60 =	vadd.s32 v29, v60;
	_ =	sdelay $0x2  }
0x10b: {  	v56 =	vadd.s32 v21, v56  }
0x10c: {  	v0 =	vadd.s32 v29, v0  }
0x10d: {  	v60 =	vld.idx.msk [tilespmem:v60+s3+$0x0], $0xffff  }
0x10e: {  	v62 =	vor.u32 s4, v28;
	_ =	sdelay $0x1  }
0x10f: {  	v56 =	vld.idx.msk [tilespmem:v56+s3+$0x0], $0xffff  }
0x110: {  	v61 =	vor.u32 s18, v22;
	v0 =	vld.idx.msk [tilespmem:v0+s3+$0x0], $0xffff  }
0x111: {  	v63 =	vor.u32 s0, v28;
	[tilespmem:s2+$0xE1D0] =	vst v60  }
0x112: {  	v60 =	vld.idx.msk [tilespmem:v62+s9+$0x0], $0xffff;
	_ =	sdelay $0x1  }
0x113: {  	[tilespmem:s20+$0xE192] =	vst v56  }
0x114: {  	v56 =	vld.idx.msk [tilespmem:v61+s9+$0x0], $0xffff;
	[tilespmem:s12+$0xE1D1] =	vst v0  }
0x115: {  	v0 =	vld.idx.msk [tilespmem:v63+s9+$0x0], $0xffff  }
0x116: {  	v60 =	vadd.s32 v30, v60;
	_ =	sdelay $0x2  }
0x117: {  	v56 =	vadd.s32 v23, v56  }
0x118: {  	v0 =	vadd.s32 v30, v0  }
0x119: {  	v60 =	vld.idx.msk [tilespmem:v60+s3+$0x0], $0xffff  }
0x11a: {  	v62 =	vor.u32 s4, v31;
	_ =	sdelay $0x1  }
0x11b: {  	v56 =	vld.idx.msk [tilespmem:v56+s3+$0x0], $0xffff  }
0x11c: {  	v61 =	vor.u32 s18, v24;
	v0 =	vld.idx.msk [tilespmem:v0+s3+$0x0], $0xffff  }
0x11d: {  	v63 =	vor.u32 s0, v31;
	[tilespmem:s2+$0xE1E0] =	vst v60  }
0x11e: {  	v60 =	vld.idx.msk [tilespmem:v62+s9+$0x0], $0xffff;
	_ =	sdelay $0x1  }
0x11f: {  	[tilespmem:s20+$0xE1A2] =	vst v56  }
0x120: {  	v56 =	vld.idx.msk [tilespmem:v61+s9+$0x0], $0xffff;
	[tilespmem:s12+$0xE1E1] =	vst v0  }
0x121: {  	v0 =	vld.idx.msk [tilespmem:v63+s9+$0x0], $0xffff  }
0x122: {  	v60 =	vadd.s32 v32, v60;
	_ =	sdelay $0x2  }
0x123: {  	v56 =	vadd.s32 v25, v56  }
0x124: {  	v0 =	vadd.s32 v32, v0  }
0x125: {  	v60 =	vld.idx.msk [tilespmem:v60+s3+$0x0], $0xffff  }
0x126: {  	v62 =	vor.u32 s4, v33;
	_ =	sdelay $0x1  }
0x127: {  	v56 =	vld.idx.msk [tilespmem:v56+s3+$0x0], $0xffff  }
0x128: {  	v61 =	vor.u32 $0xA, v57;
	v0 =	vld.idx.msk [tilespmem:v0+s3+$0x0], $0xffff  }
0x129: {  	v63 =	vor.u32 s0, v33;
	[tilespmem:s2+$0xE1F0] =	vst v60  }
0x12a: {  	v60 =	vld.idx.msk [tilespmem:v62+s9+$0x0], $0xffff;
	_ =	sdelay $0x1  }
0x12b: {  	[tilespmem:s20+$0xE1B2] =	vst v56  }
0x12c: {  	v56 =	vld.idx.msk [tilespmem:v61+s9+$0x0], $0xffff;
	[tilespmem:s12+$0xE1F1] =	vst v0  }
0x12d: {  	v0 =	vld.idx.msk [tilespmem:v63+s9+$0x0], $0xffff  }
0x12e: {  	v60 =	vadd.s32 v34, v60;
	_ =	sdelay $0x2  }
0x12f: {  	v56 =	vadd.s32 v26, v56  }
0x130: {  	v0 =	vadd.s32 v34, v0  }
0x131: {  	v60 =	vld.idx.msk [tilespmem:v60+s3+$0x0], $0xffff  }
0x132: {  	v62 =	vor.u32 s4, v35;
	_ =	sdelay $0x1  }
0x133: {  	v56 =	vld.idx.msk [tilespmem:v56+s3+$0x0], $0xffff  }
0x134: {  	v61 =	vor.u32 s18, v27;
	v0 =	vld.idx.msk [tilespmem:v0+s3+$0x0], $0xffff  }
0x135: {  	v63 =	vor.u32 s0, v35;
	[tilespmem:s2+$0xE200] =	vst v60  }
0x136: {  	v60 =	vld.idx.msk [tilespmem:v62+s9+$0x0], $0xffff;
	_ =	sdelay $0x1  }
0x137: {  	[tilespmem:s20+$0xE1C2] =	vst v56  }
0x138: {  	v56 =	vld.idx.msk [tilespmem:v61+s9+$0x0], $0xffff;
	[tilespmem:s12+$0xE201] =	vst v0  }
0x139: {  	v0 =	vld.idx.msk [tilespmem:v63+s9+$0x0], $0xffff  }
0x13a: {  	v60 =	vadd.s32 v36, v60;
	_ =	sdelay $0x2  }
0x13b: {  	v56 =	vadd.s32 v29, v56  }
0x13c: {  	v0 =	vadd.s32 v36, v0  }
0x13d: {  	v60 =	vld.idx.msk [tilespmem:v60+s3+$0x0], $0xffff  }
0x13e: {  	v62 =	vor.u32 $0xF, v58;
	_ =	sdelay $0x1  }
0x13f: {  	v56 =	vld.idx.msk [tilespmem:v56+s3+$0x0], $0xffff  }
0x140: {  	v61 =	vor.u32 s18, v28;
	v0 =	vld.idx.msk [tilespmem:v0+s3+$0x0], $0xffff  }
0x141: {  	v63 =	vor.u32 $0xF, v59;
	[tilespmem:s2+$0xE210] =	vst v60  }
0x142: {  	v60 =	vld.idx.msk [tilespmem:v62+s9+$0x0], $0xffff;
	_ =	sdelay $0x1  }
0x143: {  	[tilespmem:s20+$0xE1D2] =	vst v56  }
0x144: {  	v56 =	vld.idx.msk [tilespmem:v61+s9+$0x0], $0xffff;
	[tilespmem:s12+$0xE211] =	vst v0  }
0x145: {  	v0 =	vld.idx.msk [tilespmem:v63+s9+$0x0], $0xffff  }
0x146: {  	v60 =	vadd.s32 v37, v60;
	_ =	sdelay $0x2  }
0x147: {  	v56 =	vadd.s32 v30, v56  }
0x148: {  	v0 =	vadd.s32 v37, v0  }
0x149: {  	v60 =	vld.idx.msk [tilespmem:v60+s3+$0x0], $0xffff  }
0x14a: {  	v62 =	vor.u32 $0x10, v58;
	_ =	sdelay $0x1  }
0x14b: {  	v56 =	vld.idx.msk [tilespmem:v56+s3+$0x0], $0xffff  }
0x14c: {  	v61 =	vor.u32 s18, v31;
	v0 =	vld.idx.msk [tilespmem:v0+s3+$0x0], $0xffff  }
0x14d: {  	v63 =	vor.u32 $0x10, v59;
	[tilespmem:s2+$0xE220] =	vst v60  }
0x14e: {  	v60 =	vld.idx.msk [tilespmem:v62+s9+$0x0], $0xffff;
	_ =	sdelay $0x1  }
0x14f: {  	[tilespmem:s20+$0xE1E2] =	vst v56  }
0x150: {  	v56 =	vld.idx.msk [tilespmem:v61+s9+$0x0], $0xffff;
	[tilespmem:s12+$0xE221] =	vst v0  }
0x151: {  	v0 =	vld.idx.msk [tilespmem:v63+s9+$0x0], $0xffff  }
0x152: {  	v60 =	vadd.s32 v38, v60;
	_ =	sdelay $0x2  }
0x153: {  	v56 =	vadd.s32 v32, v56  }
0x154: {  	v0 =	vadd.s32 v38, v0  }
0x155: {  	v60 =	vld.idx.msk [tilespmem:v60+s3+$0x0], $0xffff  }
0x156: {  	v62 =	vor.u32 s4, v39;
	_ =	sdelay $0x1  }
0x157: {  	v56 =	vld.idx.msk [tilespmem:v56+s3+$0x0], $0xffff  }
0x158: {  	v61 =	vor.u32 s18, v33;
	v0 =	vld.idx.msk [tilespmem:v0+s3+$0x0], $0xffff  }
0x159: {  	v63 =	vor.u32 s0, v39;
	[tilespmem:s2+$0xE230] =	vst v60  }
0x15a: {  	v60 =	vld.idx.msk [tilespmem:v62+s9+$0x0], $0xffff;
	_ =	sdelay $0x1  }
0x15b: {  	[tilespmem:s20+$0xE1F2] =	vst v56  }
0x15c: {  	v56 =	vld.idx.msk [tilespmem:v61+s9+$0x0], $0xffff;
	[tilespmem:s12+$0xE231] =	vst v0  }
0x15d: {  	v0 =	vld.idx.msk [tilespmem:v63+s9+$0x0], $0xffff  }
0x15e: {  	v60 =	vadd.s32 v40, v60;
	_ =	sdelay $0x2  }
0x15f: {  	v56 =	vadd.s32 v34, v56  }
0x160: {  	v0 =	vadd.s32 v40, v0  }
0x161: {  	v60 =	vld.idx.msk [tilespmem:v60+s3+$0x0], $0xffff  }
0x162: {  	v62 =	vor.u32 s4, v41;
	_ =	sdelay $0x1  }
0x163: {  	v56 =	vld.idx.msk [tilespmem:v56+s3+$0x0], $0xffff  }
0x164: {  	v61 =	vor.u32 s18, v35;
	v0 =	vld.idx.msk [tilespmem:v0+s3+$0x0], $0xffff  }
0x165: {  	v63 =	vor.u32 s0, v41;
	[tilespmem:s2+$0xE240] =	vst v60  }
0x166: {  	v60 =	vld.idx.msk [tilespmem:v62+s9+$0x0], $0xffff;
	_ =	sdelay $0x1  }
0x167: {  	[tilespmem:s20+$0xE202] =	vst v56  }
0x168: {  	v56 =	vld.idx.msk [tilespmem:v61+s9+$0x0], $0xffff;
	[tilespmem:s12+$0xE241] =	vst v0  }
0x169: {  	v0 =	vld.idx.msk [tilespmem:v63+s9+$0x0], $0xffff  }
0x16a: {  	v60 =	vadd.s32 v42, v60;
	_ =	sdelay $0x2  }
0x16b: {  	v56 =	vadd.s32 v36, v56  }
0x16c: {  	v0 =	vadd.s32 v42, v0  }
0x16d: {  	v60 =	vld.idx.msk [tilespmem:v60+s3+$0x0], $0xffff  }
0x16e: {  	v62 =	vor.u32 s4, v43;
	_ =	sdelay $0x1  }
0x16f: {  	v56 =	vld.idx.msk [tilespmem:v56+s3+$0x0], $0xffff  }
0x170: {  	v61 =	vor.u32 $0xF, v57;
	v0 =	vld.idx.msk [tilespmem:v0+s3+$0x0], $0xffff  }
0x171: {  	v63 =	vor.u32 s0, v43;
	[tilespmem:s2+$0xE250] =	vst v60  }
0x172: {  	v60 =	vld.idx.msk [tilespmem:v62+s9+$0x0], $0xffff;
	_ =	sdelay $0x1  }
0x173: {  	[tilespmem:s20+$0xE212] =	vst v56  }
0x174: {  	v56 =	vld.idx.msk [tilespmem:v61+s9+$0x0], $0xffff;
	[tilespmem:s12+$0xE251] =	vst v0  }
0x175: {  	v0 =	vld.idx.msk [tilespmem:v63+s9+$0x0], $0xffff  }
0x176: {  	v60 =	vadd.s32 v44, v60;
	_ =	sdelay $0x2  }
0x177: {  	v56 =	vadd.s32 v37, v56  }
0x178: {  	v0 =	vadd.s32 v44, v0  }
0x179: {  	v60 =	vld.idx.msk [tilespmem:v60+s3+$0x0], $0xffff  }
0x17a: {  	v62 =	vor.u32 s4, v45;
	_ =	sdelay $0x1  }
0x17b: {  	v56 =	vld.idx.msk [tilespmem:v56+s3+$0x0], $0xffff  }
0x17c: {  	v61 =	vor.u32 $0x10, v57;
	v0 =	vld.idx.msk [tilespmem:v0+s3+$0x0], $0xffff  }
0x17d: {  	v63 =	vor.u32 s0, v45;
	[tilespmem:s2+$0xE260] =	vst v60  }
0x17e: {  	v60 =	vld.idx.msk [tilespmem:v62+s9+$0x0], $0xffff;
	_ =	sdelay $0x1  }
0x17f: {  	[tilespmem:s20+$0xE222] =	vst v56  }
0x180: {  	v56 =	vld.idx.msk [tilespmem:v61+s9+$0x0], $0xffff;
	[tilespmem:s12+$0xE261] =	vst v0  }
0x181: {  	v0 =	vld.idx.msk [tilespmem:v63+s9+$0x0], $0xffff  }
0x182: {  	v60 =	vadd.s32 v46, v60;
	_ =	sdelay $0x2  }
0x183: {  	v56 =	vadd.s32 v38, v56  }
0x184: {  	v0 =	vadd.s32 v46, v0  }
0x185: {  	v60 =	vld.idx.msk [tilespmem:v60+s3+$0x0], $0xffff  }
0x186: {  	v62 =	vor.u32 s4, v47;
	_ =	sdelay $0x1  }
0x187: {  	v56 =	vld.idx.msk [tilespmem:v56+s3+$0x0], $0xffff  }
0x188: {  	v61 =	vor.u32 s18, v39;
	v0 =	vld.idx.msk [tilespmem:v0+s3+$0x0], $0xffff  }
0x189: {  	v1 =	vld [tilespmem:$0x1FFD0];
	v63 =	vor.u32 s0, v47;
	[tilespmem:s2+$0xE270] =	vst v60  }
0x18a: {  	v60 =	vld.idx.msk [tilespmem:v62+s9+$0x0], $0xffff;
	_ =	sdelay $0x1  }
0x18b: {  	[tilespmem:s20+$0xE232] =	vst v56  }
0x18c: {  	v56 =	vld.idx.msk [tilespmem:v61+s9+$0x0], $0xffff;
	[tilespmem:s12+$0xE271] =	vst v0  }
0x18d: {  	v0 =	vld.idx.msk [tilespmem:v63+s9+$0x0], $0xffff  }
0x18e: {  	v60 =	vadd.s32 v1, v60;
	v1 =	vld [tilespmem:$0x1FFD0];
	_ =	sdelay $0x3  }
0x18f: {  	v56 =	vadd.s32 v40, v56  }
0x190: {  	v0 =	vadd.s32 v1, v0  }
0x191: {  	v60 =	vld.idx.msk [tilespmem:v60+s3+$0x0], $0xffff  }
0x192: {  	v58 =	vor.u32 $0x15, v58;
	_ =	sdelay $0x1  }
0x193: {  	v56 =	vld.idx.msk [tilespmem:v56+s3+$0x0], $0xffff  }
0x194: {  	v61 =	vor.u32 s18, v41;
	v0 =	vld.idx.msk [tilespmem:v0+s3+$0x0], $0xffff  }
0x195: {  	v59 =	vor.u32 $0x15, v59;
	v1 =	vld [tilespmem:$0x1FFE0];
	[tilespmem:s2+$0xE280] =	vst v60  }
0x196: {  	v58 =	vld.idx.msk [tilespmem:v58+s9+$0x0], $0xffff;
	_ =	sdelay $0x1  }
0x197: {  	[tilespmem:s20+$0xE242] =	vst v56  }
0x198: {  	v56 =	vld.idx.msk [tilespmem:v61+s9+$0x0], $0xffff;
	[tilespmem:s12+$0xE281] =	vst v0  }
0x199: {  	v0 =	vld.idx.msk [tilespmem:v59+s9+$0x0], $0xffff  }
0x19a: {  	v58 =	vadd.s32 v1, v58;
	v1 =	vld [tilespmem:$0x1FFE0];
	_ =	sdelay $0x3  }
0x19b: {  	v56 =	vadd.s32 v42, v56  }
0x19c: {  	v0 =	vadd.s32 v1, v0;
	v1 =	vld [tilespmem:$0x1FFF0];
	_ =	sdelay $0x3  }
0x19d: {  	v56 =	vld.idx.msk [tilespmem:v56+s3+$0x0], $0xffff  }
0x19e: {  	v59 =	vor.u32 s18, v43;
	v60 =	vor.u32 s4, v1;
	v1 =	vld [tilespmem:$0x1FFF0];
	_ =	sdelay $0x3  }
0x19f: {  	[tilespmem:s20+$0xE252] =	vst v56;
	v0 =	vld.idx.msk [tilespmem:v0+s3+$0x0], $0xffff  }
0x1a0: {  	v56 =	vld.idx.msk [tilespmem:v59+s9+$0x0], $0xffff;
	v61 =	vor.u32 s0, v1  }
0x1a1: {  	v58 =	vld.idx.msk [tilespmem:v58+s3+$0x0], $0xffff;
	_ =	sdelay $0x2  }
0x1a2: {  	[tilespmem:s12+$0xE291] =	vst v0  }
0x1a3: {  	v56 =	vadd.s32 v44, v56;
	v0 =	vld.idx.msk [tilespmem:v61+s9+$0x0], $0xffff  }
0x1a4: {  	[tilespmem:s2+$0xE290] =	vst v58  }
0x1a5: {  	v58 =	vld.idx.msk [tilespmem:v60+s9+$0x0], $0xffff;
	_ =	sdelay $0x2  }
0x1a6: {  	v56 =	vld.idx.msk [tilespmem:v56+s3+$0x0], $0xffff;
	v0 =	vadd.s32 v48, v0  }
0x1a7: {  	v59 =	vor.u32 s18, v45  }
0x1a8: {  	v58 =	vadd.s32 v48, v58;
	_ =	sdelay $0x2  }
0x1a9: {  	[tilespmem:s20+$0xE262] =	vst v56;
	v0 =	vld.idx.msk [tilespmem:v0+s3+$0x0], $0xffff  }
0x1aa: {  	v61 =	vor.u32 s0, v49;
	v56 =	vld.idx.msk [tilespmem:v59+s9+$0x0], $0xffff  }
0x1ab: {  	v58 =	vld.idx.msk [tilespmem:v58+s3+$0x0], $0xffff  }
0x1ac: {  	v60 =	vor.u32 s4, v49;
	_ =	sdelay $0x1  }
0x1ad: {  	[tilespmem:s12+$0xE2A1] =	vst v0  }
0x1ae: {  	v56 =	vadd.s32 v46, v56;
	v0 =	vld.idx.msk [tilespmem:v61+s9+$0x0], $0xffff  }
0x1af: {  	[tilespmem:s2+$0xE2A0] =	vst v58  }
0x1b0: {  	v58 =	vld.idx.msk [tilespmem:v60+s9+$0x0], $0xffff;
	_ =	sdelay $0x2  }
0x1b1: {  	v56 =	vld.idx.msk [tilespmem:v56+s3+$0x0], $0xffff;
	v0 =	vadd.s32 v50, v0  }
0x1b2: {  	v59 =	vor.u32 s18, v47  }
0x1b3: {  	v58 =	vadd.s32 v50, v58;
	_ =	sdelay $0x1  }
0x1b4: {  	v1 =	vld [tilespmem:$0x1FFD0]  }
0x1b5: {  	[tilespmem:s20+$0xE272] =	vst v56;
	v0 =	vld.idx.msk [tilespmem:v0+s3+$0x0], $0xffff  }
0x1b6: {  	v61 =	vor.u32 s0, v51;
	v56 =	vld.idx.msk [tilespmem:v59+s9+$0x0], $0xffff  }
0x1b7: {  	v58 =	vld.idx.msk [tilespmem:v58+s3+$0x0], $0xffff  }
0x1b8: {  	v60 =	vor.u32 s4, v51;
	_ =	sdelay $0x1  }
0x1b9: {  	[tilespmem:s12+$0xE2B1] =	vst v0  }
0x1ba: {  	v56 =	vadd.s32 v1, v56;
	v0 =	vld.idx.msk [tilespmem:v61+s9+$0x0], $0xffff  }
0x1bb: {  	[tilespmem:s2+$0xE2B0] =	vst v58  }
0x1bc: {  	v58 =	vld.idx.msk [tilespmem:v60+s9+$0x0], $0xffff;
	_ =	sdelay $0x2  }
0x1bd: {  	v56 =	vld.idx.msk [tilespmem:v56+s3+$0x0], $0xffff;
	v0 =	vadd.s32 v52, v0  }
0x1be: {  	v57 =	vor.u32 $0x15, v57  }
0x1bf: {  	v58 =	vadd.s32 v52, v58;
	_ =	sdelay $0x1  }
0x1c0: {  	v1 =	vld [tilespmem:$0x1FFE0]  }
0x1c1: {  	[tilespmem:s20+$0xE282] =	vst v56;
	v0 =	vld.idx.msk [tilespmem:v0+s3+$0x0], $0xffff  }
0x1c2: {  	v60 =	vor.u32 s0, v53;
	v56 =	vld.idx.msk [tilespmem:v57+s9+$0x0], $0xffff  }
0x1c3: {  	v58 =	vld.idx.msk [tilespmem:v58+s3+$0x0], $0xffff  }
0x1c4: {  	v59 =	vor.u32 s4, v53;
	_ =	sdelay $0x1  }
0x1c5: {  	[tilespmem:s12+$0xE2C1] =	vst v0  }
0x1c6: {  	v56 =	vadd.s32 v1, v56;
	v0 =	vld.idx.msk [tilespmem:v60+s9+$0x0], $0xffff  }
0x1c7: {  	[tilespmem:s2+$0xE2C0] =	vst v58;
	v1 =	vld [tilespmem:$0x1FFF0]  }
0x1c8: {  	v61 =	vld.idx.msk [tilespmem:v59+s9+$0x0], $0xffff;
	_ =	sdelay $0x2  }
0x1c9: {  	v56 =	vld.idx.msk [tilespmem:v56+s3+$0x0], $0xffff;
	v0 =	vadd.s32 v54, v0  }
0x1ca: {  	v58 =	vor.u32 s18, v1  }
0x1cb: {  	v57 =	vadd.s32 v54, v61;
	_ =	sdelay $0x2  }
0x1cc: {  	[tilespmem:s20+$0xE292] =	vst v56;
	v0 =	vld.idx.msk [tilespmem:v0+s3+$0x0], $0xffff  }
0x1cd: {  	v60 =	vor.u32 s0, v8;
	v56 =	vld.idx.msk [tilespmem:v58+s9+$0x0], $0xffff  }
0x1ce: {  	v57 =	vld.idx.msk [tilespmem:v57+s3+$0x0], $0xffff  }
0x1cf: {  	v59 =	vor.u32 s4, v8;
	_ =	sdelay $0x1  }
0x1d0: {  	[tilespmem:s12+$0xE2D1] =	vst v0  }
0x1d1: {  	v56 =	vadd.s32 v48, v56;
	v0 =	vld.idx.msk [tilespmem:v60+s9+$0x0], $0xffff  }
0x1d2: {  	[tilespmem:s2+$0xE2D0] =	vst v57  }
0x1d3: {  	v57 =	vld.idx.msk [tilespmem:v59+s9+$0x0], $0xffff;
	_ =	sdelay $0x2  }
0x1d4: {  	v56 =	vld.idx.msk [tilespmem:v56+s3+$0x0], $0xffff;
	v0 =	vadd.s32 v55, v0  }
0x1d5: {  	v59 =	vor.u32 s18, v49  }
0x1d6: {  	v1 =	vld [tilespmem:$0x1FFC0];
	v57 =	vadd.s32 v55, v57;
	_ =	sdelay $0x2  }
0x1d7: {  	v62 =	vadd.s32 s2, v55;
	v60 =	vadd.s32 s7, v55;
	[tilespmem:s20+$0xE2A2] =	vst v56;
	v0 =	vld.idx.msk [tilespmem:v0+s3+$0x0], $0xffff  }
0x1d8: {  	v58 =	vand.u32 $0xFFF8, v62;
	v56 =	vld.idx.msk [tilespmem:v59+s9+$0x0], $0xffff  }
0x1d9: {  	v58 =	vor.u32 v1, v58;
	v57 =	vld.idx.msk [tilespmem:v57+s3+$0x0], $0xffff;
	_ =	sdelay $0x2  }
0x1da: {  	s0 =	sand.u32 $0x3FFFFF80, s0;
	[tilespmem:v60+s10+$0x0] =	vst.idx.msk $0x3fff, v0  }
0x1db: {  	v56 =	vadd.s32 v50, v56;
	v0 =	vld [tilespmem:s0+$0xC120]  }
0x1dc: {  	s4 =	sand.u32 $0x3FFFFF80, s4;
	[tilespmem:v58+s10+$0x0] =	vst.idx.msk $0x3fff, v57  }
0x1dd: {  	v57 =	vld [tilespmem:s4+$0xC120]  }
0x1de: {  	v58 =	vld [tilespmem:s4+$0xC123];
	s4 =	sor.u32 $0x3, s17  }
0x1df: {  	s24 =	sshll.u32 s4, $0x7;
	v59 =	vld [tilespmem:s0+$0xC123]  }
0x1e0: {  	v62 =	vmov s24;
	[tilespmem:s7+$0xE2EE] =	vst v0;
	v0 =	vld.idx.msk [tilespmem:v56+s3+$0x0], $0xffff;
	_ =	sdelay $0x4  }
0x1e1: {  	s12 =	sor.u32 $0x4, s17;
	[tilespmem:$0x1FCB0] =	vst v0;
	v0 =	vld.idx.msk [tilespmem:v62+s9+$0x0], $0xffff  }
0x1e2: {  	s25 =	sshll.u32 s12, $0x7;
	[tilespmem:s2+$0xE2EE] =	vst v57  }
0x1e3: {  	s28 =	sor.u32 $0x5, s17;
	[tilespmem:s2+$0xE2F1] =	vst v58;
	v58 =	vmov s25  }
0x1e4: {  	s23 =	sshll.u32 s28, $0x7  }
0x1e5: {  	[tilespmem:s7+$0xE2F1] =	vst v59;
	v59 =	vmov s23  }
0x1e6: {  	s30 =	sor.u32 $0x6, s17;
	v0 =	vadd.s32 v4, v0  }
0x1e7: {  	s22 =	sshll.u32 s30, $0x7  }
0x1e8: {  	s31 =	sor.u32 $0x7, s17;
	v60 =	vmov s22;
	v56 =	vld.idx.msk [tilespmem:v58+s9+$0x0], $0xffff  }
0x1e9: {  	s21 =	sshll.u32 s31, $0x7  }
0x1ea: {  	v61 =	vmov s21;
	v63 =	vld.idx.msk [tilespmem:v59+s9+$0x0], $0xffff  }
0x1eb: {  	v0 =	vld.idx.msk [tilespmem:v0+s3+$0x0], $0xffff  }
0x1ec: {  	v1 =	vor.u32 s24, v2  }
0x1ed: {  	v5 =	vmov v2;
	v2 =	vld.idx.msk [tilespmem:v60+s9+$0x0], $0xffff;
	v56 =	vadd.s32 v4, v56  }
0x1ee: {  	s26 =	smul.u32 $0x201, s4  }
0x1ef: {  	v3 =	vld.idx.msk [tilespmem:v61+s9+$0x0], $0xffff;
	v63 =	vadd.s32 v4, v63  }
0x1f0: {  	[tilespmem:s26+$0xE100] =	vst v0  }
0x1f1: {  	v0 =	vld.idx.msk [tilespmem:v1+s9+$0x0], $0xffff  }
0x1f2: {  	v2 =	vadd.s32 v4, v2;
	v1 =	vld.idx.msk [tilespmem:v56+s3+$0x0], $0xffff  }
0x1f3: {  	v56 =	vor.u32 s25, v5  }
0x1f4: {  	v3 =	vadd.s32 v4, v3;
	v63 =	vld.idx.msk [tilespmem:v63+s3+$0x0], $0xffff  }
0x1f5: {  	s29 =	smul.u32 $0x201, s12;
	v4 =	vor.u32 s23, v5  }
0x1f6: {  	v0 =	vadd.s32 v6, v0  }
0x1f7: {  	s28 =	smul.u32 $0x201, s28;
	[tilespmem:s29+$0xE100] =	vst v1;
	v1 =	vld.idx.msk [tilespmem:v2+s3+$0x0], $0xffff  }
0x1f8: {  	v2 =	vld.idx.msk [tilespmem:v56+s9+$0x0], $0xffff;
	v56 =	vor.u32 s22, v5  }
0x1f9: {  	v3 =	vld.idx.msk [tilespmem:v3+s3+$0x0], $0xffff;
	[tilespmem:s28+$0xE100] =	vst v63  }
0x1fa: {  	s30 =	smul.u32 $0x201, s30;
	v4 =	vld.idx.msk [tilespmem:v4+s9+$0x0], $0xffff  }
0x1fb: {  	v63 =	vor.u32 s21, v5;
	v0 =	vld.idx.msk [tilespmem:v0+s3+$0x0], $0xffff  }
0x1fc: {  	[tilespmem:s30+$0xE100] =	vst v1;
	v1 =	vor.u32 s24, v7  }
0x1fd: {  	s31 =	smul.u32 $0x201, s31;
	v2 =	vadd.s32 v6, v2;
	v56 =	vld.idx.msk [tilespmem:v56+s9+$0x0], $0xffff;
	_ =	sdelay $0x1  }
0x1fe: {  	s4 =	sand.u32 $0x7FF8, s26;
	[tilespmem:s31+$0xE100] =	vst v3  }
0x1ff: {  	v3 =	vadd.s32 v6, v4;
	v4 =	vld.idx.msk [tilespmem:v63+s9+$0x0], $0xffff;
	[tilespmem:s4+$0xE113] =	vst v0  }
0x200: {  	v0 =	vld.idx.msk [tilespmem:v1+s9+$0x0], $0xffff  }
0x201: {  	v1 =	vld.idx.msk [tilespmem:v2+s3+$0x0], $0xffff;
	v2 =	vadd.s32 v6, v56;
	_ =	sdelay $0x3  }
0x202: {  	s0 =	sand.u32 $0x7FF8, s29;
	v3 =	vld.idx.msk [tilespmem:v3+s3+$0x0], $0xffff;
	v4 =	vadd.s32 v6, v4  }
0x203: {  	[tilespmem:s0+$0xE114] =	vst v1;
	v1 =	vld.idx.msk [tilespmem:v2+s3+$0x0], $0xffff  }
0x204: {  	v56 =	vor.u32 s25, v7  }
0x205: {  	v63 =	vor.u32 s23, v7  }
0x206: {  	s7 =	sand.u32 $0x7FF8, s28  }
0x207: {  	s2 =	sand.u32 $0x7FF8, s30;
	v0 =	vadd.s32 v9, v0;
	[tilespmem:s7+$0xE115] =	vst v3;
	v3 =	vld.idx.msk [tilespmem:v4+s3+$0x0], $0xffff  }
0x208: {  	[tilespmem:s2+$0xE116] =	vst v1;
	v1 =	vld [tilespmem:$0x1FCD0]  }
0x209: {  	v2 =	vld.idx.msk [tilespmem:v56+s9+$0x0], $0xffff;
	v56 =	vor.u32 s22, v7  }
0x20a: {  	v4 =	vld.idx.msk [tilespmem:v63+s9+$0x0], $0xffff;
	v63 =	vor.u32 s21, v7;
	_ =	sdelay $0x1  }
0x20b: {  	v0 =	vld.idx.msk [tilespmem:v0+s3+$0x0], $0xffff  }
0x20c: {  	s12 =	sand.u32 $0x7FF8, s31;
	v1 =	vor.u32 s24, v1  }
0x20d: {  	[tilespmem:s12+$0xE117] =	vst v3;
	v2 =	vadd.s32 v9, v2;
	v56 =	vld.idx.msk [tilespmem:v56+s9+$0x0], $0xffff  }
0x20e: {  	v3 =	vadd.s32 v9, v4;
	v4 =	vld.idx.msk [tilespmem:v63+s9+$0x0], $0xffff;
	_ =	sdelay $0x1  }
0x20f: {  	v63 =	vld [tilespmem:$0x1FCD0];
	[tilespmem:s4+$0xE123] =	vst v0  }
0x210: {  	v0 =	vld.idx.msk [tilespmem:v1+s9+$0x0], $0xffff  }
0x211: {  	v1 =	vld.idx.msk [tilespmem:v2+s3+$0x0], $0xffff  }
0x212: {  	v4 =	vadd.s32 v9, v4;
	v2 =	vadd.s32 v9, v56;
	v9 =	vld [tilespmem:$0x1FCD0];
	_ =	sdelay $0x2  }
0x213: {  	v56 =	vor.u32 s25, v63  }
0x214: {  	v3 =	vld.idx.msk [tilespmem:v3+s3+$0x0], $0xffff  }
0x215: {  	v63 =	vor.u32 s23, v9  }
0x216: {  	v0 =	vadd.s32 v10, v0  }
0x217: {  	[tilespmem:s0+$0xE124] =	vst v1;
	v1 =	vld.idx.msk [tilespmem:v2+s3+$0x0], $0xffff  }
0x218: {  	v2 =	vld.idx.msk [tilespmem:v56+s9+$0x0], $0xffff;
	v56 =	vor.u32 s22, v9  }
0x219: {  	[tilespmem:s7+$0xE125] =	vst v3;
	v3 =	vld.idx.msk [tilespmem:v4+s3+$0x0], $0xffff  }
0x21a: {  	v4 =	vld.idx.msk [tilespmem:v63+s9+$0x0], $0xffff;
	v63 =	vor.u32 s21, v9  }
0x21b: {  	v0 =	vld.idx.msk [tilespmem:v0+s3+$0x0], $0xffff  }
0x21c: {  	[tilespmem:s2+$0xE126] =	vst v1;
	v1 =	vor.u32 s24, v11  }
0x21d: {  	v2 =	vadd.s32 v10, v2;
	v56 =	vld.idx.msk [tilespmem:v56+s9+$0x0], $0xffff  }
0x21e: {  	[tilespmem:s12+$0xE127] =	vst v3  }
0x21f: {  	v3 =	vadd.s32 v10, v4;
	v4 =	vld.idx.msk [tilespmem:v63+s9+$0x0], $0xffff  }
0x220: {  	[tilespmem:s4+$0xE133] =	vst v0  }
0x221: {  	v0 =	vld.idx.msk [tilespmem:v1+s9+$0x0], $0xffff  }
0x222: {  	v1 =	vld.idx.msk [tilespmem:v2+s3+$0x0], $0xffff;
	v2 =	vadd.s32 v10, v56  }
0x223: {  	v56 =	vor.u32 s25, v11  }
0x224: {  	v3 =	vld.idx.msk [tilespmem:v3+s3+$0x0], $0xffff;
	v4 =	vadd.s32 v10, v4  }
0x225: {  	v63 =	vor.u32 s23, v11  }
0x226: {  	v0 =	vadd.s32 v12, v0  }
0x227: {  	[tilespmem:s0+$0xE134] =	vst v1;
	v1 =	vld.idx.msk [tilespmem:v2+s3+$0x0], $0xffff  }
0x228: {  	v2 =	vld.idx.msk [tilespmem:v56+s9+$0x0], $0xffff;
	v56 =	vor.u32 s22, v11  }
0x229: {  	[tilespmem:s7+$0xE135] =	vst v3;
	v3 =	vld.idx.msk [tilespmem:v4+s3+$0x0], $0xffff  }
0x22a: {  	v4 =	vld.idx.msk [tilespmem:v63+s9+$0x0], $0xffff;
	v63 =	vor.u32 s21, v11  }
0x22b: {  	v0 =	vld.idx.msk [tilespmem:v0+s3+$0x0], $0xffff  }
0x22c: {  	[tilespmem:s2+$0xE136] =	vst v1;
	v1 =	vor.u32 s24, v13  }
0x22d: {  	v2 =	vadd.s32 v12, v2;
	v56 =	vld.idx.msk [tilespmem:v56+s9+$0x0], $0xffff  }
0x22e: {  	[tilespmem:s12+$0xE137] =	vst v3  }
0x22f: {  	v3 =	vadd.s32 v12, v4;
	v4 =	vld.idx.msk [tilespmem:v63+s9+$0x0], $0xffff  }
0x230: {  	[tilespmem:s4+$0xE143] =	vst v0  }
0x231: {  	v0 =	vld.idx.msk [tilespmem:v1+s9+$0x0], $0xffff  }
0x232: {  	v1 =	vld.idx.msk [tilespmem:v2+s3+$0x0], $0xffff;
	v2 =	vadd.s32 v12, v56  }
0x233: {  	v56 =	vor.u32 s25, v13  }
0x234: {  	v3 =	vld.idx.msk [tilespmem:v3+s3+$0x0], $0xffff;
	v4 =	vadd.s32 v12, v4  }
0x235: {  	v63 =	vor.u32 s23, v13  }
0x236: {  	v0 =	vadd.s32 v14, v0  }
0x237: {  	[tilespmem:s0+$0xE144] =	vst v1;
	v1 =	vld.idx.msk [tilespmem:v2+s3+$0x0], $0xffff  }
0x238: {  	v2 =	vld.idx.msk [tilespmem:v56+s9+$0x0], $0xffff;
	v56 =	vor.u32 s22, v13  }
0x239: {  	[tilespmem:s7+$0xE145] =	vst v3;
	v3 =	vld.idx.msk [tilespmem:v4+s3+$0x0], $0xffff  }
0x23a: {  	v4 =	vld.idx.msk [tilespmem:v63+s9+$0x0], $0xffff;
	v63 =	vor.u32 s21, v13  }
0x23b: {  	v0 =	vld.idx.msk [tilespmem:v0+s3+$0x0], $0xffff  }
0x23c: {  	[tilespmem:s2+$0xE146] =	vst v1;
	v1 =	vor.u32 $0x5, v62  }
0x23d: {  	v2 =	vadd.s32 v14, v2;
	v56 =	vld.idx.msk [tilespmem:v56+s9+$0x0], $0xffff  }
0x23e: {  	[tilespmem:s12+$0xE147] =	vst v3  }
0x23f: {  	v3 =	vadd.s32 v14, v4;
	v4 =	vld.idx.msk [tilespmem:v63+s9+$0x0], $0xffff  }
0x240: {  	[tilespmem:s4+$0xE153] =	vst v0  }
0x241: {  	v0 =	vld.idx.msk [tilespmem:v1+s9+$0x0], $0xffff  }
0x242: {  	v1 =	vld.idx.msk [tilespmem:v2+s3+$0x0], $0xffff;
	v2 =	vadd.s32 v14, v56  }
0x243: {  	v56 =	vor.u32 $0x5, v58  }
0x244: {  	v3 =	vld.idx.msk [tilespmem:v3+s3+$0x0], $0xffff;
	v4 =	vadd.s32 v14, v4  }
0x245: {  	v63 =	vor.u32 $0x5, v59  }
0x246: {  	v0 =	vadd.s32 v15, v0  }
0x247: {  	[tilespmem:s0+$0xE154] =	vst v1;
	v1 =	vld.idx.msk [tilespmem:v2+s3+$0x0], $0xffff  }
0x248: {  	v2 =	vld.idx.msk [tilespmem:v56+s9+$0x0], $0xffff;
	v56 =	vor.u32 $0x5, v60  }
0x249: {  	[tilespmem:s7+$0xE155] =	vst v3;
	v3 =	vld.idx.msk [tilespmem:v4+s3+$0x0], $0xffff  }
0x24a: {  	v4 =	vld.idx.msk [tilespmem:v63+s9+$0x0], $0xffff;
	v63 =	vor.u32 $0x5, v61  }
0x24b: {  	v0 =	vld.idx.msk [tilespmem:v0+s3+$0x0], $0xffff  }
0x24c: {  	[tilespmem:s2+$0xE156] =	vst v1;
	v1 =	vor.u32 s24, v16  }
0x24d: {  	v2 =	vadd.s32 v15, v2;
	v56 =	vld.idx.msk [tilespmem:v56+s9+$0x0], $0xffff  }
0x24e: {  	[tilespmem:s12+$0xE157] =	vst v3  }
0x24f: {  	v3 =	vadd.s32 v15, v4;
	v4 =	vld.idx.msk [tilespmem:v63+s9+$0x0], $0xffff  }
0x250: {  	[tilespmem:s4+$0xE163] =	vst v0  }
0x251: {  	v0 =	vld.idx.msk [tilespmem:v1+s9+$0x0], $0xffff  }
0x252: {  	v1 =	vld.idx.msk [tilespmem:v2+s3+$0x0], $0xffff;
	v2 =	vadd.s32 v15, v56  }
0x253: {  	v56 =	vor.u32 s25, v16  }
0x254: {  	v3 =	vld.idx.msk [tilespmem:v3+s3+$0x0], $0xffff;
	v4 =	vadd.s32 v15, v4  }
0x255: {  	v63 =	vor.u32 s23, v16  }
0x256: {  	v0 =	vadd.s32 v17, v0  }
0x257: {  	[tilespmem:s0+$0xE164] =	vst v1;
	v1 =	vld.idx.msk [tilespmem:v2+s3+$0x0], $0xffff  }
0x258: {  	v2 =	vld.idx.msk [tilespmem:v56+s9+$0x0], $0xffff;
	v56 =	vor.u32 s22, v16  }
0x259: {  	[tilespmem:s7+$0xE165] =	vst v3;
	v3 =	vld.idx.msk [tilespmem:v4+s3+$0x0], $0xffff  }
0x25a: {  	v4 =	vld.idx.msk [tilespmem:v63+s9+$0x0], $0xffff;
	v63 =	vor.u32 s21, v16  }
0x25b: {  	v0 =	vld.idx.msk [tilespmem:v0+s3+$0x0], $0xffff  }
0x25c: {  	[tilespmem:s2+$0xE166] =	vst v1;
	v1 =	vor.u32 s24, v18  }
0x25d: {  	v2 =	vadd.s32 v17, v2;
	v56 =	vld.idx.msk [tilespmem:v56+s9+$0x0], $0xffff  }
0x25e: {  	[tilespmem:s12+$0xE167] =	vst v3  }
0x25f: {  	v3 =	vadd.s32 v17, v4;
	v4 =	vld.idx.msk [tilespmem:v63+s9+$0x0], $0xffff  }
0x260: {  	[tilespmem:s4+$0xE173] =	vst v0  }
0x261: {  	v0 =	vld.idx.msk [tilespmem:v1+s9+$0x0], $0xffff  }
0x262: {  	v1 =	vld.idx.msk [tilespmem:v2+s3+$0x0], $0xffff;
	v2 =	vadd.s32 v17, v56  }
0x263: {  	v56 =	vor.u32 s25, v18  }
0x264: {  	v3 =	vld.idx.msk [tilespmem:v3+s3+$0x0], $0xffff;
	v4 =	vadd.s32 v17, v4  }
0x265: {  	v63 =	vor.u32 s23, v18  }
0x266: {  	v0 =	vadd.s32 v19, v0  }
0x267: {  	[tilespmem:s0+$0xE174] =	vst v1;
	v1 =	vld.idx.msk [tilespmem:v2+s3+$0x0], $0xffff  }
0x268: {  	v2 =	vld.idx.msk [tilespmem:v56+s9+$0x0], $0xffff;
	v56 =	vor.u32 s22, v18  }
0x269: {  	[tilespmem:s7+$0xE175] =	vst v3;
	v3 =	vld.idx.msk [tilespmem:v4+s3+$0x0], $0xffff  }
0x26a: {  	v4 =	vld.idx.msk [tilespmem:v63+s9+$0x0], $0xffff;
	v63 =	vor.u32 s21, v18  }
0x26b: {  	v0 =	vld.idx.msk [tilespmem:v0+s3+$0x0], $0xffff  }
0x26c: {  	[tilespmem:s2+$0xE176] =	vst v1;
	v1 =	vor.u32 s24, v20  }
0x26d: {  	v2 =	vadd.s32 v19, v2;
	v56 =	vld.idx.msk [tilespmem:v56+s9+$0x0], $0xffff  }
0x26e: {  	[tilespmem:s12+$0xE177] =	vst v3  }
0x26f: {  	v3 =	vadd.s32 v19, v4;
	v4 =	vld.idx.msk [tilespmem:v63+s9+$0x0], $0xffff  }
0x270: {  	[tilespmem:s4+$0xE183] =	vst v0  }
0x271: {  	v0 =	vld.idx.msk [tilespmem:v1+s9+$0x0], $0xffff  }
0x272: {  	v1 =	vld.idx.msk [tilespmem:v2+s3+$0x0], $0xffff;
	v2 =	vadd.s32 v19, v56  }
0x273: {  	v56 =	vor.u32 s25, v20  }
0x274: {  	v3 =	vld.idx.msk [tilespmem:v3+s3+$0x0], $0xffff;
	v4 =	vadd.s32 v19, v4  }
0x275: {  	v63 =	vor.u32 s23, v20  }
0x276: {  	v0 =	vadd.s32 v21, v0  }
0x277: {  	[tilespmem:s0+$0xE184] =	vst v1;
	v1 =	vld.idx.msk [tilespmem:v2+s3+$0x0], $0xffff  }
0x278: {  	v2 =	vld.idx.msk [tilespmem:v56+s9+$0x0], $0xffff;
	v56 =	vor.u32 s22, v20  }
0x279: {  	[tilespmem:s7+$0xE185] =	vst v3;
	v3 =	vld.idx.msk [tilespmem:v4+s3+$0x0], $0xffff  }
0x27a: {  	v4 =	vld.idx.msk [tilespmem:v63+s9+$0x0], $0xffff;
	v63 =	vor.u32 s21, v20  }
0x27b: {  	v0 =	vld.idx.msk [tilespmem:v0+s3+$0x0], $0xffff  }
0x27c: {  	[tilespmem:s2+$0xE186] =	vst v1;
	v1 =	vor.u32 s24, v22  }
0x27d: {  	v2 =	vadd.s32 v21, v2;
	v56 =	vld.idx.msk [tilespmem:v56+s9+$0x0], $0xffff  }
0x27e: {  	[tilespmem:s12+$0xE187] =	vst v3  }
0x27f: {  	v3 =	vadd.s32 v21, v4;
	v4 =	vld.idx.msk [tilespmem:v63+s9+$0x0], $0xffff  }
0x280: {  	[tilespmem:s4+$0xE193] =	vst v0  }
0x281: {  	v0 =	vld.idx.msk [tilespmem:v1+s9+$0x0], $0xffff  }
0x282: {  	v1 =	vld.idx.msk [tilespmem:v2+s3+$0x0], $0xffff;
	v2 =	vadd.s32 v21, v56  }
0x283: {  	v56 =	vor.u32 s25, v22  }
0x284: {  	v3 =	vld.idx.msk [tilespmem:v3+s3+$0x0], $0xffff;
	v4 =	vadd.s32 v21, v4  }
0x285: {  	v63 =	vor.u32 s23, v22  }
0x286: {  	v0 =	vadd.s32 v23, v0  }
0x287: {  	[tilespmem:s0+$0xE194] =	vst v1;
	v1 =	vld.idx.msk [tilespmem:v2+s3+$0x0], $0xffff  }
0x288: {  	v2 =	vld.idx.msk [tilespmem:v56+s9+$0x0], $0xffff;
	v56 =	vor.u32 s22, v22  }
0x289: {  	[tilespmem:s7+$0xE195] =	vst v3;
	v3 =	vld.idx.msk [tilespmem:v4+s3+$0x0], $0xffff  }
0x28a: {  	v4 =	vld.idx.msk [tilespmem:v63+s9+$0x0], $0xffff;
	v63 =	vor.u32 s21, v22  }
0x28b: {  	v0 =	vld.idx.msk [tilespmem:v0+s3+$0x0], $0xffff  }
0x28c: {  	[tilespmem:s2+$0xE196] =	vst v1;
	v1 =	vor.u32 s24, v24  }
0x28d: {  	v2 =	vadd.s32 v23, v2;
	v56 =	vld.idx.msk [tilespmem:v56+s9+$0x0], $0xffff  }
0x28e: {  	[tilespmem:s12+$0xE197] =	vst v3  }
0x28f: {  	v3 =	vadd.s32 v23, v4;
	v4 =	vld.idx.msk [tilespmem:v63+s9+$0x0], $0xffff  }
0x290: {  	[tilespmem:s4+$0xE1A3] =	vst v0  }
0x291: {  	v0 =	vld.idx.msk [tilespmem:v1+s9+$0x0], $0xffff  }
0x292: {  	v1 =	vld.idx.msk [tilespmem:v2+s3+$0x0], $0xffff;
	v2 =	vadd.s32 v23, v56  }
0x293: {  	v56 =	vor.u32 s25, v24  }
0x294: {  	v3 =	vld.idx.msk [tilespmem:v3+s3+$0x0], $0xffff;
	v4 =	vadd.s32 v23, v4  }
0x295: {  	v63 =	vor.u32 s23, v24  }
0x296: {  	v0 =	vadd.s32 v25, v0  }
0x297: {  	[tilespmem:s0+$0xE1A4] =	vst v1;
	v1 =	vld.idx.msk [tilespmem:v2+s3+$0x0], $0xffff  }
0x298: {  	v2 =	vld.idx.msk [tilespmem:v56+s9+$0x0], $0xffff;
	v56 =	vor.u32 s22, v24  }
0x299: {  	[tilespmem:s7+$0xE1A5] =	vst v3;
	v3 =	vld.idx.msk [tilespmem:v4+s3+$0x0], $0xffff  }
0x29a: {  	v4 =	vld.idx.msk [tilespmem:v63+s9+$0x0], $0xffff;
	v63 =	vor.u32 s21, v24  }
0x29b: {  	v0 =	vld.idx.msk [tilespmem:v0+s3+$0x0], $0xffff  }
0x29c: {  	[tilespmem:s2+$0xE1A6] =	vst v1;
	v1 =	vor.u32 $0xA, v62  }
0x29d: {  	v2 =	vadd.s32 v25, v2;
	v56 =	vld.idx.msk [tilespmem:v56+s9+$0x0], $0xffff  }
0x29e: {  	[tilespmem:s12+$0xE1A7] =	vst v3  }
0x29f: {  	v3 =	vadd.s32 v25, v4;
	v4 =	vld.idx.msk [tilespmem:v63+s9+$0x0], $0xffff  }
0x2a0: {  	[tilespmem:s4+$0xE1B3] =	vst v0  }
0x2a1: {  	v0 =	vld.idx.msk [tilespmem:v1+s9+$0x0], $0xffff  }
0x2a2: {  	v1 =	vld.idx.msk [tilespmem:v2+s3+$0x0], $0xffff;
	v2 =	vadd.s32 v25, v56  }
0x2a3: {  	v56 =	vor.u32 $0xA, v58  }
0x2a4: {  	v3 =	vld.idx.msk [tilespmem:v3+s3+$0x0], $0xffff;
	v4 =	vadd.s32 v25, v4  }
0x2a5: {  	v63 =	vor.u32 $0xA, v59  }
0x2a6: {  	v0 =	vadd.s32 v26, v0  }
0x2a7: {  	[tilespmem:s0+$0xE1B4] =	vst v1;
	v1 =	vld.idx.msk [tilespmem:v2+s3+$0x0], $0xffff  }
0x2a8: {  	v2 =	vld.idx.msk [tilespmem:v56+s9+$0x0], $0xffff;
	v56 =	vor.u32 $0xA, v60  }
0x2a9: {  	[tilespmem:s7+$0xE1B5] =	vst v3;
	v3 =	vld.idx.msk [tilespmem:v4+s3+$0x0], $0xffff  }
0x2aa: {  	v4 =	vld.idx.msk [tilespmem:v63+s9+$0x0], $0xffff;
	v63 =	vor.u32 $0xA, v61  }
0x2ab: {  	v0 =	vld.idx.msk [tilespmem:v0+s3+$0x0], $0xffff  }
0x2ac: {  	[tilespmem:s2+$0xE1B6] =	vst v1;
	v1 =	vor.u32 s24, v27  }
0x2ad: {  	v2 =	vadd.s32 v26, v2;
	v56 =	vld.idx.msk [tilespmem:v56+s9+$0x0], $0xffff  }
0x2ae: {  	[tilespmem:s12+$0xE1B7] =	vst v3  }
0x2af: {  	v3 =	vadd.s32 v26, v4;
	v4 =	vld.idx.msk [tilespmem:v63+s9+$0x0], $0xffff  }
0x2b0: {  	[tilespmem:s4+$0xE1C3] =	vst v0  }
0x2b1: {  	v0 =	vld.idx.msk [tilespmem:v1+s9+$0x0], $0xffff  }
0x2b2: {  	v1 =	vld.idx.msk [tilespmem:v2+s3+$0x0], $0xffff;
	v2 =	vadd.s32 v26, v56  }
0x2b3: {  	v56 =	vor.u32 s25, v27  }
0x2b4: {  	v3 =	vld.idx.msk [tilespmem:v3+s3+$0x0], $0xffff;
	v4 =	vadd.s32 v26, v4  }
0x2b5: {  	v63 =	vor.u32 s23, v27  }
0x2b6: {  	v0 =	vadd.s32 v29, v0  }
0x2b7: {  	[tilespmem:s0+$0xE1C4] =	vst v1;
	v1 =	vld.idx.msk [tilespmem:v2+s3+$0x0], $0xffff  }
0x2b8: {  	v2 =	vld.idx.msk [tilespmem:v56+s9+$0x0], $0xffff;
	v56 =	vor.u32 s22, v27  }
0x2b9: {  	[tilespmem:s7+$0xE1C5] =	vst v3;
	v3 =	vld.idx.msk [tilespmem:v4+s3+$0x0], $0xffff  }
0x2ba: {  	v4 =	vld.idx.msk [tilespmem:v63+s9+$0x0], $0xffff;
	v63 =	vor.u32 s21, v27  }
0x2bb: {  	v0 =	vld.idx.msk [tilespmem:v0+s3+$0x0], $0xffff  }
0x2bc: {  	[tilespmem:s2+$0xE1C6] =	vst v1;
	v1 =	vor.u32 s24, v28  }
0x2bd: {  	v2 =	vadd.s32 v29, v2;
	v56 =	vld.idx.msk [tilespmem:v56+s9+$0x0], $0xffff  }
0x2be: {  	[tilespmem:s12+$0xE1C7] =	vst v3  }
0x2bf: {  	v3 =	vadd.s32 v29, v4;
	v4 =	vld.idx.msk [tilespmem:v63+s9+$0x0], $0xffff  }
0x2c0: {  	[tilespmem:s4+$0xE1D3] =	vst v0  }
0x2c1: {  	v0 =	vld.idx.msk [tilespmem:v1+s9+$0x0], $0xffff  }
0x2c2: {  	v1 =	vld.idx.msk [tilespmem:v2+s3+$0x0], $0xffff;
	v2 =	vadd.s32 v29, v56  }
0x2c3: {  	v56 =	vor.u32 s25, v28  }
0x2c4: {  	v3 =	vld.idx.msk [tilespmem:v3+s3+$0x0], $0xffff;
	v4 =	vadd.s32 v29, v4  }
0x2c5: {  	v63 =	vor.u32 s23, v28  }
0x2c6: {  	v0 =	vadd.s32 v30, v0  }
0x2c7: {  	[tilespmem:s0+$0xE1D4] =	vst v1;
	v1 =	vld.idx.msk [tilespmem:v2+s3+$0x0], $0xffff  }
0x2c8: {  	v2 =	vld.idx.msk [tilespmem:v56+s9+$0x0], $0xffff;
	v56 =	vor.u32 s22, v28  }
0x2c9: {  	[tilespmem:s7+$0xE1D5] =	vst v3;
	v3 =	vld.idx.msk [tilespmem:v4+s3+$0x0], $0xffff  }
0x2ca: {  	v4 =	vld.idx.msk [tilespmem:v63+s9+$0x0], $0xffff;
	v63 =	vor.u32 s21, v28  }
0x2cb: {  	v0 =	vld.idx.msk [tilespmem:v0+s3+$0x0], $0xffff  }
0x2cc: {  	[tilespmem:s2+$0xE1D6] =	vst v1;
	v1 =	vor.u32 s24, v31  }
0x2cd: {  	v2 =	vadd.s32 v30, v2;
	v56 =	vld.idx.msk [tilespmem:v56+s9+$0x0], $0xffff  }
0x2ce: {  	[tilespmem:s12+$0xE1D7] =	vst v3  }
0x2cf: {  	v3 =	vadd.s32 v30, v4;
	v4 =	vld.idx.msk [tilespmem:v63+s9+$0x0], $0xffff  }
0x2d0: {  	[tilespmem:s4+$0xE1E3] =	vst v0  }
0x2d1: {  	v0 =	vld.idx.msk [tilespmem:v1+s9+$0x0], $0xffff  }
0x2d2: {  	v1 =	vld.idx.msk [tilespmem:v2+s3+$0x0], $0xffff;
	v2 =	vadd.s32 v30, v56  }
0x2d3: {  	v56 =	vor.u32 s25, v31  }
0x2d4: {  	v3 =	vld.idx.msk [tilespmem:v3+s3+$0x0], $0xffff;
	v4 =	vadd.s32 v30, v4  }
0x2d5: {  	v63 =	vor.u32 s23, v31  }
0x2d6: {  	v0 =	vadd.s32 v32, v0  }
0x2d7: {  	[tilespmem:s0+$0xE1E4] =	vst v1;
	v1 =	vld.idx.msk [tilespmem:v2+s3+$0x0], $0xffff  }
0x2d8: {  	v2 =	vld.idx.msk [tilespmem:v56+s9+$0x0], $0xffff;
	v56 =	vor.u32 s22, v31  }
0x2d9: {  	[tilespmem:s7+$0xE1E5] =	vst v3;
	v3 =	vld.idx.msk [tilespmem:v4+s3+$0x0], $0xffff  }
0x2da: {  	v4 =	vld.idx.msk [tilespmem:v63+s9+$0x0], $0xffff;
	v63 =	vor.u32 s21, v31  }
0x2db: {  	v0 =	vld.idx.msk [tilespmem:v0+s3+$0x0], $0xffff  }
0x2dc: {  	[tilespmem:s2+$0xE1E6] =	vst v1;
	v1 =	vor.u32 s24, v33  }
0x2dd: {  	v2 =	vadd.s32 v32, v2;
	v56 =	vld.idx.msk [tilespmem:v56+s9+$0x0], $0xffff  }
0x2de: {  	[tilespmem:s12+$0xE1E7] =	vst v3  }
0x2df: {  	v3 =	vadd.s32 v32, v4;
	v4 =	vld.idx.msk [tilespmem:v63+s9+$0x0], $0xffff  }
0x2e0: {  	[tilespmem:s4+$0xE1F3] =	vst v0  }
0x2e1: {  	v0 =	vld.idx.msk [tilespmem:v1+s9+$0x0], $0xffff  }
0x2e2: {  	v1 =	vld.idx.msk [tilespmem:v2+s3+$0x0], $0xffff;
	v2 =	vadd.s32 v32, v56  }
0x2e3: {  	v56 =	vor.u32 s25, v33  }
0x2e4: {  	v3 =	vld.idx.msk [tilespmem:v3+s3+$0x0], $0xffff;
	v4 =	vadd.s32 v32, v4  }
0x2e5: {  	v63 =	vor.u32 s23, v33  }
0x2e6: {  	v0 =	vadd.s32 v34, v0  }
0x2e7: {  	[tilespmem:s0+$0xE1F4] =	vst v1;
	v1 =	vld.idx.msk [tilespmem:v2+s3+$0x0], $0xffff  }
0x2e8: {  	v2 =	vld.idx.msk [tilespmem:v56+s9+$0x0], $0xffff;
	v56 =	vor.u32 s22, v33  }
0x2e9: {  	[tilespmem:s7+$0xE1F5] =	vst v3;
	v3 =	vld.idx.msk [tilespmem:v4+s3+$0x0], $0xffff  }
0x2ea: {  	v4 =	vld.idx.msk [tilespmem:v63+s9+$0x0], $0xffff;
	v63 =	vor.u32 s21, v33  }
0x2eb: {  	v0 =	vld.idx.msk [tilespmem:v0+s3+$0x0], $0xffff  }
0x2ec: {  	[tilespmem:s2+$0xE1F6] =	vst v1;
	v1 =	vor.u32 s24, v35  }
0x2ed: {  	v2 =	vadd.s32 v34, v2;
	v56 =	vld.idx.msk [tilespmem:v56+s9+$0x0], $0xffff  }
0x2ee: {  	[tilespmem:s12+$0xE1F7] =	vst v3  }
0x2ef: {  	v3 =	vadd.s32 v34, v4;
	v4 =	vld.idx.msk [tilespmem:v63+s9+$0x0], $0xffff  }
0x2f0: {  	[tilespmem:s4+$0xE203] =	vst v0  }
0x2f1: {  	v0 =	vld.idx.msk [tilespmem:v1+s9+$0x0], $0xffff  }
0x2f2: {  	v1 =	vld.idx.msk [tilespmem:v2+s3+$0x0], $0xffff;
	v2 =	vadd.s32 v34, v56  }
0x2f3: {  	v56 =	vor.u32 s25, v35  }
0x2f4: {  	v3 =	vld.idx.msk [tilespmem:v3+s3+$0x0], $0xffff;
	v4 =	vadd.s32 v34, v4  }
0x2f5: {  	v63 =	vor.u32 s23, v35  }
0x2f6: {  	v0 =	vadd.s32 v36, v0  }
0x2f7: {  	[tilespmem:s0+$0xE204] =	vst v1;
	v1 =	vld.idx.msk [tilespmem:v2+s3+$0x0], $0xffff  }
0x2f8: {  	v2 =	vld.idx.msk [tilespmem:v56+s9+$0x0], $0xffff;
	v56 =	vor.u32 s22, v35  }
0x2f9: {  	[tilespmem:s7+$0xE205] =	vst v3;
	v3 =	vld.idx.msk [tilespmem:v4+s3+$0x0], $0xffff  }
0x2fa: {  	v4 =	vld.idx.msk [tilespmem:v63+s9+$0x0], $0xffff;
	v63 =	vor.u32 s21, v35  }
0x2fb: {  	v0 =	vld.idx.msk [tilespmem:v0+s3+$0x0], $0xffff  }
0x2fc: {  	[tilespmem:s2+$0xE206] =	vst v1;
	v1 =	vor.u32 $0xF, v62  }
0x2fd: {  	v2 =	vadd.s32 v36, v2;
	v56 =	vld.idx.msk [tilespmem:v56+s9+$0x0], $0xffff  }
0x2fe: {  	[tilespmem:s12+$0xE207] =	vst v3  }
0x2ff: {  	v3 =	vadd.s32 v36, v4;
	v4 =	vld.idx.msk [tilespmem:v63+s9+$0x0], $0xffff  }
0x300: {  	[tilespmem:s4+$0xE213] =	vst v0  }
0x301: {  	v0 =	vld.idx.msk [tilespmem:v1+s9+$0x0], $0xffff  }
0x302: {  	v1 =	vld.idx.msk [tilespmem:v2+s3+$0x0], $0xffff;
	v2 =	vadd.s32 v36, v56  }
0x303: {  	v56 =	vor.u32 $0xF, v58  }
0x304: {  	v3 =	vld.idx.msk [tilespmem:v3+s3+$0x0], $0xffff;
	v4 =	vadd.s32 v36, v4  }
0x305: {  	v63 =	vor.u32 $0xF, v59  }
0x306: {  	v0 =	vadd.s32 v37, v0  }
0x307: {  	[tilespmem:s0+$0xE214] =	vst v1;
	v1 =	vld.idx.msk [tilespmem:v2+s3+$0x0], $0xffff  }
0x308: {  	v2 =	vld.idx.msk [tilespmem:v56+s9+$0x0], $0xffff;
	v56 =	vor.u32 $0xF, v60  }
0x309: {  	[tilespmem:s7+$0xE215] =	vst v3;
	v3 =	vld.idx.msk [tilespmem:v4+s3+$0x0], $0xffff  }
0x30a: {  	v4 =	vld.idx.msk [tilespmem:v63+s9+$0x0], $0xffff;
	v63 =	vor.u32 $0xF, v61  }
0x30b: {  	v0 =	vld.idx.msk [tilespmem:v0+s3+$0x0], $0xffff  }
0x30c: {  	[tilespmem:s2+$0xE216] =	vst v1;
	v1 =	vor.u32 $0x10, v62  }
0x30d: {  	v2 =	vadd.s32 v37, v2;
	v56 =	vld.idx.msk [tilespmem:v56+s9+$0x0], $0xffff  }
0x30e: {  	[tilespmem:s12+$0xE217] =	vst v3  }
0x30f: {  	v3 =	vadd.s32 v37, v4;
	v4 =	vld.idx.msk [tilespmem:v63+s9+$0x0], $0xffff  }
0x310: {  	[tilespmem:s4+$0xE223] =	vst v0  }
0x311: {  	v0 =	vld.idx.msk [tilespmem:v1+s9+$0x0], $0xffff  }
0x312: {  	v1 =	vld.idx.msk [tilespmem:v2+s3+$0x0], $0xffff;
	v2 =	vadd.s32 v37, v56  }
0x313: {  	v56 =	vor.u32 $0x10, v58  }
0x314: {  	v3 =	vld.idx.msk [tilespmem:v3+s3+$0x0], $0xffff;
	v4 =	vadd.s32 v37, v4  }
0x315: {  	v63 =	vor.u32 $0x10, v59  }
0x316: {  	v0 =	vadd.s32 v38, v0  }
0x317: {  	[tilespmem:s0+$0xE224] =	vst v1;
	v1 =	vld.idx.msk [tilespmem:v2+s3+$0x0], $0xffff  }
0x318: {  	v2 =	vld.idx.msk [tilespmem:v56+s9+$0x0], $0xffff;
	v56 =	vor.u32 $0x10, v60  }
0x319: {  	[tilespmem:s7+$0xE225] =	vst v3;
	v3 =	vld.idx.msk [tilespmem:v4+s3+$0x0], $0xffff  }
0x31a: {  	v4 =	vld.idx.msk [tilespmem:v63+s9+$0x0], $0xffff;
	v63 =	vor.u32 $0x10, v61  }
0x31b: {  	v0 =	vld.idx.msk [tilespmem:v0+s3+$0x0], $0xffff  }
0x31c: {  	[tilespmem:s2+$0xE226] =	vst v1;
	v1 =	vor.u32 s24, v39  }
0x31d: {  	v2 =	vadd.s32 v38, v2;
	v56 =	vld.idx.msk [tilespmem:v56+s9+$0x0], $0xffff  }
0x31e: {  	[tilespmem:s12+$0xE227] =	vst v3  }
0x31f: {  	v3 =	vadd.s32 v38, v4;
	v4 =	vld.idx.msk [tilespmem:v63+s9+$0x0], $0xffff  }
0x320: {  	[tilespmem:s4+$0xE233] =	vst v0  }
0x321: {  	v0 =	vld.idx.msk [tilespmem:v1+s9+$0x0], $0xffff  }
0x322: {  	v1 =	vld.idx.msk [tilespmem:v2+s3+$0x0], $0xffff;
	v2 =	vadd.s32 v38, v56  }
0x323: {  	v56 =	vor.u32 s25, v39  }
0x324: {  	v3 =	vld.idx.msk [tilespmem:v3+s3+$0x0], $0xffff;
	v4 =	vadd.s32 v38, v4  }
0x325: {  	v63 =	vor.u32 s23, v39  }
0x326: {  	v0 =	vadd.s32 v40, v0  }
0x327: {  	[tilespmem:s0+$0xE234] =	vst v1;
	v1 =	vld.idx.msk [tilespmem:v2+s3+$0x0], $0xffff  }
0x328: {  	v2 =	vld.idx.msk [tilespmem:v56+s9+$0x0], $0xffff;
	v56 =	vor.u32 s22, v39  }
0x329: {  	[tilespmem:s7+$0xE235] =	vst v3;
	v3 =	vld.idx.msk [tilespmem:v4+s3+$0x0], $0xffff  }
0x32a: {  	v4 =	vld.idx.msk [tilespmem:v63+s9+$0x0], $0xffff;
	v63 =	vor.u32 s21, v39  }
0x32b: {  	v0 =	vld.idx.msk [tilespmem:v0+s3+$0x0], $0xffff  }
0x32c: {  	[tilespmem:s2+$0xE236] =	vst v1;
	v1 =	vor.u32 s24, v41  }
0x32d: {  	v2 =	vadd.s32 v40, v2;
	v56 =	vld.idx.msk [tilespmem:v56+s9+$0x0], $0xffff  }
0x32e: {  	[tilespmem:s12+$0xE237] =	vst v3  }
0x32f: {  	v3 =	vadd.s32 v40, v4;
	v4 =	vld.idx.msk [tilespmem:v63+s9+$0x0], $0xffff  }
0x330: {  	[tilespmem:s4+$0xE243] =	vst v0  }
0x331: {  	v0 =	vld.idx.msk [tilespmem:v1+s9+$0x0], $0xffff  }
0x332: {  	v1 =	vld.idx.msk [tilespmem:v2+s3+$0x0], $0xffff;
	v2 =	vadd.s32 v40, v56  }
0x333: {  	v56 =	vor.u32 s25, v41  }
0x334: {  	v3 =	vld.idx.msk [tilespmem:v3+s3+$0x0], $0xffff;
	v4 =	vadd.s32 v40, v4  }
0x335: {  	v63 =	vor.u32 s23, v41  }
0x336: {  	v0 =	vadd.s32 v42, v0  }
0x337: {  	[tilespmem:s0+$0xE244] =	vst v1;
	v1 =	vld.idx.msk [tilespmem:v2+s3+$0x0], $0xffff  }
0x338: {  	v2 =	vld.idx.msk [tilespmem:v56+s9+$0x0], $0xffff;
	v56 =	vor.u32 s22, v41  }
0x339: {  	[tilespmem:s7+$0xE245] =	vst v3;
	v3 =	vld.idx.msk [tilespmem:v4+s3+$0x0], $0xffff  }
0x33a: {  	v4 =	vld.idx.msk [tilespmem:v63+s9+$0x0], $0xffff;
	v63 =	vor.u32 s21, v41  }
0x33b: {  	v0 =	vld.idx.msk [tilespmem:v0+s3+$0x0], $0xffff  }
0x33c: {  	[tilespmem:s2+$0xE246] =	vst v1;
	v1 =	vor.u32 s24, v43  }
0x33d: {  	v2 =	vadd.s32 v42, v2;
	v56 =	vld.idx.msk [tilespmem:v56+s9+$0x0], $0xffff  }
0x33e: {  	[tilespmem:s12+$0xE247] =	vst v3  }
0x33f: {  	v3 =	vadd.s32 v42, v4;
	v4 =	vld.idx.msk [tilespmem:v63+s9+$0x0], $0xffff  }
0x340: {  	[tilespmem:s4+$0xE253] =	vst v0  }
0x341: {  	v0 =	vld.idx.msk [tilespmem:v1+s9+$0x0], $0xffff  }
0x342: {  	v1 =	vld.idx.msk [tilespmem:v2+s3+$0x0], $0xffff;
	v2 =	vadd.s32 v42, v56  }
0x343: {  	v56 =	vor.u32 s25, v43  }
0x344: {  	v3 =	vld.idx.msk [tilespmem:v3+s3+$0x0], $0xffff;
	v4 =	vadd.s32 v42, v4  }
0x345: {  	v63 =	vor.u32 s23, v43  }
0x346: {  	v0 =	vadd.s32 v44, v0  }
0x347: {  	[tilespmem:s0+$0xE254] =	vst v1;
	v1 =	vld.idx.msk [tilespmem:v2+s3+$0x0], $0xffff  }
0x348: {  	v2 =	vld.idx.msk [tilespmem:v56+s9+$0x0], $0xffff;
	v56 =	vor.u32 s22, v43  }
0x349: {  	[tilespmem:s7+$0xE255] =	vst v3;
	v3 =	vld.idx.msk [tilespmem:v4+s3+$0x0], $0xffff  }
0x34a: {  	v4 =	vld.idx.msk [tilespmem:v63+s9+$0x0], $0xffff;
	v63 =	vor.u32 s21, v43  }
0x34b: {  	v0 =	vld.idx.msk [tilespmem:v0+s3+$0x0], $0xffff  }
0x34c: {  	[tilespmem:s2+$0xE256] =	vst v1;
	v1 =	vor.u32 s24, v45  }
0x34d: {  	v2 =	vadd.s32 v44, v2;
	v56 =	vld.idx.msk [tilespmem:v56+s9+$0x0], $0xffff  }
0x34e: {  	[tilespmem:s12+$0xE257] =	vst v3  }
0x34f: {  	v3 =	vadd.s32 v44, v4;
	v4 =	vld.idx.msk [tilespmem:v63+s9+$0x0], $0xffff  }
0x350: {  	[tilespmem:s4+$0xE263] =	vst v0  }
0x351: {  	v0 =	vld.idx.msk [tilespmem:v1+s9+$0x0], $0xffff  }
0x352: {  	v1 =	vld.idx.msk [tilespmem:v2+s3+$0x0], $0xffff;
	v2 =	vadd.s32 v44, v56  }
0x353: {  	v56 =	vor.u32 s25, v45  }
0x354: {  	v3 =	vld.idx.msk [tilespmem:v3+s3+$0x0], $0xffff;
	v4 =	vadd.s32 v44, v4  }
0x355: {  	v63 =	vor.u32 s23, v45  }
0x356: {  	v0 =	vadd.s32 v46, v0  }
0x357: {  	[tilespmem:s0+$0xE264] =	vst v1;
	v1 =	vld.idx.msk [tilespmem:v2+s3+$0x0], $0xffff  }
0x358: {  	v2 =	vld.idx.msk [tilespmem:v56+s9+$0x0], $0xffff;
	v56 =	vor.u32 s22, v45  }
0x359: {  	[tilespmem:s7+$0xE265] =	vst v3;
	v3 =	vld.idx.msk [tilespmem:v4+s3+$0x0], $0xffff  }
0x35a: {  	v4 =	vld.idx.msk [tilespmem:v63+s9+$0x0], $0xffff  }
0x35b: {  	v63 =	vor.u32 s21, v45;
	v0 =	vld.idx.msk [tilespmem:v0+s3+$0x0], $0xffff  }
0x35c: {  	[tilespmem:s2+$0xE266] =	vst v1;
	v1 =	vor.u32 s24, v47  }
0x35d: {  	v2 =	vadd.s32 v46, v2;
	v56 =	vld.idx.msk [tilespmem:v56+s9+$0x0], $0xffff;
	_ =	sdelay $0x1  }
0x35e: {  	[tilespmem:s12+$0xE267] =	vst v3  }
0x35f: {  	v3 =	vadd.s32 v46, v4;
	v4 =	vld.idx.msk [tilespmem:v63+s9+$0x0], $0xffff;
	[tilespmem:s4+$0xE273] =	vst v0  }
0x360: {  	v0 =	vld.idx.msk [tilespmem:v1+s9+$0x0], $0xffff  }
0x361: {  	v1 =	vld.idx.msk [tilespmem:v2+s3+$0x0], $0xffff;
	v2 =	vadd.s32 v46, v56;
	_ =	sdelay $0x2  }
0x362: {  	v57 =	vld [tilespmem:$0x1FFD0];
	v56 =	vor.u32 s25, v47  }
0x363: {  	v3 =	vld.idx.msk [tilespmem:v3+s3+$0x0], $0xffff;
	v4 =	vadd.s32 v46, v4  }
0x364: {  	[tilespmem:s0+$0xE274] =	vst v1;
	v1 =	vld.idx.msk [tilespmem:v2+s3+$0x0], $0xffff  }
0x365: {  	v63 =	vor.u32 s23, v47;
	_ =	sdelay $0x1  }
0x366: {  	v0 =	vadd.s32 v57, v0;
	v2 =	vld.idx.msk [tilespmem:v56+s9+$0x0], $0xffff  }
0x367: {  	[tilespmem:s7+$0xE275] =	vst v3;
	v3 =	vld.idx.msk [tilespmem:v4+s3+$0x0], $0xffff  }
0x368: {  	v56 =	vor.u32 s22, v47;
	[tilespmem:s2+$0xE276] =	vst v1;
	v1 =	vor.u32 $0x15, v62;
	v62 =	vld [tilespmem:$0x1FFD0]  }
0x369: {  	v4 =	vld.idx.msk [tilespmem:v63+s9+$0x0], $0xffff;
	v63 =	vor.u32 s21, v47;
	_ =	sdelay $0x1  }
0x36a: {  	v0 =	vld.idx.msk [tilespmem:v0+s3+$0x0], $0xffff;
	_ =	sdelay $0x1  }
0x36b: {  	v56 =	vld.idx.msk [tilespmem:v56+s9+$0x0], $0xffff;
	[tilespmem:s12+$0xE277] =	vst v3;
	v2 =	vadd.s32 v62, v2  }
0x36c: {  	v3 =	vadd.s32 v62, v4;
	v4 =	vld.idx.msk [tilespmem:v63+s9+$0x0], $0xffff;
	_ =	sdelay $0x1  }
0x36d: {  	[tilespmem:s4+$0xE283] =	vst v0  }
0x36e: {  	v0 =	vld.idx.msk [tilespmem:v1+s9+$0x0], $0xffff  }
0x36f: {  	v1 =	vld.idx.msk [tilespmem:v2+s3+$0x0], $0xffff;
	v2 =	vadd.s32 v62, v56  }
0x370: {  	v3 =	vld.idx.msk [tilespmem:v3+s3+$0x0], $0xffff;
	v4 =	vadd.s32 v62, v4  }
0x371: {  	v56 =	vor.u32 $0x15, v58  }
0x372: {  	v57 =	vld [tilespmem:$0x1FFE0];
	v58 =	vor.u32 $0x15, v59;
	_ =	sdelay $0x1  }
0x373: {  	[tilespmem:s0+$0xE284] =	vst v1;
	v1 =	vld.idx.msk [tilespmem:v2+s3+$0x0], $0xffff  }
0x374: {  	[tilespmem:s7+$0xE285] =	vst v3;
	v3 =	vld.idx.msk [tilespmem:v4+s3+$0x0], $0xffff  }
0x375: {  	v2 =	vld.idx.msk [tilespmem:v56+s9+$0x0], $0xffff  }
0x376: {  	v0 =	vadd.s32 v57, v0;
	v4 =	vld.idx.msk [tilespmem:v58+s9+$0x0], $0xffff  }
0x377: {  	v58 =	vor.u32 $0x15, v61;
	v61 =	vld [tilespmem:$0x1FFF0]  }
0x378: {  	v56 =	vor.u32 $0x15, v60;
	v60 =	vld [tilespmem:$0x1FFE0];
	_ =	sdelay $0x2  }
0x379: {  	v0 =	vld.idx.msk [tilespmem:v0+s3+$0x0], $0xffff  }
0x37a: {  	[tilespmem:s2+$0xE286] =	vst v1;
	v59 =	vor.u32 s24, v61  }
0x37b: {  	v1 =	vadd.s32 v60, v2;
	v2 =	vld.idx.msk [tilespmem:v56+s9+$0x0], $0xffff  }
0x37c: {  	[tilespmem:s12+$0xE287] =	vst v3  }
0x37d: {  	v3 =	vadd.s32 v60, v4;
	v4 =	vld.idx.msk [tilespmem:v58+s9+$0x0], $0xffff  }
0x37e: {  	[tilespmem:s4+$0xE293] =	vst v0  }
0x37f: {  	v0 =	vld.idx.msk [tilespmem:v59+s9+$0x0], $0xffff  }
0x380: {  	v1 =	vld.idx.msk [tilespmem:v1+s3+$0x0], $0xffff;
	v2 =	vadd.s32 v60, v2  }
0x381: {  	v56 =	vor.u32 s25, v61  }
0x382: {  	v3 =	vld.idx.msk [tilespmem:v3+s3+$0x0], $0xffff;
	v4 =	vadd.s32 v60, v4  }
0x383: {  	v58 =	vor.u32 s23, v61  }
0x384: {  	v0 =	vadd.s32 v48, v0  }
0x385: {  	[tilespmem:s0+$0xE294] =	vst v1;
	v1 =	vld.idx.msk [tilespmem:v2+s3+$0x0], $0xffff  }
0x386: {  	v2 =	vld.idx.msk [tilespmem:v56+s9+$0x0], $0xffff;
	v56 =	vor.u32 s22, v61  }
0x387: {  	[tilespmem:s7+$0xE295] =	vst v3;
	v3 =	vld.idx.msk [tilespmem:v4+s3+$0x0], $0xffff  }
0x388: {  	v4 =	vld.idx.msk [tilespmem:v58+s9+$0x0], $0xffff;
	v58 =	vor.u32 s21, v61  }
0x389: {  	v0 =	vld.idx.msk [tilespmem:v0+s3+$0x0], $0xffff  }
0x38a: {  	v59 =	vor.u32 s24, v49;
	[tilespmem:s2+$0xE296] =	vst v1  }
0x38b: {  	v1 =	vadd.s32 v48, v2;
	v2 =	vld.idx.msk [tilespmem:v56+s9+$0x0], $0xffff  }
0x38c: {  	[tilespmem:s12+$0xE297] =	vst v3  }
0x38d: {  	v3 =	vadd.s32 v48, v4;
	v4 =	vld.idx.msk [tilespmem:v58+s9+$0x0], $0xffff  }
0x38e: {  	[tilespmem:s4+$0xE2A3] =	vst v0  }
0x38f: {  	v0 =	vld.idx.msk [tilespmem:v59+s9+$0x0], $0xffff  }
0x390: {  	v1 =	vld.idx.msk [tilespmem:v1+s3+$0x0], $0xffff;
	v2 =	vadd.s32 v48, v2  }
0x391: {  	v56 =	vor.u32 s25, v49  }
0x392: {  	v3 =	vld.idx.msk [tilespmem:v3+s3+$0x0], $0xffff;
	v4 =	vadd.s32 v48, v4  }
0x393: {  	v58 =	vor.u32 s23, v49  }
0x394: {  	v57 =	vld [tilespmem:$0x1FCB0];
	v0 =	vadd.s32 v50, v0  }
0x395: {  	v59 =	vor.u32 s18, v51;
	[tilespmem:s0+$0xE2A4] =	vst v1;
	v1 =	vld.idx.msk [tilespmem:v2+s3+$0x0], $0xffff  }
0x396: {  	v2 =	vld.idx.msk [tilespmem:v56+s9+$0x0], $0xffff;
	v56 =	vor.u32 s22, v49  }
0x397: {  	[tilespmem:s7+$0xE2A5] =	vst v3;
	v3 =	vld.idx.msk [tilespmem:v4+s3+$0x0], $0xffff  }
0x398: {  	v4 =	vld.idx.msk [tilespmem:v58+s9+$0x0], $0xffff;
	v58 =	vor.u32 s21, v49  }
0x399: {  	[tilespmem:s20+$0xE2B2] =	vst v57;
	v0 =	vld.idx.msk [tilespmem:v0+s3+$0x0], $0xffff  }
0x39a: {  	v57 =	vld.idx.msk [tilespmem:v59+s9+$0x0], $0xffff;
	v59 =	vor.u32 s24, v51;
	[tilespmem:s2+$0xE2A6] =	vst v1  }
0x39b: {  	v1 =	vadd.s32 v50, v2;
	v2 =	vld.idx.msk [tilespmem:v56+s9+$0x0], $0xffff  }
0x39c: {  	[tilespmem:s12+$0xE2A7] =	vst v3  }
0x39d: {  	v3 =	vadd.s32 v50, v4;
	v4 =	vld.idx.msk [tilespmem:v58+s9+$0x0], $0xffff  }
0x39e: {  	[tilespmem:s4+$0xE2B3] =	vst v0  }
0x39f: {  	v0 =	vadd.s32 v52, v57;
	v56 =	vld.idx.msk [tilespmem:v59+s9+$0x0], $0xffff  }
0x3a0: {  	v1 =	vld.idx.msk [tilespmem:v1+s3+$0x0], $0xffff;
	v2 =	vadd.s32 v50, v2  }
0x3a1: {  	v57 =	vor.u32 s25, v51  }
0x3a2: {  	v3 =	vld.idx.msk [tilespmem:v3+s3+$0x0], $0xffff;
	v4 =	vadd.s32 v50, v4  }
0x3a3: {  	v58 =	vor.u32 s23, v51  }
0x3a4: {  	v0 =	vld.idx.msk [tilespmem:v0+s3+$0x0], $0xffff  }
0x3a5: {  	v56 =	vadd.s32 v52, v56;
	[tilespmem:s0+$0xE2B4] =	vst v1;
	v1 =	vld.idx.msk [tilespmem:v2+s3+$0x0], $0xffff  }
0x3a6: {  	v2 =	vld.idx.msk [tilespmem:v57+s9+$0x0], $0xffff;
	v57 =	vor.u32 s22, v51  }
0x3a7: {  	[tilespmem:s7+$0xE2B5] =	vst v3;
	v3 =	vld.idx.msk [tilespmem:v4+s3+$0x0], $0xffff  }
0x3a8: {  	v4 =	vld.idx.msk [tilespmem:v58+s9+$0x0], $0xffff;
	v58 =	vor.u32 s21, v51;
	_ =	sdelay $0x1  }
0x3a9: {  	v59 =	vor.u32 s18, v53;
	v56 =	vld.idx.msk [tilespmem:v56+s3+$0x0], $0xffff;
	[tilespmem:s2+$0xE2B6] =	vst v1  }
0x3aa: {  	v2 =	vadd.s32 v52, v2;
	v57 =	vld.idx.msk [tilespmem:v57+s9+$0x0], $0xffff  }
0x3ab: {  	v1 =	vor.u32 s24, v53;
	[tilespmem:s12+$0xE2B7] =	vst v3  }
0x3ac: {  	[tilespmem:s20+$0xE2C2] =	vst v0;
	v0 =	vadd.s32 v52, v4;
	v3 =	vld.idx.msk [tilespmem:v58+s9+$0x0], $0xffff;
	_ =	sdelay $0x1  }
0x3ad: {  	v4 =	vld.idx.msk [tilespmem:v59+s9+$0x0], $0xffff  }
0x3ae: {  	[tilespmem:s4+$0xE2C3] =	vst v56;
	v2 =	vld.idx.msk [tilespmem:v2+s3+$0x0], $0xffff;
	v56 =	vadd.s32 v52, v57  }
0x3af: {  	v1 =	vld.idx.msk [tilespmem:v1+s9+$0x0], $0xffff;
	v57 =	vor.u32 s25, v53  }
0x3b0: {  	v0 =	vld.idx.msk [tilespmem:v0+s3+$0x0], $0xffff;
	v3 =	vadd.s32 v52, v3  }
0x3b1: {  	v58 =	vor.u32 s23, v53  }
0x3b2: {  	v4 =	vadd.s32 v54, v4  }
0x3b3: {  	[tilespmem:s0+$0xE2C4] =	vst v2;
	v2 =	vld.idx.msk [tilespmem:v56+s3+$0x0], $0xffff  }
0x3b4: {  	v1 =	vadd.s32 v54, v1;
	v56 =	vld.idx.msk [tilespmem:v57+s9+$0x0], $0xffff  }
0x3b5: {  	[tilespmem:s7+$0xE2C5] =	vst v0;
	v0 =	vld.idx.msk [tilespmem:v3+s3+$0x0], $0xffff;
	v57 =	vor.u32 s22, v53  }
0x3b6: {  	v3 =	vld.idx.msk [tilespmem:v58+s9+$0x0], $0xffff;
	v58 =	vor.u32 s21, v53  }
0x3b7: {  	v4 =	vld.idx.msk [tilespmem:v4+s3+$0x0], $0xffff  }
0x3b8: {  	v59 =	vor.u32 s18, v8  }
0x3b9: {  	v1 =	vld.idx.msk [tilespmem:v1+s3+$0x0], $0xffff;
	[tilespmem:s2+$0xE2C6] =	vst v2;
	v2 =	vadd.s32 v54, v56  }
0x3ba: {  	[tilespmem:s12+$0xE2C7] =	vst v0;
	v56 =	vld.idx.msk [tilespmem:v57+s9+$0x0], $0xffff;
	v57 =	vor.u32 s24, v8  }
0x3bb: {  	v0 =	vadd.s32 v54, v3;
	v3 =	vld.idx.msk [tilespmem:v58+s9+$0x0], $0xffff  }
0x3bc: {  	[tilespmem:s20+$0xE2D2] =	vst v4  }
0x3bd: {  	v4 =	vld.idx.msk [tilespmem:v59+s9+$0x0], $0xffff  }
0x3be: {  	[tilespmem:s4+$0xE2D3] =	vst v1;
	v1 =	vld.idx.msk [tilespmem:v2+s3+$0x0], $0xffff  }
0x3bf: {  	v2 =	vadd.s32 v54, v56;
	v56 =	vld.idx.msk [tilespmem:v57+s9+$0x0], $0xffff  }
0x3c0: {  	v0 =	vld.idx.msk [tilespmem:v0+s3+$0x0], $0xffff;
	v3 =	vadd.s32 v54, v3  }
0x3c1: {  	v57 =	vor.u32 s25, v8  }
0x3c2: {  	v58 =	vor.u32 s23, v8  }
0x3c3: {  	v4 =	vadd.s32 v55, v4  }
0x3c4: {  	[tilespmem:s0+$0xE2D4] =	vst v1;
	v1 =	vld.idx.msk [tilespmem:v2+s3+$0x0], $0xffff  }
0x3c5: {  	[tilespmem:s7+$0xE2D5] =	vst v0;
	v0 =	vadd.s32 v55, v56;
	v3 =	vld.idx.msk [tilespmem:v3+s3+$0x0], $0xffff  }
0x3c6: {  	v2 =	vld.idx.msk [tilespmem:v57+s9+$0x0], $0xffff;
	v57 =	vor.u32 s22, v8  }
0x3c7: {  	v56 =	vld.idx.msk [tilespmem:v58+s9+$0x0], $0xffff;
	v58 =	vor.u32 s21, v8  }
0x3c8: {  	v59 =	vadd.s32 s19, v55;
	v4 =	vld.idx.msk [tilespmem:v4+s3+$0x0], $0xffff;
	_ =	sdelay $0x1  }
0x3c9: {  	[tilespmem:s2+$0xE2D6] =	vst v1;
	v0 =	vld.idx.msk [tilespmem:v0+s3+$0x0], $0xffff  }
0x3ca: {  	[tilespmem:s12+$0xE2D7] =	vst v3;
	v1 =	vadd.s32 v55, v2;
	v2 =	vld.idx.msk [tilespmem:v57+s9+$0x0], $0xffff  }
0x3cb: {  	v3 =	vadd.s32 s26, v55;
	v56 =	vadd.s32 v55, v56;
	v57 =	vld.idx.msk [tilespmem:v58+s9+$0x0], $0xffff  }
0x3cc: {  	[tilespmem:v59+s10+$0x0] =	vst.idx.msk $0x3fff, v4;
	s12 =	sand.u32 $0x3FFFFF80, s18  }
0x3cd: {  	v4 =	vld [tilespmem:s12+$0xC120]  }
0x3ce: {  	v59 =	vld [tilespmem:s12+$0xC123]  }
0x3cf: {  	v58 =	vadd.s32 s29, v55;
	v1 =	vld.idx.msk [tilespmem:v1+s3+$0x0], $0xffff;
	v2 =	vadd.s32 v55, v2  }
0x3d0: {  	s18 =	sand.u32 $0x3FFFFF80, s24;
	[tilespmem:v3+s10+$0x0] =	vst.idx.msk $0x3fff, v0;
	v3 =	vadd.s32 s28, v55;
	v0 =	vld.idx.msk [tilespmem:v56+s3+$0x0], $0xffff;
	v56 =	vadd.s32 v55, v57  }
0x3d1: {  	v57 =	vld [tilespmem:s18+$0xC120]  }
0x3d2: {  	[tilespmem:s19+$0xE2EE] =	vst v4;
	v4 =	vld [tilespmem:s18+$0xC123];
	_ =	sdelay $0x1  }
0x3d3: {  	[tilespmem:v58+s10+$0x0] =	vst.idx.msk $0x3fff, v1;
	v1 =	vld.idx.msk [tilespmem:v2+s3+$0x0], $0xffff;
	v2 =	vadd.s32 s30, v55  }
0x3d4: {  	s24 =	sand.u32 $0x3FFFFF80, s25;
	[tilespmem:v3+s10+$0x0] =	vst.idx.msk $0x3fff, v0;
	v0 =	vld.idx.msk [tilespmem:v56+s3+$0x0], $0xffff;
	v3 =	vadd.s32 s31, v55  }
0x3d5: {  	s25 =	sand.u32 $0x3FFFFF80, s23;
	[tilespmem:s26+$0xE2EE] =	vst v57;
	v58 =	vld [tilespmem:s24+$0xC120]  }
0x3d6: {  	[tilespmem:s26+$0xE2F1] =	vst v4;
	v4 =	vld [tilespmem:s25+$0xC120]  }
0x3d7: {  	[tilespmem:s20+$0xE2F3] =	vst v59;
	v56 =	vld [tilespmem:s24+$0xC123]  }
0x3d8: {  	v57 =	vld [tilespmem:s25+$0xC123];
	s26 =	sand.u32 $0x3FFFFF80, s22;
	[tilespmem:v2+s10+$0x0] =	vst.idx.msk $0x3fff, v1  }
0x3d9: {  	[tilespmem:v3+s10+$0x0] =	vst.idx.msk $0x3fff, v0;
	v1 =	vld [tilespmem:s26+$0xC120]  }
0x3da: {  	[tilespmem:s29+$0xE2EE] =	vst v58;
	v2 =	vld [tilespmem:s26+$0xC123];
	s29 =	sand.u32 $0x3FFFFF80, s21  }
0x3db: {  	[tilespmem:s28+$0xE2EE] =	vst v4;
	v0 =	vld [tilespmem:s29+$0xC120]  }
0x3dc: {  	p1 =	slt.u32 s17, $0x38;
	[tilespmem:s0+$0xE2F5] =	vst v56;
	v3 =	vld [tilespmem:s29+$0xC123]  }
.Ltmp0:
0x3dd: {  	[tilespmem:s28+$0xE2F1] =	vst v57;
	(pc) =	sbr.rel @p1 .LBB2_3-.Ltmp0, $4  }
0x3de: {  	[tilespmem:s30+$0xE2EE] =	vst v1  }
0x3df: {  	[tilespmem:s2+$0xE2F7] =	vst v2  }
0x3e0: {  	s30 =	sadd.s32 $0x8, s17;
	[tilespmem:s31+$0xE2EE] =	vst v0  }
0x3e1: {  	v63 =	vmovc v7;
	v4 =	vlaneseq.u32;
	v56 =	vmov v6;
	v2 =	vmov v5;
	s17 =	smov.u32 s30;
	[tilespmem:s31+$0xE2F1] =	vst v3  }
0x3e2: {  	s0 =	sshrl.u32 s16, $0x3;
	s31 =	sshllo.u32 s15, $0x1  }
0x3e3: {  	s0 =	sadd.s32 s1, s0;
	s2 =	sshll.u32 s31, $0xA  }
0x3e4: {  	[hbm4b:s0+s3] =	stream.linear.scatter [tilespmem:s10], [sflag:$0x1], $0x8040, $0x38;
	[tilespmem:$0x1E180] =	vst v63  }
0x3e5: {  	s2 =	sadd.s32 s2, s6  }
0x3e6: {  	[tilespmem:s9], [sflag:$0x3] =	stream.linear.gather [hbm4b:s2+s3], $0x2000, $0x38;
	[tilespmem:$0x1E180] =	vst v63  }
0x3e7: {  	_ =	swait.ge [sflag:s8], $0x2000  }
0x3e8: {  	[sflag:s8] =	ssyncset.done $0x0  }
0x3e9: {  	s2 =	simm.s32 @!p0 $0x2;
	[sflag:s8] =	ssyncadd.s32 $0xFFFFE000  }
0x3ea: {  	s0 =	smul.u32 $0x8040, s31;
	_ =	swait.ge @!p0 [sflag:s2], $0x8040  }
0x3eb: {  	[sflag:s2] =	ssyncset.done @!p0 $0x0  }
0x3ec: {  	s17 =	simm.s32 $0x0;
	s16 =	sadd.s32 s5, s0;
	[sflag:s2] =	ssyncadd.s32 @!p0 $0xFFFF7FC0  }
.LBB2_5:
0x3ed: {  	s4 =	sshll.u32 s17, $0x7  }
0x3ee: {  	v58 =	vmov s4;
	_ =	sdelay $0x2  }
0x3ef: {  	s7 =	sor.u32 $0x1, s17  }
0x3f0: {  	s0 =	sshll.u32 s7, $0x7  }
0x3f1: {  	v59 =	vmov s0;
	v0 =	vld.idx.msk [tilespmem:v58+s9+$0x0], $0xffff;
	_ =	sdelay $0x4  }
0x3f2: {  	v1 =	vld.idx.msk [tilespmem:v59+s9+$0x0], $0xffff;
	v0 =	vadd.s32 v4, v0;
	_ =	sdelay $0x4  }
0x3f3: {  	v1 =	vadd.s32 v4, v1;
	v0 =	vld.idx.msk [tilespmem:v0+s3+$0x0], $0xffff  }
0x3f4: {  	v2 =	vor.u32 s4, v5;
	_ =	sdelay $0x1  }
0x3f5: {  	s2 =	smul.u32 $0x201, s17;
	_ =	sdelay $0x1  }
0x3f6: {  	v1 =	vld.idx.msk [tilespmem:v1+s3+$0x0], $0xffff;
	[tilespmem:s2+$0x16140] =	vst v0  }
0x3f7: {  	v0 =	vld.idx.msk [tilespmem:v2+s9+$0x0], $0xffff  }
0x3f8: {  	v3 =	vor.u32 s0, v5;
	_ =	sdelay $0x1  }
0x3f9: {  	s7 =	smul.u32 $0x201, s7;
	_ =	sdelay $0x1  }
0x3fa: {  	[tilespmem:s7+$0x16140] =	vst v1;
	v0 =	vadd.s32 v56, v0  }
0x3fb: {  	v1 =	vld.idx.msk [tilespmem:v3+s9+$0x0], $0xffff;
	_ =	sdelay $0x3  }
0x3fc: {  	v0 =	vld.idx.msk [tilespmem:v0+s3+$0x0], $0xffff  }
0x3fd: {  	v1 =	vadd.s32 v56, v1;
	v56 =	vor.u32 s4, v63;
	_ =	sdelay $0x3  }
0x3fe: {  	v9 =	vld [tilespmem:$0x1FCC0];
	[tilespmem:s2+$0x16150] =	vst v0  }
0x3ff: {  	v0 =	vld.idx.msk [tilespmem:v56+s9+$0x0], $0xffff;
	_ =	sdelay $0x1  }
0x400: {  	v1 =	vld.idx.msk [tilespmem:v1+s3+$0x0], $0xffff  }
0x401: {  	v3 =	vor.u32 s0, v63;
	_ =	sdelay $0x1  }
0x402: {  	v0 =	vadd.s32 v9, v0  }
0x403: {  	v57 =	vld [tilespmem:$0x1FCD0];
	s12 =	sand.u32 $0x7FF8, s7  }
0x404: {  	[tilespmem:s12+$0x16151] =	vst v1  }
0x405: {  	v1 =	vld.idx.msk [tilespmem:v3+s9+$0x0], $0xffff;
	_ =	sdelay $0x1  }
0x406: {  	v0 =	vld.idx.msk [tilespmem:v0+s3+$0x0], $0xffff  }
0x407: {  	v2 =	vor.u32 s4, v57;
	_ =	sdelay $0x1  }
0x408: {  	v1 =	vadd.s32 v9, v1  }
0x409: {  	v3 =	vld [tilespmem:$0x1FCD0]  }
0x40a: {  	[tilespmem:s2+$0x16160] =	vst v0  }
0x40b: {  	v0 =	vld.idx.msk [tilespmem:v2+s9+$0x0], $0xffff;
	_ =	sdelay $0x1  }
0x40c: {  	v1 =	vld.idx.msk [tilespmem:v1+s3+$0x0], $0xffff  }
0x40d: {  	v3 =	vor.u32 s0, v3;
	_ =	sdelay $0x1  }
0x40e: {  	v0 =	vadd.s32 v10, v0  }
0x40f: {  	s19 =	sor.u32 $0x2, s17  }
0x410: {  	s18 =	sshll.u32 s19, $0x7;
	[tilespmem:s12+$0x16161] =	vst v1  }
0x411: {  	v57 =	vmov s18;
	v1 =	vld.idx.msk [tilespmem:v3+s9+$0x0], $0xffff;
	_ =	sdelay $0x1  }
0x412: {  	v0 =	vld.idx.msk [tilespmem:v0+s3+$0x0], $0xffff  }
0x413: {  	v63 =	vor.u32 s4, v11;
	_ =	sdelay $0x1  }
0x414: {  	v56 =	vld.idx.msk [tilespmem:v57+s9+$0x0], $0xffff;
	v1 =	vadd.s32 v10, v1;
	_ =	sdelay $0x1  }
0x415: {  	[tilespmem:s2+$0x16170] =	vst v0  }
0x416: {  	v2 =	vld.idx.msk [tilespmem:v63+s9+$0x0], $0xffff;
	_ =	sdelay $0x1  }
0x417: {  	v1 =	vld.idx.msk [tilespmem:v1+s3+$0x0], $0xffff;
	v0 =	vadd.s32 v4, v56  }
0x418: {  	v3 =	vor.u32 s0, v11;
	_ =	sdelay $0x1  }
0x419: {  	v2 =	vadd.s32 v12, v2;
	_ =	sdelay $0x1  }
0x41a: {  	[tilespmem:s12+$0x16171] =	vst v1;
	v0 =	vld.idx.msk [tilespmem:v0+s3+$0x0], $0xffff  }
0x41b: {  	v1 =	vld.idx.msk [tilespmem:v3+s9+$0x0], $0xffff;
	v3 =	vor.u32 s18, v5;
	_ =	sdelay $0x1  }
0x41c: {  	s19 =	smul.u32 $0x201, s19;
	v2 =	vld.idx.msk [tilespmem:v2+s3+$0x0], $0xffff  }
0x41d: {  	v4 =	vor.u32 s4, v13  }
0x41e: {  	[tilespmem:s19+$0x16140] =	vst v0  }
0x41f: {  	v0 =	vld.idx.msk [tilespmem:v3+s9+$0x0], $0xffff;
	_ =	sdelay $0x1  }
0x420: {  	[tilespmem:s2+$0x16180] =	vst v2  }
0x421: {  	v2 =	vld.idx.msk [tilespmem:v4+s9+$0x0], $0xffff  }
0x422: {  	v1 =	vadd.s32 v12, v1  }
0x423: {  	v0 =	vadd.s32 v6, v0;
	_ =	sdelay $0x2  }
0x424: {  	v2 =	vadd.s32 v14, v2  }
0x425: {  	v1 =	vld.idx.msk [tilespmem:v1+s3+$0x0], $0xffff  }
0x426: {  	v56 =	vor.u32 s0, v13;
	v0 =	vld.idx.msk [tilespmem:v0+s3+$0x0], $0xffff  }
0x427: {  	v3 =	vor.u32 s18, v7;
	_ =	sdelay $0x1  }
0x428: {  	v2 =	vld.idx.msk [tilespmem:v2+s3+$0x0], $0xffff  }
0x429: {  	s20 =	sand.u32 $0x7FF8, s19;
	[tilespmem:s12+$0x16181] =	vst v1;
	v4 =	vor.u32 $0x5, v58  }
0x42a: {  	v1 =	vld.idx.msk [tilespmem:v56+s9+$0x0], $0xffff;
	[tilespmem:s20+$0x16152] =	vst v0  }
0x42b: {  	v0 =	vld.idx.msk [tilespmem:v3+s9+$0x0], $0xffff;
	_ =	sdelay $0x1  }
0x42c: {  	[tilespmem:s2+$0x16190] =	vst v2  }
0x42d: {  	v2 =	vld.idx.msk [tilespmem:v4+s9+$0x0], $0xffff  }
0x42e: {  	v1 =	vadd.s32 v14, v1  }
0x42f: {  	v0 =	vadd.s32 v9, v0  }
0x430: {  	v3 =	vld [tilespmem:$0x1FCD0];
	_ =	sdelay $0x1  }
0x431: {  	v2 =	vadd.s32 v15, v2  }
0x432: {  	v1 =	vld.idx.msk [tilespmem:v1+s3+$0x0], $0xffff  }
0x433: {  	v56 =	vor.u32 $0x5, v59;
	v0 =	vld.idx.msk [tilespmem:v0+s3+$0x0], $0xffff  }
0x434: {  	v3 =	vor.u32 s18, v3;
	_ =	sdelay $0x1  }
0x435: {  	v2 =	vld.idx.msk [tilespmem:v2+s3+$0x0], $0xffff  }
0x436: {  	[tilespmem:s12+$0x16191] =	vst v1;
	v4 =	vor.u32 s4, v16  }
0x437: {  	v1 =	vld.idx.msk [tilespmem:v56+s9+$0x0], $0xffff;
	[tilespmem:s20+$0x16162] =	vst v0  }
0x438: {  	v0 =	vld.idx.msk [tilespmem:v3+s9+$0x0], $0xffff;
	_ =	sdelay $0x1  }
0x439: {  	[tilespmem:s2+$0x161A0] =	vst v2  }
0x43a: {  	v2 =	vld.idx.msk [tilespmem:v4+s9+$0x0], $0xffff  }
0x43b: {  	v1 =	vadd.s32 v15, v1  }
0x43c: {  	v0 =	vadd.s32 v10, v0;
	_ =	sdelay $0x2  }
0x43d: {  	v2 =	vadd.s32 v17, v2  }
0x43e: {  	v1 =	vld.idx.msk [tilespmem:v1+s3+$0x0], $0xffff  }
0x43f: {  	v56 =	vor.u32 s0, v16;
	v0 =	vld.idx.msk [tilespmem:v0+s3+$0x0], $0xffff  }
0x440: {  	v3 =	vor.u32 s18, v11;
	_ =	sdelay $0x1  }
0x441: {  	v2 =	vld.idx.msk [tilespmem:v2+s3+$0x0], $0xffff  }
0x442: {  	[tilespmem:s12+$0x161A1] =	vst v1;
	v4 =	vor.u32 s4, v18  }
0x443: {  	v1 =	vld.idx.msk [tilespmem:v56+s9+$0x0], $0xffff;
	[tilespmem:s20+$0x16172] =	vst v0  }
0x444: {  	v0 =	vld.idx.msk [tilespmem:v3+s9+$0x0], $0xffff;
	_ =	sdelay $0x1  }
0x445: {  	[tilespmem:s2+$0x161B0] =	vst v2  }
0x446: {  	v2 =	vld.idx.msk [tilespmem:v4+s9+$0x0], $0xffff  }
0x447: {  	v1 =	vadd.s32 v17, v1  }
0x448: {  	v0 =	vadd.s32 v12, v0;
	_ =	sdelay $0x2  }
0x449: {  	v2 =	vadd.s32 v19, v2  }
0x44a: {  	v1 =	vld.idx.msk [tilespmem:v1+s3+$0x0], $0xffff  }
0x44b: {  	v56 =	vor.u32 s0, v18;
	v0 =	vld.idx.msk [tilespmem:v0+s3+$0x0], $0xffff  }
0x44c: {  	v3 =	vor.u32 s18, v13;
	_ =	sdelay $0x1  }
0x44d: {  	v2 =	vld.idx.msk [tilespmem:v2+s3+$0x0], $0xffff  }
0x44e: {  	[tilespmem:s12+$0x161B1] =	vst v1;
	v4 =	vor.u32 s4, v20  }
0x44f: {  	v1 =	vld.idx.msk [tilespmem:v56+s9+$0x0], $0xffff;
	[tilespmem:s20+$0x16182] =	vst v0  }
0x450: {  	v0 =	vld.idx.msk [tilespmem:v3+s9+$0x0], $0xffff;
	_ =	sdelay $0x1  }
0x451: {  	[tilespmem:s2+$0x161C0] =	vst v2  }
0x452: {  	v2 =	vld.idx.msk [tilespmem:v4+s9+$0x0], $0xffff  }
0x453: {  	v1 =	vadd.s32 v19, v1  }
0x454: {  	v0 =	vadd.s32 v14, v0;
	_ =	sdelay $0x2  }
0x455: {  	v2 =	vadd.s32 v21, v2  }
0x456: {  	v1 =	vld.idx.msk [tilespmem:v1+s3+$0x0], $0xffff  }
0x457: {  	v56 =	vor.u32 s0, v20;
	v0 =	vld.idx.msk [tilespmem:v0+s3+$0x0], $0xffff  }
0x458: {  	v3 =	vor.u32 $0x5, v57;
	_ =	sdelay $0x1  }
0x459: {  	v2 =	vld.idx.msk [tilespmem:v2+s3+$0x0], $0xffff  }
0x45a: {  	[tilespmem:s12+$0x161C1] =	vst v1;
	v4 =	vor.u32 s4, v22  }
0x45b: {  	v1 =	vld.idx.msk [tilespmem:v56+s9+$0x0], $0xffff;
	[tilespmem:s20+$0x16192] =	vst v0  }
0x45c: {  	v0 =	vld.idx.msk [tilespmem:v3+s9+$0x0], $0xffff;
	_ =	sdelay $0x1  }
0x45d: {  	[tilespmem:s2+$0x161D0] =	vst v2  }
0x45e: {  	v2 =	vld.idx.msk [tilespmem:v4+s9+$0x0], $0xffff  }
0x45f: {  	v1 =	vadd.s32 v21, v1  }
0x460: {  	v0 =	vadd.s32 v15, v0;
	_ =	sdelay $0x2  }
0x461: {  	v2 =	vadd.s32 v23, v2  }
0x462: {  	v1 =	vld.idx.msk [tilespmem:v1+s3+$0x0], $0xffff  }
0x463: {  	v56 =	vor.u32 s0, v22;
	v0 =	vld.idx.msk [tilespmem:v0+s3+$0x0], $0xffff  }
0x464: {  	v3 =	vor.u32 s18, v16;
	_ =	sdelay $0x1  }
0x465: {  	v2 =	vld.idx.msk [tilespmem:v2+s3+$0x0], $0xffff  }
0x466: {  	[tilespmem:s12+$0x161D1] =	vst v1;
	v4 =	vor.u32 s4, v24  }
0x467: {  	v1 =	vld.idx.msk [tilespmem:v56+s9+$0x0], $0xffff;
	[tilespmem:s20+$0x161A2] =	vst v0  }
0x468: {  	v0 =	vld.idx.msk [tilespmem:v3+s9+$0x0], $0xffff;
	_ =	sdelay $0x1  }
0x469: {  	[tilespmem:s2+$0x161E0] =	vst v2  }
0x46a: {  	v2 =	vld.idx.msk [tilespmem:v4+s9+$0x0], $0xffff  }
0x46b: {  	v1 =	vadd.s32 v23, v1  }
0x46c: {  	v0 =	vadd.s32 v17, v0;
	_ =	sdelay $0x2  }
0x46d: {  	v2 =	vadd.s32 v25, v2  }
0x46e: {  	v1 =	vld.idx.msk [tilespmem:v1+s3+$0x0], $0xffff  }
0x46f: {  	v56 =	vor.u32 s0, v24;
	v0 =	vld.idx.msk [tilespmem:v0+s3+$0x0], $0xffff  }
0x470: {  	v3 =	vor.u32 s18, v18;
	_ =	sdelay $0x1  }
0x471: {  	v2 =	vld.idx.msk [tilespmem:v2+s3+$0x0], $0xffff  }
0x472: {  	[tilespmem:s12+$0x161E1] =	vst v1;
	v4 =	vor.u32 $0xA, v58  }
0x473: {  	v1 =	vld.idx.msk [tilespmem:v56+s9+$0x0], $0xffff;
	[tilespmem:s20+$0x161B2] =	vst v0  }
0x474: {  	v0 =	vld.idx.msk [tilespmem:v3+s9+$0x0], $0xffff;
	_ =	sdelay $0x1  }
0x475: {  	[tilespmem:s2+$0x161F0] =	vst v2  }
0x476: {  	v2 =	vld.idx.msk [tilespmem:v4+s9+$0x0], $0xffff  }
0x477: {  	v1 =	vadd.s32 v25, v1  }
0x478: {  	v0 =	vadd.s32 v19, v0;
	_ =	sdelay $0x2  }
0x479: {  	v2 =	vadd.s32 v26, v2  }
0x47a: {  	v1 =	vld.idx.msk [tilespmem:v1+s3+$0x0], $0xffff  }
0x47b: {  	v56 =	vor.u32 $0xA, v59;
	v0 =	vld.idx.msk [tilespmem:v0+s3+$0x0], $0xffff  }
0x47c: {  	v3 =	vor.u32 s18, v20;
	_ =	sdelay $0x1  }
0x47d: {  	v2 =	vld.idx.msk [tilespmem:v2+s3+$0x0], $0xffff  }
0x47e: {  	[tilespmem:s12+$0x161F1] =	vst v1;
	v4 =	vor.u32 s4, v27  }
0x47f: {  	v1 =	vld.idx.msk [tilespmem:v56+s9+$0x0], $0xffff;
	[tilespmem:s20+$0x161C2] =	vst v0  }
0x480: {  	v0 =	vld.idx.msk [tilespmem:v3+s9+$0x0], $0xffff;
	_ =	sdelay $0x1  }
0x481: {  	[tilespmem:s2+$0x16200] =	vst v2  }
0x482: {  	v2 =	vld.idx.msk [tilespmem:v4+s9+$0x0], $0xffff  }
0x483: {  	v1 =	vadd.s32 v26, v1  }
0x484: {  	v0 =	vadd.s32 v21, v0;
	_ =	sdelay $0x2  }
0x485: {  	v2 =	vadd.s32 v29, v2  }
0x486: {  	v1 =	vld.idx.msk [tilespmem:v1+s3+$0x0], $0xffff  }
0x487: {  	v56 =	vor.u32 s0, v27;
	v0 =	vld.idx.msk [tilespmem:v0+s3+$0x0], $0xffff  }
0x488: {  	v3 =	vor.u32 s18, v22;
	_ =	sdelay $0x1  }
0x489: {  	v2 =	vld.idx.msk [tilespmem:v2+s3+$0x0], $0xffff  }
0x48a: {  	[tilespmem:s12+$0x16201] =	vst v1;
	v4 =	vor.u32 s4, v28  }
0x48b: {  	v1 =	vld.idx.msk [tilespmem:v56+s9+$0x0], $0xffff;
	[tilespmem:s20+$0x161D2] =	vst v0  }
0x48c: {  	v0 =	vld.idx.msk [tilespmem:v3+s9+$0x0], $0xffff;
	_ =	sdelay $0x1  }
0x48d: {  	[tilespmem:s2+$0x16210] =	vst v2  }
0x48e: {  	v2 =	vld.idx.msk [tilespmem:v4+s9+$0x0], $0xffff  }
0x48f: {  	v1 =	vadd.s32 v29, v1  }
0x490: {  	v0 =	vadd.s32 v23, v0;
	_ =	sdelay $0x2  }
0x491: {  	v2 =	vadd.s32 v30, v2  }
0x492: {  	v1 =	vld.idx.msk [tilespmem:v1+s3+$0x0], $0xffff  }
0x493: {  	v56 =	vor.u32 s0, v28;
	v0 =	vld.idx.msk [tilespmem:v0+s3+$0x0], $0xffff  }
0x494: {  	v3 =	vor.u32 s18, v24;
	_ =	sdelay $0x1  }
0x495: {  	v2 =	vld.idx.msk [tilespmem:v2+s3+$0x0], $0xffff  }
0x496: {  	[tilespmem:s12+$0x16211] =	vst v1;
	v4 =	vor.u32 s4, v31  }
0x497: {  	v1 =	vld.idx.msk [tilespmem:v56+s9+$0x0], $0xffff;
	[tilespmem:s20+$0x161E2] =	vst v0  }
0x498: {  	v0 =	vld.idx.msk [tilespmem:v3+s9+$0x0], $0xffff;
	_ =	sdelay $0x1  }
0x499: {  	[tilespmem:s2+$0x16220] =	vst v2  }
0x49a: {  	v2 =	vld.idx.msk [tilespmem:v4+s9+$0x0], $0xffff  }
0x49b: {  	v1 =	vadd.s32 v30, v1  }
0x49c: {  	v0 =	vadd.s32 v25, v0;
	_ =	sdelay $0x2  }
0x49d: {  	v2 =	vadd.s32 v32, v2  }
0x49e: {  	v1 =	vld.idx.msk [tilespmem:v1+s3+$0x0], $0xffff  }
0x49f: {  	v56 =	vor.u32 s0, v31;
	v0 =	vld.idx.msk [tilespmem:v0+s3+$0x0], $0xffff  }
0x4a0: {  	v3 =	vor.u32 $0xA, v57;
	_ =	sdelay $0x1  }
0x4a1: {  	v2 =	vld.idx.msk [tilespmem:v2+s3+$0x0], $0xffff  }
0x4a2: {  	[tilespmem:s12+$0x16221] =	vst v1;
	v4 =	vor.u32 s4, v33  }
0x4a3: {  	v1 =	vld.idx.msk [tilespmem:v56+s9+$0x0], $0xffff;
	[tilespmem:s20+$0x161F2] =	vst v0  }
0x4a4: {  	v0 =	vld.idx.msk [tilespmem:v3+s9+$0x0], $0xffff;
	_ =	sdelay $0x1  }
0x4a5: {  	[tilespmem:s2+$0x16230] =	vst v2  }
0x4a6: {  	v2 =	vld.idx.msk [tilespmem:v4+s9+$0x0], $0xffff  }
0x4a7: {  	v1 =	vadd.s32 v32, v1  }
0x4a8: {  	v0 =	vadd.s32 v26, v0;
	_ =	sdelay $0x2  }
0x4a9: {  	v2 =	vadd.s32 v34, v2  }
0x4aa: {  	v1 =	vld.idx.msk [tilespmem:v1+s3+$0x0], $0xffff  }
0x4ab: {  	v56 =	vor.u32 s0, v33;
	v0 =	vld.idx.msk [tilespmem:v0+s3+$0x0], $0xffff  }
0x4ac: {  	v3 =	vor.u32 s18, v27;
	_ =	sdelay $0x1  }
0x4ad: {  	v2 =	vld.idx.msk [tilespmem:v2+s3+$0x0], $0xffff  }
0x4ae: {  	[tilespmem:s12+$0x16231] =	vst v1;
	v4 =	vor.u32 s4, v35  }
0x4af: {  	v1 =	vld.idx.msk [tilespmem:v56+s9+$0x0], $0xffff;
	[tilespmem:s20+$0x16202] =	vst v0  }
0x4b0: {  	v0 =	vld.idx.msk [tilespmem:v3+s9+$0x0], $0xffff;
	_ =	sdelay $0x1  }
0x4b1: {  	[tilespmem:s2+$0x16240] =	vst v2  }
0x4b2: {  	v2 =	vld.idx.msk [tilespmem:v4+s9+$0x0], $0xffff  }
0x4b3: {  	v1 =	vadd.s32 v34, v1  }
0x4b4: {  	v0 =	vadd.s32 v29, v0;
	_ =	sdelay $0x2  }
0x4b5: {  	v2 =	vadd.s32 v36, v2  }
0x4b6: {  	v1 =	vld.idx.msk [tilespmem:v1+s3+$0x0], $0xffff  }
0x4b7: {  	v56 =	vor.u32 s0, v35;
	v0 =	vld.idx.msk [tilespmem:v0+s3+$0x0], $0xffff  }
0x4b8: {  	v3 =	vor.u32 s18, v28;
	_ =	sdelay $0x1  }
0x4b9: {  	v2 =	vld.idx.msk [tilespmem:v2+s3+$0x0], $0xffff  }
0x4ba: {  	[tilespmem:s12+$0x16241] =	vst v1;
	v4 =	vor.u32 $0xF, v58  }
0x4bb: {  	v1 =	vld.idx.msk [tilespmem:v56+s9+$0x0], $0xffff;
	[tilespmem:s20+$0x16212] =	vst v0  }
0x4bc: {  	v0 =	vld.idx.msk [tilespmem:v3+s9+$0x0], $0xffff;
	_ =	sdelay $0x1  }
0x4bd: {  	[tilespmem:s2+$0x16250] =	vst v2  }
0x4be: {  	v2 =	vld.idx.msk [tilespmem:v4+s9+$0x0], $0xffff  }
0x4bf: {  	v1 =	vadd.s32 v36, v1  }
0x4c0: {  	v0 =	vadd.s32 v30, v0;
	_ =	sdelay $0x2  }
0x4c1: {  	v2 =	vadd.s32 v37, v2  }
0x4c2: {  	v1 =	vld.idx.msk [tilespmem:v1+s3+$0x0], $0xffff  }
0x4c3: {  	v56 =	vor.u32 $0xF, v59;
	v0 =	vld.idx.msk [tilespmem:v0+s3+$0x0], $0xffff  }
0x4c4: {  	v3 =	vor.u32 s18, v31;
	_ =	sdelay $0x1  }
0x4c5: {  	v2 =	vld.idx.msk [tilespmem:v2+s3+$0x0], $0xffff  }
0x4c6: {  	[tilespmem:s12+$0x16251] =	vst v1;
	v4 =	vor.u32 $0x10, v58  }
0x4c7: {  	v1 =	vld.idx.msk [tilespmem:v56+s9+$0x0], $0xffff;
	[tilespmem:s20+$0x16222] =	vst v0  }
0x4c8: {  	v0 =	vld.idx.msk [tilespmem:v3+s9+$0x0], $0xffff;
	_ =	sdelay $0x1  }
0x4c9: {  	[tilespmem:s2+$0x16260] =	vst v2  }
0x4ca: {  	v2 =	vld.idx.msk [tilespmem:v4+s9+$0x0], $0xffff  }
0x4cb: {  	v1 =	vadd.s32 v37, v1  }
0x4cc: {  	v0 =	vadd.s32 v32, v0;
	_ =	sdelay $0x2  }
0x4cd: {  	v2 =	vadd.s32 v38, v2  }
0x4ce: {  	v1 =	vld.idx.msk [tilespmem:v1+s3+$0x0], $0xffff  }
0x4cf: {  	v56 =	vor.u32 $0x10, v59;
	v0 =	vld.idx.msk [tilespmem:v0+s3+$0x0], $0xffff  }
0x4d0: {  	v3 =	vor.u32 s18, v33;
	_ =	sdelay $0x1  }
0x4d1: {  	v2 =	vld.idx.msk [tilespmem:v2+s3+$0x0], $0xffff  }
0x4d2: {  	[tilespmem:s12+$0x16261] =	vst v1;
	v4 =	vor.u32 s4, v39  }
0x4d3: {  	v1 =	vld.idx.msk [tilespmem:v56+s9+$0x0], $0xffff;
	[tilespmem:s20+$0x16232] =	vst v0  }
0x4d4: {  	v0 =	vld.idx.msk [tilespmem:v3+s9+$0x0], $0xffff;
	_ =	sdelay $0x1  }
0x4d5: {  	[tilespmem:s2+$0x16270] =	vst v2  }
0x4d6: {  	v2 =	vld.idx.msk [tilespmem:v4+s9+$0x0], $0xffff  }
0x4d7: {  	v1 =	vadd.s32 v38, v1  }
0x4d8: {  	v0 =	vadd.s32 v34, v0;
	_ =	sdelay $0x2  }
0x4d9: {  	v2 =	vadd.s32 v40, v2  }
0x4da: {  	v1 =	vld.idx.msk [tilespmem:v1+s3+$0x0], $0xffff  }
0x4db: {  	v56 =	vor.u32 s0, v39;
	v0 =	vld.idx.msk [tilespmem:v0+s3+$0x0], $0xffff  }
0x4dc: {  	v3 =	vor.u32 s18, v35;
	_ =	sdelay $0x1  }
0x4dd: {  	v2 =	vld.idx.msk [tilespmem:v2+s3+$0x0], $0xffff  }
0x4de: {  	[tilespmem:s12+$0x16271] =	vst v1;
	v4 =	vor.u32 s4, v41  }
0x4df: {  	v1 =	vld.idx.msk [tilespmem:v56+s9+$0x0], $0xffff;
	[tilespmem:s20+$0x16242] =	vst v0  }
0x4e0: {  	v0 =	vld.idx.msk [tilespmem:v3+s9+$0x0], $0xffff;
	_ =	sdelay $0x1  }
0x4e1: {  	[tilespmem:s2+$0x16280] =	vst v2  }
0x4e2: {  	v2 =	vld.idx.msk [tilespmem:v4+s9+$0x0], $0xffff  }
0x4e3: {  	v1 =	vadd.s32 v40, v1  }
0x4e4: {  	v0 =	vadd.s32 v36, v0;
	_ =	sdelay $0x2  }
0x4e5: {  	v2 =	vadd.s32 v42, v2  }
0x4e6: {  	v1 =	vld.idx.msk [tilespmem:v1+s3+$0x0], $0xffff  }
0x4e7: {  	v56 =	vor.u32 s0, v41;
	v0 =	vld.idx.msk [tilespmem:v0+s3+$0x0], $0xffff  }
0x4e8: {  	v3 =	vor.u32 $0xF, v57;
	_ =	sdelay $0x1  }
0x4e9: {  	v2 =	vld.idx.msk [tilespmem:v2+s3+$0x0], $0xffff  }
0x4ea: {  	[tilespmem:s12+$0x16281] =	vst v1;
	v4 =	vor.u32 s4, v43  }
0x4eb: {  	v1 =	vld.idx.msk [tilespmem:v56+s9+$0x0], $0xffff;
	[tilespmem:s20+$0x16252] =	vst v0  }
0x4ec: {  	v0 =	vld.idx.msk [tilespmem:v3+s9+$0x0], $0xffff;
	_ =	sdelay $0x1  }
0x4ed: {  	[tilespmem:s2+$0x16290] =	vst v2  }
0x4ee: {  	v2 =	vld.idx.msk [tilespmem:v4+s9+$0x0], $0xffff  }
0x4ef: {  	v1 =	vadd.s32 v42, v1  }
0x4f0: {  	v0 =	vadd.s32 v37, v0;
	_ =	sdelay $0x2  }
0x4f1: {  	v2 =	vadd.s32 v44, v2  }
0x4f2: {  	v1 =	vld.idx.msk [tilespmem:v1+s3+$0x0], $0xffff  }
0x4f3: {  	v56 =	vor.u32 s0, v43;
	v0 =	vld.idx.msk [tilespmem:v0+s3+$0x0], $0xffff  }
0x4f4: {  	v3 =	vor.u32 $0x10, v57;
	_ =	sdelay $0x1  }
0x4f5: {  	v2 =	vld.idx.msk [tilespmem:v2+s3+$0x0], $0xffff  }
0x4f6: {  	[tilespmem:s12+$0x16291] =	vst v1;
	v4 =	vor.u32 s4, v45  }
0x4f7: {  	v1 =	vld.idx.msk [tilespmem:v56+s9+$0x0], $0xffff;
	[tilespmem:s20+$0x16262] =	vst v0  }
0x4f8: {  	v0 =	vld.idx.msk [tilespmem:v3+s9+$0x0], $0xffff;
	_ =	sdelay $0x1  }
0x4f9: {  	[tilespmem:s2+$0x162A0] =	vst v2  }
0x4fa: {  	v2 =	vld.idx.msk [tilespmem:v4+s9+$0x0], $0xffff  }
0x4fb: {  	v1 =	vadd.s32 v44, v1  }
0x4fc: {  	v0 =	vadd.s32 v38, v0;
	_ =	sdelay $0x2  }
0x4fd: {  	v2 =	vadd.s32 v46, v2  }
0x4fe: {  	v1 =	vld.idx.msk [tilespmem:v1+s3+$0x0], $0xffff  }
0x4ff: {  	v56 =	vor.u32 s0, v45;
	v0 =	vld.idx.msk [tilespmem:v0+s3+$0x0], $0xffff  }
0x500: {  	v3 =	vor.u32 s18, v39;
	_ =	sdelay $0x1  }
0x501: {  	v2 =	vld.idx.msk [tilespmem:v2+s3+$0x0], $0xffff  }
0x502: {  	[tilespmem:s12+$0x162A1] =	vst v1;
	v4 =	vor.u32 s4, v47  }
0x503: {  	v1 =	vld.idx.msk [tilespmem:v56+s9+$0x0], $0xffff;
	[tilespmem:s20+$0x16272] =	vst v0  }
0x504: {  	v0 =	vld.idx.msk [tilespmem:v3+s9+$0x0], $0xffff;
	_ =	sdelay $0x1  }
0x505: {  	[tilespmem:s2+$0x162B0] =	vst v2  }
0x506: {  	v2 =	vld.idx.msk [tilespmem:v4+s9+$0x0], $0xffff  }
0x507: {  	v1 =	vadd.s32 v46, v1  }
0x508: {  	v0 =	vadd.s32 v40, v0;
	_ =	sdelay $0x2  }
0x509: {  	v2 =	vadd.s32 v62, v2  }
0x50a: {  	v1 =	vld.idx.msk [tilespmem:v1+s3+$0x0], $0xffff  }
0x50b: {  	v56 =	vor.u32 s0, v47;
	v0 =	vld.idx.msk [tilespmem:v0+s3+$0x0], $0xffff  }
0x50c: {  	v3 =	vor.u32 s18, v41;
	_ =	sdelay $0x1  }
0x50d: {  	v2 =	vld.idx.msk [tilespmem:v2+s3+$0x0], $0xffff  }
0x50e: {  	[tilespmem:s12+$0x162B1] =	vst v1;
	v4 =	vor.u32 $0x15, v58  }
0x50f: {  	v1 =	vld.idx.msk [tilespmem:v56+s9+$0x0], $0xffff;
	[tilespmem:s20+$0x16282] =	vst v0  }
0x510: {  	v0 =	vld.idx.msk [tilespmem:v3+s9+$0x0], $0xffff;
	_ =	sdelay $0x1  }
0x511: {  	[tilespmem:s2+$0x162C0] =	vst v2  }
0x512: {  	v2 =	vld.idx.msk [tilespmem:v4+s9+$0x0], $0xffff  }
0x513: {  	v1 =	vadd.s32 v62, v1  }
0x514: {  	v0 =	vadd.s32 v42, v0;
	_ =	sdelay $0x2  }
0x515: {  	v2 =	vadd.s32 v60, v2  }
0x516: {  	v1 =	vld.idx.msk [tilespmem:v1+s3+$0x0], $0xffff  }
0x517: {  	v56 =	vor.u32 $0x15, v59;
	v0 =	vld.idx.msk [tilespmem:v0+s3+$0x0], $0xffff  }
0x518: {  	v3 =	vor.u32 s18, v43;
	_ =	sdelay $0x1  }
0x519: {  	v2 =	vld.idx.msk [tilespmem:v2+s3+$0x0], $0xffff  }
0x51a: {  	[tilespmem:s12+$0x162C1] =	vst v1;
	v4 =	vor.u32 s4, v61  }
0x51b: {  	v1 =	vld.idx.msk [tilespmem:v56+s9+$0x0], $0xffff;
	[tilespmem:s20+$0x16292] =	vst v0  }
0x51c: {  	v0 =	vld.idx.msk [tilespmem:v3+s9+$0x0], $0xffff;
	_ =	sdelay $0x1  }
0x51d: {  	[tilespmem:s2+$0x162D0] =	vst v2  }
0x51e: {  	v2 =	vld.idx.msk [tilespmem:v4+s9+$0x0], $0xffff  }
0x51f: {  	v1 =	vadd.s32 v60, v1  }
0x520: {  	v0 =	vadd.s32 v44, v0;
	_ =	sdelay $0x2  }
0x521: {  	v2 =	vadd.s32 v48, v2  }
0x522: {  	v1 =	vld.idx.msk [tilespmem:v1+s3+$0x0], $0xffff  }
0x523: {  	v56 =	vor.u32 s0, v61;
	v0 =	vld.idx.msk [tilespmem:v0+s3+$0x0], $0xffff  }
0x524: {  	v3 =	vor.u32 s18, v45;
	_ =	sdelay $0x1  }
0x525: {  	v2 =	vld.idx.msk [tilespmem:v2+s3+$0x0], $0xffff  }
0x526: {  	[tilespmem:s12+$0x162D1] =	vst v1;
	v4 =	vor.u32 s4, v49  }
0x527: {  	v1 =	vld.idx.msk [tilespmem:v56+s9+$0x0], $0xffff;
	[tilespmem:s20+$0x162A2] =	vst v0  }
0x528: {  	v0 =	vld.idx.msk [tilespmem:v3+s9+$0x0], $0xffff;
	_ =	sdelay $0x1  }
0x529: {  	[tilespmem:s2+$0x162E0] =	vst v2  }
0x52a: {  	v2 =	vld.idx.msk [tilespmem:v4+s9+$0x0], $0xffff  }
0x52b: {  	v1 =	vadd.s32 v48, v1  }
0x52c: {  	v0 =	vadd.s32 v46, v0;
	_ =	sdelay $0x2  }
0x52d: {  	v2 =	vadd.s32 v50, v2  }
0x52e: {  	v1 =	vld.idx.msk [tilespmem:v1+s3+$0x0], $0xffff  }
0x52f: {  	v56 =	vor.u32 s0, v49;
	v0 =	vld.idx.msk [tilespmem:v0+s3+$0x0], $0xffff  }
0x530: {  	v3 =	vor.u32 s18, v47;
	_ =	sdelay $0x1  }
0x531: {  	v2 =	vld.idx.msk [tilespmem:v2+s3+$0x0], $0xffff  }
0x532: {  	[tilespmem:s12+$0x162E1] =	vst v1;
	v4 =	vor.u32 s4, v51  }
0x533: {  	v1 =	vld.idx.msk [tilespmem:v56+s9+$0x0], $0xffff;
	[tilespmem:s20+$0x162B2] =	vst v0  }
0x534: {  	v0 =	vld.idx.msk [tilespmem:v3+s9+$0x0], $0xffff;
	_ =	sdelay $0x1  }
0x535: {  	[tilespmem:s2+$0x162F0] =	vst v2  }
0x536: {  	v2 =	vld.idx.msk [tilespmem:v4+s9+$0x0], $0xffff  }
0x537: {  	v1 =	vadd.s32 v50, v1  }
0x538: {  	v0 =	vadd.s32 v62, v0;
	_ =	sdelay $0x2  }
0x539: {  	v2 =	vadd.s32 v52, v2  }
0x53a: {  	v1 =	vld.idx.msk [tilespmem:v1+s3+$0x0], $0xffff  }
0x53b: {  	v56 =	vor.u32 s0, v51;
	v0 =	vld.idx.msk [tilespmem:v0+s3+$0x0], $0xffff  }
0x53c: {  	v3 =	vor.u32 $0x15, v57;
	_ =	sdelay $0x1  }
0x53d: {  	v2 =	vld.idx.msk [tilespmem:v2+s3+$0x0], $0xffff  }
0x53e: {  	[tilespmem:s12+$0x162F1] =	vst v1;
	v4 =	vor.u32 s4, v53  }
0x53f: {  	v1 =	vld.idx.msk [tilespmem:v56+s9+$0x0], $0xffff;
	[tilespmem:s20+$0x162C2] =	vst v0  }
0x540: {  	v0 =	vld.idx.msk [tilespmem:v3+s9+$0x0], $0xffff;
	_ =	sdelay $0x1  }
0x541: {  	[tilespmem:s2+$0x16300] =	vst v2  }
0x542: {  	v2 =	vld.idx.msk [tilespmem:v4+s9+$0x0], $0xffff  }
0x543: {  	v1 =	vadd.s32 v52, v1  }
0x544: {  	v0 =	vadd.s32 v60, v0;
	_ =	sdelay $0x2  }
0x545: {  	v2 =	vadd.s32 v54, v2  }
0x546: {  	v1 =	vld.idx.msk [tilespmem:v1+s3+$0x0], $0xffff  }
0x547: {  	v62 =	vor.u32 s0, v53;
	v0 =	vld.idx.msk [tilespmem:v0+s3+$0x0], $0xffff  }
0x548: {  	v3 =	vor.u32 s18, v61;
	_ =	sdelay $0x1  }
0x549: {  	v2 =	vld.idx.msk [tilespmem:v2+s3+$0x0], $0xffff  }
0x54a: {  	[tilespmem:s12+$0x16301] =	vst v1;
	v4 =	vor.u32 s4, v8  }
0x54b: {  	v1 =	vld.idx.msk [tilespmem:v62+s9+$0x0], $0xffff;
	[tilespmem:s20+$0x162D2] =	vst v0  }
0x54c: {  	v0 =	vld.idx.msk [tilespmem:v3+s9+$0x0], $0xffff;
	_ =	sdelay $0x1  }
0x54d: {  	[tilespmem:s2+$0x16310] =	vst v2  }
0x54e: {  	v2 =	vld.idx.msk [tilespmem:v4+s9+$0x0], $0xffff  }
0x54f: {  	v1 =	vadd.s32 v54, v1  }
0x550: {  	v0 =	vadd.s32 v48, v0  }
0x551: {  	v4 =	vld [tilespmem:$0x1FFC0];
	_ =	sdelay $0x1  }
0x552: {  	v2 =	vadd.s32 v55, v2  }
0x553: {  	v3 =	vadd.s32 s2, v55;
	v1 =	vld.idx.msk [tilespmem:v1+s3+$0x0], $0xffff  }
0x554: {  	v62 =	vor.u32 s0, v8;
	v3 =	vand.u32 $0xFFF8, v3;
	v0 =	vld.idx.msk [tilespmem:v0+s3+$0x0], $0xffff  }
0x555: {  	v3 =	vor.u32 v4, v3;
	v4 =	vor.u32 s18, v49;
	_ =	sdelay $0x1  }
0x556: {  	v2 =	vld.idx.msk [tilespmem:v2+s3+$0x0], $0xffff  }
0x557: {  	[tilespmem:s12+$0x16311] =	vst v1  }
0x558: {  	v1 =	vld.idx.msk [tilespmem:v62+s9+$0x0], $0xffff;
	[tilespmem:s20+$0x162E2] =	vst v0  }
0x559: {  	v0 =	vld.idx.msk [tilespmem:v4+s9+$0x0], $0xffff;
	_ =	sdelay $0x1  }
0x55a: {  	s4 =	sand.u32 $0x3FFFFF80, s4;
	[tilespmem:v3+s11+$0x0] =	vst.idx.msk $0x3fff, v2  }
0x55b: {  	v2 =	vld [tilespmem:s4+$0xC120]  }
0x55c: {  	v1 =	vadd.s32 v55, v1;
	v3 =	vld [tilespmem:s4+$0xC123];
	s4 =	sor.u32 $0x3, s17  }
0x55d: {  	v0 =	vadd.s32 v50, v0;
	s24 =	sshll.u32 s4, $0x7  }
0x55e: {  	v62 =	vmov s24;
	_ =	sdelay $0x2  }
0x55f: {  	s12 =	sor.u32 $0x4, s17;
	v1 =	vld.idx.msk [tilespmem:v1+s3+$0x0], $0xffff  }
0x560: {  	v60 =	vadd.s32 s7, v55;
	s25 =	sshll.u32 s12, $0x7;
	v0 =	vld.idx.msk [tilespmem:v0+s3+$0x0], $0xffff  }
0x561: {  	v58 =	vmov s25;
	v61 =	vld.idx.msk [tilespmem:v62+s9+$0x0], $0xffff  }
0x562: {  	s28 =	sor.u32 $0x5, s17  }
0x563: {  	s23 =	sshll.u32 s28, $0x7  }
0x564: {  	v59 =	vmov s23  }
0x565: {  	v63 =	vlaneseq.u32;
	[tilespmem:v60+s11+$0x0] =	vst.idx.msk $0x3fff, v1  }
0x566: {  	s30 =	sor.u32 $0x6, s17;
	s0 =	sand.u32 $0x3FFFFF80, s0;
	v57 =	vld.idx.msk [tilespmem:v58+s9+$0x0], $0xffff;
	[tilespmem:$0x1FCA0] =	vst v0;
	v0 =	vadd.s32 v63, v61  }
0x567: {  	s31 =	sor.u32 $0x7, s17;
	s22 =	sshll.u32 s30, $0x7;
	v1 =	vld [tilespmem:s0+$0xC120]  }
0x568: {  	s21 =	sshll.u32 s31, $0x7;
	v60 =	vmov s22;
	v4 =	vld [tilespmem:s0+$0xC123]  }
0x569: {  	v56 =	vld.idx.msk [tilespmem:v59+s9+$0x0], $0xffff;
	v61 =	vmov s21  }
0x56a: {  	[tilespmem:s2+$0x1632E] =	vst v2  }
0x56b: {  	[tilespmem:s2+$0x16331] =	vst v3;
	v0 =	vld.idx.msk [tilespmem:v0+s3+$0x0], $0xffff  }
0x56c: {  	[tilespmem:s7+$0x1632E] =	vst v1;
	v3 =	vor.u32 s24, v5  }
0x56d: {  	v1 =	vadd.s32 v63, v57;
	[tilespmem:s7+$0x16331] =	vst v4;
	v4 =	vld.idx.msk [tilespmem:v60+s9+$0x0], $0xffff  }
0x56e: {  	s26 =	smul.u32 $0x201, s4;
	v2 =	vadd.s32 v63, v56;
	v56 =	vld.idx.msk [tilespmem:v61+s9+$0x0], $0xffff;
	_ =	sdelay $0x1  }
0x56f: {  	[tilespmem:s26+$0x16140] =	vst v0  }
0x570: {  	v0 =	vld.idx.msk [tilespmem:v3+s9+$0x0], $0xffff  }
0x571: {  	v1 =	vld.idx.msk [tilespmem:v1+s3+$0x0], $0xffff;
	v3 =	vadd.s32 v63, v4  }
0x572: {  	v56 =	vadd.s32 v63, v56;
	v2 =	vld.idx.msk [tilespmem:v2+s3+$0x0], $0xffff  }
0x573: {  	v4 =	vor.u32 s25, v5  }
0x574: {  	s29 =	smul.u32 $0x201, s12;
	v57 =	vor.u32 s23, v5  }
0x575: {  	s28 =	smul.u32 $0x201, s28  }
0x576: {  	v0 =	vadd.s32 v6, v0;
	[tilespmem:s29+$0x16140] =	vst v1;
	v1 =	vld.idx.msk [tilespmem:v3+s3+$0x0], $0xffff  }
0x577: {  	[tilespmem:s28+$0x16140] =	vst v2;
	v2 =	vld.idx.msk [tilespmem:v56+s3+$0x0], $0xffff  }
0x578: {  	v3 =	vld.idx.msk [tilespmem:v4+s9+$0x0], $0xffff;
	v4 =	vor.u32 s22, v5  }
0x579: {  	v56 =	vld.idx.msk [tilespmem:v57+s9+$0x0], $0xffff;
	v57 =	vor.u32 s21, v5  }
0x57a: {  	s30 =	smul.u32 $0x201, s30  }
0x57b: {  	s31 =	smul.u32 $0x201, s31;
	v0 =	vld.idx.msk [tilespmem:v0+s3+$0x0], $0xffff  }
0x57c: {  	[tilespmem:s30+$0x16140] =	vst v1;
	v1 =	vor.u32 s24, v7  }
0x57d: {  	[tilespmem:s31+$0x16140] =	vst v2;
	v3 =	vadd.s32 v6, v3;
	v4 =	vld.idx.msk [tilespmem:v4+s9+$0x0], $0xffff  }
0x57e: {  	v2 =	vadd.s32 v6, v56;
	v63 =	vld.idx.msk [tilespmem:v57+s9+$0x0], $0xffff  }
0x57f: {  	s4 =	sand.u32 $0x7FF8, s26  }
0x580: {  	[tilespmem:s4+$0x16153] =	vst v0  }
0x581: {  	v0 =	vld.idx.msk [tilespmem:v1+s9+$0x0], $0xffff  }
0x582: {  	v1 =	vld.idx.msk [tilespmem:v3+s3+$0x0], $0xffff;
	v3 =	vadd.s32 v6, v4  }
0x583: {  	v2 =	vld.idx.msk [tilespmem:v2+s3+$0x0], $0xffff;
	v56 =	vadd.s32 v6, v63  }
0x584: {  	v57 =	vor.u32 s23, v7;
	_ =	sdelay $0x1  }
0x585: {  	s0 =	sand.u32 $0x7FF8, s29;
	v4 =	vor.u32 s25, v7  }
0x586: {  	s7 =	sand.u32 $0x7FF8, s28;
	[tilespmem:s0+$0x16154] =	vst v1;
	v1 =	vld.idx.msk [tilespmem:v3+s3+$0x0], $0xffff  }
0x587: {  	[tilespmem:s7+$0x16155] =	vst v2;
	v2 =	vld.idx.msk [tilespmem:v56+s3+$0x0], $0xffff  }
0x588: {  	v0 =	vadd.s32 v9, v0;
	v56 =	vld.idx.msk [tilespmem:v57+s9+$0x0], $0xffff  }
0x589: {  	v57 =	vld [tilespmem:$0x1FCD0]  }
0x58a: {  	v3 =	vld.idx.msk [tilespmem:v4+s9+$0x0], $0xffff  }
0x58b: {  	v4 =	vor.u32 s22, v7;
	_ =	sdelay $0x1  }
0x58c: {  	s2 =	sand.u32 $0x7FF8, s30;
	v63 =	vor.u32 s21, v7;
	v0 =	vld.idx.msk [tilespmem:v0+s3+$0x0], $0xffff  }
0x58d: {  	[tilespmem:s2+$0x16156] =	vst v1;
	v1 =	vor.u32 s24, v57  }
0x58e: {  	v3 =	vadd.s32 v9, v3  }
0x58f: {  	s12 =	sand.u32 $0x7FF8, s31;
	v4 =	vld.idx.msk [tilespmem:v4+s9+$0x0], $0xffff  }
0x590: {  	[tilespmem:s12+$0x16157] =	vst v2  }
0x591: {  	v63 =	vld.idx.msk [tilespmem:v63+s9+$0x0], $0xffff;
	[tilespmem:s4+$0x16163] =	vst v0  }
0x592: {  	v0 =	vld.idx.msk [tilespmem:v1+s9+$0x0], $0xffff  }
0x593: {  	v1 =	vld.idx.msk [tilespmem:v3+s3+$0x0], $0xffff  }
0x594: {  	v3 =	vadd.s32 v9, v4;
	v4 =	vld [tilespmem:$0x1FCD0]  }
0x595: {  	v2 =	vadd.s32 v9, v56  }
0x596: {  	v56 =	vadd.s32 v9, v63;
	v9 =	vld [tilespmem:$0x1FCD0];
	_ =	sdelay $0x2  }
0x597: {  	v4 =	vor.u32 s25, v4  }
0x598: {  	v2 =	vld.idx.msk [tilespmem:v2+s3+$0x0], $0xffff  }
0x599: {  	v57 =	vor.u32 s23, v9  }
0x59a: {  	v0 =	vadd.s32 v10, v0  }
0x59b: {  	[tilespmem:s0+$0x16164] =	vst v1;
	v1 =	vld.idx.msk [tilespmem:v3+s3+$0x0], $0xffff  }
0x59c: {  	v3 =	vld.idx.msk [tilespmem:v4+s9+$0x0], $0xffff;
	v4 =	vor.u32 s22, v9  }
0x59d: {  	[tilespmem:s7+$0x16165] =	vst v2;
	v2 =	vld.idx.msk [tilespmem:v56+s3+$0x0], $0xffff  }
0x59e: {  	v56 =	vld.idx.msk [tilespmem:v57+s9+$0x0], $0xffff;
	v57 =	vor.u32 s21, v9  }
0x59f: {  	v0 =	vld.idx.msk [tilespmem:v0+s3+$0x0], $0xffff  }
0x5a0: {  	[tilespmem:s2+$0x16166] =	vst v1;
	v1 =	vor.u32 s24, v11  }
0x5a1: {  	v3 =	vadd.s32 v10, v3;
	v4 =	vld.idx.msk [tilespmem:v4+s9+$0x0], $0xffff  }
0x5a2: {  	[tilespmem:s12+$0x16167] =	vst v2  }
0x5a3: {  	v2 =	vadd.s32 v10, v56;
	v63 =	vld.idx.msk [tilespmem:v57+s9+$0x0], $0xffff  }
0x5a4: {  	[tilespmem:s4+$0x16173] =	vst v0  }
0x5a5: {  	v0 =	vld.idx.msk [tilespmem:v1+s9+$0x0], $0xffff  }
0x5a6: {  	v1 =	vld.idx.msk [tilespmem:v3+s3+$0x0], $0xffff;
	v3 =	vadd.s32 v10, v4  }
0x5a7: {  	v4 =	vor.u32 s25, v11  }
0x5a8: {  	v2 =	vld.idx.msk [tilespmem:v2+s3+$0x0], $0xffff;
	v56 =	vadd.s32 v10, v63  }
0x5a9: {  	v57 =	vor.u32 s23, v11  }
0x5aa: {  	v0 =	vadd.s32 v12, v0  }
0x5ab: {  	[tilespmem:s0+$0x16174] =	vst v1;
	v1 =	vld.idx.msk [tilespmem:v3+s3+$0x0], $0xffff  }
0x5ac: {  	v3 =	vld.idx.msk [tilespmem:v4+s9+$0x0], $0xffff;
	v4 =	vor.u32 s22, v11  }
0x5ad: {  	[tilespmem:s7+$0x16175] =	vst v2;
	v2 =	vld.idx.msk [tilespmem:v56+s3+$0x0], $0xffff  }
0x5ae: {  	v56 =	vld.idx.msk [tilespmem:v57+s9+$0x0], $0xffff;
	v57 =	vor.u32 s21, v11  }
0x5af: {  	v0 =	vld.idx.msk [tilespmem:v0+s3+$0x0], $0xffff  }
0x5b0: {  	[tilespmem:s2+$0x16176] =	vst v1;
	v1 =	vor.u32 s24, v13  }
0x5b1: {  	v3 =	vadd.s32 v12, v3;
	v4 =	vld.idx.msk [tilespmem:v4+s9+$0x0], $0xffff  }
0x5b2: {  	[tilespmem:s12+$0x16177] =	vst v2  }
0x5b3: {  	v2 =	vadd.s32 v12, v56;
	v63 =	vld.idx.msk [tilespmem:v57+s9+$0x0], $0xffff  }
0x5b4: {  	[tilespmem:s4+$0x16183] =	vst v0  }
0x5b5: {  	v0 =	vld.idx.msk [tilespmem:v1+s9+$0x0], $0xffff  }
0x5b6: {  	v1 =	vld.idx.msk [tilespmem:v3+s3+$0x0], $0xffff;
	v3 =	vadd.s32 v12, v4  }
0x5b7: {  	v4 =	vor.u32 s25, v13  }
0x5b8: {  	v2 =	vld.idx.msk [tilespmem:v2+s3+$0x0], $0xffff;
	v56 =	vadd.s32 v12, v63  }
0x5b9: {  	v57 =	vor.u32 s23, v13  }
0x5ba: {  	v0 =	vadd.s32 v14, v0  }
0x5bb: {  	[tilespmem:s0+$0x16184] =	vst v1;
	v1 =	vld.idx.msk [tilespmem:v3+s3+$0x0], $0xffff  }
0x5bc: {  	v3 =	vld.idx.msk [tilespmem:v4+s9+$0x0], $0xffff;
	v4 =	vor.u32 s22, v13  }
0x5bd: {  	[tilespmem:s7+$0x16185] =	vst v2;
	v2 =	vld.idx.msk [tilespmem:v56+s3+$0x0], $0xffff  }
0x5be: {  	v56 =	vld.idx.msk [tilespmem:v57+s9+$0x0], $0xffff;
	v57 =	vor.u32 s21, v13  }
0x5bf: {  	v0 =	vld.idx.msk [tilespmem:v0+s3+$0x0], $0xffff  }
0x5c0: {  	[tilespmem:s2+$0x16186] =	vst v1;
	v1 =	vor.u32 $0x5, v62  }
0x5c1: {  	v3 =	vadd.s32 v14, v3;
	v4 =	vld.idx.msk [tilespmem:v4+s9+$0x0], $0xffff  }
0x5c2: {  	[tilespmem:s12+$0x16187] =	vst v2  }
0x5c3: {  	v2 =	vadd.s32 v14, v56;
	v63 =	vld.idx.msk [tilespmem:v57+s9+$0x0], $0xffff  }
0x5c4: {  	[tilespmem:s4+$0x16193] =	vst v0  }
0x5c5: {  	v0 =	vld.idx.msk [tilespmem:v1+s9+$0x0], $0xffff  }
0x5c6: {  	v1 =	vld.idx.msk [tilespmem:v3+s3+$0x0], $0xffff;
	v3 =	vadd.s32 v14, v4  }
0x5c7: {  	v4 =	vor.u32 $0x5, v58  }
0x5c8: {  	v2 =	vld.idx.msk [tilespmem:v2+s3+$0x0], $0xffff;
	v56 =	vadd.s32 v14, v63  }
0x5c9: {  	v57 =	vor.u32 $0x5, v59  }
0x5ca: {  	v0 =	vadd.s32 v15, v0  }
0x5cb: {  	[tilespmem:s0+$0x16194] =	vst v1;
	v1 =	vld.idx.msk [tilespmem:v3+s3+$0x0], $0xffff  }
0x5cc: {  	v3 =	vld.idx.msk [tilespmem:v4+s9+$0x0], $0xffff;
	v4 =	vor.u32 $0x5, v60  }
0x5cd: {  	[tilespmem:s7+$0x16195] =	vst v2;
	v2 =	vld.idx.msk [tilespmem:v56+s3+$0x0], $0xffff  }
0x5ce: {  	v56 =	vld.idx.msk [tilespmem:v57+s9+$0x0], $0xffff;
	v57 =	vor.u32 $0x5, v61  }
0x5cf: {  	v0 =	vld.idx.msk [tilespmem:v0+s3+$0x0], $0xffff  }
0x5d0: {  	[tilespmem:s2+$0x16196] =	vst v1;
	v1 =	vor.u32 s24, v16  }
0x5d1: {  	v3 =	vadd.s32 v15, v3;
	v4 =	vld.idx.msk [tilespmem:v4+s9+$0x0], $0xffff  }
0x5d2: {  	[tilespmem:s12+$0x16197] =	vst v2  }
0x5d3: {  	v2 =	vadd.s32 v15, v56;
	v63 =	vld.idx.msk [tilespmem:v57+s9+$0x0], $0xffff  }
0x5d4: {  	[tilespmem:s4+$0x161A3] =	vst v0  }
0x5d5: {  	v0 =	vld.idx.msk [tilespmem:v1+s9+$0x0], $0xffff  }
0x5d6: {  	v1 =	vld.idx.msk [tilespmem:v3+s3+$0x0], $0xffff;
	v3 =	vadd.s32 v15, v4  }
0x5d7: {  	v4 =	vor.u32 s25, v16  }
0x5d8: {  	v2 =	vld.idx.msk [tilespmem:v2+s3+$0x0], $0xffff;
	v56 =	vadd.s32 v15, v63  }
0x5d9: {  	v57 =	vor.u32 s23, v16  }
0x5da: {  	v0 =	vadd.s32 v17, v0  }
0x5db: {  	[tilespmem:s0+$0x161A4] =	vst v1;
	v1 =	vld.idx.msk [tilespmem:v3+s3+$0x0], $0xffff  }
0x5dc: {  	v3 =	vld.idx.msk [tilespmem:v4+s9+$0x0], $0xffff;
	v4 =	vor.u32 s22, v16  }
0x5dd: {  	[tilespmem:s7+$0x161A5] =	vst v2;
	v2 =	vld.idx.msk [tilespmem:v56+s3+$0x0], $0xffff  }
0x5de: {  	v56 =	vld.idx.msk [tilespmem:v57+s9+$0x0], $0xffff;
	v57 =	vor.u32 s21, v16  }
0x5df: {  	v0 =	vld.idx.msk [tilespmem:v0+s3+$0x0], $0xffff  }
0x5e0: {  	[tilespmem:s2+$0x161A6] =	vst v1;
	v1 =	vor.u32 s24, v18  }
0x5e1: {  	v3 =	vadd.s32 v17, v3;
	v4 =	vld.idx.msk [tilespmem:v4+s9+$0x0], $0xffff  }
0x5e2: {  	[tilespmem:s12+$0x161A7] =	vst v2  }
0x5e3: {  	v2 =	vadd.s32 v17, v56;
	v63 =	vld.idx.msk [tilespmem:v57+s9+$0x0], $0xffff  }
0x5e4: {  	[tilespmem:s4+$0x161B3] =	vst v0  }
0x5e5: {  	v0 =	vld.idx.msk [tilespmem:v1+s9+$0x0], $0xffff  }
0x5e6: {  	v1 =	vld.idx.msk [tilespmem:v3+s3+$0x0], $0xffff;
	v3 =	vadd.s32 v17, v4  }
0x5e7: {  	v4 =	vor.u32 s25, v18  }
0x5e8: {  	v2 =	vld.idx.msk [tilespmem:v2+s3+$0x0], $0xffff;
	v56 =	vadd.s32 v17, v63  }
0x5e9: {  	v57 =	vor.u32 s23, v18  }
0x5ea: {  	v0 =	vadd.s32 v19, v0  }
0x5eb: {  	[tilespmem:s0+$0x161B4] =	vst v1;
	v1 =	vld.idx.msk [tilespmem:v3+s3+$0x0], $0xffff  }
0x5ec: {  	v3 =	vld.idx.msk [tilespmem:v4+s9+$0x0], $0xffff;
	v4 =	vor.u32 s22, v18  }
0x5ed: {  	[tilespmem:s7+$0x161B5] =	vst v2;
	v2 =	vld.idx.msk [tilespmem:v56+s3+$0x0], $0xffff  }
0x5ee: {  	v56 =	vld.idx.msk [tilespmem:v57+s9+$0x0], $0xffff;
	v57 =	vor.u32 s21, v18  }
0x5ef: {  	v0 =	vld.idx.msk [tilespmem:v0+s3+$0x0], $0xffff  }
0x5f0: {  	[tilespmem:s2+$0x161B6] =	vst v1;
	v1 =	vor.u32 s24, v20  }
0x5f1: {  	v3 =	vadd.s32 v19, v3;
	v4 =	vld.idx.msk [tilespmem:v4+s9+$0x0], $0xffff  }
0x5f2: {  	[tilespmem:s12+$0x161B7] =	vst v2  }
0x5f3: {  	v2 =	vadd.s32 v19, v56;
	v63 =	vld.idx.msk [tilespmem:v57+s9+$0x0], $0xffff  }
0x5f4: {  	[tilespmem:s4+$0x161C3] =	vst v0  }
0x5f5: {  	v0 =	vld.idx.msk [tilespmem:v1+s9+$0x0], $0xffff  }
0x5f6: {  	v1 =	vld.idx.msk [tilespmem:v3+s3+$0x0], $0xffff;
	v3 =	vadd.s32 v19, v4  }
0x5f7: {  	v4 =	vor.u32 s25, v20  }
0x5f8: {  	v2 =	vld.idx.msk [tilespmem:v2+s3+$0x0], $0xffff;
	v56 =	vadd.s32 v19, v63  }
0x5f9: {  	v57 =	vor.u32 s23, v20  }
0x5fa: {  	v0 =	vadd.s32 v21, v0  }
0x5fb: {  	[tilespmem:s0+$0x161C4] =	vst v1;
	v1 =	vld.idx.msk [tilespmem:v3+s3+$0x0], $0xffff  }
0x5fc: {  	v3 =	vld.idx.msk [tilespmem:v4+s9+$0x0], $0xffff;
	v4 =	vor.u32 s22, v20  }
0x5fd: {  	[tilespmem:s7+$0x161C5] =	vst v2;
	v2 =	vld.idx.msk [tilespmem:v56+s3+$0x0], $0xffff  }
0x5fe: {  	v56 =	vld.idx.msk [tilespmem:v57+s9+$0x0], $0xffff;
	v57 =	vor.u32 s21, v20  }
0x5ff: {  	v0 =	vld.idx.msk [tilespmem:v0+s3+$0x0], $0xffff  }
0x600: {  	[tilespmem:s2+$0x161C6] =	vst v1;
	v1 =	vor.u32 s24, v22  }
0x601: {  	v3 =	vadd.s32 v21, v3;
	v4 =	vld.idx.msk [tilespmem:v4+s9+$0x0], $0xffff  }
0x602: {  	[tilespmem:s12+$0x161C7] =	vst v2  }
0x603: {  	v2 =	vadd.s32 v21, v56;
	v63 =	vld.idx.msk [tilespmem:v57+s9+$0x0], $0xffff  }
0x604: {  	[tilespmem:s4+$0x161D3] =	vst v0  }
0x605: {  	v0 =	vld.idx.msk [tilespmem:v1+s9+$0x0], $0xffff  }
0x606: {  	v1 =	vld.idx.msk [tilespmem:v3+s3+$0x0], $0xffff;
	v3 =	vadd.s32 v21, v4  }
0x607: {  	v4 =	vor.u32 s25, v22  }
0x608: {  	v2 =	vld.idx.msk [tilespmem:v2+s3+$0x0], $0xffff;
	v56 =	vadd.s32 v21, v63  }
0x609: {  	v57 =	vor.u32 s23, v22  }
0x60a: {  	v0 =	vadd.s32 v23, v0  }
0x60b: {  	[tilespmem:s0+$0x161D4] =	vst v1;
	v1 =	vld.idx.msk [tilespmem:v3+s3+$0x0], $0xffff  }
0x60c: {  	v3 =	vld.idx.msk [tilespmem:v4+s9+$0x0], $0xffff;
	v4 =	vor.u32 s22, v22  }
0x60d: {  	[tilespmem:s7+$0x161D5] =	vst v2;
	v2 =	vld.idx.msk [tilespmem:v56+s3+$0x0], $0xffff  }
0x60e: {  	v56 =	vld.idx.msk [tilespmem:v57+s9+$0x0], $0xffff;
	v57 =	vor.u32 s21, v22  }
0x60f: {  	v0 =	vld.idx.msk [tilespmem:v0+s3+$0x0], $0xffff  }
0x610: {  	[tilespmem:s2+$0x161D6] =	vst v1;
	v1 =	vor.u32 s24, v24  }
0x611: {  	v3 =	vadd.s32 v23, v3;
	v4 =	vld.idx.msk [tilespmem:v4+s9+$0x0], $0xffff  }
0x612: {  	[tilespmem:s12+$0x161D7] =	vst v2  }
0x613: {  	v2 =	vadd.s32 v23, v56;
	v63 =	vld.idx.msk [tilespmem:v57+s9+$0x0], $0xffff  }
0x614: {  	[tilespmem:s4+$0x161E3] =	vst v0  }
0x615: {  	v0 =	vld.idx.msk [tilespmem:v1+s9+$0x0], $0xffff  }
0x616: {  	v1 =	vld.idx.msk [tilespmem:v3+s3+$0x0], $0xffff;
	v3 =	vadd.s32 v23, v4  }
0x617: {  	v4 =	vor.u32 s25, v24  }
0x618: {  	v2 =	vld.idx.msk [tilespmem:v2+s3+$0x0], $0xffff;
	v56 =	vadd.s32 v23, v63  }
0x619: {  	v57 =	vor.u32 s23, v24  }
0x61a: {  	v0 =	vadd.s32 v25, v0  }
0x61b: {  	[tilespmem:s0+$0x161E4] =	vst v1;
	v1 =	vld.idx.msk [tilespmem:v3+s3+$0x0], $0xffff  }
0x61c: {  	v3 =	vld.idx.msk [tilespmem:v4+s9+$0x0], $0xffff;
	v4 =	vor.u32 s22, v24  }
0x61d: {  	[tilespmem:s7+$0x161E5] =	vst v2;
	v2 =	vld.idx.msk [tilespmem:v56+s3+$0x0], $0xffff  }
0x61e: {  	v56 =	vld.idx.msk [tilespmem:v57+s9+$0x0], $0xffff;
	v57 =	vor.u32 s21, v24  }
0x61f: {  	v0 =	vld.idx.msk [tilespmem:v0+s3+$0x0], $0xffff  }
0x620: {  	[tilespmem:s2+$0x161E6] =	vst v1;
	v1 =	vor.u32 $0xA, v62  }
0x621: {  	v3 =	vadd.s32 v25, v3;
	v4 =	vld.idx.msk [tilespmem:v4+s9+$0x0], $0xffff  }
0x622: {  	[tilespmem:s12+$0x161E7] =	vst v2  }
0x623: {  	v2 =	vadd.s32 v25, v56;
	v63 =	vld.idx.msk [tilespmem:v57+s9+$0x0], $0xffff  }
0x624: {  	[tilespmem:s4+$0x161F3] =	vst v0  }
0x625: {  	v0 =	vld.idx.msk [tilespmem:v1+s9+$0x0], $0xffff  }
0x626: {  	v1 =	vld.idx.msk [tilespmem:v3+s3+$0x0], $0xffff;
	v3 =	vadd.s32 v25, v4  }
0x627: {  	v4 =	vor.u32 $0xA, v58  }
0x628: {  	v2 =	vld.idx.msk [tilespmem:v2+s3+$0x0], $0xffff;
	v56 =	vadd.s32 v25, v63  }
0x629: {  	v57 =	vor.u32 $0xA, v59  }
0x62a: {  	v0 =	vadd.s32 v26, v0  }
0x62b: {  	[tilespmem:s0+$0x161F4] =	vst v1;
	v1 =	vld.idx.msk [tilespmem:v3+s3+$0x0], $0xffff  }
0x62c: {  	v3 =	vld.idx.msk [tilespmem:v4+s9+$0x0], $0xffff;
	v4 =	vor.u32 $0xA, v60  }
0x62d: {  	[tilespmem:s7+$0x161F5] =	vst v2;
	v2 =	vld.idx.msk [tilespmem:v56+s3+$0x0], $0xffff  }
0x62e: {  	v56 =	vld.idx.msk [tilespmem:v57+s9+$0x0], $0xffff;
	v57 =	vor.u32 $0xA, v61  }
0x62f: {  	v0 =	vld.idx.msk [tilespmem:v0+s3+$0x0], $0xffff  }
0x630: {  	[tilespmem:s2+$0x161F6] =	vst v1;
	v1 =	vor.u32 s24, v27  }
0x631: {  	v3 =	vadd.s32 v26, v3;
	v4 =	vld.idx.msk [tilespmem:v4+s9+$0x0], $0xffff  }
0x632: {  	[tilespmem:s12+$0x161F7] =	vst v2  }
0x633: {  	v2 =	vadd.s32 v26, v56;
	v63 =	vld.idx.msk [tilespmem:v57+s9+$0x0], $0xffff  }
0x634: {  	[tilespmem:s4+$0x16203] =	vst v0  }
0x635: {  	v0 =	vld.idx.msk [tilespmem:v1+s9+$0x0], $0xffff  }
0x636: {  	v1 =	vld.idx.msk [tilespmem:v3+s3+$0x0], $0xffff;
	v3 =	vadd.s32 v26, v4  }
0x637: {  	v4 =	vor.u32 s25, v27  }
0x638: {  	v2 =	vld.idx.msk [tilespmem:v2+s3+$0x0], $0xffff;
	v56 =	vadd.s32 v26, v63  }
0x639: {  	v57 =	vor.u32 s23, v27  }
0x63a: {  	v0 =	vadd.s32 v29, v0  }
0x63b: {  	[tilespmem:s0+$0x16204] =	vst v1;
	v1 =	vld.idx.msk [tilespmem:v3+s3+$0x0], $0xffff  }
0x63c: {  	v3 =	vld.idx.msk [tilespmem:v4+s9+$0x0], $0xffff;
	v4 =	vor.u32 s22, v27  }
0x63d: {  	[tilespmem:s7+$0x16205] =	vst v2;
	v2 =	vld.idx.msk [tilespmem:v56+s3+$0x0], $0xffff  }
0x63e: {  	v56 =	vld.idx.msk [tilespmem:v57+s9+$0x0], $0xffff;
	v57 =	vor.u32 s21, v27  }
0x63f: {  	v0 =	vld.idx.msk [tilespmem:v0+s3+$0x0], $0xffff  }
0x640: {  	[tilespmem:s2+$0x16206] =	vst v1;
	v1 =	vor.u32 s24, v28  }
0x641: {  	v3 =	vadd.s32 v29, v3;
	v4 =	vld.idx.msk [tilespmem:v4+s9+$0x0], $0xffff  }
0x642: {  	[tilespmem:s12+$0x16207] =	vst v2  }
0x643: {  	v2 =	vadd.s32 v29, v56;
	v63 =	vld.idx.msk [tilespmem:v57+s9+$0x0], $0xffff  }
0x644: {  	[tilespmem:s4+$0x16213] =	vst v0  }
0x645: {  	v0 =	vld.idx.msk [tilespmem:v1+s9+$0x0], $0xffff  }
0x646: {  	v1 =	vld.idx.msk [tilespmem:v3+s3+$0x0], $0xffff;
	v3 =	vadd.s32 v29, v4  }
0x647: {  	v4 =	vor.u32 s25, v28  }
0x648: {  	v2 =	vld.idx.msk [tilespmem:v2+s3+$0x0], $0xffff;
	v56 =	vadd.s32 v29, v63  }
0x649: {  	v57 =	vor.u32 s23, v28  }
0x64a: {  	v0 =	vadd.s32 v30, v0  }
0x64b: {  	[tilespmem:s0+$0x16214] =	vst v1;
	v1 =	vld.idx.msk [tilespmem:v3+s3+$0x0], $0xffff  }
0x64c: {  	v3 =	vld.idx.msk [tilespmem:v4+s9+$0x0], $0xffff;
	v4 =	vor.u32 s22, v28  }
0x64d: {  	[tilespmem:s7+$0x16215] =	vst v2;
	v2 =	vld.idx.msk [tilespmem:v56+s3+$0x0], $0xffff  }
0x64e: {  	v56 =	vld.idx.msk [tilespmem:v57+s9+$0x0], $0xffff;
	v57 =	vor.u32 s21, v28  }
0x64f: {  	v0 =	vld.idx.msk [tilespmem:v0+s3+$0x0], $0xffff  }
0x650: {  	[tilespmem:s2+$0x16216] =	vst v1;
	v1 =	vor.u32 s24, v31  }
0x651: {  	v3 =	vadd.s32 v30, v3;
	v4 =	vld.idx.msk [tilespmem:v4+s9+$0x0], $0xffff  }
0x652: {  	[tilespmem:s12+$0x16217] =	vst v2  }
0x653: {  	v2 =	vadd.s32 v30, v56;
	v63 =	vld.idx.msk [tilespmem:v57+s9+$0x0], $0xffff  }
0x654: {  	[tilespmem:s4+$0x16223] =	vst v0  }
0x655: {  	v0 =	vld.idx.msk [tilespmem:v1+s9+$0x0], $0xffff  }
0x656: {  	v1 =	vld.idx.msk [tilespmem:v3+s3+$0x0], $0xffff;
	v3 =	vadd.s32 v30, v4  }
0x657: {  	v4 =	vor.u32 s25, v31  }
0x658: {  	v2 =	vld.idx.msk [tilespmem:v2+s3+$0x0], $0xffff;
	v56 =	vadd.s32 v30, v63  }
0x659: {  	v57 =	vor.u32 s23, v31  }
0x65a: {  	v0 =	vadd.s32 v32, v0  }
0x65b: {  	[tilespmem:s0+$0x16224] =	vst v1;
	v1 =	vld.idx.msk [tilespmem:v3+s3+$0x0], $0xffff  }
0x65c: {  	v3 =	vld.idx.msk [tilespmem:v4+s9+$0x0], $0xffff;
	v4 =	vor.u32 s22, v31  }
0x65d: {  	[tilespmem:s7+$0x16225] =	vst v2;
	v2 =	vld.idx.msk [tilespmem:v56+s3+$0x0], $0xffff  }
0x65e: {  	v56 =	vld.idx.msk [tilespmem:v57+s9+$0x0], $0xffff;
	v57 =	vor.u32 s21, v31  }
0x65f: {  	v0 =	vld.idx.msk [tilespmem:v0+s3+$0x0], $0xffff  }
0x660: {  	[tilespmem:s2+$0x16226] =	vst v1;
	v1 =	vor.u32 s24, v33  }
0x661: {  	v3 =	vadd.s32 v32, v3;
	v4 =	vld.idx.msk [tilespmem:v4+s9+$0x0], $0xffff  }
0x662: {  	[tilespmem:s12+$0x16227] =	vst v2  }
0x663: {  	v2 =	vadd.s32 v32, v56;
	v63 =	vld.idx.msk [tilespmem:v57+s9+$0x0], $0xffff  }
0x664: {  	[tilespmem:s4+$0x16233] =	vst v0  }
0x665: {  	v0 =	vld.idx.msk [tilespmem:v1+s9+$0x0], $0xffff  }
0x666: {  	v1 =	vld.idx.msk [tilespmem:v3+s3+$0x0], $0xffff;
	v3 =	vadd.s32 v32, v4  }
0x667: {  	v4 =	vor.u32 s25, v33  }
0x668: {  	v2 =	vld.idx.msk [tilespmem:v2+s3+$0x0], $0xffff;
	v56 =	vadd.s32 v32, v63  }
0x669: {  	v57 =	vor.u32 s23, v33  }
0x66a: {  	v0 =	vadd.s32 v34, v0  }
0x66b: {  	[tilespmem:s0+$0x16234] =	vst v1;
	v1 =	vld.idx.msk [tilespmem:v3+s3+$0x0], $0xffff  }
0x66c: {  	v3 =	vld.idx.msk [tilespmem:v4+s9+$0x0], $0xffff;
	v4 =	vor.u32 s22, v33  }
0x66d: {  	[tilespmem:s7+$0x16235] =	vst v2;
	v2 =	vld.idx.msk [tilespmem:v56+s3+$0x0], $0xffff  }
0x66e: {  	v56 =	vld.idx.msk [tilespmem:v57+s9+$0x0], $0xffff;
	v57 =	vor.u32 s21, v33  }
0x66f: {  	v0 =	vld.idx.msk [tilespmem:v0+s3+$0x0], $0xffff  }
0x670: {  	[tilespmem:s2+$0x16236] =	vst v1;
	v1 =	vor.u32 s24, v35  }
0x671: {  	v3 =	vadd.s32 v34, v3;
	v4 =	vld.idx.msk [tilespmem:v4+s9+$0x0], $0xffff  }
0x672: {  	[tilespmem:s12+$0x16237] =	vst v2  }
0x673: {  	v2 =	vadd.s32 v34, v56;
	v63 =	vld.idx.msk [tilespmem:v57+s9+$0x0], $0xffff  }
0x674: {  	[tilespmem:s4+$0x16243] =	vst v0  }
0x675: {  	v0 =	vld.idx.msk [tilespmem:v1+s9+$0x0], $0xffff  }
0x676: {  	v1 =	vld.idx.msk [tilespmem:v3+s3+$0x0], $0xffff;
	v3 =	vadd.s32 v34, v4  }
0x677: {  	v4 =	vor.u32 s25, v35  }
0x678: {  	v2 =	vld.idx.msk [tilespmem:v2+s3+$0x0], $0xffff;
	v56 =	vadd.s32 v34, v63  }
0x679: {  	v57 =	vor.u32 s23, v35  }
0x67a: {  	v0 =	vadd.s32 v36, v0  }
0x67b: {  	[tilespmem:s0+$0x16244] =	vst v1;
	v1 =	vld.idx.msk [tilespmem:v3+s3+$0x0], $0xffff  }
0x67c: {  	v3 =	vld.idx.msk [tilespmem:v4+s9+$0x0], $0xffff;
	v4 =	vor.u32 s22, v35  }
0x67d: {  	[tilespmem:s7+$0x16245] =	vst v2;
	v2 =	vld.idx.msk [tilespmem:v56+s3+$0x0], $0xffff  }
0x67e: {  	v56 =	vld.idx.msk [tilespmem:v57+s9+$0x0], $0xffff;
	v57 =	vor.u32 s21, v35  }
0x67f: {  	v0 =	vld.idx.msk [tilespmem:v0+s3+$0x0], $0xffff  }
0x680: {  	[tilespmem:s2+$0x16246] =	vst v1;
	v1 =	vor.u32 $0xF, v62  }
0x681: {  	v3 =	vadd.s32 v36, v3;
	v4 =	vld.idx.msk [tilespmem:v4+s9+$0x0], $0xffff  }
0x682: {  	[tilespmem:s12+$0x16247] =	vst v2  }
0x683: {  	v2 =	vadd.s32 v36, v56;
	v63 =	vld.idx.msk [tilespmem:v57+s9+$0x0], $0xffff  }
0x684: {  	[tilespmem:s4+$0x16253] =	vst v0  }
0x685: {  	v0 =	vld.idx.msk [tilespmem:v1+s9+$0x0], $0xffff  }
0x686: {  	v1 =	vld.idx.msk [tilespmem:v3+s3+$0x0], $0xffff;
	v3 =	vadd.s32 v36, v4  }
0x687: {  	v4 =	vor.u32 $0xF, v58  }
0x688: {  	v2 =	vld.idx.msk [tilespmem:v2+s3+$0x0], $0xffff;
	v56 =	vadd.s32 v36, v63  }
0x689: {  	v57 =	vor.u32 $0xF, v59  }
0x68a: {  	v0 =	vadd.s32 v37, v0  }
0x68b: {  	[tilespmem:s0+$0x16254] =	vst v1;
	v1 =	vld.idx.msk [tilespmem:v3+s3+$0x0], $0xffff  }
0x68c: {  	v3 =	vld.idx.msk [tilespmem:v4+s9+$0x0], $0xffff;
	v4 =	vor.u32 $0xF, v60  }
0x68d: {  	[tilespmem:s7+$0x16255] =	vst v2;
	v2 =	vld.idx.msk [tilespmem:v56+s3+$0x0], $0xffff  }
0x68e: {  	v56 =	vld.idx.msk [tilespmem:v57+s9+$0x0], $0xffff;
	v57 =	vor.u32 $0xF, v61  }
0x68f: {  	v0 =	vld.idx.msk [tilespmem:v0+s3+$0x0], $0xffff  }
0x690: {  	[tilespmem:s2+$0x16256] =	vst v1;
	v1 =	vor.u32 $0x10, v62  }
0x691: {  	v3 =	vadd.s32 v37, v3;
	v4 =	vld.idx.msk [tilespmem:v4+s9+$0x0], $0xffff  }
0x692: {  	[tilespmem:s12+$0x16257] =	vst v2  }
0x693: {  	v2 =	vadd.s32 v37, v56;
	v63 =	vld.idx.msk [tilespmem:v57+s9+$0x0], $0xffff  }
0x694: {  	[tilespmem:s4+$0x16263] =	vst v0  }
0x695: {  	v0 =	vld.idx.msk [tilespmem:v1+s9+$0x0], $0xffff  }
0x696: {  	v1 =	vld.idx.msk [tilespmem:v3+s3+$0x0], $0xffff;
	v3 =	vadd.s32 v37, v4  }
0x697: {  	v4 =	vor.u32 $0x10, v58  }
0x698: {  	v2 =	vld.idx.msk [tilespmem:v2+s3+$0x0], $0xffff;
	v56 =	vadd.s32 v37, v63  }
0x699: {  	v57 =	vor.u32 $0x10, v59  }
0x69a: {  	v0 =	vadd.s32 v38, v0  }
0x69b: {  	[tilespmem:s0+$0x16264] =	vst v1;
	v1 =	vld.idx.msk [tilespmem:v3+s3+$0x0], $0xffff  }
0x69c: {  	v3 =	vld.idx.msk [tilespmem:v4+s9+$0x0], $0xffff;
	v4 =	vor.u32 $0x10, v60  }
0x69d: {  	[tilespmem:s7+$0x16265] =	vst v2;
	v2 =	vld.idx.msk [tilespmem:v56+s3+$0x0], $0xffff  }
0x69e: {  	v56 =	vld.idx.msk [tilespmem:v57+s9+$0x0], $0xffff;
	v57 =	vor.u32 $0x10, v61  }
0x69f: {  	v0 =	vld.idx.msk [tilespmem:v0+s3+$0x0], $0xffff  }
0x6a0: {  	[tilespmem:s2+$0x16266] =	vst v1;
	v1 =	vor.u32 s24, v39  }
0x6a1: {  	v3 =	vadd.s32 v38, v3;
	v4 =	vld.idx.msk [tilespmem:v4+s9+$0x0], $0xffff  }
0x6a2: {  	[tilespmem:s12+$0x16267] =	vst v2  }
0x6a3: {  	v2 =	vadd.s32 v38, v56;
	v63 =	vld.idx.msk [tilespmem:v57+s9+$0x0], $0xffff  }
0x6a4: {  	[tilespmem:s4+$0x16273] =	vst v0  }
0x6a5: {  	v0 =	vld.idx.msk [tilespmem:v1+s9+$0x0], $0xffff  }
0x6a6: {  	v1 =	vld.idx.msk [tilespmem:v3+s3+$0x0], $0xffff;
	v3 =	vadd.s32 v38, v4  }
0x6a7: {  	v4 =	vor.u32 s25, v39  }
0x6a8: {  	v2 =	vld.idx.msk [tilespmem:v2+s3+$0x0], $0xffff;
	v56 =	vadd.s32 v38, v63  }
0x6a9: {  	v57 =	vor.u32 s23, v39  }
0x6aa: {  	v0 =	vadd.s32 v40, v0  }
0x6ab: {  	[tilespmem:s0+$0x16274] =	vst v1;
	v1 =	vld.idx.msk [tilespmem:v3+s3+$0x0], $0xffff  }
0x6ac: {  	v3 =	vld.idx.msk [tilespmem:v4+s9+$0x0], $0xffff;
	v4 =	vor.u32 s22, v39  }
0x6ad: {  	[tilespmem:s7+$0x16275] =	vst v2;
	v2 =	vld.idx.msk [tilespmem:v56+s3+$0x0], $0xffff  }
0x6ae: {  	v56 =	vld.idx.msk [tilespmem:v57+s9+$0x0], $0xffff;
	v57 =	vor.u32 s21, v39  }
0x6af: {  	v0 =	vld.idx.msk [tilespmem:v0+s3+$0x0], $0xffff  }
0x6b0: {  	[tilespmem:s2+$0x16276] =	vst v1;
	v1 =	vor.u32 s24, v41  }
0x6b1: {  	v3 =	vadd.s32 v40, v3;
	v4 =	vld.idx.msk [tilespmem:v4+s9+$0x0], $0xffff  }
0x6b2: {  	[tilespmem:s12+$0x16277] =	vst v2  }
0x6b3: {  	v2 =	vadd.s32 v40, v56;
	v63 =	vld.idx.msk [tilespmem:v57+s9+$0x0], $0xffff  }
0x6b4: {  	[tilespmem:s4+$0x16283] =	vst v0  }
0x6b5: {  	v0 =	vld.idx.msk [tilespmem:v1+s9+$0x0], $0xffff  }
0x6b6: {  	v1 =	vld.idx.msk [tilespmem:v3+s3+$0x0], $0xffff;
	v3 =	vadd.s32 v40, v4  }
0x6b7: {  	v4 =	vor.u32 s25, v41  }
0x6b8: {  	v2 =	vld.idx.msk [tilespmem:v2+s3+$0x0], $0xffff;
	v56 =	vadd.s32 v40, v63  }
0x6b9: {  	v57 =	vor.u32 s23, v41  }
0x6ba: {  	v0 =	vadd.s32 v42, v0  }
0x6bb: {  	[tilespmem:s0+$0x16284] =	vst v1;
	v1 =	vld.idx.msk [tilespmem:v3+s3+$0x0], $0xffff  }
0x6bc: {  	v3 =	vld.idx.msk [tilespmem:v4+s9+$0x0], $0xffff;
	v4 =	vor.u32 s22, v41  }
0x6bd: {  	[tilespmem:s7+$0x16285] =	vst v2;
	v2 =	vld.idx.msk [tilespmem:v56+s3+$0x0], $0xffff  }
0x6be: {  	v56 =	vld.idx.msk [tilespmem:v57+s9+$0x0], $0xffff;
	v57 =	vor.u32 s21, v41  }
0x6bf: {  	v0 =	vld.idx.msk [tilespmem:v0+s3+$0x0], $0xffff  }
0x6c0: {  	[tilespmem:s2+$0x16286] =	vst v1;
	v1 =	vor.u32 s24, v43  }
0x6c1: {  	v3 =	vadd.s32 v42, v3;
	v4 =	vld.idx.msk [tilespmem:v4+s9+$0x0], $0xffff  }
0x6c2: {  	[tilespmem:s12+$0x16287] =	vst v2  }
0x6c3: {  	v2 =	vadd.s32 v42, v56;
	v63 =	vld.idx.msk [tilespmem:v57+s9+$0x0], $0xffff  }
0x6c4: {  	[tilespmem:s4+$0x16293] =	vst v0  }
0x6c5: {  	v0 =	vld.idx.msk [tilespmem:v1+s9+$0x0], $0xffff  }
0x6c6: {  	v1 =	vld.idx.msk [tilespmem:v3+s3+$0x0], $0xffff;
	v3 =	vadd.s32 v42, v4  }
0x6c7: {  	v4 =	vor.u32 s25, v43  }
0x6c8: {  	v2 =	vld.idx.msk [tilespmem:v2+s3+$0x0], $0xffff;
	v56 =	vadd.s32 v42, v63  }
0x6c9: {  	v57 =	vor.u32 s23, v43  }
0x6ca: {  	v0 =	vadd.s32 v44, v0  }
0x6cb: {  	[tilespmem:s0+$0x16294] =	vst v1;
	v1 =	vld.idx.msk [tilespmem:v3+s3+$0x0], $0xffff  }
0x6cc: {  	v3 =	vld.idx.msk [tilespmem:v4+s9+$0x0], $0xffff;
	v4 =	vor.u32 s22, v43  }
0x6cd: {  	[tilespmem:s7+$0x16295] =	vst v2;
	v2 =	vld.idx.msk [tilespmem:v56+s3+$0x0], $0xffff  }
0x6ce: {  	v56 =	vld.idx.msk [tilespmem:v57+s9+$0x0], $0xffff;
	v57 =	vor.u32 s21, v43  }
0x6cf: {  	v0 =	vld.idx.msk [tilespmem:v0+s3+$0x0], $0xffff  }
0x6d0: {  	[tilespmem:s2+$0x16296] =	vst v1;
	v1 =	vor.u32 s24, v45  }
0x6d1: {  	v3 =	vadd.s32 v44, v3;
	v4 =	vld.idx.msk [tilespmem:v4+s9+$0x0], $0xffff  }
0x6d2: {  	[tilespmem:s12+$0x16297] =	vst v2  }
0x6d3: {  	v2 =	vadd.s32 v44, v56;
	v63 =	vld.idx.msk [tilespmem:v57+s9+$0x0], $0xffff  }
0x6d4: {  	[tilespmem:s4+$0x162A3] =	vst v0  }
0x6d5: {  	v0 =	vld.idx.msk [tilespmem:v1+s9+$0x0], $0xffff  }
0x6d6: {  	v1 =	vld.idx.msk [tilespmem:v3+s3+$0x0], $0xffff;
	v3 =	vadd.s32 v44, v4  }
0x6d7: {  	v4 =	vor.u32 s25, v45  }
0x6d8: {  	v2 =	vld.idx.msk [tilespmem:v2+s3+$0x0], $0xffff;
	v56 =	vadd.s32 v44, v63  }
0x6d9: {  	v57 =	vor.u32 s23, v45  }
0x6da: {  	v0 =	vadd.s32 v46, v0  }
0x6db: {  	[tilespmem:s0+$0x162A4] =	vst v1;
	v1 =	vld.idx.msk [tilespmem:v3+s3+$0x0], $0xffff  }
0x6dc: {  	v3 =	vld.idx.msk [tilespmem:v4+s9+$0x0], $0xffff;
	v4 =	vor.u32 s22, v45  }
0x6dd: {  	[tilespmem:s7+$0x162A5] =	vst v2;
	v2 =	vld.idx.msk [tilespmem:v56+s3+$0x0], $0xffff  }
0x6de: {  	v56 =	vld.idx.msk [tilespmem:v57+s9+$0x0], $0xffff  }
0x6df: {  	v57 =	vor.u32 s21, v45;
	v0 =	vld.idx.msk [tilespmem:v0+s3+$0x0], $0xffff  }
0x6e0: {  	[tilespmem:s2+$0x162A6] =	vst v1;
	v1 =	vor.u32 s24, v47  }
0x6e1: {  	v3 =	vadd.s32 v46, v3;
	v4 =	vld.idx.msk [tilespmem:v4+s9+$0x0], $0xffff;
	_ =	sdelay $0x1  }
0x6e2: {  	[tilespmem:s12+$0x162A7] =	vst v2  }
0x6e3: {  	v2 =	vadd.s32 v46, v56;
	v63 =	vld.idx.msk [tilespmem:v57+s9+$0x0], $0xffff;
	[tilespmem:s4+$0x162B3] =	vst v0  }
0x6e4: {  	v0 =	vld.idx.msk [tilespmem:v1+s9+$0x0], $0xffff  }
0x6e5: {  	v1 =	vld.idx.msk [tilespmem:v3+s3+$0x0], $0xffff;
	v3 =	vadd.s32 v46, v4;
	_ =	sdelay $0x1  }
0x6e6: {  	v57 =	vld [tilespmem:$0x1FFD0]  }
0x6e7: {  	v2 =	vld.idx.msk [tilespmem:v2+s3+$0x0], $0xffff;
	v56 =	vadd.s32 v46, v63  }
0x6e8: {  	v4 =	vor.u32 s25, v47  }
0x6e9: {  	[tilespmem:s0+$0x162B4] =	vst v1;
	v1 =	vld.idx.msk [tilespmem:v3+s3+$0x0], $0xffff  }
0x6ea: {  	v63 =	vor.u32 s23, v47;
	_ =	sdelay $0x1  }
0x6eb: {  	v0 =	vadd.s32 v57, v0;
	[tilespmem:s7+$0x162B5] =	vst v2;
	v2 =	vld.idx.msk [tilespmem:v56+s3+$0x0], $0xffff  }
0x6ec: {  	v3 =	vld.idx.msk [tilespmem:v4+s9+$0x0], $0xffff  }
0x6ed: {  	v4 =	vor.u32 s22, v47;
	[tilespmem:s2+$0x162B6] =	vst v1;
	v1 =	vor.u32 $0x15, v62;
	v62 =	vld [tilespmem:$0x1FFD0]  }
0x6ee: {  	v57 =	vor.u32 s21, v47;
	v56 =	vld.idx.msk [tilespmem:v63+s9+$0x0], $0xffff;
	_ =	sdelay $0x1  }
0x6ef: {  	v0 =	vld.idx.msk [tilespmem:v0+s3+$0x0], $0xffff;
	_ =	sdelay $0x1  }
0x6f0: {  	[tilespmem:s12+$0x162B7] =	vst v2;
	v4 =	vld.idx.msk [tilespmem:v4+s9+$0x0], $0xffff;
	v3 =	vadd.s32 v62, v3  }
0x6f1: {  	v2 =	vadd.s32 v62, v56;
	v56 =	vld.idx.msk [tilespmem:v57+s9+$0x0], $0xffff;
	_ =	sdelay $0x1  }
0x6f2: {  	[tilespmem:s4+$0x162C3] =	vst v0  }
0x6f3: {  	v0 =	vld.idx.msk [tilespmem:v1+s9+$0x0], $0xffff  }
0x6f4: {  	v1 =	vld.idx.msk [tilespmem:v3+s3+$0x0], $0xffff;
	v3 =	vadd.s32 v62, v4  }
0x6f5: {  	v2 =	vld.idx.msk [tilespmem:v2+s3+$0x0], $0xffff;
	v56 =	vadd.s32 v62, v56  }
0x6f6: {  	v4 =	vor.u32 $0x15, v58  }
0x6f7: {  	v57 =	vld [tilespmem:$0x1FFE0];
	v58 =	vor.u32 $0x15, v59;
	_ =	sdelay $0x1  }
0x6f8: {  	[tilespmem:s0+$0x162C4] =	vst v1;
	v1 =	vld.idx.msk [tilespmem:v3+s3+$0x0], $0xffff  }
0x6f9: {  	[tilespmem:s7+$0x162C5] =	vst v2;
	v2 =	vld.idx.msk [tilespmem:v56+s3+$0x0], $0xffff  }
0x6fa: {  	v3 =	vld.idx.msk [tilespmem:v4+s9+$0x0], $0xffff  }
0x6fb: {  	v0 =	vadd.s32 v57, v0;
	v56 =	vld.idx.msk [tilespmem:v58+s9+$0x0], $0xffff  }
0x6fc: {  	v58 =	vor.u32 $0x15, v61;
	v61 =	vld [tilespmem:$0x1FFF0]  }
0x6fd: {  	v4 =	vor.u32 $0x15, v60;
	v60 =	vld [tilespmem:$0x1FFE0];
	_ =	sdelay $0x2  }
0x6fe: {  	v0 =	vld.idx.msk [tilespmem:v0+s3+$0x0], $0xffff  }
0x6ff: {  	[tilespmem:s2+$0x162C6] =	vst v1;
	v59 =	vor.u32 s24, v61  }
0x700: {  	v57 =	vadd.s32 v60, v3;
	v3 =	vld.idx.msk [tilespmem:v4+s9+$0x0], $0xffff  }
0x701: {  	[tilespmem:s12+$0x162C7] =	vst v2  }
0x702: {  	v2 =	vadd.s32 v60, v56;
	v4 =	vld.idx.msk [tilespmem:v58+s9+$0x0], $0xffff  }
0x703: {  	[tilespmem:s4+$0x162D3] =	vst v0  }
0x704: {  	v0 =	vld.idx.msk [tilespmem:v59+s9+$0x0], $0xffff  }
0x705: {  	v1 =	vld.idx.msk [tilespmem:v57+s3+$0x0], $0xffff;
	v3 =	vadd.s32 v60, v3  }
0x706: {  	v56 =	vor.u32 s25, v61  }
0x707: {  	v2 =	vld.idx.msk [tilespmem:v2+s3+$0x0], $0xffff;
	v4 =	vadd.s32 v60, v4  }
0x708: {  	v58 =	vor.u32 s23, v61  }
0x709: {  	v0 =	vadd.s32 v48, v0  }
0x70a: {  	[tilespmem:s0+$0x162D4] =	vst v1;
	v1 =	vld.idx.msk [tilespmem:v3+s3+$0x0], $0xffff  }
0x70b: {  	v3 =	vld.idx.msk [tilespmem:v56+s9+$0x0], $0xffff;
	v56 =	vor.u32 s22, v61  }
0x70c: {  	[tilespmem:s7+$0x162D5] =	vst v2;
	v2 =	vld.idx.msk [tilespmem:v4+s3+$0x0], $0xffff  }
0x70d: {  	v4 =	vld.idx.msk [tilespmem:v58+s9+$0x0], $0xffff;
	v58 =	vor.u32 s21, v61  }
0x70e: {  	v0 =	vld.idx.msk [tilespmem:v0+s3+$0x0], $0xffff  }
0x70f: {  	v59 =	vor.u32 s24, v49;
	[tilespmem:s2+$0x162D6] =	vst v1  }
0x710: {  	v57 =	vadd.s32 v48, v3;
	v3 =	vld.idx.msk [tilespmem:v56+s9+$0x0], $0xffff  }
0x711: {  	[tilespmem:s12+$0x162D7] =	vst v2  }
0x712: {  	v2 =	vadd.s32 v48, v4;
	v4 =	vld.idx.msk [tilespmem:v58+s9+$0x0], $0xffff  }
0x713: {  	[tilespmem:s4+$0x162E3] =	vst v0  }
0x714: {  	v0 =	vld.idx.msk [tilespmem:v59+s9+$0x0], $0xffff  }
0x715: {  	v1 =	vld.idx.msk [tilespmem:v57+s3+$0x0], $0xffff;
	v3 =	vadd.s32 v48, v3  }
0x716: {  	v56 =	vor.u32 s25, v49  }
0x717: {  	v2 =	vld.idx.msk [tilespmem:v2+s3+$0x0], $0xffff;
	v4 =	vadd.s32 v48, v4  }
0x718: {  	v58 =	vor.u32 s23, v49  }
0x719: {  	v9 =	vld [tilespmem:$0x1FCA0];
	v0 =	vadd.s32 v50, v0  }
0x71a: {  	v59 =	vor.u32 s18, v51;
	[tilespmem:s0+$0x162E4] =	vst v1;
	v1 =	vld.idx.msk [tilespmem:v3+s3+$0x0], $0xffff  }
0x71b: {  	v3 =	vld.idx.msk [tilespmem:v56+s9+$0x0], $0xffff;
	v56 =	vor.u32 s22, v49  }
0x71c: {  	[tilespmem:s7+$0x162E5] =	vst v2;
	v2 =	vld.idx.msk [tilespmem:v4+s3+$0x0], $0xffff  }
0x71d: {  	v4 =	vld.idx.msk [tilespmem:v58+s9+$0x0], $0xffff;
	v58 =	vor.u32 s21, v49  }
0x71e: {  	[tilespmem:s20+$0x162F2] =	vst v9;
	v0 =	vld.idx.msk [tilespmem:v0+s3+$0x0], $0xffff  }
0x71f: {  	v57 =	vld.idx.msk [tilespmem:v59+s9+$0x0], $0xffff;
	v59 =	vor.u32 s24, v51;
	[tilespmem:s2+$0x162E6] =	vst v1  }
0x720: {  	v1 =	vadd.s32 v50, v3;
	v3 =	vld.idx.msk [tilespmem:v56+s9+$0x0], $0xffff  }
0x721: {  	[tilespmem:s12+$0x162E7] =	vst v2  }
0x722: {  	v2 =	vadd.s32 v50, v4;
	v4 =	vld.idx.msk [tilespmem:v58+s9+$0x0], $0xffff  }
0x723: {  	[tilespmem:s4+$0x162F3] =	vst v0  }
0x724: {  	v0 =	vadd.s32 v52, v57;
	v56 =	vld.idx.msk [tilespmem:v59+s9+$0x0], $0xffff  }
0x725: {  	v1 =	vld.idx.msk [tilespmem:v1+s3+$0x0], $0xffff;
	v3 =	vadd.s32 v50, v3  }
0x726: {  	v57 =	vor.u32 s25, v51  }
0x727: {  	v2 =	vld.idx.msk [tilespmem:v2+s3+$0x0], $0xffff;
	v4 =	vadd.s32 v50, v4  }
0x728: {  	v58 =	vor.u32 s23, v51  }
0x729: {  	v0 =	vld.idx.msk [tilespmem:v0+s3+$0x0], $0xffff  }
0x72a: {  	v56 =	vadd.s32 v52, v56;
	[tilespmem:s0+$0x162F4] =	vst v1;
	v1 =	vld.idx.msk [tilespmem:v3+s3+$0x0], $0xffff  }
0x72b: {  	v3 =	vld.idx.msk [tilespmem:v57+s9+$0x0], $0xffff;
	v57 =	vor.u32 s22, v51  }
0x72c: {  	[tilespmem:s7+$0x162F5] =	vst v2;
	v2 =	vld.idx.msk [tilespmem:v4+s3+$0x0], $0xffff  }
0x72d: {  	v4 =	vld.idx.msk [tilespmem:v58+s9+$0x0], $0xffff;
	v58 =	vor.u32 s21, v51;
	_ =	sdelay $0x1  }
0x72e: {  	v59 =	vor.u32 s18, v53;
	v56 =	vld.idx.msk [tilespmem:v56+s3+$0x0], $0xffff;
	[tilespmem:s2+$0x162F6] =	vst v1  }
0x72f: {  	v3 =	vadd.s32 v52, v3;
	v57 =	vld.idx.msk [tilespmem:v57+s9+$0x0], $0xffff  }
0x730: {  	v1 =	vor.u32 s24, v53;
	[tilespmem:s12+$0x162F7] =	vst v2  }
0x731: {  	[tilespmem:s20+$0x16302] =	vst v0;
	v0 =	vadd.s32 v52, v4;
	v2 =	vld.idx.msk [tilespmem:v58+s9+$0x0], $0xffff;
	_ =	sdelay $0x1  }
0x732: {  	v4 =	vld.idx.msk [tilespmem:v59+s9+$0x0], $0xffff  }
0x733: {  	[tilespmem:s4+$0x16303] =	vst v56;
	v3 =	vld.idx.msk [tilespmem:v3+s3+$0x0], $0xffff;
	v56 =	vadd.s32 v52, v57  }
0x734: {  	v1 =	vld.idx.msk [tilespmem:v1+s9+$0x0], $0xffff;
	v57 =	vor.u32 s25, v53  }
0x735: {  	v0 =	vld.idx.msk [tilespmem:v0+s3+$0x0], $0xffff;
	v2 =	vadd.s32 v52, v2  }
0x736: {  	v58 =	vor.u32 s23, v53  }
0x737: {  	v4 =	vadd.s32 v54, v4  }
0x738: {  	[tilespmem:s0+$0x16304] =	vst v3;
	v3 =	vld.idx.msk [tilespmem:v56+s3+$0x0], $0xffff  }
0x739: {  	v1 =	vadd.s32 v54, v1;
	v56 =	vld.idx.msk [tilespmem:v57+s9+$0x0], $0xffff  }
0x73a: {  	[tilespmem:s7+$0x16305] =	vst v0;
	v0 =	vld.idx.msk [tilespmem:v2+s3+$0x0], $0xffff;
	v57 =	vor.u32 s22, v53  }
0x73b: {  	v2 =	vld.idx.msk [tilespmem:v58+s9+$0x0], $0xffff;
	v58 =	vor.u32 s21, v53  }
0x73c: {  	v4 =	vld.idx.msk [tilespmem:v4+s3+$0x0], $0xffff  }
0x73d: {  	v59 =	vor.u32 s18, v8  }
0x73e: {  	v1 =	vld.idx.msk [tilespmem:v1+s3+$0x0], $0xffff;
	[tilespmem:s2+$0x16306] =	vst v3;
	v3 =	vadd.s32 v54, v56  }
0x73f: {  	[tilespmem:s12+$0x16307] =	vst v0;
	v56 =	vld.idx.msk [tilespmem:v57+s9+$0x0], $0xffff;
	v57 =	vor.u32 s24, v8  }
0x740: {  	v0 =	vadd.s32 v54, v2;
	v2 =	vld.idx.msk [tilespmem:v58+s9+$0x0], $0xffff  }
0x741: {  	[tilespmem:s20+$0x16312] =	vst v4  }
0x742: {  	v4 =	vld.idx.msk [tilespmem:v59+s9+$0x0], $0xffff  }
0x743: {  	[tilespmem:s4+$0x16313] =	vst v1;
	v1 =	vld.idx.msk [tilespmem:v3+s3+$0x0], $0xffff  }
0x744: {  	v3 =	vadd.s32 v54, v56;
	v56 =	vld.idx.msk [tilespmem:v57+s9+$0x0], $0xffff  }
0x745: {  	v0 =	vld.idx.msk [tilespmem:v0+s3+$0x0], $0xffff;
	v2 =	vadd.s32 v54, v2  }
0x746: {  	v57 =	vor.u32 s25, v8  }
0x747: {  	v58 =	vor.u32 s23, v8  }
0x748: {  	v4 =	vadd.s32 v55, v4  }
0x749: {  	[tilespmem:s0+$0x16314] =	vst v1;
	v1 =	vld.idx.msk [tilespmem:v3+s3+$0x0], $0xffff  }
0x74a: {  	[tilespmem:s7+$0x16315] =	vst v0;
	v0 =	vadd.s32 v55, v56;
	v2 =	vld.idx.msk [tilespmem:v2+s3+$0x0], $0xffff  }
0x74b: {  	v3 =	vld.idx.msk [tilespmem:v57+s9+$0x0], $0xffff;
	v57 =	vor.u32 s22, v8  }
0x74c: {  	v56 =	vld.idx.msk [tilespmem:v58+s9+$0x0], $0xffff;
	v58 =	vor.u32 s21, v8  }
0x74d: {  	v59 =	vadd.s32 s19, v55;
	v4 =	vld.idx.msk [tilespmem:v4+s3+$0x0], $0xffff;
	_ =	sdelay $0x1  }
0x74e: {  	[tilespmem:s2+$0x16316] =	vst v1;
	v0 =	vld.idx.msk [tilespmem:v0+s3+$0x0], $0xffff  }
0x74f: {  	[tilespmem:s12+$0x16317] =	vst v2;
	v1 =	vadd.s32 v55, v3;
	v3 =	vld.idx.msk [tilespmem:v57+s9+$0x0], $0xffff  }
0x750: {  	v2 =	vadd.s32 s26, v55;
	v56 =	vadd.s32 v55, v56;
	v57 =	vld.idx.msk [tilespmem:v58+s9+$0x0], $0xffff  }
0x751: {  	[tilespmem:v59+s11+$0x0] =	vst.idx.msk $0x3fff, v4;
	s12 =	sand.u32 $0x3FFFFF80, s18  }
0x752: {  	v4 =	vld [tilespmem:s12+$0xC120]  }
0x753: {  	v59 =	vld [tilespmem:s12+$0xC123]  }
0x754: {  	v58 =	vadd.s32 s29, v55;
	v1 =	vld.idx.msk [tilespmem:v1+s3+$0x0], $0xffff;
	v3 =	vadd.s32 v55, v3  }
0x755: {  	s18 =	sand.u32 $0x3FFFFF80, s24;
	[tilespmem:v2+s11+$0x0] =	vst.idx.msk $0x3fff, v0;
	v2 =	vadd.s32 s28, v55;
	v0 =	vld.idx.msk [tilespmem:v56+s3+$0x0], $0xffff;
	v56 =	vadd.s32 v55, v57  }
0x756: {  	v57 =	vld [tilespmem:s18+$0xC120]  }
0x757: {  	[tilespmem:s19+$0x1632E] =	vst v4;
	v4 =	vld [tilespmem:s18+$0xC123];
	_ =	sdelay $0x1  }
0x758: {  	[tilespmem:v58+s11+$0x0] =	vst.idx.msk $0x3fff, v1;
	v1 =	vld.idx.msk [tilespmem:v3+s3+$0x0], $0xffff;
	v3 =	vadd.s32 s30, v55  }
0x759: {  	s24 =	sand.u32 $0x3FFFFF80, s25;
	[tilespmem:v2+s11+$0x0] =	vst.idx.msk $0x3fff, v0;
	v0 =	vld.idx.msk [tilespmem:v56+s3+$0x0], $0xffff;
	v2 =	vadd.s32 s31, v55  }
0x75a: {  	s25 =	sand.u32 $0x3FFFFF80, s23;
	[tilespmem:s26+$0x1632E] =	vst v57;
	v58 =	vld [tilespmem:s24+$0xC120]  }
0x75b: {  	[tilespmem:s26+$0x16331] =	vst v4;
	v4 =	vld [tilespmem:s25+$0xC120]  }
0x75c: {  	[tilespmem:s20+$0x16333] =	vst v59;
	v56 =	vld [tilespmem:s24+$0xC123]  }
0x75d: {  	v57 =	vld [tilespmem:s25+$0xC123];
	s26 =	sand.u32 $0x3FFFFF80, s22;
	[tilespmem:v3+s11+$0x0] =	vst.idx.msk $0x3fff, v1  }
0x75e: {  	[tilespmem:v2+s11+$0x0] =	vst.idx.msk $0x3fff, v0;
	v1 =	vld [tilespmem:s26+$0xC120]  }
0x75f: {  	[tilespmem:s29+$0x1632E] =	vst v58;
	v3 =	vld [tilespmem:s26+$0xC123];
	s29 =	sand.u32 $0x3FFFFF80, s21  }
0x760: {  	[tilespmem:s28+$0x1632E] =	vst v4;
	v0 =	vld [tilespmem:s29+$0xC120]  }
0x761: {  	p0 =	slt.u32 s17, $0x38;
	[tilespmem:s0+$0x16335] =	vst v56;
	v2 =	vld [tilespmem:s29+$0xC123]  }
.Ltmp1:
0x762: {  	[tilespmem:s28+$0x16331] =	vst v57;
	(pc) =	sbr.rel @p0 .LBB2_5-.Ltmp1, $4  }
0x763: {  	[tilespmem:s30+$0x1632E] =	vst v1  }
0x764: {  	[tilespmem:s2+$0x16337] =	vst v3  }
0x765: {  	s30 =	sadd.s32 $0x8, s17;
	[tilespmem:s31+$0x1632E] =	vst v0  }
0x766: {  	v63 =	vmov v7;
	v4 =	vlaneseq.u32;
	v56 =	vmov v6;
	s17 =	smov.u32 s30;
	[tilespmem:s31+$0x16331] =	vst v2  }
0x767: {  	s15 =	sadd.s32 $0x1, s15  }
0x768: {  	p0 =	sne.s32 s15, $0x4  }
.Ltmp2:
0x769: {  	_ = 	snop;
	(pc) =	sbr.rel @p0 .LBB2_2-.Ltmp2, $4  }
0x76a: {  	_ = 	snop  }
0x76b: {  	s0 =	sshrl.u32 s16, $0x3  }
0x76c: {  	s0 =	sadd.s32 s1, s0  }
0x76d: {  	v2 =	vmov v5;
	[hbm4b:s0+s3] =	stream.linear.scatter [tilespmem:s11], [sflag:$0x2], $0x8040, $0x38;
	[tilespmem:$0x1E180] =	vst v63  }
0x76e: {  	s0 =	simm.s32 $0x1  }
0x76f: {  	_ =	swait.ge [sflag:s0], $0x8040  }
0x770: {  	[sflag:s0] =	ssyncset.done $0x0  }
0x771: {  	[sflag:s0] =	ssyncadd.s32 $0xFFFF7FC0  }
0x772: {  	_ =	swait.ge [sflag:s13], $0x8040  }
0x773: {  	s14 =	sadd.s32 $0x1, s14;
	s31 =	rddreg [dreg:$0x4]  }
0x774: {  	p0 =	sne.s32 s14, s31  }
.Ltmp3:
0x775: {  	_ = 	snop;
	(pc) =	sbr.rel @p0 .LBB2_1-.Ltmp3, $3  }
0x776: {  	_ =	sdelay $0x1  }
0x777: {  	[sflag:s13] =	ssyncset.done $0x0  }
0x778: {  	[sflag:s13] =	ssyncadd.s32 $0xFFFF7FC0  }
0x779: {  	_ =	sfence.sel $0x180000  }
0x77a: {  	[bflag:$0x0] =	sbarrier.arrive $0xFFFF  }
0x77b: {  	_ =	strace $0x90000047  }
0x77c: {  	s0 =	stileid.u32;
	[bflag:$0x2] =	sbarrier.arrive $0xFFFF  }
0x77d: {  	p0 =	sne.s32 s0, $0x0;
	s0 =	rddreg [dreg:$0x2]  }
0x77e: {  	s0 =	sadd.s32 @!p0 $0x100000, s0  }
0x77f: {  	[sflag:s0] =	ssyncadd.tile.s32 @!p0 $0x1;
	_ =	shalt  }
.Lfunc_end2:
_tile_overlayer_lowered:
.L_overlay_start_2:
0x780: {  	(tag) =	ssettag $0x2  }
0x781: {  	s0 =	rddreg [dreg:$0x0];
	s2 =	stileid.u32  }
0x782: {  	s1 =	rddreg [dreg:$0x1];
	p0 =	sne.s32 s2, $0x0  }
0x783: {  	s3 =	rddreg [dreg:$0x2];
	[bflag:$0x3] =	sbarrier.arrive $0xFFFF;
	s2 =	simm.s32 @!p0 $0x1C03  }
0x784: {  	[timem:s3], [sflag:s2] =	dma.local @!p0 [hbm:s0], s1  }
0x785: {  	s0 =	simm.s32 @!p0 $0x3  }
0x786: {  	_ =	swait.ge @!p0 [sflag:s0], s1  }
0x787: {  	s1 =	ssub.s32 @!p0 $0x0, s1;
	[sflag:s0] =	ssyncset.done @!p0 $0x0  }
0x788: {  	[sflag:s0] =	ssyncadd.s32 @!p0 s1  }
0x789: {  	[bflag:$0x3] =	sbarrier.arrive $0xFFFF  }
0x78a: {  	_ =	shalt  }

// kernel: sparse-core-data-format-call.cloned.1.call-start
scs
called_computation_lowered:
.L_overlay_start_0:
0x0: {  	s2 =	sld [smem:$0x3FD9]  }
0x1: {  	s3 =	sld [smem:$0x3FFE];
	_ =	sdelay $0x1  }
0x2: {  	s1 =	srdreg.scid  }
0x3: {  	s0 =	sand.u32 $0x1, s1  }
0x4: {  	s15 =	sshll.u32 s0, $0xA;
	s2 =	sadd.s32 s3, s2  }
0x5: {  	s2 =	sadd.s32 s2, s15  }
0x6: {  	[smem:$0x3FC3] =	sst s2  }
0x7: {  	_ = 	snop  }
0x8: {  	s2 =	sld [smem:$0x3FD0];
	_ =	sdelay $0x2  }
0x9: {  	s16 =	simm.s32 $0xA;
	s4 =	simm.s32 $0x10  }
0xa: {  	[smem:s4], [sflag:s16] =	dma.local [hbm:s2], $0x1  }
0xb: {  	_ =	swait.eq [sflag:s16], $0x1  }
0xc: {  	[sflag:s16] =	ssyncset.done $0x0  }
0xd: {  	[sflag:s16] =	ssyncadd.s32 $0xFFFFFFFF  }
0xe: {  	s17 =	sld [smem:$0x10];
	(tm) =	ssettm $0x1  }
0xf: {  	s18 =	sld [smem:$0x3FFB];
	_ =	sdelay $0x3  }
0x10: {  	_ =	strace s18  }
0x11: {  	s3 =	sld [smem:$0x3FFC];
	_ =	sdelay $0x3  }
0x12: {  	_ =	strace s3  }
0x13: {  	s3 =	sld [smem:$0x3FFD];
	_ =	sdelay $0x3  }
0x14: {  	_ =	strace s3  }
0x15: {  	_ =	strace $0x8FFFFFFF  }
0x16: {  	s19 =	sld [smem:$0x3FDB];
	_ =	sdelay $0x1  }
0x17: {  	s20 =	simm.s32 $_scs_section_size  }
0x18: {  	s5 =	simm.s32 $_size__tile_overlayer_lowered;
	s6 =	simm.s32 $_tile_overlayer_lowered  }
0x19: {  	s23 =	simm.s32 $0x1BFF;
	s22 =	sshll.u32 s6, $0x1;
	s3 =	sadd.s32 s20, s19  }
0x1a: {  	s7 =	simm.s32 $0x0;
	s21 =	sshll.u32 s5, $0x1;
	s5 =	sadd.s32 s22, s3  }
0x1b: {  	[timem:s7], [sflag:s23] =	dma.local [hbm:s5], s21  }
0x1c: {  	_ =	swait.ge [sflag:s23], s21  }
0x1d: {  	s4 =	ssub.s32 $0x0, s21;
	[sflag:s23] =	ssyncset.done $0x0  }
0x1e: {  	[sflag:s23] =	ssyncadd.s32 s4;
	_ =	sdelay $0x1  }
0x1f: {  	s24 =	simm.s32 $0x1B8B  }
0x20: {  	_ =	swait.ge [sflag:s24], $0x1  }
0x21: {  	[sflag:s24] =	ssyncset.done $0x0  }
0x22: {  	s26 =	simm.s32 $0x1B8E;
	s25 =	sld [smem:$0x3FFE];
	[sflag:s24] =	ssyncadd.s32 $0xFFFFFFFF  }
0x23: {  	s27 =	simm.s32 $execute0_lowered;
	[smem:$0x3FD2] =	sst s26  }
0x24: {  	s5 =	sshll.u32 s27, $0x1;
	_ =	strace $0x80000049;
	[dreg:$0x1] =	wrdreg $0xFFFFFFFF  }
0x25: {  	s28 =	simm.s32 $_size_execute0_lowered;
	s3 =	sadd.s32 s3, s5;
	[dreg:$0x0] =	wrdreg $0x0  }
0x26: {  	s5 =	sshll.u32 s28, $0x1;
	[dreg:$0x2] =	wrdreg s3  }
0x27: {  	[dreg:$0x3] =	wrdreg s5  }
0x28: {  	[dreg:$0x4] =	wrdreg $0xC0  }
0x29: {  	_ =	task [dreg:s7], $0x5FFFF  }
0x2a: {  	[dreg:$0x1] =	wrdreg $0xFFFFFFFF  }
0x2b: {  	[dreg:$0x0] =	wrdreg $0x60  }
0x2c: {  	[dreg:$0x2] =	wrdreg s25  }
0x2d: {  	[dreg:$0x3] =	wrdreg s17  }
0x2e: {  	[dreg:$0x4] =	wrdreg $0x9  }
0x2f: {  	_ =	task.clear_ibuf [dreg:s7], $0x5FFFF;
	_ =	strace $0x90000049  }
0x30: {  	s29 =	simm.s32 $0x9;
	_ =	strace $0x8000004B  }
0x31: {  	_ =	swait.ge [sflag:s29], $0x1  }
0x32: {  	[sflag:s29] =	ssyncadd.s32 $0xFFFFFFFF  }
0x33: {  	_ =	strace $0x9000004B  }
0x34: {  	_ =	sfence  }
0x35: {  	s30 =	sld [smem:$0x0];
	_ =	sdelay $0x2  }
0x36: {  	s31 =	sshll.u32 s1, $0xD;
	s1 =	sshrl.u32 s1, $0x2  }
0x37: {  	s3 =	sand.u32 $0x4000, s31;
	s1 =	sadd.s32 s1, s30  }
0x38: {  	s0 =	sor.u32 s3, s0;
	s1 =	sshll.u32 s1, $0x11  }
0x39: {  	s0 =	sor.u32 s1, s0  }
0x3a: {  	s0 =	sadd.s32 $0x8F2B, s0  }
0x3b: {  	[sflag:s0] =	ssyncadd.remote.s32 $0x1  }
0x3c: {  	_ =	sfence.sel $0xFFFF  }
0x3d: {  	[dreg:$0x0] =	wrdreg $0xFFFFFFFF;
	(pc) =	sbr.abs _section_cstart, $3  }
0x3e: {  	[dreg:$0x1] =	wrdreg $0xFFFFFFFF  }
0x3f: {  	_ =	task.clear_ibuf [dreg:s7], $0x2FFFF;
	_ =	strace $0x9FFFFFFF  }
0x40: {  	(tm) =	ssettm $0x7FFFFFFF  }
0x41: {  	_ =	shalt  }
tec
execute0_lowered:
.L_overlay_start_1:
0x0: {  	(tag) =	ssettag $0x1  }
0x1: {  	s0 =	srdreg.scid  }
0x2: {  	s1 =	sshll.u32 s0, $0x4  }
0x3: {  	s6 =	rddreg [dreg:$0x0];
	s0 =	stileid.u32;
	s1 =	sand.u32 $0x10, s1  }
0x4: {  	s3 =	rddreg [dreg:$0x1];
	s1 =	sor.u32 s0, s1  }
0x5: {  	s5 =	simm.s32 $0x1;
	s31 =	simm.s32 $0x2;
	s2 =	sshll.u32 s1, $0x7  }
0x6: {  	s15 =	simm.s32 $0x0;
	s8 =	simm.s32 $0x20000;
	s4 =	ssub.s32 $0x4000, s2  }
0x7: {  	s14 =	simm.s32 $0x0;
	s9 =	simm.s32 $0x0;
	s30 =	sand.u32 $0xF80, s4  }
0x8: {  	s10 =	simm.s32 $0x0;
	s11 =	simm.s32 $0x0;
	p0 =	sne.s32 s30, $0x0  }
.Ltmp0:
0x9: {  	s7 =	sshrl.u32 s4, $0xC;
	s5 =	simm.s32 @!p0 $0x0;
	(pc) =	sbr.rel .LBB1_1-.Ltmp0, $4  }
0xa: {  	s13 =	simm.s32 $0x0;
	s1 =	rddreg [dreg:$0x2];
	s5 =	sadd.s32 s5, s7  }
0xb: {  	_ =	strace $0x8000004A;
	s4 =	simm.s32 $0x1;
	s5 =	smul.u32 $0x5, s5  }
0xc: {  	s6 =	sadd.s32 $0xE00, s6;
	s12 =	smov.u32 s2;
	[sflag:s4] =	ssyncpa.u1 $0x0  }
0xd: {  	[sflag:s31] =	ssyncpa.u1 $0x0;
	p0 =	por $0x0, $0x0;
	s7 =	sadd.s32 $0x1, s5  }
.LBB1_4:
0xe: {  	s20 =	sshra.s32 s20, $0x2  }
0xf: {  	s28 =	sand.u32 $0x78, s10;
	s21 =	sshll.u32 s9, $0xE;
	s22 =	sshll.u32 s10, $0x3  }
0x10: {  	s24 =	sshll.u32 s9, $0x7;
	p1 =	sgt.s32 s9, $0x188;
	s30 =	sshra.s32 s9, $0x1F  }
0x11: {  	s26 =	sshra.s32 s10, $0x1F;
	s19 =	sadd.s32 s20, s19;
	s21 =	sand.u32 $0xFFFE0000, s21  }
0x12: {  	v5 =	vld [tilespmem:s17+$0xFFFFFFD0];
	[tilespmem:s18+$0x2040 ss:$0x81] =	vst.msk $0xffff, v4;
	s23 =	sand.u32 $0xFFFFFC00, s22;
	s29 =	sand.u32 $0x380, s24;
	s22 =	sand.u32 $0x3C00, s22  }
0x13: {  	v58 =	vld [tilespmem:s17+$0xFFFFFFE0];
	[tilespmem:s18+$0x2850 ss:$0x81] =	vst.msk $0xffff, v3;
	s21 =	sadd.s32 s23, s21;
	s20 =	sor.u32 s28, s22;
	s22 =	smov.u32 s9  }
0x14: {  	v59 =	vld [tilespmem:s17+$0xFFFFFFF0];
	[tilespmem:s18+$0x3060 ss:$0x81] =	vst.msk $0xffff, v2;
	s24 =	sand.u32 s30, s9;
	s21 =	sshrl.u32 s21, $0xE;
	s22 =	simm.s32 @!p1 $0x188  }
0x15: {  	v60 =	vld [tilespmem:s17+$0x0];
	[tilespmem:s18+$0x0 ss:$0x81] =	vst.msk $0xffff, v1;
	p1 =	sgt.s32 s10, $0x3F80;
	s31 =	ssub.s32 s22, s24;
	s22 =	smov.u32 s10  }
0x16: {  	v61 =	vld [tilespmem:s17+$0x10];
	[tilespmem:s19+$0x3870 ss:$0x81] =	vst.msk $0xffff, v0;
	s25 =	smulhi.u32 $0x7E07E1, s21;
	s24 =	sand.u32 s26, s10;
	s22 =	simm.s32 @!p1 $0x3F80  }
0x17: {  	v62 =	vld [tilespmem:s17+$0x20];
	s20 =	sor.u32 s29, s20;
	[tilespmem:s19+$0x810 ss:$0x81] =	vst.msk $0xffff, v5;
	s27 =	sadd.s32 $0xFFFFFE78, s31;
	s22 =	ssub.s32 s22, s24  }
0x18: {  	v63 =	vld [tilespmem:s17+$0xFFFFFFC0];
	[tilespmem:s19+$0x1020 ss:$0x81] =	vst.msk $0xffff, v58;
	s18 =	ssub.s32 $0x208, s31;
	s28 =	smul.u32 $0x208, s25;
	s29 =	sadd.s32 $0xFFFFC080, s22  }
0x19: {  	[tilespmem:s19+$0x1830 ss:$0x81] =	vst.msk $0xffff, v59;
	p1 =	sgt.s32 s27, $0x7F;
	s22 =	ssub.s32 $0x4000, s22;
	p2 =	sgt.s32 s29, $0x7F  }
0x1a: {  	s30 =	sand.u32 $0x7, s10;
	[tilespmem:s19+$0x2040 ss:$0x81] =	vst.msk $0xffff, v60;
	s18 =	simm.s32 @p1 $0x0;
	s22 =	simm.s32 @p2 $0x0  }
0x1b: {  	s20 =	sshrl.u32 s20, $0x3;
	[tilespmem:s19+$0x2850 ss:$0x81] =	vst.msk $0xffff, v61;
	s17 =	ssub.s32 s21, s28;
	s18 =	smul.u32 s22, s18  }
0x1c: {  	[tilespmem:s19+$0x3060 ss:$0x81] =	vst.msk $0xffff, v62;
	s20 =	sadd.s32 s3, s20;
	s21 =	sshll.u32 s30, $0x12;
	s17 =	sshll.u32 s17, $0xB  }
0x1d: {  	[tilespmem:s19+$0x0 ss:$0x81] =	vst.msk $0xffff, v63;
	s31 =	sor.u32 $0x400, s21;
	s17 =	sadd.s32 s17, s20;
	s18 =	sand.u32 $0x3FFFFFFF, s18  }
0x1e: {  	[hbm4b:s17+s31] =	stream.strided.scatter [tilespmem:s16], [sflag:$0x2], s18, s8, s31, $0x20;
	[tilespmem:$0x10100] =	vst v63  }
.LBB1_5:
0x1f: {  	p1 =	slt.u32 s13, $0x2  }
0x20: {  	s17 =	smov.u32 s15;
	p2 =	sgt.s32 @!p1 s15, $0x188;
	s16 =	sshra.s32 @!p1 s15, $0x1F  }
0x21: {  	p3 =	sgt.s32 @!p1 s14, $0x3F80;
	s18 =	sshra.s32 @!p1 s14, $0x1F;
	p2 =	por !p2, p1  }
0x22: {  	s15 =	sand.u32 @!p1 s16, s15;
	p3 =	por !p3, p1;
	s16 =	smov.u32 s14  }
0x23: {  	s14 =	sand.u32 @!p1 s18, s14;
	s17 =	simm.s32 @p2 $0x188;
	s16 =	simm.s32 @p3 $0x3F80  }
0x24: {  	s15 =	ssub.s32 @!p1 s17, s15;
	s14 =	ssub.s32 @!p1 s16, s14  }
0x25: {  	s18 =	smov.u32 s12;
	s16 =	sadd.s32 @!p1 $0xFFFFFE78, s15;
	s17 =	sadd.s32 @!p1 $0xFFFFC080, s14  }
0x26: {  	s15 =	ssub.s32 @!p1 $0x208, s15;
	p2 =	sgt.s32 @!p1 s16, $0x7F;
	p3 =	sgt.s32 @!p1 s17, $0x7F  }
0x27: {  	s14 =	ssub.s32 @!p1 $0x4000, s14;
	p2 =	por !p2, p1;
	p3 =	por !p3, p1  }
0x28: {  	s16 =	sadd.s32 $0x80, s11;
	s15 =	simm.s32 @!p2 $0x0;
	s14 =	simm.s32 @!p3 $0x0  }
0x29: {  	p2 =	sgt.s32 s16, $0x200;
	s14 =	smul.u32 @!p1 s14, s15;
	s15 =	sadd.s32 $0x1000, s12  }
0x2a: {  	s18 =	smov.u32 @p2 s15  }
0x2b: {  	s16 =	simm.s32 @p2 $0x0;
	p2 =	sgt.s32 s18, $0x3FFF  }
0x2c: {  	s18 =	smov.u32 @p2 s2;
	p2 =	sne.s32 s13, s7  }
.Ltmp1:
0x2d: {  	p0 =	por !p0, !p0;
	s17 =	simm.s32 @!p1 $0x2;
	(pc) =	sbr.rel @!p2 .LBB1_6-.Ltmp1, $4  }
0x2e: {  	s15 =	smov.u32 s9;
	s9 =	smov.u32 s11;
	s14 =	sand.u32 @!p1 $0x3FFFFFFF, s14  }
0x2f: {  	s11 =	smov.u32 s16;
	_ =	swait.ge @!p1 [sflag:s17], s14;
	s19 =	ssub.s32 @!p1 $0x0, s14  }
0x30: {  	s14 =	smov.u32 s10;
	s13 =	sadd.s32 $0x1, s13;
	[sflag:s17] =	ssyncset.done @!p1 $0x0  }
0x31: {  	s10 =	smov.u32 s12;
	s12 =	smov.u32 s18;
	[sflag:s17] =	ssyncadd.s32 @!p1 s19  }
.LBB1_1:
0x32: {  	p1 =	sge.u32 s13, s5  }
0x33: {  	s16 =	sshrl.u32 @!p1 s12, $0x3  }
0x34: {  	s17 =	sshll.u32 @!p1 s11, $0x3;
	s16 =	smul.u32 @!p1 $0x1400, s16  }
0x35: {  	s18 =	sshll.u32 @!p1 s12, $0x7;
	s17 =	sand.u32 @!p1 $0xFFFFFC00, s17  }
0x36: {  	s16 =	sadd.s32 @!p1 s16, s17;
	s17 =	sand.u32 @!p1 $0x380, s18  }
0x37: {  	s18 =	sand.u32 @!p1 $0x7F, s11;
	s16 =	sor.u32 @!p1 s17, s16  }
0x38: {  	s17 =	sor.u32 @!p1 s18, s16  }
0x39: {  	s18 =	smulhi.u32 @!p1 $0xCCCCCCCD, s17;
	_ =	sdelay $0x1  }
0x3a: {  	s16 =	smulhi.u32 @!p1 $0xCCCCCCCD, s16;
	s18 =	sshrl.u32 @!p1 s18, $0x9  }
0x3b: {  	s18 =	smul.u32 @!p1 $0x280, s18  }
0x3c: {  	s31 =	sadd.s32 $0xFFFFFFFF, s13;
	s19 =	sxor.u32 @!p1 $0xFFFFFFFF, s13;
	s16 =	sshrl.u32 @!p1 s16, $0x9  }
0x3d: {  	s19 =	sshll.u32 @!p1 s19, $0xE;
	s16 =	sand.u32 @!p1 $0x3FFF, s16;
	s17 =	ssub.s32 @!p1 s17, s18  }
0x3e: {  	s16 =	smul.u32 @!p1 $0x50, s16;
	s18 =	sshrl.u32 @!p1 s17, $0x3;
	s17 =	sand.u32 @!p1 $0x7, s17  }
0x3f: {  	s19 =	sand.u32 @!p1 $0x4000, s19;
	s18 =	sadd.s32 @!p1 s6, s18;
	s17 =	sshll.u32 @!p1 s17, $0x12  }
0x40: {  	s16 =	sadd.s32 @!p1 s16, s18;
	s17 =	sor.u32 @!p1 $0x400, s17;
	s18 =	simm.s32 @!p1 $0x1400  }
0x41: {  	[tilespmem:s19], [sflag:$0x1] =	stream.strided.gather @!p1 [hbm4b:s16+s17], $0x4000, s18, s17, $0x38;
	[tilespmem:$0x10100] =	vst v63  }
0x42: {  	p1 =	sge.u32 s31, s5  }
.Ltmp2:
0x43: {  	_ = 	snop;
	(pc) =	sbr.rel @p1 .LBB1_5-.Ltmp2, $1  }
0x44: {  	_ =	sdelay $0x3  }
0x45: {  	s16 =	simm.s32 $0x1  }
0x46: {  	_ =	swait.ge [sflag:s4], $0x4000;
	s16 =	simm.s32 @!p0 $0x0  }
0x47: {  	[sflag:s4] =	ssyncset.done $0x0;
	s17 =	sshll.u32 s16, $0xE  }
0x48: {  	[sflag:s4] =	ssyncadd.s32 $0xFFFFC000;
	s17 =	sor.u32 $0x40, s17  }
0x49: {  	s16 =	smul.u32 $0x10200, s16;
	v0 =	vld [tilespmem:s17+$0x30]  }
0x4a: {  	v1 =	vld [tilespmem:s17+$0xFFFFFFD0]  }
0x4b: {  	s16 =	sshrl.u32 s16, $0x2;
	v5 =	vld [tilespmem:s17+$0xFFFFFFE0]  }
0x4c: {  	v6 =	vld [tilespmem:s17+$0xFFFFFFF0];
	s19 =	sor.u32 $0x8000, s16  }
0x4d: {  	s31 =	sand.u32 $0x1, s13;
	v4 =	vld [tilespmem:s17+$0x0];
	s18 =	sadd.s32 $0x0, s19  }
0x4e: {  	v3 =	vld [tilespmem:s17+$0x10];
	s16 =	smul.u32 $0x10200, s31;
	[tilespmem:s18+$0x3870 ss:$0x81] =	vst.msk $0xffff, v0  }
0x4f: {  	v2 =	vld [tilespmem:s17+$0x20];
	[tilespmem:s18+$0x810 ss:$0x81] =	vst.msk $0xffff, v1  }
0x50: {  	s16 =	sshrl.u32 s16, $0x2;
	v1 =	vld [tilespmem:s17+$0xFFFFFFC0];
	[tilespmem:s18+$0x1020 ss:$0x81] =	vst.msk $0xffff, v5;
	s17 =	sadd.s32 $0x80, s17  }
0x51: {  	s20 =	simm.s32 $0x4;
	s21 =	simm.s32 $0x8;
	s16 =	sor.u32 $0x8000, s16;
	[tilespmem:s18+$0x1830 ss:$0x81] =	vst.msk $0xffff, v6;
	v0 =	vld [tilespmem:s17+$0x30]  }
.LBB1_3:
0x52: {  	p1 =	sne.s32 s21, $0x1FC;
	v5 =	vld [tilespmem:s17+$0xFFFFFFD0];
	[tilespmem:s18+$0x2040 ss:$0x81] =	vst.msk $0xffff, v4  }
0x53: {  	v6 =	vld [tilespmem:s17+$0xFFFFFFE0];
	[tilespmem:s18+$0x2850 ss:$0x81] =	vst.msk $0xffff, v3  }
0x54: {  	s22 =	sshra.s32 s20, $0x2;
	s20 =	smov.u32 s21;
	v7 =	vld [tilespmem:s17+$0xFFFFFFF0];
	[tilespmem:s18+$0x3060 ss:$0x81] =	vst.msk $0xffff, v2  }
.Ltmp3:
0x55: {  	v4 =	vld [tilespmem:s17+$0x0];
	[tilespmem:s18+$0x0 ss:$0x81] =	vst.msk $0xffff, v1;
	s18 =	sadd.s32 s22, s19;
	(pc) =	sbr.rel @p1 .LBB1_3-.Ltmp3, $4  }
0x56: {  	v3 =	vld [tilespmem:s17+$0x10];
	[tilespmem:s18+$0x3870 ss:$0x81] =	vst.msk $0xffff, v0  }
0x57: {  	[tilespmem:s18+$0x810 ss:$0x81] =	vst.msk $0xffff, v5;
	v2 =	vld [tilespmem:s17+$0x20]  }
0x58: {  	v1 =	vld [tilespmem:s17+$0xFFFFFFC0];
	[tilespmem:s18+$0x1020 ss:$0x81] =	vst.msk $0xffff, v6;
	s17 =	sadd.s32 $0x80, s17  }
0x59: {  	s21 =	sadd.s32 $0x4, s21;
	v0 =	vld [tilespmem:s17+$0x30];
	[tilespmem:s18+$0x1830 ss:$0x81] =	vst.msk $0xffff, v7  }
.Ltmp4:
0x5a: {  	_ = 	snop;
	(pc) =	sbr.rel .LBB1_4-.Ltmp4, $1  }
0x5b: {  	_ =	sdelay $0x3  }
.LBB1_6:
0x5c: {  	_ =	sfence.sel $0x180000  }
0x5d: {  	s2 =	simm.s32 $0x1;
	[bflag:$0x0] =	sbarrier.arrive $0xFFFF  }
0x5e: {  	s31 =	simm.s32 $0x2;
	[sflag:s2] =	ssyncpa.u1 $0x1  }
0x5f: {  	[sflag:s31] =	ssyncpa.u1 $0x1  }
0x60: {  	p0 =	sne.s32 s0, $0x0;
	_ =	strace $0x9000004A  }
0x61: {  	s0 =	sadd.s32 @!p0 $0x100000, s1;
	[bflag:$0x2] =	sbarrier.arrive $0xFFFF  }
0x62: {  	[sflag:s0] =	ssyncadd.tile.s32 @!p0 $0x1;
	_ =	shalt  }
.Lfunc_end1:
_tile_overlayer_lowered:
.L_overlay_start_2:
0x63: {  	(tag) =	ssettag $0x2  }
0x64: {  	s0 =	rddreg [dreg:$0x0];
	s2 =	stileid.u32  }
0x65: {  	s1 =	rddreg [dreg:$0x1];
	p0 =	sne.s32 s2, $0x0  }
0x66: {  	s3 =	rddreg [dreg:$0x2];
	[bflag:$0x3] =	sbarrier.arrive $0xFFFF;
	s2 =	simm.s32 @!p0 $0x1C01  }
0x67: {  	[timem:s3], [sflag:s2] =	dma.local @!p0 [hbm:s0], s1  }
0x68: {  	s0 =	simm.s32 @!p0 $0x1  }
0x69: {  	_ =	swait.ge @!p0 [sflag:s0], s1  }
0x6a: {  	s1 =	ssub.s32 @!p0 $0x0, s1;
	[sflag:s0] =	ssyncset.done @!p0 $0x0  }
0x6b: {  	[sflag:s0] =	ssyncadd.s32 @!p0 s1  }
0x6c: {  	[bflag:$0x3] =	sbarrier.arrive $0xFFFF  }
0x6d: {  	_ =	shalt  }

</sc_bundles>
